<compile_context>
chip_gen: v7x
topology: tpu7x:2x2x1
jax: 0.10.2.dev20260603
libtpu: 0.0.44.dev20260713+nightly
codegen_flags: <defaults>
</compile_context>

<pallas_src>
import functools

import numpy as np
import jax
import jax.numpy as jnp
from jax import lax
from jax.experimental import pallas as pl
from jax.experimental.pallas import tpu as pltpu
from jax.experimental.pallas import tpu_sc as plsc

B, L, PRED = 8, 2048, 336
D, H, E = 128, 8, 2
DH = D // H
BUCKET, NHASH = 32, 4
NBUCK = L // BUCKET
BH = B * H
NCH = NHASH * NBUCK
TOT = NHASH * L


def _bdot(a, b):
    return jnp.dot(a.astype(jnp.bfloat16), b.astype(jnp.bfloat16),
                   preferred_element_type=jnp.float32)


def _positional_embedding():
    pos = np.arange(L, dtype=np.float32)[:, None]
    div = np.exp(np.arange(0, D, 2, dtype=np.float32) * -(np.log(10000.0) / D))
    pe = np.zeros((L, D), dtype=np.float32)
    pe[:, 0::2] = np.sin(pos * div)
    pe[:, 1::2] = np.cos(pos * div)
    return jnp.asarray(pe)


def _embed_body(win_ref, pe_ref, w3_ref, out_ref):
    win = win_ref[0]
    w3 = w3_ref[...]
    f32 = jnp.float32
    bf = lambda t: t.astype(jnp.bfloat16).astype(f32)
    acc = bf(win[:, 0:1]) * bf(w3[0:1, :])
    acc = acc + bf(win[:, 1:2]) * bf(w3[1:2, :])
    acc = acc + bf(win[:, 2:3]) * bf(w3[2:3, :])
    out_ref[0] = acc + pe_ref[...]


def _embed(win, pe, w3):
    return pl.pallas_call(
        _embed_body,
        grid=(B,),
        in_specs=[
            pl.BlockSpec((1, L, 3), lambda b: (b, 0, 0)),
            pl.BlockSpec((L, D), lambda b: (0, 0)),
            pl.BlockSpec((8, D), lambda b: (0, 0)),
        ],
        out_specs=pl.BlockSpec((1, L, D), lambda b: (b, 0, 0)),
        out_shape=jax.ShapeDtypeStruct((B, L, D), jnp.float32),
    )(win, pe, w3)


LBP = 512


def _proj_body(h_ref, wqk_ref, wv_ref, rot_ref, qk_ref, v_ref, bk_ref):
    x = h_ref[0]
    wqk = wqk_ref[...]
    wv = wv_ref[...]
    rot = rot_ref[...]
    qk = _bdot(x, wqk)
    v = _bdot(x, wv)
    qk_ref[0] = qk
    v_ref[0] = v
    for hh in range(H):
        qh = qk[:, hh * DH:(hh + 1) * DH]
        ra = _bdot(qh, rot)
        for r in range(NHASH):
            rr = ra[:, r * (NBUCK // 2):(r + 1) * (NBUCK // 2)]
            full = jnp.concatenate([rr, -rr], axis=-1)
            am = jnp.argmax(full, axis=-1).astype(jnp.int32)
            bk_ref[0, hh, r] = am


def _proj(h, wqk, wv, rot):
    return pl.pallas_call(
        _proj_body,
        grid=(B, L // LBP),
        in_specs=[
            pl.BlockSpec((1, LBP, D), lambda b, l: (b, l, 0)),
            pl.BlockSpec((D, D), lambda b, l: (0, 0)),
            pl.BlockSpec((D, D), lambda b, l: (0, 0)),
            pl.BlockSpec((DH, NHASH * (NBUCK // 2)), lambda b, l: (0, 0)),
        ],
        out_specs=[
            pl.BlockSpec((1, LBP, D), lambda b, l: (b, l, 0)),
            pl.BlockSpec((1, LBP, D), lambda b, l: (b, l, 0)),
            pl.BlockSpec((1, H, NHASH, LBP), lambda b, l: (b, 0, 0, l)),
        ],
        out_shape=[
            jax.ShapeDtypeStruct((B, L, D), jnp.float32),
            jax.ShapeDtypeStruct((B, L, D), jnp.float32),
            jax.ShapeDtypeStruct((B, H, NHASH, L), jnp.int32),
        ],
    )(h, wqk, wv, rot)


CG = 32
NG = NCH // CG


def _attn_body(sqk_ref, sv_ref, st_ref, so_ref, slog_ref):
    sqk = sqk_ref[0]
    sv = sv_ref[0]
    stv = st_ref[0]
    nrm = jnp.sqrt(jnp.sum(sqk * sqk, axis=-1, keepdims=True))
    kn = sqk / jnp.maximum(nrm, 1e-12)
    knr = jnp.concatenate([kn[-BUCKET:], kn[:-BUCKET]], axis=0)
    svr = jnp.concatenate([sv[-BUCKET:], sv[:-BUCKET]], axis=0)
    str_ = jnp.concatenate([stv[-1:], stv[:-1]], axis=0)
    scale = DH ** -0.5

    for g in range(NG):
        s0 = g * CG * BUCKET
        q = sqk[s0:s0 + CG * BUCKET].reshape(CG, BUCKET, DH)
        kc = kn[s0:s0 + CG * BUCKET].reshape(CG, BUCKET, DH)
        kp = knr[s0:s0 + CG * BUCKET].reshape(CG, BUCKET, DH)
        vc = sv[s0:s0 + CG * BUCKET].reshape(CG, BUCKET, DH)
        vp = svr[s0:s0 + CG * BUCKET].reshape(CG, BUCKET, DH)
        tq = stv[g * CG:(g + 1) * CG]
        tp = str_[g * CG:(g + 1) * CG]
        bk = jnp.concatenate([kc, kp], axis=1)
        bv = jnp.concatenate([vc, vp], axis=1)
        bt = jnp.concatenate([tq, tp], axis=1)
        dots = jax.lax.dot_general(
            q.astype(jnp.bfloat16), bk.astype(jnp.bfloat16),
            (((2,), (2,)), ((0,), (0,))),
            preferred_element_type=jnp.float32) * scale
        dots = jnp.where(tq[:, :, None] == bt[:, None, :], -5e4, dots)
        mx = jnp.max(dots, axis=-1, keepdims=True)
        ex = jnp.exp(dots - mx)
        sm = jnp.sum(ex, axis=-1, keepdims=True)
        lse = mx + jnp.log(sm)
        probs = ex / sm
        bo = jax.lax.dot_general(
            probs.astype(jnp.bfloat16), bv.astype(jnp.bfloat16),
            (((2,), (1,)), ((0,), (0,))),
            preferred_element_type=jnp.float32)
        so_ref[0, s0:s0 + CG * BUCKET] = bo.reshape(CG * BUCKET, DH)
        slog_ref[0, g * CG:(g + 1) * CG] = lse[:, :, 0]


def _attn(sqk, sv, st):
    return pl.pallas_call(
        _attn_body,
        grid=(BH,),
        in_specs=[
            pl.BlockSpec((1, TOT, DH), lambda i: (i, 0, 0)),
            pl.BlockSpec((1, TOT, DH), lambda i: (i, 0, 0)),
            pl.BlockSpec((1, NCH, BUCKET), lambda i: (i, 0, 0)),
        ],
        out_specs=[
            pl.BlockSpec((1, TOT, DH), lambda i: (i, 0, 0)),
            pl.BlockSpec((1, NCH, BUCKET), lambda i: (i, 0, 0)),
        ],
        out_shape=[
            jax.ShapeDtypeStruct((BH, TOT, DH), jnp.float32),
            jax.ShapeDtypeStruct((BH, NCH, BUCKET), jnp.float32),
        ],
    )(sqk, sv, st)


LBC = 512


def _combine_body(o_ref, lg_ref, h_ref, wout_ref, bout_ref, g1_ref, b1_ref,
                  g2_ref, b2_ref, wc1_ref, bc1_ref, wc2_ref, bc2_ref, out_ref):
    lg = lg_ref[0]
    o = o_ref[0]
    mx = jnp.max(lg, axis=1, keepdims=True)
    w = jnp.exp(lg - mx)
    w = w / jnp.sum(w, axis=1, keepdims=True)
    att = jnp.sum(o * w[..., None], axis=1)
    wout = wout_ref[...]
    acc = jnp.zeros((LBC, D), jnp.float32)
    for hh in range(H):
        acc = acc + _bdot(att[hh], wout[hh * DH:(hh + 1) * DH, :])
    x = h_ref[0] + acc + bout_ref[...][0:1, :]
    m = jnp.mean(x, axis=-1, keepdims=True)
    v = jnp.mean((x - m) ** 2, axis=-1, keepdims=True)
    x = (x - m) / jnp.sqrt(v + 1e-5) * g1_ref[...][0:1, :] + b1_ref[...][0:1, :]
    y = _bdot(x, wc1_ref[...]) + bc1_ref[...][0:1, :]
    y = 0.5 * y * (1.0 + jax.lax.erf(y * (2.0 ** -0.5)))
    y = _bdot(y, wc2_ref[...]) + bc2_ref[...][0:1, :]
    z = x + y
    m = jnp.mean(z, axis=-1, keepdims=True)
    v = jnp.mean((z - m) ** 2, axis=-1, keepdims=True)
    out_ref[0] = (z - m) / jnp.sqrt(v + 1e-5) * g2_ref[...][0:1, :] \
        + b2_ref[...][0:1, :]


def _combine(o5, lg5, h, wout, bout, g1, b1, g2, b2, wc1, bc1, wc2, bc2):
    row = lambda t: t.reshape(1, D)
    return pl.pallas_call(
        _combine_body,
        grid=(B, L // LBC),
        in_specs=[
            pl.BlockSpec((1, H, NHASH, LBC, DH), lambda b, l: (b, 0, 0, l, 0)),
            pl.BlockSpec((1, H, NHASH, LBC), lambda b, l: (b, 0, 0, l)),
            pl.BlockSpec((1, LBC, D), lambda b, l: (b, l, 0)),
            pl.BlockSpec((D, D), lambda b, l: (0, 0)),
            pl.BlockSpec((1, D), lambda b, l: (0, 0)),
            pl.BlockSpec((1, D), lambda b, l: (0, 0)),
            pl.BlockSpec((1, D), lambda b, l: (0, 0)),
            pl.BlockSpec((1, D), lambda b, l: (0, 0)),
            pl.BlockSpec((1, D), lambda b, l: (0, 0)),
            pl.BlockSpec((D, D), lambda b, l: (0, 0)),
            pl.BlockSpec((1, D), lambda b, l: (0, 0)),
            pl.BlockSpec((D, D), lambda b, l: (0, 0)),
            pl.BlockSpec((1, D), lambda b, l: (0, 0)),
        ],
        out_specs=pl.BlockSpec((1, LBC, D), lambda b, l: (b, l, 0)),
        out_shape=jax.ShapeDtypeStruct((B, L, D), jnp.float32),
    )(o5, lg5, h, wout, row(bout), row(g1), row(b1), row(g2), row(b2),
      wc1, row(bc1), wc2, row(bc2))


def _final_body(h_ref, g_ref, b_ref, wp_ref, bp_ref, out_ref):
    x = h_ref[0]
    m = jnp.mean(x, axis=-1, keepdims=True)
    v = jnp.mean((x - m) ** 2, axis=-1, keepdims=True)
    x = (x - m) / jnp.sqrt(v + 1e-5) * g_ref[...][0:1, :] + b_ref[...][0:1, :]
    bf = lambda t: t.astype(jnp.bfloat16).astype(jnp.float32)
    y = jnp.sum(bf(x) * bf(wp_ref[...][0:1, :]), axis=-1) + bp_ref[0, 0]
    out_ref[0, 0] = y


def _final(htail, lnf_g, lnf_b, wproj, bproj):
    out = pl.pallas_call(
        _final_body,
        grid=(B,),
        in_specs=[
            pl.BlockSpec((1, PRED, D), lambda b: (b, 0, 0)),
            pl.BlockSpec((1, D), lambda b: (0, 0)),
            pl.BlockSpec((1, D), lambda b: (0, 0)),
            pl.BlockSpec((1, D), lambda b: (0, 0)),
            pl.BlockSpec((1, 1), lambda b: (0, 0)),
        ],
        out_specs=pl.BlockSpec((1, 1, PRED), lambda b: (b, 0, 0)),
        out_shape=jax.ShapeDtypeStruct((B, 1, PRED), jnp.float32),
    )(htail, lnf_g.reshape(1, D), lnf_b.reshape(1, D),
      wproj.reshape(1, D), bproj.reshape(1, 1))
    return out[:, 0, :]


_NC, _NS = 2, 16
_NW = _NC * _NS
_NTASK = BH * NHASH
_TPW = _NTASK // _NW


def _sc_sort(bkts):
    mesh = plsc.VectorSubcoreMesh(core_axis_name="c", subcore_axis_name="s",
                                  num_cores=_NC, num_subcores=_NS)

    @functools.partial(
        pl.kernel,
        out_type=[jax.ShapeDtypeStruct((_NTASK, L), jnp.int32),
                  jax.ShapeDtypeStruct((_NTASK, L), jnp.int32)],
        mesh=mesh,
        scratch_types=[
            pltpu.VMEM((L,), jnp.int32),
            pltpu.VMEM((L,), jnp.int32),
            pltpu.VMEM((NBUCK * 16,), jnp.int32),
            pltpu.VMEM((NBUCK * 16,), jnp.int32),
            pltpu.VMEM((L,), jnp.int32),
            pltpu.VMEM((L,), jnp.int32),
        ],
        compiler_params=pltpu.CompilerParams(needs_layout_passes=False),
    )
    def k(b_hbm, st_hbm, sp_hbm, bvec, rank, cnt, base, stv, spv):
        wid = lax.axis_index("s") * _NC + lax.axis_index("c")
        lane = lax.iota(jnp.int32, 16)

        def task(ti, _):
            t = wid * _TPW + ti
            pltpu.sync_copy(b_hbm.at[t], bvec)

            def zero(i, _):
                cnt[pl.ds(i * 16, 16)] = jnp.zeros((16,), jnp.int32)
                return 0
            lax.fori_loop(0, NBUCK, zero, 0)

            def p1(i, _):
                pos = lane * 128 + i
                b16 = plsc.load_gather(bvec, [pos])
                ca = b16 * 16 + lane
                old = plsc.load_gather(cnt, [ca])
                plsc.store_scatter(cnt, [ca], old + 1)
                plsc.store_scatter(rank, [pos], old)
                return 0
            lax.fori_loop(0, 128, p1, 0)

            def p2(b, carry):
                c16 = cnt[pl.ds(b * 16, 16)]
                inc = plsc.cumsum(c16)
                base[pl.ds(b * 16, 16)] = inc - c16 + carry
                return carry + jnp.sum(c16)
            lax.fori_loop(0, NBUCK, p2, jnp.int32(0))

            def p3(i, _):
                pos = lane * 128 + i
                b16 = plsc.load_gather(bvec, [pos])
                rk = plsc.load_gather(rank, [pos])
                bs = plsc.load_gather(base, [b16 * 16 + lane])
                sp16 = bs + rk
                plsc.store_scatter(spv, [pos], sp16)
                plsc.store_scatter(stv, [sp16], pos)
                return 0
            lax.fori_loop(0, 128, p3, 0)

            pltpu.sync_copy(stv, st_hbm.at[t])
            pltpu.sync_copy(spv, sp_hbm.at[t])
            return 0

        lax.fori_loop(0, _TPW, task, 0)

    return k(bkts)


def _route(qk, v, bkts):
    qkh = qk.reshape(B, L, H, DH).transpose(0, 2, 1, 3).reshape(BH, L, DH)
    vh = v.reshape(B, L, H, DH).transpose(0, 2, 1, 3).reshape(BH, L, DH)
    st_t, sp_t = _sc_sort(bkts.reshape(_NTASK, L))
    st = st_t.reshape(BH, TOT)
    glob = sp_t.reshape(BH, NHASH, L) + (jnp.arange(NHASH, dtype=jnp.int32)
                                         * L)[None, :, None]
    glob = glob.reshape(BH, TOT)
    sqk = jnp.take_along_axis(qkh, st[..., None], axis=1)
    sv = jnp.take_along_axis(vh, st[..., None], axis=1)
    return sqk, sv, st, glob


def kernel(x_enc, Wemb, Wqk, Wv, Wout, bout, g1, b1, g2, b2, Wc1, bc1,
           Wc2, bc2, rotations, lnf_g, lnf_b, Wproj, bproj):
    pe = _positional_embedding()
    xp = jnp.concatenate([x_enc[:, -1:], x_enc, x_enc[:, :1]], axis=1)
    win = jnp.stack([xp[:, :-2], xp[:, 1:-1], xp[:, 2:]], axis=-1)
    w3 = jnp.zeros((8, D), jnp.float32).at[:3, :].set(Wemb[:, 0, :].T)
    h = _embed(win, pe, w3)

    for i in range(E):
        rot = rotations[i].reshape(DH, NHASH * (NBUCK // 2))
        qk, v, bkts = _proj(h, Wqk[i], Wv[i], rot)
        sqk, sv, st, glob = _route(qk, v, bkts)
        st3 = st.reshape(BH, NCH, BUCKET)
        so, slog = _attn(sqk, sv, st3)
        slog = slog.reshape(BH, TOT)
        o = jnp.take_along_axis(so, glob[..., None], axis=1)
        lg = jnp.take_along_axis(slog, glob, axis=1)
        o5 = o.reshape(B, H, NHASH, L, DH)
        lg5 = lg.reshape(B, H, NHASH, L)
        h = _combine(o5, lg5, h, Wout[i], bout[i], g1[i], b1[i], g2[i],
                     b2[i], Wc1[i], bc1[i], Wc2[i], bc2[i])

    htail = h[:, -PRED:, :]
    return _final(htail, lnf_g, lnf_b, Wproj, bproj)

# --- scband reference (transcript-rebuilt; emitter-appended) ---
"""Pipeline reference for scband-reformer-74345883894318 (READ-ONLY COPY).

The authoritative reference and input builder live on the scoring server;
editing this copy changes nothing except your own understanding.
"""

import jax, jax.numpy as jnp
import numpy as np

B, L, PRED = 8, 2048, 336
D, H, E = 128, 8, 2
DH = D // H
BUCKET, NHASH = 32, 4
NBUCK = L // BUCKET

def layer_norm(x, g, b, eps=1e-5):
    m = jnp.mean(x, axis=-1, keepdims=True)
    v = jnp.mean((x - m) ** 2, axis=-1, keepdims=True)
    return (x - m) / jnp.sqrt(v + eps) * g + b

def positional_embedding():
    pos = np.arange(L, dtype=np.float32)[:, None]
    div = np.exp(np.arange(0, D, 2, dtype=np.float32) * -(np.log(10000.0) / D))
    pe = np.zeros((L, D), dtype=np.float32)
    pe[:, 0::2] = np.sin(pos * div)
    pe[:, 1::2] = np.cos(pos * div)
    return jnp.asarray(pe)[None]

def token_embedding(x, Wemb):
    xp = jnp.concatenate([x[:, -1:], x, x[:, :1]], axis=1)
    win = jnp.stack([xp[:, :-2], xp[:, 1:-1], xp[:, 2:]], axis=-1)
    return jnp.einsum('blck,dck->bld', win, Wemb)

def look_one_back(x):
    return jnp.concatenate([x, jnp.roll(x, 1, axis=1)], axis=2)

def lsh_attention(qk, v, rot):
    BH, N, dh = qk.shape
    rotated = jnp.einsum('btf,fhi->bhti', qk, rot)
    rotated = jnp.concatenate([rotated, -rotated], axis=-1)
    buckets = jnp.argmax(rotated, axis=-1)
    buckets = (buckets + (jnp.arange(NHASH) * NBUCK)[None, :, None]).reshape(BH, -1)
    total = NHASH * N
    ticker = jnp.arange(total)[None, :]
    bt = N * buckets + (ticker % N)
    sticker = jnp.argsort(bt, axis=-1)
    undo = jnp.argsort(sticker, axis=-1)
    st = sticker % N
    sqk = jnp.take_along_axis(qk, st[..., None], axis=1)
    sv = jnp.take_along_axis(v, st[..., None], axis=1)
    nch = NHASH * NBUCK
    bq_t = st.reshape(BH, nch, -1)
    bqk = sqk.reshape(BH, nch, -1, dh)
    bv = sv.reshape(BH, nch, -1, dh)
    bq = bqk
    nrm = jnp.maximum(jnp.linalg.norm(bqk, axis=-1, keepdims=True), 1e-12)
    bk = look_one_back(bqk / nrm)
    bv = look_one_back(bv)
    bkv_t = look_one_back(bq_t)
    dots = jnp.einsum('bcid,bcjd->bcij', bq, bk) * (dh ** -0.5)
    dots = jnp.where(bq_t[..., :, None] == bkv_t[..., None, :], -5e4, dots)
    lse = jax.scipy.special.logsumexp(dots, axis=-1, keepdims=True)
    probs = jnp.exp(dots - lse)
    bo = jnp.einsum('bcij,bcjd->bcid', probs, bv)
    so = bo.reshape(BH, total, dh)
    slog = lse.reshape(BH, total)
    o = jnp.take_along_axis(so, undo[..., None], axis=1).reshape(BH, NHASH, N, dh)
    logits = jnp.take_along_axis(slog, undo, axis=1).reshape(BH, NHASH, N, 1)
    w = jnp.exp(logits - jax.scipy.special.logsumexp(logits, axis=1, keepdims=True))
    return jnp.sum(o * w, axis=1)

def lsh_self_attn(x, Wqk, Wv, Wout, bout, rot):
    Bb, N, Dm = x.shape
    qk = x @ Wqk
    v = x @ Wv
    sp = lambda t: t.reshape(Bb, N, H, DH).transpose(0, 2, 1, 3).reshape(Bb * H, N, DH)
    out = lsh_attention(sp(qk), sp(v), rot)
    out = out.reshape(Bb, H, N, DH).transpose(0, 2, 1, 3).reshape(Bb, N, Dm)
    return out @ Wout + bout

def enc_layer(x, Wqk, Wv, Wout, bout, g1, b1, g2, b2, Wc1, bc1, Wc2, bc2, rot):
    x = x + lsh_self_attn(x, Wqk, Wv, Wout, bout, rot)
    x = layer_norm(x, g1, b1)
    y = jax.nn.gelu(x @ Wc1 + bc1, approximate=False)
    y = y @ Wc2 + bc2
    return layer_norm(x + y, g2, b2)

def setup_inputs(seed: int = 0):
    key = jax.random.key(seed)
    ks = jax.random.split(key, 12)
    s = 0.05
    z = lambda *sh: jnp.zeros(sh, jnp.float32)
    o = lambda *sh: jnp.ones(sh, jnp.float32)
    return {
        'x_enc': jax.random.normal(ks[0], (B, L), jnp.float32),
        'Wemb': jax.random.normal(ks[1], (D, 1, 3), jnp.float32) * s,
        'Wqk': jax.random.normal(ks[2], (E, D, D), jnp.float32) * s,
        'Wv': jax.random.normal(ks[3], (E, D, D), jnp.float32) * s,
        'Wout': jax.random.normal(ks[4], (E, D, D), jnp.float32) * s,
        'bout': z(E, D),
        'g1': o(E, D), 'b1': z(E, D), 'g2': o(E, D), 'b2': z(E, D),
        'Wc1': jax.random.normal(ks[5], (E, D, D), jnp.float32) * s,
        'bc1': z(E, D),
        'Wc2': jax.random.normal(ks[6], (E, D, D), jnp.float32) * s,
        'bc2': z(E, D),
        'rotations': jax.random.normal(ks[7], (E, DH, NHASH, NBUCK // 2), jnp.float32),
        'lnf_g': o(D), 'lnf_b': z(D),
        'Wproj': jax.random.normal(ks[8], (D, 1), jnp.float32) * s,
        'bproj': z(1),
    }

def reference(x_enc, Wemb, Wqk, Wv, Wout, bout, g1, b1, g2, b2, Wc1, bc1, Wc2, bc2, rotations, lnf_g, lnf_b, Wproj, bproj):
    x = x_enc[..., None]
    h = token_embedding(x, Wemb) + positional_embedding()
    for i in range(E):
        h = enc_layer(h, Wqk[i], Wv[i], Wout[i], bout[i], g1[i], b1[i], g2[i], b2[i], Wc1[i], bc1[i], Wc2[i], bc2[i], rotations[i])
    h = layer_norm(h, lnf_g, lnf_b)
    dec = (h @ Wproj + bproj)[..., 0]
    return dec[:, -PRED:]

if __name__ == "__main__":
    import jax
    _d = setup_inputs()
    print(jax.jit(kernel)(*tuple(_d.values())))

</pallas_src>

<mosaic_0001>
#map = affine_map<(d0, d1) -> (0, 0)>
module attributes {stable_mosaic.version = 14 : i64} {
  func.func @k(%arg0: i32, %arg1: i32, %arg2: memref<256x2048xi32, #tpu.memory_space<hbm>>, %arg3: memref<256x2048xi32, #tpu.memory_space<hbm>>, %arg4: memref<256x2048xi32, #tpu.memory_space<hbm>>, %arg5: memref<2048xi32, #tpu.memory_space<vmem>>, %arg6: memref<2048xi32, #tpu.memory_space<vmem>>, %arg7: memref<1024xi32, #tpu.memory_space<vmem>>, %arg8: memref<1024xi32, #tpu.memory_space<vmem>>, %arg9: memref<2048xi32, #tpu.memory_space<vmem>>, %arg10: memref<2048xi32, #tpu.memory_space<vmem>>) attributes {dimension_semantics = [#tpu.dimension_semantics<core_parallel>, #tpu.dimension_semantics<subcore_parallel>], iteration_bounds = array<i64: 2, 16>, scalar_prefetch = 0 : i64, scratch_operands = 6 : i64, tpu.core_type = #tpu.core_type<sc_vector_subcore>, window_params = [{transform_indices = #map}, {transform_indices = #map}, {transform_indices = #map}]} {
    %mul3A = arith.constant 2 : i32
    %mul3A_0 = arith.muli %arg1, %mul3A : i32
    %add3A = arith.addi %mul3A_0, %arg0 : i32
    %iota3A = tpu.iota {dimensions = array<i32: 0>} : vector<16xi32>
    %scan3A = arith.constant 0 : i32
    %scan3A_1 = arith.constant 0 : i32
    %scan3A_2 = arith.constant 8 : i32
    %scan3A_3 = arith.addi %scan3A_1, %scan3A_2 : i32
    %scan3A_4 = arith.constant 1 : i32
    %scan3A_5 = scf.for %scan3A_7 = %scan3A_1 to %scan3A_3 step %scan3A_4 iter_args(%scan3A_8 = %scan3A) -> (i32)  : i32 {
      %mul3A_9 = arith.constant 8 : i32
      %mul3A_10 = arith.muli %add3A, %mul3A_9 : i32
      %add3A_11 = arith.addi %mul3A_10, %scan3A_7 : i32
      "tpu.region"() ({
        %run_scoped3A = tpu.sem_alloc : memref<!tpu.dma_semaphore, #tpu.memory_space<semaphore_mem>>
        %dma_start3A = arith.constant 0 : i32
        %dma_start3A_41 = tpu.memref_slice %arg2[%add3A_11, %dma_start3A] : memref<256x2048xi32, #tpu.memory_space<hbm>> -> memref<1x2048xi32, #tpu.memory_space<hbm>>
        %dma_start3A_42 = tpu.memref_squeeze %dma_start3A_41 : memref<1x2048xi32, #tpu.memory_space<hbm>> -> memref<2048xi32, #tpu.memory_space<hbm>>
        %dma_start3A_43 = arith.constant 0 : i32
        %dma_start3A_44 = tpu.memref_slice %arg2[%add3A_11, %dma_start3A_43] : memref<256x2048xi32, #tpu.memory_space<hbm>> -> memref<1x2048xi32, #tpu.memory_space<hbm>>
        %dma_start3A_45 = tpu.memref_squeeze %dma_start3A_44 : memref<1x2048xi32, #tpu.memory_space<hbm>> -> memref<2048xi32, #tpu.memory_space<hbm>>
        tpu.enqueue_dma source(%dma_start3A_45 : memref<2048xi32, #tpu.memory_space<hbm>>) target(%arg5 : memref<2048xi32, #tpu.memory_space<vmem>>) target_semaphore(%run_scoped3A : memref<!tpu.dma_semaphore, #tpu.memory_space<semaphore_mem>>)
        %dma_wait3A = arith.constant 0 : i32
        %dma_wait3A_46 = tpu.memref_slice %arg2[%add3A_11, %dma_wait3A] : memref<256x2048xi32, #tpu.memory_space<hbm>> -> memref<1x2048xi32, #tpu.memory_space<hbm>>
        %dma_wait3A_47 = tpu.memref_squeeze %dma_wait3A_46 : memref<1x2048xi32, #tpu.memory_space<hbm>> -> memref<2048xi32, #tpu.memory_space<hbm>>
        %dma_wait3A_48 = arith.constant 0 : i32
        %dma_wait3A_49 = tpu.memref_slice %arg2[%add3A_11, %dma_wait3A_48] : memref<256x2048xi32, #tpu.memory_space<hbm>> -> memref<1x2048xi32, #tpu.memory_space<hbm>>
        %dma_wait3A_50 = tpu.memref_squeeze %dma_wait3A_49 : memref<1x2048xi32, #tpu.memory_space<hbm>> -> memref<2048xi32, #tpu.memory_space<hbm>>
        tpu.wait_dma2 semaphore(%run_scoped3A : memref<!tpu.dma_semaphore, #tpu.memory_space<semaphore_mem>>) src(%dma_wait3A_50 : memref<2048xi32, #tpu.memory_space<hbm>>) dst(%arg5 : memref<2048xi32, #tpu.memory_space<vmem>>)
        tpu.yield
      }) : () -> ()
      %scan3A_12 = arith.constant 0 : i32
      %scan3A_13 = arith.constant 0 : i32
      %scan3A_14 = arith.constant 64 : i32
      %scan3A_15 = arith.addi %scan3A_13, %scan3A_14 : i32
      %scan3A_16 = arith.constant 1 : i32
      %scan3A_17 = scf.for %scan3A_41 = %scan3A_13 to %scan3A_15 step %scan3A_16 iter_args(%scan3A_42 = %scan3A_12) -> (i32)  : i32 {
        %broadcast_in_dim3A = arith.constant 0 : i32
        %broadcast_in_dim3A_43 = vector.broadcast %broadcast_in_dim3A : i32 to vector<16xi32>
        %mul3A_44 = arith.constant 16 : i32
        %mul3A_45 = arith.muli %scan3A_41, %mul3A_44 : i32
        %swap3A = arith.index_cast %mul3A_45 : i32 to index
        %swap3A_46 = tpu.vector_load %arg7[%swap3A] {strides = array<i32>} : memref<1024xi32, #tpu.memory_space<vmem>>, vector<16xi32>,
        tpu.vector_store %arg7[%swap3A], %broadcast_in_dim3A_43 {strides = array<i32>} : memref<1024xi32, #tpu.memory_space<vmem>>, vector<16xi32>,
        %scan3A_47 = arith.constant 0 : i32
        scf.yield %scan3A_47 : i32
      }
      %scan3A_18 = arith.constant 64 : i32
      %scan3A_19 = arith.constant 0 : i32
      %scan3A_20 = arith.constant 0 : i32
      %scan3A_21 = arith.constant 128 : i32
      %scan3A_22 = arith.addi %scan3A_20, %scan3A_21 : i32
      %scan3A_23 = arith.constant 1 : i32
      %scan3A_24 = scf.for %scan3A_41 = %scan3A_20 to %scan3A_22 step %scan3A_23 iter_args(%scan3A_42 = %scan3A_19) -> (i32)  : i32 {
        %mul3A_43 = arith.constant 128 : i32
        %mul3A_44 = vector.broadcast %mul3A_43 : i32 to vector<16xi32>
        %mul3A_45 = arith.muli %iota3A, %mul3A_44 : vector<16xi32>
        %add3A_46 = vector.broadcast %scan3A_41 : i32 to vector<16xi32>
        %add3A_47 = arith.addi %mul3A_45, %add3A_46 : vector<16xi32>
        %gather3A = tpu.vector_load_idx %arg5[%add3A_47] : memref<2048xi32, #tpu.memory_space<vmem>>[vector<16xi32>], vector<16xi32>,
        %mul3A_48 = arith.constant 16 : i32
        %mul3A_49 = vector.broadcast %mul3A_48 : i32 to vector<16xi32>
        %mul3A_50 = arith.muli %gather3A, %mul3A_49 : vector<16xi32>
        %add3A_51 = arith.addi %mul3A_50, %iota3A : vector<16xi32>
        %gather3A_52 = tpu.vector_load_idx %arg7[%add3A_51] : memref<1024xi32, #tpu.memory_space<vmem>>[vector<16xi32>], vector<16xi32>,
        %add3A_53 = arith.constant 1 : i32
        %add3A_54 = vector.broadcast %add3A_53 : i32 to vector<16xi32>
        %add3A_55 = arith.addi %gather3A_52, %add3A_54 : vector<16xi32>
        tpu.vector_store_idx %arg7[%add3A_51], %add3A_55 : memref<1024xi32, #tpu.memory_space<vmem>>[vector<16xi32>], vector<16xi32>,
        tpu.vector_store_idx %arg6[%add3A_47], %gather3A_52 : memref<2048xi32, #tpu.memory_space<vmem>>[vector<16xi32>], vector<16xi32>,
        %scan3A_56 = arith.constant 0 : i32
        scf.yield %scan3A_56 : i32
      }
      %scan3A_25 = arith.constant 128 : i32
      %scan3A_26 = arith.constant 0 : i32
      %scan3A_27 = arith.constant 0 : i32
      %scan3A_28 = arith.constant 64 : i32
      %scan3A_29 = arith.addi %scan3A_27, %scan3A_28 : i32
      %scan3A_30 = arith.constant 1 : i32
      %scan3A_31 = scf.for %scan3A_41 = %scan3A_27 to %scan3A_29 step %scan3A_30 iter_args(%scan3A_42 = %scan3A_26) -> (i32)  : i32 {
        %mul3A_43 = arith.constant 16 : i32
        %mul3A_44 = arith.muli %scan3A_41, %mul3A_43 : i32
        %get3A = arith.index_cast %mul3A_44 : i32 to index
        %get3A_45 = tpu.vector_load %arg7[%get3A] {strides = array<i32>} : memref<1024xi32, #tpu.memory_space<vmem>>, vector<16xi32>,
        %broadcast_in_dim3A = arith.constant true
        %broadcast_in_dim3A_46 = vector.broadcast %broadcast_in_dim3A : i1 to vector<16xi1>
        %masked_cumsum3A = tpu.scan <sum>, %get3A_45 masked %broadcast_in_dim3A_46 : vector<16xi32>, vector<16xi1> -> vector<16xi32>
        %sub3A = arith.subi %masked_cumsum3A, %get3A_45 : vector<16xi32>
        %add3A_47 = vector.broadcast %scan3A_42 : i32 to vector<16xi32>
        %add3A_48 = arith.addi %sub3A, %add3A_47 : vector<16xi32>
        %mul3A_49 = arith.constant 16 : i32
        %mul3A_50 = arith.muli %scan3A_41, %mul3A_49 : i32
        %swap3A = arith.index_cast %mul3A_50 : i32 to index
        %swap3A_51 = tpu.vector_load %arg8[%swap3A] {strides = array<i32>} : memref<1024xi32, #tpu.memory_space<vmem>>, vector<16xi32>,
        tpu.vector_store %arg8[%swap3A], %add3A_48 {strides = array<i32>} : memref<1024xi32, #tpu.memory_space<vmem>>, vector<16xi32>,
        %reduce_sum3A = arith.constant true
        %reduce_sum3A_52 = vector.broadcast %reduce_sum3A : i1 to vector<16xi1>
        %reduce_sum3A_53 = tpu.scan <sum>, %get3A_45 masked %reduce_sum3A_52 : vector<16xi32>, vector<16xi1> -> vector<16xi32>
        %reduce_sum3A_54 = vector.extract %reduce_sum3A_53[15] : i32 from vector<16xi32>
        %add3A_55 = arith.addi %scan3A_42, %reduce_sum3A_54 : i32
        scf.yield %add3A_55 : i32
      }
      %scan3A_32 = arith.constant 64 : i32
      %scan3A_33 = arith.constant 0 : i32
      %scan3A_34 = arith.constant 0 : i32
      %scan3A_35 = arith.constant 128 : i32
      %scan3A_36 = arith.addi %scan3A_34, %scan3A_35 : i32
      %scan3A_37 = arith.constant 1 : i32
      %scan3A_38 = scf.for %scan3A_41 = %scan3A_34 to %scan3A_36 step %scan3A_37 iter_args(%scan3A_42 = %scan3A_33) -> (i32)  : i32 {
        %mul3A_43 = arith.constant 128 : i32
        %mul3A_44 = vector.broadcast %mul3A_43 : i32 to vector<16xi32>
        %mul3A_45 = arith.muli %iota3A, %mul3A_44 : vector<16xi32>
        %add3A_46 = vector.broadcast %scan3A_41 : i32 to vector<16xi32>
        %add3A_47 = arith.addi %mul3A_45, %add3A_46 : vector<16xi32>
        %gather3A = tpu.vector_load_idx %arg5[%add3A_47] : memref<2048xi32, #tpu.memory_space<vmem>>[vector<16xi32>], vector<16xi32>,
        %gather3A_48 = tpu.vector_load_idx %arg6[%add3A_47] : memref<2048xi32, #tpu.memory_space<vmem>>[vector<16xi32>], vector<16xi32>,
        %mul3A_49 = arith.constant 16 : i32
        %mul3A_50 = vector.broadcast %mul3A_49 : i32 to vector<16xi32>
        %mul3A_51 = arith.muli %gather3A, %mul3A_50 : vector<16xi32>
        %add3A_52 = arith.addi %mul3A_51, %iota3A : vector<16xi32>
        %gather3A_53 = tpu.vector_load_idx %arg8[%add3A_52] : memref<1024xi32, #tpu.memory_space<vmem>>[vector<16xi32>], vector<16xi32>,
        %add3A_54 = arith.addi %gather3A_53, %gather3A_48 : vector<16xi32>
        tpu.vector_store_idx %arg10[%add3A_47], %add3A_54 : memref<2048xi32, #tpu.memory_space<vmem>>[vector<16xi32>], vector<16xi32>,
        tpu.vector_store_idx %arg9[%add3A_54], %add3A_47 : memref<2048xi32, #tpu.memory_space<vmem>>[vector<16xi32>], vector<16xi32>,
        %scan3A_55 = arith.constant 0 : i32
        scf.yield %scan3A_55 : i32
      }
      %scan3A_39 = arith.constant 128 : i32
      "tpu.region"() ({
        %run_scoped3A = tpu.sem_alloc : memref<!tpu.dma_semaphore, #tpu.memory_space<semaphore_mem>>
        %dma_start3A = arith.constant 0 : i32
        %dma_start3A_41 = tpu.memref_slice %arg3[%add3A_11, %dma_start3A] : memref<256x2048xi32, #tpu.memory_space<hbm>> -> memref<1x2048xi32, #tpu.memory_space<hbm>>
        %dma_start3A_42 = tpu.memref_squeeze %dma_start3A_41 : memref<1x2048xi32, #tpu.memory_space<hbm>> -> memref<2048xi32, #tpu.memory_space<hbm>>
        %dma_start3A_43 = arith.constant 0 : i32
        %dma_start3A_44 = tpu.memref_slice %arg3[%add3A_11, %dma_start3A_43] : memref<256x2048xi32, #tpu.memory_space<hbm>> -> memref<1x2048xi32, #tpu.memory_space<hbm>>
        %dma_start3A_45 = tpu.memref_squeeze %dma_start3A_44 : memref<1x2048xi32, #tpu.memory_space<hbm>> -> memref<2048xi32, #tpu.memory_space<hbm>>
        tpu.enqueue_dma source(%arg9 : memref<2048xi32, #tpu.memory_space<vmem>>) target(%dma_start3A_45 : memref<2048xi32, #tpu.memory_space<hbm>>) target_semaphore(%run_scoped3A : memref<!tpu.dma_semaphore, #tpu.memory_space<semaphore_mem>>)
        %dma_wait3A = arith.constant 0 : i32
        %dma_wait3A_46 = tpu.memref_slice %arg3[%add3A_11, %dma_wait3A] : memref<256x2048xi32, #tpu.memory_space<hbm>> -> memref<1x2048xi32, #tpu.memory_space<hbm>>
        %dma_wait3A_47 = tpu.memref_squeeze %dma_wait3A_46 : memref<1x2048xi32, #tpu.memory_space<hbm>> -> memref<2048xi32, #tpu.memory_space<hbm>>
        %dma_wait3A_48 = arith.constant 0 : i32
        %dma_wait3A_49 = tpu.memref_slice %arg3[%add3A_11, %dma_wait3A_48] : memref<256x2048xi32, #tpu.memory_space<hbm>> -> memref<1x2048xi32, #tpu.memory_space<hbm>>
        %dma_wait3A_50 = tpu.memref_squeeze %dma_wait3A_49 : memref<1x2048xi32, #tpu.memory_space<hbm>> -> memref<2048xi32, #tpu.memory_space<hbm>>
        tpu.wait_dma2 semaphore(%run_scoped3A : memref<!tpu.dma_semaphore, #tpu.memory_space<semaphore_mem>>) src(%arg9 : memref<2048xi32, #tpu.memory_space<vmem>>) dst(%dma_wait3A_50 : memref<2048xi32, #tpu.memory_space<hbm>>)
        tpu.yield
      }) : () -> ()
      "tpu.region"() ({
        %run_scoped3A = tpu.sem_alloc : memref<!tpu.dma_semaphore, #tpu.memory_space<semaphore_mem>>
        %dma_start3A = arith.constant 0 : i32
        %dma_start3A_41 = tpu.memref_slice %arg4[%add3A_11, %dma_start3A] : memref<256x2048xi32, #tpu.memory_space<hbm>> -> memref<1x2048xi32, #tpu.memory_space<hbm>>
        %dma_start3A_42 = tpu.memref_squeeze %dma_start3A_41 : memref<1x2048xi32, #tpu.memory_space<hbm>> -> memref<2048xi32, #tpu.memory_space<hbm>>
        %dma_start3A_43 = arith.constant 0 : i32
        %dma_start3A_44 = tpu.memref_slice %arg4[%add3A_11, %dma_start3A_43] : memref<256x2048xi32, #tpu.memory_space<hbm>> -> memref<1x2048xi32, #tpu.memory_space<hbm>>
        %dma_start3A_45 = tpu.memref_squeeze %dma_start3A_44 : memref<1x2048xi32, #tpu.memory_space<hbm>> -> memref<2048xi32, #tpu.memory_space<hbm>>
        tpu.enqueue_dma source(%arg10 : memref<2048xi32, #tpu.memory_space<vmem>>) target(%dma_start3A_45 : memref<2048xi32, #tpu.memory_space<hbm>>) target_semaphore(%run_scoped3A : memref<!tpu.dma_semaphore, #tpu.memory_space<semaphore_mem>>)
        %dma_wait3A = arith.constant 0 : i32
        %dma_wait3A_46 = tpu.memref_slice %arg4[%add3A_11, %dma_wait3A] : memref<256x2048xi32, #tpu.memory_space<hbm>> -> memref<1x2048xi32, #tpu.memory_space<hbm>>
        %dma_wait3A_47 = tpu.memref_squeeze %dma_wait3A_46 : memref<1x2048xi32, #tpu.memory_space<hbm>> -> memref<2048xi32, #tpu.memory_space<hbm>>
        %dma_wait3A_48 = arith.constant 0 : i32
        %dma_wait3A_49 = tpu.memref_slice %arg4[%add3A_11, %dma_wait3A_48] : memref<256x2048xi32, #tpu.memory_space<hbm>> -> memref<1x2048xi32, #tpu.memory_space<hbm>>
        %dma_wait3A_50 = tpu.memref_squeeze %dma_wait3A_49 : memref<1x2048xi32, #tpu.memory_space<hbm>> -> memref<2048xi32, #tpu.memory_space<hbm>>
        tpu.wait_dma2 semaphore(%run_scoped3A : memref<!tpu.dma_semaphore, #tpu.memory_space<semaphore_mem>>) src(%arg10 : memref<2048xi32, #tpu.memory_space<vmem>>) dst(%dma_wait3A_50 : memref<2048xi32, #tpu.memory_space<hbm>>)
        tpu.yield
      }) : () -> ()
      %scan3A_40 = arith.constant 0 : i32
      scf.yield %scan3A_40 : i32
    }
    %scan3A_6 = arith.constant 8 : i32
    return
  }
}

#map = affine_map<(d0, d1) -> (0, 0)>
module attributes {stable_mosaic.version = 14 : i64} {
  func.func @k(%arg0: i32, %arg1: i32, %arg2: memref<256x2048xi32, #tpu.memory_space<hbm>>, %arg3: memref<256x2048xi32, #tpu.memory_space<hbm>>, %arg4: memref<256x2048xi32, #tpu.memory_space<hbm>>, %arg5: memref<2048xi32, #tpu.memory_space<vmem>>, %arg6: memref<2048xi32, #tpu.memory_space<vmem>>, %arg7: memref<1024xi32, #tpu.memory_space<vmem>>, %arg8: memref<1024xi32, #tpu.memory_space<vmem>>, %arg9: memref<2048xi32, #tpu.memory_space<vmem>>, %arg10: memref<2048xi32, #tpu.memory_space<vmem>>) attributes {dimension_semantics = [#tpu.dimension_semantics<core_parallel>, #tpu.dimension_semantics<subcore_parallel>], iteration_bounds = array<i64: 2, 16>, scalar_prefetch = 0 : i64, scratch_operands = 6 : i64, tpu.core_type = #tpu.core_type<sc_vector_subcore>, window_params = [{transform_indices = #map}, {transform_indices = #map}, {transform_indices = #map}]} {
    %mul3A = arith.constant 2 : i32
    %mul3A_0 = arith.muli %arg1, %mul3A : i32
    %add3A = arith.addi %mul3A_0, %arg0 : i32
    %iota3A = tpu.iota {dimensions = array<i32: 0>} : vector<16xi32>
    %scan3A = arith.constant 0 : i32
    %scan3A_1 = arith.constant 0 : i32
    %scan3A_2 = arith.constant 8 : i32
    %scan3A_3 = arith.addi %scan3A_1, %scan3A_2 : i32
    %scan3A_4 = arith.constant 1 : i32
    %scan3A_5 = scf.for %scan3A_7 = %scan3A_1 to %scan3A_3 step %scan3A_4 iter_args(%scan3A_8 = %scan3A) -> (i32)  : i32 {
      %mul3A_9 = arith.constant 8 : i32
      %mul3A_10 = arith.muli %add3A, %mul3A_9 : i32
      %add3A_11 = arith.addi %mul3A_10, %scan3A_7 : i32
      "tpu.region"() ({
        %run_scoped3A = tpu.sem_alloc : memref<!tpu.dma_semaphore, #tpu.memory_space<semaphore_mem>>
        %dma_start3A = arith.constant 0 : i32
        %dma_start3A_41 = tpu.memref_slice %arg2[%add3A_11, %dma_start3A] : memref<256x2048xi32, #tpu.memory_space<hbm>> -> memref<1x2048xi32, #tpu.memory_space<hbm>>
        %dma_start3A_42 = tpu.memref_squeeze %dma_start3A_41 : memref<1x2048xi32, #tpu.memory_space<hbm>> -> memref<2048xi32, #tpu.memory_space<hbm>>
        %dma_start3A_43 = arith.constant 0 : i32
        %dma_start3A_44 = tpu.memref_slice %arg2[%add3A_11, %dma_start3A_43] : memref<256x2048xi32, #tpu.memory_space<hbm>> -> memref<1x2048xi32, #tpu.memory_space<hbm>>
        %dma_start3A_45 = tpu.memref_squeeze %dma_start3A_44 : memref<1x2048xi32, #tpu.memory_space<hbm>> -> memref<2048xi32, #tpu.memory_space<hbm>>
        tpu.enqueue_dma source(%dma_start3A_45 : memref<2048xi32, #tpu.memory_space<hbm>>) target(%arg5 : memref<2048xi32, #tpu.memory_space<vmem>>) target_semaphore(%run_scoped3A : memref<!tpu.dma_semaphore, #tpu.memory_space<semaphore_mem>>)
        %dma_wait3A = arith.constant 0 : i32
        %dma_wait3A_46 = tpu.memref_slice %arg2[%add3A_11, %dma_wait3A] : memref<256x2048xi32, #tpu.memory_space<hbm>> -> memref<1x2048xi32, #tpu.memory_space<hbm>>
        %dma_wait3A_47 = tpu.memref_squeeze %dma_wait3A_46 : memref<1x2048xi32, #tpu.memory_space<hbm>> -> memref<2048xi32, #tpu.memory_space<hbm>>
        %dma_wait3A_48 = arith.constant 0 : i32
        %dma_wait3A_49 = tpu.memref_slice %arg2[%add3A_11, %dma_wait3A_48] : memref<256x2048xi32, #tpu.memory_space<hbm>> -> memref<1x2048xi32, #tpu.memory_space<hbm>>
        %dma_wait3A_50 = tpu.memref_squeeze %dma_wait3A_49 : memref<1x2048xi32, #tpu.memory_space<hbm>> -> memref<2048xi32, #tpu.memory_space<hbm>>
        tpu.wait_dma2 semaphore(%run_scoped3A : memref<!tpu.dma_semaphore, #tpu.memory_space<semaphore_mem>>) src(%dma_wait3A_50 : memref<2048xi32, #tpu.memory_space<hbm>>) dst(%arg5 : memref<2048xi32, #tpu.memory_space<vmem>>)
        tpu.yield
      }) : () -> ()
      %scan3A_12 = arith.constant 0 : i32
      %scan3A_13 = arith.constant 0 : i32
      %scan3A_14 = arith.constant 64 : i32
      %scan3A_15 = arith.addi %scan3A_13, %scan3A_14 : i32
      %scan3A_16 = arith.constant 1 : i32
      %scan3A_17 = scf.for %scan3A_41 = %scan3A_13 to %scan3A_15 step %scan3A_16 iter_args(%scan3A_42 = %scan3A_12) -> (i32)  : i32 {
        %broadcast_in_dim3A = arith.constant 0 : i32
        %broadcast_in_dim3A_43 = vector.broadcast %broadcast_in_dim3A : i32 to vector<16xi32>
        %mul3A_44 = arith.constant 16 : i32
        %mul3A_45 = arith.muli %scan3A_41, %mul3A_44 : i32
        %swap3A = arith.index_cast %mul3A_45 : i32 to index
        %swap3A_46 = tpu.vector_load %arg7[%swap3A] {strides = array<i32>} : memref<1024xi32, #tpu.memory_space<vmem>>, vector<16xi32>,
        tpu.vector_store %arg7[%swap3A], %broadcast_in_dim3A_43 {strides = array<i32>} : memref<1024xi32, #tpu.memory_space<vmem>>, vector<16xi32>,
        %scan3A_47 = arith.constant 0 : i32
        scf.yield %scan3A_47 : i32
      }
      %scan3A_18 = arith.constant 64 : i32
      %scan3A_19 = arith.constant 0 : i32
      %scan3A_20 = arith.constant 0 : i32
      %scan3A_21 = arith.constant 128 : i32
      %scan3A_22 = arith.addi %scan3A_20, %scan3A_21 : i32
      %scan3A_23 = arith.constant 1 : i32
      %scan3A_24 = scf.for %scan3A_41 = %scan3A_20 to %scan3A_22 step %scan3A_23 iter_args(%scan3A_42 = %scan3A_19) -> (i32)  : i32 {
        %mul3A_43 = arith.constant 128 : i32
        %mul3A_44 = vector.broadcast %mul3A_43 : i32 to vector<16xi32>
        %mul3A_45 = arith.muli %iota3A, %mul3A_44 : vector<16xi32>
        %add3A_46 = vector.broadcast %scan3A_41 : i32 to vector<16xi32>
        %add3A_47 = arith.addi %mul3A_45, %add3A_46 : vector<16xi32>
        %gather3A = tpu.vector_load_idx %arg5[%add3A_47] : memref<2048xi32, #tpu.memory_space<vmem>>[vector<16xi32>], vector<16xi32>,
        %mul3A_48 = arith.constant 16 : i32
        %mul3A_49 = vector.broadcast %mul3A_48 : i32 to vector<16xi32>
        %mul3A_50 = arith.muli %gather3A, %mul3A_49 : vector<16xi32>
        %add3A_51 = arith.addi %mul3A_50, %iota3A : vector<16xi32>
        %gather3A_52 = tpu.vector_load_idx %arg7[%add3A_51] : memref<1024xi32, #tpu.memory_space<vmem>>[vector<16xi32>], vector<16xi32>,
        %add3A_53 = arith.constant 1 : i32
        %add3A_54 = vector.broadcast %add3A_53 : i32 to vector<16xi32>
        %add3A_55 = arith.addi %gather3A_52, %add3A_54 : vector<16xi32>
        tpu.vector_store_idx %arg7[%add3A_51], %add3A_55 : memref<1024xi32, #tpu.memory_space<vmem>>[vector<16xi32>], vector<16xi32>,
        tpu.vector_store_idx %arg6[%add3A_47], %gather3A_52 : memref<2048xi32, #tpu.memory_space<vmem>>[vector<16xi32>], vector<16xi32>,
        %scan3A_56 = arith.constant 0 : i32
        scf.yield %scan3A_56 : i32
      }
      %scan3A_25 = arith.constant 128 : i32
      %scan3A_26 = arith.constant 0 : i32
      %scan3A_27 = arith.constant 0 : i32
      %scan3A_28 = arith.constant 64 : i32
      %scan3A_29 = arith.addi %scan3A_27, %scan3A_28 : i32
      %scan3A_30 = arith.constant 1 : i32
      %scan3A_31 = scf.for %scan3A_41 = %scan3A_27 to %scan3A_29 step %scan3A_30 iter_args(%scan3A_42 = %scan3A_26) -> (i32)  : i32 {
        %mul3A_43 = arith.constant 16 : i32
        %mul3A_44 = arith.muli %scan3A_41, %mul3A_43 : i32
        %get3A = arith.index_cast %mul3A_44 : i32 to index
        %get3A_45 = tpu.vector_load %arg7[%get3A] {strides = array<i32>} : memref<1024xi32, #tpu.memory_space<vmem>>, vector<16xi32>,
        %broadcast_in_dim3A = arith.constant true
        %broadcast_in_dim3A_46 = vector.broadcast %broadcast_in_dim3A : i1 to vector<16xi1>
        %masked_cumsum3A = tpu.scan <sum>, %get3A_45 masked %broadcast_in_dim3A_46 : vector<16xi32>, vector<16xi1> -> vector<16xi32>
        %sub3A = arith.subi %masked_cumsum3A, %get3A_45 : vector<16xi32>
        %add3A_47 = vector.broadcast %scan3A_42 : i32 to vector<16xi32>
        %add3A_48 = arith.addi %sub3A, %add3A_47 : vector<16xi32>
        %mul3A_49 = arith.constant 16 : i32
        %mul3A_50 = arith.muli %scan3A_41, %mul3A_49 : i32
        %swap3A = arith.index_cast %mul3A_50 : i32 to index
        %swap3A_51 = tpu.vector_load %arg8[%swap3A] {strides = array<i32>} : memref<1024xi32, #tpu.memory_space<vmem>>, vector<16xi32>,
        tpu.vector_store %arg8[%swap3A], %add3A_48 {strides = array<i32>} : memref<1024xi32, #tpu.memory_space<vmem>>, vector<16xi32>,
        %reduce_sum3A = arith.constant true
        %reduce_sum3A_52 = vector.broadcast %reduce_sum3A : i1 to vector<16xi1>
        %reduce_sum3A_53 = tpu.scan <sum>, %get3A_45 masked %reduce_sum3A_52 : vector<16xi32>, vector<16xi1> -> vector<16xi32>
        %reduce_sum3A_54 = vector.extract %reduce_sum3A_53[15] : i32 from vector<16xi32>
        %add3A_55 = arith.addi %scan3A_42, %reduce_sum3A_54 : i32
        scf.yield %add3A_55 : i32
      }
      %scan3A_32 = arith.constant 64 : i32
      %scan3A_33 = arith.constant 0 : i32
      %scan3A_34 = arith.constant 0 : i32
      %scan3A_35 = arith.constant 128 : i32
      %scan3A_36 = arith.addi %scan3A_34, %scan3A_35 : i32
      %scan3A_37 = arith.constant 1 : i32
      %scan3A_38 = scf.for %scan3A_41 = %scan3A_34 to %scan3A_36 step %scan3A_37 iter_args(%scan3A_42 = %scan3A_33) -> (i32)  : i32 {
        %mul3A_43 = arith.constant 128 : i32
        %mul3A_44 = vector.broadcast %mul3A_43 : i32 to vector<16xi32>
        %mul3A_45 = arith.muli %iota3A, %mul3A_44 : vector<16xi32>
        %add3A_46 = vector.broadcast %scan3A_41 : i32 to vector<16xi32>
        %add3A_47 = arith.addi %mul3A_45, %add3A_46 : vector<16xi32>
        %gather3A = tpu.vector_load_idx %arg5[%add3A_47] : memref<2048xi32, #tpu.memory_space<vmem>>[vector<16xi32>], vector<16xi32>,
        %gather3A_48 = tpu.vector_load_idx %arg6[%add3A_47] : memref<2048xi32, #tpu.memory_space<vmem>>[vector<16xi32>], vector<16xi32>,
        %mul3A_49 = arith.constant 16 : i32
        %mul3A_50 = vector.broadcast %mul3A_49 : i32 to vector<16xi32>
        %mul3A_51 = arith.muli %gather3A, %mul3A_50 : vector<16xi32>
        %add3A_52 = arith.addi %mul3A_51, %iota3A : vector<16xi32>
        %gather3A_53 = tpu.vector_load_idx %arg8[%add3A_52] : memref<1024xi32, #tpu.memory_space<vmem>>[vector<16xi32>], vector<16xi32>,
        %add3A_54 = arith.addi %gather3A_53, %gather3A_48 : vector<16xi32>
        tpu.vector_store_idx %arg10[%add3A_47], %add3A_54 : memref<2048xi32, #tpu.memory_space<vmem>>[vector<16xi32>], vector<16xi32>,
        tpu.vector_store_idx %arg9[%add3A_54], %add3A_47 : memref<2048xi32, #tpu.memory_space<vmem>>[vector<16xi32>], vector<16xi32>,
        %scan3A_55 = arith.constant 0 : i32
        scf.yield %scan3A_55 : i32
      }
      %scan3A_39 = arith.constant 128 : i32
      "tpu.region"() ({
        %run_scoped3A = tpu.sem_alloc : memref<!tpu.dma_semaphore, #tpu.memory_space<semaphore_mem>>
        %dma_start3A = arith.constant 0 : i32
        %dma_start3A_41 = tpu.memref_slice %arg3[%add3A_11, %dma_start3A] : memref<256x2048xi32, #tpu.memory_space<hbm>> -> memref<1x2048xi32, #tpu.memory_space<hbm>>
        %dma_start3A_42 = tpu.memref_squeeze %dma_start3A_41 : memref<1x2048xi32, #tpu.memory_space<hbm>> -> memref<2048xi32, #tpu.memory_space<hbm>>
        %dma_start3A_43 = arith.constant 0 : i32
        %dma_start3A_44 = tpu.memref_slice %arg3[%add3A_11, %dma_start3A_43] : memref<256x2048xi32, #tpu.memory_space<hbm>> -> memref<1x2048xi32, #tpu.memory_space<hbm>>
        %dma_start3A_45 = tpu.memref_squeeze %dma_start3A_44 : memref<1x2048xi32, #tpu.memory_space<hbm>> -> memref<2048xi32, #tpu.memory_space<hbm>>
        tpu.enqueue_dma source(%arg9 : memref<2048xi32, #tpu.memory_space<vmem>>) target(%dma_start3A_45 : memref<2048xi32, #tpu.memory_space<hbm>>) target_semaphore(%run_scoped3A : memref<!tpu.dma_semaphore, #tpu.memory_space<semaphore_mem>>)
        %dma_wait3A = arith.constant 0 : i32
        %dma_wait3A_46 = tpu.memref_slice %arg3[%add3A_11, %dma_wait3A] : memref<256x2048xi32, #tpu.memory_space<hbm>> -> memref<1x2048xi32, #tpu.memory_space<hbm>>
        %dma_wait3A_47 = tpu.memref_squeeze %dma_wait3A_46 : memref<1x2048xi32, #tpu.memory_space<hbm>> -> memref<2048xi32, #tpu.memory_space<hbm>>
        %dma_wait3A_48 = arith.constant 0 : i32
        %dma_wait3A_49 = tpu.memref_slice %arg3[%add3A_11, %dma_wait3A_48] : memref<256x2048xi32, #tpu.memory_space<hbm>> -> memref<1x2048xi32, #tpu.memory_space<hbm>>
        %dma_wait3A_50 = tpu.memref_squeeze %dma_wait3A_49 : memref<1x2048xi32, #tpu.memory_space<hbm>> -> memref<2048xi32, #tpu.memory_space<hbm>>
        tpu.wait_dma2 semaphore(%run_scoped3A : memref<!tpu.dma_semaphore, #tpu.memory_space<semaphore_mem>>) src(%arg9 : memref<2048xi32, #tpu.memory_space<vmem>>) dst(%dma_wait3A_50 : memref<2048xi32, #tpu.memory_space<hbm>>)
        tpu.yield
      }) : () -> ()
      "tpu.region"() ({
        %run_scoped3A = tpu.sem_alloc : memref<!tpu.dma_semaphore, #tpu.memory_space<semaphore_mem>>
        %dma_start3A = arith.constant 0 : i32
        %dma_start3A_41 = tpu.memref_slice %arg4[%add3A_11, %dma_start3A] : memref<256x2048xi32, #tpu.memory_space<hbm>> -> memref<1x2048xi32, #tpu.memory_space<hbm>>
        %dma_start3A_42 = tpu.memref_squeeze %dma_start3A_41 : memref<1x2048xi32, #tpu.memory_space<hbm>> -> memref<2048xi32, #tpu.memory_space<hbm>>
        %dma_start3A_43 = arith.constant 0 : i32
        %dma_start3A_44 = tpu.memref_slice %arg4[%add3A_11, %dma_start3A_43] : memref<256x2048xi32, #tpu.memory_space<hbm>> -> memref<1x2048xi32, #tpu.memory_space<hbm>>
        %dma_start3A_45 = tpu.memref_squeeze %dma_start3A_44 : memref<1x2048xi32, #tpu.memory_space<hbm>> -> memref<2048xi32, #tpu.memory_space<hbm>>
        tpu.enqueue_dma source(%arg10 : memref<2048xi32, #tpu.memory_space<vmem>>) target(%dma_start3A_45 : memref<2048xi32, #tpu.memory_space<hbm>>) target_semaphore(%run_scoped3A : memref<!tpu.dma_semaphore, #tpu.memory_space<semaphore_mem>>)
        %dma_wait3A = arith.constant 0 : i32
        %dma_wait3A_46 = tpu.memref_slice %arg4[%add3A_11, %dma_wait3A] : memref<256x2048xi32, #tpu.memory_space<hbm>> -> memref<1x2048xi32, #tpu.memory_space<hbm>>
        %dma_wait3A_47 = tpu.memref_squeeze %dma_wait3A_46 : memref<1x2048xi32, #tpu.memory_space<hbm>> -> memref<2048xi32, #tpu.memory_space<hbm>>
        %dma_wait3A_48 = arith.constant 0 : i32
        %dma_wait3A_49 = tpu.memref_slice %arg4[%add3A_11, %dma_wait3A_48] : memref<256x2048xi32, #tpu.memory_space<hbm>> -> memref<1x2048xi32, #tpu.memory_space<hbm>>
        %dma_wait3A_50 = tpu.memref_squeeze %dma_wait3A_49 : memref<1x2048xi32, #tpu.memory_space<hbm>> -> memref<2048xi32, #tpu.memory_space<hbm>>
        tpu.wait_dma2 semaphore(%run_scoped3A : memref<!tpu.dma_semaphore, #tpu.memory_space<semaphore_mem>>) src(%arg10 : memref<2048xi32, #tpu.memory_space<vmem>>) dst(%dma_wait3A_50 : memref<2048xi32, #tpu.memory_space<hbm>>)
        tpu.yield
      }) : () -> ()
      %scan3A_40 = arith.constant 0 : i32
      scf.yield %scan3A_40 : i32
    }
    %scan3A_6 = arith.constant 8 : i32
    return
  }
}

module attributes {stable_mosaic.version = 14 : i64} {
  func.func @_embed_body(%arg0: i32, %arg1: memref<1x2048x3xf32, #tpu.memory_space<vmem>>, %arg2: memref<2048x128xf32, #tpu.memory_space<vmem>>, %arg3: memref<8x128xf32, #tpu.memory_space<vmem>>, %arg4: memref<1x2048x128xf32, #tpu.memory_space<vmem>>) attributes {dimension_semantics = [#tpu.dimension_semantics<arbitrary>], iteration_bounds = array<i64: 8>, scalar_prefetch = 0 : i64, scratch_operands = 0 : i64, tpu.core_type = #tpu.core_type<tc>, window_params = [{transform_indices = @transform_0, window_bounds = array<i64: 1, 2048, 3>}, {pipeline_mode = #tpu.pipeline_mode<synchronous>, transform_indices = @transform_1, window_bounds = array<i64: 2048, 128>}, {pipeline_mode = #tpu.pipeline_mode<synchronous>, transform_indices = @transform_2, window_bounds = array<i64: 8, 128>}, {transform_indices = @transform_3, window_bounds = array<i64: 1, 2048, 128>}]} {
    %get3A = arith.constant 0 : index
    %get3A_0 = arith.constant 0 : index
    %get3A_1 = arith.constant 0 : index
    %get3A_2 = vector.load %arg1[%get3A, %get3A_0, %get3A_1] : memref<1x2048x3xf32, #tpu.memory_space<vmem>>, vector<1x2048x3xf32>
    %get3A_3 = vector.shape_cast %get3A_2 : vector<1x2048x3xf32> to vector<2048x3xf32>
    %get3A_4 = arith.constant 0 : index
    %get3A_5 = arith.constant 0 : index
    %get3A_6 = vector.load %arg3[%get3A_4, %get3A_5] : memref<8x128xf32, #tpu.memory_space<vmem>>, vector<8x128xf32>
    %slice3A = vector.extract_strided_slice %get3A_3 {offsets = [0, 0], sizes = [2048, 1], strides = [1, 1]} : vector<2048x3xf32> to vector<2048x1xf32>
    %convert_element_type3A = arith.truncf %slice3A : vector<2048x1xf32> to vector<2048x1xbf16>
    %convert_element_type3A_7 = arith.extf %convert_element_type3A : vector<2048x1xbf16> to vector<2048x1xf32>
    %slice3A_8 = vector.extract_strided_slice %get3A_6 {offsets = [0, 0], sizes = [1, 128], strides = [1, 1]} : vector<8x128xf32> to vector<1x128xf32>
    %convert_element_type3A_9 = arith.truncf %slice3A_8 : vector<1x128xf32> to vector<1x128xbf16>
    %convert_element_type3A_10 = arith.extf %convert_element_type3A_9 : vector<1x128xbf16> to vector<1x128xf32>
    %mul3A = vector.broadcast %convert_element_type3A_7 : vector<2048x1xf32> to vector<2048x128xf32>
    %mul3A_11 = vector.broadcast %convert_element_type3A_10 : vector<1x128xf32> to vector<2048x128xf32>
    %mul3A_12 = arith.mulf %mul3A, %mul3A_11 : vector<2048x128xf32>
    %slice3A_13 = vector.extract_strided_slice %get3A_3 {offsets = [0, 1], sizes = [2048, 1], strides = [1, 1]} : vector<2048x3xf32> to vector<2048x1xf32>
    %convert_element_type3A_14 = arith.truncf %slice3A_13 : vector<2048x1xf32> to vector<2048x1xbf16>
    %convert_element_type3A_15 = arith.extf %convert_element_type3A_14 : vector<2048x1xbf16> to vector<2048x1xf32>
    %slice3A_16 = vector.extract_strided_slice %get3A_6 {offsets = [1, 0], sizes = [1, 128], strides = [1, 1]} : vector<8x128xf32> to vector<1x128xf32>
    %convert_element_type3A_17 = arith.truncf %slice3A_16 : vector<1x128xf32> to vector<1x128xbf16>
    %convert_element_type3A_18 = arith.extf %convert_element_type3A_17 : vector<1x128xbf16> to vector<1x128xf32>
    %mul3A_19 = vector.broadcast %convert_element_type3A_15 : vector<2048x1xf32> to vector<2048x128xf32>
    %mul3A_20 = vector.broadcast %convert_element_type3A_18 : vector<1x128xf32> to vector<2048x128xf32>
    %mul3A_21 = arith.mulf %mul3A_19, %mul3A_20 : vector<2048x128xf32>
    %add3A = arith.addf %mul3A_12, %mul3A_21 : vector<2048x128xf32>
    %slice3A_22 = vector.extract_strided_slice %get3A_3 {offsets = [0, 2], sizes = [2048, 1], strides = [1, 1]} : vector<2048x3xf32> to vector<2048x1xf32>
    %convert_element_type3A_23 = arith.truncf %slice3A_22 : vector<2048x1xf32> to vector<2048x1xbf16>
    %convert_element_type3A_24 = arith.extf %convert_element_type3A_23 : vector<2048x1xbf16> to vector<2048x1xf32>
    %slice3A_25 = vector.extract_strided_slice %get3A_6 {offsets = [2, 0], sizes = [1, 128], strides = [1, 1]} : vector<8x128xf32> to vector<1x128xf32>
    %convert_element_type3A_26 = arith.truncf %slice3A_25 : vector<1x128xf32> to vector<1x128xbf16>
    %convert_element_type3A_27 = arith.extf %convert_element_type3A_26 : vector<1x128xbf16> to vector<1x128xf32>
    %mul3A_28 = vector.broadcast %convert_element_type3A_24 : vector<2048x1xf32> to vector<2048x128xf32>
    %mul3A_29 = vector.broadcast %convert_element_type3A_27 : vector<1x128xf32> to vector<2048x128xf32>
    %mul3A_30 = arith.mulf %mul3A_28, %mul3A_29 : vector<2048x128xf32>
    %add3A_31 = arith.addf %add3A, %mul3A_30 : vector<2048x128xf32>
    %get3A_32 = arith.constant 0 : index
    %get3A_33 = arith.constant 0 : index
    %get3A_34 = vector.load %arg2[%get3A_32, %get3A_33] : memref<2048x128xf32, #tpu.memory_space<vmem>>, vector<2048x128xf32>
    %add3A_35 = arith.addf %add3A_31, %get3A_34 : vector<2048x128xf32>
    %swap3A = arith.constant 0 : index
    %swap3A_36 = arith.constant 0 : index
    %swap3A_37 = arith.constant 0 : index
    %swap3A_38 = vector.load %arg4[%swap3A, %swap3A_36, %swap3A_37] : memref<1x2048x128xf32, #tpu.memory_space<vmem>>, vector<1x2048x128xf32>
    %swap3A_39 = vector.shape_cast %swap3A_38 : vector<1x2048x128xf32> to vector<2048x128xf32>
    %swap3A_40 = vector.shape_cast %add3A_35 : vector<2048x128xf32> to vector<1x2048x128xf32>
    tpu.vector_store %arg4[%swap3A, %swap3A_36, %swap3A_37], %swap3A_40 {strides = array<i32>} : memref<1x2048x128xf32, #tpu.memory_space<vmem>>, vector<1x2048x128xf32>,
    return
  }
  func.func @transform_0(%arg0: i32) -> (i32, i32, i32) {
    %c0_i32 = arith.constant 0 : i32
    %c0_i32_0 = arith.constant 0 : i32
    %c0_i32_1 = arith.constant 0 : i32
    return %arg0, %c0_i32, %c0_i32_0 : i32, i32, i32
  }
  func.func @transform_1(%arg0: i32) -> (i32, i32) {
    %c0_i32 = arith.constant 0 : i32
    %c0_i32_0 = arith.constant 0 : i32
    %c0_i32_1 = arith.constant 0 : i32
    return %c0_i32, %c0_i32_0 : i32, i32
  }
  func.func @transform_2(%arg0: i32) -> (i32, i32) {
    %c0_i32 = arith.constant 0 : i32
    %c0_i32_0 = arith.constant 0 : i32
    %c0_i32_1 = arith.constant 0 : i32
    return %c0_i32, %c0_i32_0 : i32, i32
  }
  func.func @transform_3(%arg0: i32) -> (i32, i32, i32) {
    %c0_i32 = arith.constant 0 : i32
    %c0_i32_0 = arith.constant 0 : i32
    %c0_i32_1 = arith.constant 0 : i32
    return %arg0, %c0_i32, %c0_i32_0 : i32, i32, i32
  }
}

module attributes {stable_mosaic.version = 14 : i64} {
  func.func @_proj_body(%arg0: i32, %arg1: i32, %arg2: memref<1x512x128xf32, #tpu.memory_space<vmem>>, %arg3: memref<128x128xf32, #tpu.memory_space<vmem>>, %arg4: memref<128x128xf32, #tpu.memory_space<vmem>>, %arg5: memref<16x128xf32, #tpu.memory_space<vmem>>, %arg6: memref<1x512x128xf32, #tpu.memory_space<vmem>>, %arg7: memref<1x512x128xf32, #tpu.memory_space<vmem>>, %arg8: memref<1x8x4x512xi32, #tpu.memory_space<vmem>>) attributes {dimension_semantics = [#tpu.dimension_semantics<arbitrary>, #tpu.dimension_semantics<arbitrary>], iteration_bounds = array<i64: 8, 4>, scalar_prefetch = 0 : i64, scratch_operands = 0 : i64, tpu.core_type = #tpu.core_type<tc>, window_params = [{transform_indices = @transform_0, window_bounds = array<i64: 1, 512, 128>}, {pipeline_mode = #tpu.pipeline_mode<synchronous>, transform_indices = @transform_1, window_bounds = array<i64: 128, 128>}, {pipeline_mode = #tpu.pipeline_mode<synchronous>, transform_indices = @transform_2, window_bounds = array<i64: 128, 128>}, {pipeline_mode = #tpu.pipeline_mode<synchronous>, transform_indices = @transform_3, window_bounds = array<i64: 16, 128>}, {transform_indices = @transform_4, window_bounds = array<i64: 1, 512, 128>}, {transform_indices = @transform_5, window_bounds = array<i64: 1, 512, 128>}, {transform_indices = @transform_6, window_bounds = array<i64: 1, 8, 4, 512>}]} {
    %get3A = arith.constant 0 : index
    %get3A_0 = arith.constant 0 : index
    %get3A_1 = arith.constant 0 : index
    %get3A_2 = vector.load %arg2[%get3A, %get3A_0, %get3A_1] : memref<1x512x128xf32, #tpu.memory_space<vmem>>, vector<1x512x128xf32>
    %get3A_3 = vector.shape_cast %get3A_2 : vector<1x512x128xf32> to vector<512x128xf32>
    %get3A_4 = arith.constant 0 : index
    %get3A_5 = arith.constant 0 : index
    %get3A_6 = vector.load %arg3[%get3A_4, %get3A_5] : memref<128x128xf32, #tpu.memory_space<vmem>>, vector<128x128xf32>
    %get3A_7 = arith.constant 0 : index
    %get3A_8 = arith.constant 0 : index
    %get3A_9 = vector.load %arg4[%get3A_7, %get3A_8] : memref<128x128xf32, #tpu.memory_space<vmem>>, vector<128x128xf32>
    %get3A_10 = arith.constant 0 : index
    %get3A_11 = arith.constant 0 : index
    %get3A_12 = vector.load %arg5[%get3A_10, %get3A_11] : memref<16x128xf32, #tpu.memory_space<vmem>>, vector<16x128xf32>
    %convert_element_type3A = arith.truncf %get3A_3 : vector<512x128xf32> to vector<512x128xbf16>
    %convert_element_type3A_13 = arith.truncf %get3A_6 : vector<128x128xf32> to vector<128x128xbf16>
    %dot_general3A = arith.constant dense<0.000000e+00> : vector<512x128xf32>
    %dot_general3A_14 = tpu.matmul %convert_element_type3A, %convert_element_type3A_13, %dot_general3A {dimension_numbers = #tpu.dot_dimension_numbers<[1], [0], [0], [1], [0, 0, 1, 1], [], []>, transpose_lhs_hint = false} : vector<512x128xbf16>, vector<128x128xbf16>, vector<512x128xf32> -> vector<512x128xf32>
    %convert_element_type3A_15 = arith.truncf %get3A_3 : vector<512x128xf32> to vector<512x128xbf16>
    %convert_element_type3A_16 = arith.truncf %get3A_9 : vector<128x128xf32> to vector<128x128xbf16>
    %dot_general3A_17 = arith.constant dense<0.000000e+00> : vector<512x128xf32>
    %dot_general3A_18 = tpu.matmul %convert_element_type3A_15, %convert_element_type3A_16, %dot_general3A_17 {dimension_numbers = #tpu.dot_dimension_numbers<[1], [0], [0], [1], [0, 0, 1, 1], [], []>, transpose_lhs_hint = false} : vector<512x128xbf16>, vector<128x128xbf16>, vector<512x128xf32> -> vector<512x128xf32>
    %swap3A = arith.constant 0 : index
    %swap3A_19 = arith.constant 0 : index
    %swap3A_20 = arith.constant 0 : index
    %swap3A_21 = vector.load %arg6[%swap3A, %swap3A_19, %swap3A_20] : memref<1x512x128xf32, #tpu.memory_space<vmem>>, vector<1x512x128xf32>
    %swap3A_22 = vector.shape_cast %swap3A_21 : vector<1x512x128xf32> to vector<512x128xf32>
    %swap3A_23 = vector.shape_cast %dot_general3A_14 : vector<512x128xf32> to vector<1x512x128xf32>
    tpu.vector_store %arg6[%swap3A, %swap3A_19, %swap3A_20], %swap3A_23 {strides = array<i32>} : memref<1x512x128xf32, #tpu.memory_space<vmem>>, vector<1x512x128xf32>,
    %swap3A_24 = arith.constant 0 : index
    %swap3A_25 = arith.constant 0 : index
    %swap3A_26 = arith.constant 0 : index
    %swap3A_27 = vector.load %arg7[%swap3A_24, %swap3A_25, %swap3A_26] : memref<1x512x128xf32, #tpu.memory_space<vmem>>, vector<1x512x128xf32>
    %swap3A_28 = vector.shape_cast %swap3A_27 : vector<1x512x128xf32> to vector<512x128xf32>
    %swap3A_29 = vector.shape_cast %dot_general3A_18 : vector<512x128xf32> to vector<1x512x128xf32>
    tpu.vector_store %arg7[%swap3A_24, %swap3A_25, %swap3A_26], %swap3A_29 {strides = array<i32>} : memref<1x512x128xf32, #tpu.memory_space<vmem>>, vector<1x512x128xf32>,
    %slice3A = vector.extract_strided_slice %dot_general3A_14 {offsets = [0, 0], sizes = [512, 16], strides = [1, 1]} : vector<512x128xf32> to vector<512x16xf32>
    %convert_element_type3A_30 = arith.truncf %slice3A : vector<512x16xf32> to vector<512x16xbf16>
    %convert_element_type3A_31 = arith.truncf %get3A_12 : vector<16x128xf32> to vector<16x128xbf16>
    %dot_general3A_32 = arith.constant dense<0.000000e+00> : vector<512x128xf32>
    %dot_general3A_33 = tpu.matmul %convert_element_type3A_30, %convert_element_type3A_31, %dot_general3A_32 {dimension_numbers = #tpu.dot_dimension_numbers<[1], [0], [0], [1], [0, 0, 1, 1], [], []>, transpose_lhs_hint = false} : vector<512x16xbf16>, vector<16x128xbf16>, vector<512x128xf32> -> vector<512x128xf32>
    %slice3A_34 = vector.extract_strided_slice %dot_general3A_33 {offsets = [0, 0], sizes = [512, 32], strides = [1, 1]} : vector<512x128xf32> to vector<512x32xf32>
    %neg3A = arith.constant 0.000000e+00 : f32
    %neg3A_35 = vector.broadcast %neg3A : f32 to vector<512x32xf32>
    %neg3A_36 = arith.subf %neg3A_35, %slice3A_34 : vector<512x32xf32>
    %concatenate3A = tpu.concatenate %slice3A_34, %neg3A_36 in 1 : vector<512x32xf32>, vector<512x32xf32> -> vector<512x64xf32>
    %argmax3A = tpu.reduce_index %concatenate3A {axis = 1 : i32, kind = #tpu.reduction_kind<arg_max>} : vector<512x64xf32> -> vector<512xi32>
    %swap3A_37 = arith.constant 0 : index
    %swap3A_38 = arith.constant 0 : index
    %swap3A_39 = arith.constant 0 : index
    %swap3A_40 = arith.constant 0 : index
    %swap3A_41 = vector.load %arg8[%swap3A_37, %swap3A_38, %swap3A_39, %swap3A_40] : memref<1x8x4x512xi32, #tpu.memory_space<vmem>>, vector<1x1x1x512xi32>
    %swap3A_42 = vector.shape_cast %swap3A_41 : vector<1x1x1x512xi32> to vector<512xi32>
    %swap3A_43 = vector.shape_cast %argmax3A : vector<512xi32> to vector<1x1x1x512xi32>
    tpu.vector_store %arg8[%swap3A_37, %swap3A_38, %swap3A_39, %swap3A_40], %swap3A_43 {strides = array<i32>} : memref<1x8x4x512xi32, #tpu.memory_space<vmem>>, vector<1x1x1x512xi32>,
    %slice3A_44 = vector.extract_strided_slice %dot_general3A_33 {offsets = [0, 32], sizes = [512, 32], strides = [1, 1]} : vector<512x128xf32> to vector<512x32xf32>
    %neg3A_45 = arith.constant 0.000000e+00 : f32
    %neg3A_46 = vector.broadcast %neg3A_45 : f32 to vector<512x32xf32>
    %neg3A_47 = arith.subf %neg3A_46, %slice3A_44 : vector<512x32xf32>
    %concatenate3A_48 = tpu.concatenate %slice3A_44, %neg3A_47 in 1 : vector<512x32xf32>, vector<512x32xf32> -> vector<512x64xf32>
    %argmax3A_49 = tpu.reduce_index %concatenate3A_48 {axis = 1 : i32, kind = #tpu.reduction_kind<arg_max>} : vector<512x64xf32> -> vector<512xi32>
    %swap3A_50 = arith.constant 0 : index
    %swap3A_51 = arith.constant 0 : index
    %swap3A_52 = arith.constant 1 : index
    %swap3A_53 = arith.constant 0 : index
    %swap3A_54 = vector.load %arg8[%swap3A_50, %swap3A_51, %swap3A_52, %swap3A_53] : memref<1x8x4x512xi32, #tpu.memory_space<vmem>>, vector<1x1x1x512xi32>
    %swap3A_55 = vector.shape_cast %swap3A_54 : vector<1x1x1x512xi32> to vector<512xi32>
    %swap3A_56 = vector.shape_cast %argmax3A_49 : vector<512xi32> to vector<1x1x1x512xi32>
    tpu.vector_store %arg8[%swap3A_50, %swap3A_51, %swap3A_52, %swap3A_53], %swap3A_56 {strides = array<i32>} : memref<1x8x4x512xi32, #tpu.memory_space<vmem>>, vector<1x1x1x512xi32>,
    %slice3A_57 = vector.extract_strided_slice %dot_general3A_33 {offsets = [0, 64], sizes = [512, 32], strides = [1, 1]} : vector<512x128xf32> to vector<512x32xf32>
    %neg3A_58 = arith.constant 0.000000e+00 : f32
    %neg3A_59 = vector.broadcast %neg3A_58 : f32 to vector<512x32xf32>
    %neg3A_60 = arith.subf %neg3A_59, %slice3A_57 : vector<512x32xf32>
    %concatenate3A_61 = tpu.concatenate %slice3A_57, %neg3A_60 in 1 : vector<512x32xf32>, vector<512x32xf32> -> vector<512x64xf32>
    %argmax3A_62 = tpu.reduce_index %concatenate3A_61 {axis = 1 : i32, kind = #tpu.reduction_kind<arg_max>} : vector<512x64xf32> -> vector<512xi32>
    %swap3A_63 = arith.constant 0 : index
    %swap3A_64 = arith.constant 0 : index
    %swap3A_65 = arith.constant 2 : index
    %swap3A_66 = arith.constant 0 : index
    %swap3A_67 = vector.load %arg8[%swap3A_63, %swap3A_64, %swap3A_65, %swap3A_66] : memref<1x8x4x512xi32, #tpu.memory_space<vmem>>, vector<1x1x1x512xi32>
    %swap3A_68 = vector.shape_cast %swap3A_67 : vector<1x1x1x512xi32> to vector<512xi32>
    %swap3A_69 = vector.shape_cast %argmax3A_62 : vector<512xi32> to vector<1x1x1x512xi32>
    tpu.vector_store %arg8[%swap3A_63, %swap3A_64, %swap3A_65, %swap3A_66], %swap3A_69 {strides = array<i32>} : memref<1x8x4x512xi32, #tpu.memory_space<vmem>>, vector<1x1x1x512xi32>,
    %slice3A_70 = vector.extract_strided_slice %dot_general3A_33 {offsets = [0, 96], sizes = [512, 32], strides = [1, 1]} : vector<512x128xf32> to vector<512x32xf32>
    %neg3A_71 = arith.constant 0.000000e+00 : f32
    %neg3A_72 = vector.broadcast %neg3A_71 : f32 to vector<512x32xf32>
    %neg3A_73 = arith.subf %neg3A_72, %slice3A_70 : vector<512x32xf32>
    %concatenate3A_74 = tpu.concatenate %slice3A_70, %neg3A_73 in 1 : vector<512x32xf32>, vector<512x32xf32> -> vector<512x64xf32>
    %argmax3A_75 = tpu.reduce_index %concatenate3A_74 {axis = 1 : i32, kind = #tpu.reduction_kind<arg_max>} : vector<512x64xf32> -> vector<512xi32>
    %swap3A_76 = arith.constant 0 : index
    %swap3A_77 = arith.constant 0 : index
    %swap3A_78 = arith.constant 3 : index
    %swap3A_79 = arith.constant 0 : index
    %swap3A_80 = vector.load %arg8[%swap3A_76, %swap3A_77, %swap3A_78, %swap3A_79] : memref<1x8x4x512xi32, #tpu.memory_space<vmem>>, vector<1x1x1x512xi32>
    %swap3A_81 = vector.shape_cast %swap3A_80 : vector<1x1x1x512xi32> to vector<512xi32>
    %swap3A_82 = vector.shape_cast %argmax3A_75 : vector<512xi32> to vector<1x1x1x512xi32>
    tpu.vector_store %arg8[%swap3A_76, %swap3A_77, %swap3A_78, %swap3A_79], %swap3A_82 {strides = array<i32>} : memref<1x8x4x512xi32, #tpu.memory_space<vmem>>, vector<1x1x1x512xi32>,
    %slice3A_83 = vector.extract_strided_slice %dot_general3A_14 {offsets = [0, 16], sizes = [512, 16], strides = [1, 1]} : vector<512x128xf32> to vector<512x16xf32>
    %convert_element_type3A_84 = arith.truncf %slice3A_83 : vector<512x16xf32> to vector<512x16xbf16>
    %convert_element_type3A_85 = arith.truncf %get3A_12 : vector<16x128xf32> to vector<16x128xbf16>
    %dot_general3A_86 = arith.constant dense<0.000000e+00> : vector<512x128xf32>
    %dot_general3A_87 = tpu.matmul %convert_element_type3A_84, %convert_element_type3A_85, %dot_general3A_86 {dimension_numbers = #tpu.dot_dimension_numbers<[1], [0], [0], [1], [0, 0, 1, 1], [], []>, transpose_lhs_hint = false} : vector<512x16xbf16>, vector<16x128xbf16>, vector<512x128xf32> -> vector<512x128xf32>
    %slice3A_88 = vector.extract_strided_slice %dot_general3A_87 {offsets = [0, 0], sizes = [512, 32], strides = [1, 1]} : vector<512x128xf32> to vector<512x32xf32>
    %neg3A_89 = arith.constant 0.000000e+00 : f32
    %neg3A_90 = vector.broadcast %neg3A_89 : f32 to vector<512x32xf32>
    %neg3A_91 = arith.subf %neg3A_90, %slice3A_88 : vector<512x32xf32>
    %concatenate3A_92 = tpu.concatenate %slice3A_88, %neg3A_91 in 1 : vector<512x32xf32>, vector<512x32xf32> -> vector<512x64xf32>
    %argmax3A_93 = tpu.reduce_index %concatenate3A_92 {axis = 1 : i32, kind = #tpu.reduction_kind<arg_max>} : vector<512x64xf32> -> vector<512xi32>
    %swap3A_94 = arith.constant 0 : index
    %swap3A_95 = arith.constant 1 : index
    %swap3A_96 = arith.constant 0 : index
    %swap3A_97 = arith.constant 0 : index
    %swap3A_98 = vector.load %arg8[%swap3A_94, %swap3A_95, %swap3A_96, %swap3A_97] : memref<1x8x4x512xi32, #tpu.memory_space<vmem>>, vector<1x1x1x512xi32>
    %swap3A_99 = vector.shape_cast %swap3A_98 : vector<1x1x1x512xi32> to vector<512xi32>
    %swap3A_100 = vector.shape_cast %argmax3A_93 : vector<512xi32> to vector<1x1x1x512xi32>
    tpu.vector_store %arg8[%swap3A_94, %swap3A_95, %swap3A_96, %swap3A_97], %swap3A_100 {strides = array<i32>} : memref<1x8x4x512xi32, #tpu.memory_space<vmem>>, vector<1x1x1x512xi32>,
    %slice3A_101 = vector.extract_strided_slice %dot_general3A_87 {offsets = [0, 32], sizes = [512, 32], strides = [1, 1]} : vector<512x128xf32> to vector<512x32xf32>
    %neg3A_102 = arith.constant 0.000000e+00 : f32
    %neg3A_103 = vector.broadcast %neg3A_102 : f32 to vector<512x32xf32>
    %neg3A_104 = arith.subf %neg3A_103, %slice3A_101 : vector<512x32xf32>
    %concatenate3A_105 = tpu.concatenate %slice3A_101, %neg3A_104 in 1 : vector<512x32xf32>, vector<512x32xf32> -> vector<512x64xf32>
    %argmax3A_106 = tpu.reduce_index %concatenate3A_105 {axis = 1 : i32, kind = #tpu.reduction_kind<arg_max>} : vector<512x64xf32> -> vector<512xi32>
    %swap3A_107 = arith.constant 0 : index
    %swap3A_108 = arith.constant 1 : index
    %swap3A_109 = arith.constant 1 : index
    %swap3A_110 = arith.constant 0 : index
    %swap3A_111 = vector.load %arg8[%swap3A_107, %swap3A_108, %swap3A_109, %swap3A_110] : memref<1x8x4x512xi32, #tpu.memory_space<vmem>>, vector<1x1x1x512xi32>
    %swap3A_112 = vector.shape_cast %swap3A_111 : vector<1x1x1x512xi32> to vector<512xi32>
    %swap3A_113 = vector.shape_cast %argmax3A_106 : vector<512xi32> to vector<1x1x1x512xi32>
    tpu.vector_store %arg8[%swap3A_107, %swap3A_108, %swap3A_109, %swap3A_110], %swap3A_113 {strides = array<i32>} : memref<1x8x4x512xi32, #tpu.memory_space<vmem>>, vector<1x1x1x512xi32>,
    %slice3A_114 = vector.extract_strided_slice %dot_general3A_87 {offsets = [0, 64], sizes = [512, 32], strides = [1, 1]} : vector<512x128xf32> to vector<512x32xf32>
    %neg3A_115 = arith.constant 0.000000e+00 : f32
    %neg3A_116 = vector.broadcast %neg3A_115 : f32 to vector<512x32xf32>
    %neg3A_117 = arith.subf %neg3A_116, %slice3A_114 : vector<512x32xf32>
    %concatenate3A_118 = tpu.concatenate %slice3A_114, %neg3A_117 in 1 : vector<512x32xf32>, vector<512x32xf32> -> vector<512x64xf32>
    %argmax3A_119 = tpu.reduce_index %concatenate3A_118 {axis = 1 : i32, kind = #tpu.reduction_kind<arg_max>} : vector<512x64xf32> -> vector<512xi32>
    %swap3A_120 = arith.constant 0 : index
    %swap3A_121 = arith.constant 1 : index
    %swap3A_122 = arith.constant 2 : index
    %swap3A_123 = arith.constant 0 : index
    %swap3A_124 = vector.load %arg8[%swap3A_120, %swap3A_121, %swap3A_122, %swap3A_123] : memref<1x8x4x512xi32, #tpu.memory_space<vmem>>, vector<1x1x1x512xi32>
    %swap3A_125 = vector.shape_cast %swap3A_124 : vector<1x1x1x512xi32> to vector<512xi32>
    %swap3A_126 = vector.shape_cast %argmax3A_119 : vector<512xi32> to vector<1x1x1x512xi32>
    tpu.vector_store %arg8[%swap3A_120, %swap3A_121, %swap3A_122, %swap3A_123], %swap3A_126 {strides = array<i32>} : memref<1x8x4x512xi32, #tpu.memory_space<vmem>>, vector<1x1x1x512xi32>,
    %slice3A_127 = vector.extract_strided_slice %dot_general3A_87 {offsets = [0, 96], sizes = [512, 32], strides = [1, 1]} : vector<512x128xf32> to vector<512x32xf32>
    %neg3A_128 = arith.constant 0.000000e+00 : f32
    %neg3A_129 = vector.broadcast %neg3A_128 : f32 to vector<512x32xf32>
    %neg3A_130 = arith.subf %neg3A_129, %slice3A_127 : vector<512x32xf32>
    %concatenate3A_131 = tpu.concatenate %slice3A_127, %neg3A_130 in 1 : vector<512x32xf32>, vector<512x32xf32> -> vector<512x64xf32>
    %argmax3A_132 = tpu.reduce_index %concatenate3A_131 {axis = 1 : i32, kind = #tpu.reduction_kind<arg_max>} : vector<512x64xf32> -> vector<512xi32>
    %swap3A_133 = arith.constant 0 : index
    %swap3A_134 = arith.constant 1 : index
    %swap3A_135 = arith.constant 3 : index
    %swap3A_136 = arith.constant 0 : index
    %swap3A_137 = vector.load %arg8[%swap3A_133, %swap3A_134, %swap3A_135, %swap3A_136] : memref<1x8x4x512xi32, #tpu.memory_space<vmem>>, vector<1x1x1x512xi32>
    %swap3A_138 = vector.shape_cast %swap3A_137 : vector<1x1x1x512xi32> to vector<512xi32>
    %swap3A_139 = vector.shape_cast %argmax3A_132 : vector<512xi32> to vector<1x1x1x512xi32>
    tpu.vector_store %arg8[%swap3A_133, %swap3A_134, %swap3A_135, %swap3A_136], %swap3A_139 {strides = array<i32>} : memref<1x8x4x512xi32, #tpu.memory_space<vmem>>, vector<1x1x1x512xi32>,
    %slice3A_140 = vector.extract_strided_slice %dot_general3A_14 {offsets = [0, 32], sizes = [512, 16], strides = [1, 1]} : vector<512x128xf32> to vector<512x16xf32>
    %convert_element_type3A_141 = arith.truncf %slice3A_140 : vector<512x16xf32> to vector<512x16xbf16>
    %convert_element_type3A_142 = arith.truncf %get3A_12 : vector<16x128xf32> to vector<16x128xbf16>
    %dot_general3A_143 = arith.constant dense<0.000000e+00> : vector<512x128xf32>
    %dot_general3A_144 = tpu.matmul %convert_element_type3A_141, %convert_element_type3A_142, %dot_general3A_143 {dimension_numbers = #tpu.dot_dimension_numbers<[1], [0], [0], [1], [0, 0, 1, 1], [], []>, transpose_lhs_hint = false} : vector<512x16xbf16>, vector<16x128xbf16>, vector<512x128xf32> -> vector<512x128xf32>
    %slice3A_145 = vector.extract_strided_slice %dot_general3A_144 {offsets = [0, 0], sizes = [512, 32], strides = [1, 1]} : vector<512x128xf32> to vector<512x32xf32>
    %neg3A_146 = arith.constant 0.000000e+00 : f32
    %neg3A_147 = vector.broadcast %neg3A_146 : f32 to vector<512x32xf32>
    %neg3A_148 = arith.subf %neg3A_147, %slice3A_145 : vector<512x32xf32>
    %concatenate3A_149 = tpu.concatenate %slice3A_145, %neg3A_148 in 1 : vector<512x32xf32>, vector<512x32xf32> -> vector<512x64xf32>
    %argmax3A_150 = tpu.reduce_index %concatenate3A_149 {axis = 1 : i32, kind = #tpu.reduction_kind<arg_max>} : vector<512x64xf32> -> vector<512xi32>
    %swap3A_151 = arith.constant 0 : index
    %swap3A_152 = arith.constant 2 : index
    %swap3A_153 = arith.constant 0 : index
    %swap3A_154 = arith.constant 0 : index
    %swap3A_155 = vector.load %arg8[%swap3A_151, %swap3A_152, %swap3A_153, %swap3A_154] : memref<1x8x4x512xi32, #tpu.memory_space<vmem>>, vector<1x1x1x512xi32>
    %swap3A_156 = vector.shape_cast %swap3A_155 : vector<1x1x1x512xi32> to vector<512xi32>
    %swap3A_157 = vector.shape_cast %argmax3A_150 : vector<512xi32> to vector<1x1x1x512xi32>
    tpu.vector_store %arg8[%swap3A_151, %swap3A_152, %swap3A_153, %swap3A_154], %swap3A_157 {strides = array<i32>} : memref<1x8x4x512xi32, #tpu.memory_space<vmem>>, vector<1x1x1x512xi32>,
    %slice3A_158 = vector.extract_strided_slice %dot_general3A_144 {offsets = [0, 32], sizes = [512, 32], strides = [1, 1]} : vector<512x128xf32> to vector<512x32xf32>
    %neg3A_159 = arith.constant 0.000000e+00 : f32
    %neg3A_160 = vector.broadcast %neg3A_159 : f32 to vector<512x32xf32>
    %neg3A_161 = arith.subf %neg3A_160, %slice3A_158 : vector<512x32xf32>
    %concatenate3A_162 = tpu.concatenate %slice3A_158, %neg3A_161 in 1 : vector<512x32xf32>, vector<512x32xf32> -> vector<512x64xf32>
    %argmax3A_163 = tpu.reduce_index %concatenate3A_162 {axis = 1 : i32, kind = #tpu.reduction_kind<arg_max>} : vector<512x64xf32> -> vector<512xi32>
    %swap3A_164 = arith.constant 0 : index
    %swap3A_165 = arith.constant 2 : index
    %swap3A_166 = arith.constant 1 : index
    %swap3A_167 = arith.constant 0 : index
    %swap3A_168 = vector.load %arg8[%swap3A_164, %swap3A_165, %swap3A_166, %swap3A_167] : memref<1x8x4x512xi32, #tpu.memory_space<vmem>>, vector<1x1x1x512xi32>
    %swap3A_169 = vector.shape_cast %swap3A_168 : vector<1x1x1x512xi32> to vector<512xi32>
    %swap3A_170 = vector.shape_cast %argmax3A_163 : vector<512xi32> to vector<1x1x1x512xi32>
    tpu.vector_store %arg8[%swap3A_164, %swap3A_165, %swap3A_166, %swap3A_167], %swap3A_170 {strides = array<i32>} : memref<1x8x4x512xi32, #tpu.memory_space<vmem>>, vector<1x1x1x512xi32>,
    %slice3A_171 = vector.extract_strided_slice %dot_general3A_144 {offsets = [0, 64], sizes = [512, 32], strides = [1, 1]} : vector<512x128xf32> to vector<512x32xf32>
    %neg3A_172 = arith.constant 0.000000e+00 : f32
    %neg3A_173 = vector.broadcast %neg3A_172 : f32 to vector<512x32xf32>
    %neg3A_174 = arith.subf %neg3A_173, %slice3A_171 : vector<512x32xf32>
    %concatenate3A_175 = tpu.concatenate %slice3A_171, %neg3A_174 in 1 : vector<512x32xf32>, vector<512x32xf32> -> vector<512x64xf32>
    %argmax3A_176 = tpu.reduce_index %concatenate3A_175 {axis = 1 : i32, kind = #tpu.reduction_kind<arg_max>} : vector<512x64xf32> -> vector<512xi32>
    %swap3A_177 = arith.constant 0 : index
    %swap3A_178 = arith.constant 2 : index
    %swap3A_179 = arith.constant 2 : index
    %swap3A_180 = arith.constant 0 : index
    %swap3A_181 = vector.load %arg8[%swap3A_177, %swap3A_178, %swap3A_179, %swap3A_180] : memref<1x8x4x512xi32, #tpu.memory_space<vmem>>, vector<1x1x1x512xi32>
    %swap3A_182 = vector.shape_cast %swap3A_181 : vector<1x1x1x512xi32> to vector<512xi32>
    %swap3A_183 = vector.shape_cast %argmax3A_176 : vector<512xi32> to vector<1x1x1x512xi32>
    tpu.vector_store %arg8[%swap3A_177, %swap3A_178, %swap3A_179, %swap3A_180], %swap3A_183 {strides = array<i32>} : memref<1x8x4x512xi32, #tpu.memory_space<vmem>>, vector<1x1x1x512xi32>,
    %slice3A_184 = vector.extract_strided_slice %dot_general3A_144 {offsets = [0, 96], sizes = [512, 32], strides = [1, 1]} : vector<512x128xf32> to vector<512x32xf32>
    %neg3A_185 = arith.constant 0.000000e+00 : f32
    %neg3A_186 = vector.broadcast %neg3A_185 : f32 to vector<512x32xf32>
    %neg3A_187 = arith.subf %neg3A_186, %slice3A_184 : vector<512x32xf32>
    %concatenate3A_188 = tpu.concatenate %slice3A_184, %neg3A_187 in 1 : vector<512x32xf32>, vector<512x32xf32> -> vector<512x64xf32>
    %argmax3A_189 = tpu.reduce_index %concatenate3A_188 {axis = 1 : i32, kind = #tpu.reduction_kind<arg_max>} : vector<512x64xf32> -> vector<512xi32>
    %swap3A_190 = arith.constant 0 : index
    %swap3A_191 = arith.constant 2 : index
    %swap3A_192 = arith.constant 3 : index
    %swap3A_193 = arith.constant 0 : index
    %swap3A_194 = vector.load %arg8[%swap3A_190, %swap3A_191, %swap3A_192, %swap3A_193] : memref<1x8x4x512xi32, #tpu.memory_space<vmem>>, vector<1x1x1x512xi32>
    %swap3A_195 = vector.shape_cast %swap3A_194 : vector<1x1x1x512xi32> to vector<512xi32>
    %swap3A_196 = vector.shape_cast %argmax3A_189 : vector<512xi32> to vector<1x1x1x512xi32>
    tpu.vector_store %arg8[%swap3A_190, %swap3A_191, %swap3A_192, %swap3A_193], %swap3A_196 {strides = array<i32>} : memref<1x8x4x512xi32, #tpu.memory_space<vmem>>, vector<1x1x1x512xi32>,
    %slice3A_197 = vector.extract_strided_slice %dot_general3A_14 {offsets = [0, 48], sizes = [512, 16], strides = [1, 1]} : vector<512x128xf32> to vector<512x16xf32>
    %convert_element_type3A_198 = arith.truncf %slice3A_197 : vector<512x16xf32> to vector<512x16xbf16>
    %convert_element_type3A_199 = arith.truncf %get3A_12 : vector<16x128xf32> to vector<16x128xbf16>
    %dot_general3A_200 = arith.constant dense<0.000000e+00> : vector<512x128xf32>
    %dot_general3A_201 = tpu.matmul %convert_element_type3A_198, %convert_element_type3A_199, %dot_general3A_200 {dimension_numbers = #tpu.dot_dimension_numbers<[1], [0], [0], [1], [0, 0, 1, 1], [], []>, transpose_lhs_hint = false} : vector<512x16xbf16>, vector<16x128xbf16>, vector<512x128xf32> -> vector<512x128xf32>
    %slice3A_202 = vector.extract_strided_slice %dot_general3A_201 {offsets = [0, 0], sizes = [512, 32], strides = [1, 1]} : vector<512x128xf32> to vector<512x32xf32>
    %neg3A_203 = arith.constant 0.000000e+00 : f32
    %neg3A_204 = vector.broadcast %neg3A_203 : f32 to vector<512x32xf32>
    %neg3A_205 = arith.subf %neg3A_204, %slice3A_202 : vector<512x32xf32>
    %concatenate3A_206 = tpu.concatenate %slice3A_202, %neg3A_205 in 1 : vector<512x32xf32>, vector<512x32xf32> -> vector<512x64xf32>
    %argmax3A_207 = tpu.reduce_index %concatenate3A_206 {axis = 1 : i32, kind = #tpu.reduction_kind<arg_max>} : vector<512x64xf32> -> vector<512xi32>
    %swap3A_208 = arith.constant 0 : index
    %swap3A_209 = arith.constant 3 : index
    %swap3A_210 = arith.constant 0 : index
    %swap3A_211 = arith.constant 0 : index
    %swap3A_212 = vector.load %arg8[%swap3A_208, %swap3A_209, %swap3A_210, %swap3A_211] : memref<1x8x4x512xi32, #tpu.memory_space<vmem>>, vector<1x1x1x512xi32>
    %swap3A_213 = vector.shape_cast %swap3A_212 : vector<1x1x1x512xi32> to vector<512xi32>
    %swap3A_214 = vector.shape_cast %argmax3A_207 : vector<512xi32> to vector<1x1x1x512xi32>
    tpu.vector_store %arg8[%swap3A_208, %swap3A_209, %swap3A_210, %swap3A_211], %swap3A_214 {strides = array<i32>} : memref<1x8x4x512xi32, #tpu.memory_space<vmem>>, vector<1x1x1x512xi32>,
    %slice3A_215 = vector.extract_strided_slice %dot_general3A_201 {offsets = [0, 32], sizes = [512, 32], strides = [1, 1]} : vector<512x128xf32> to vector<512x32xf32>
    %neg3A_216 = arith.constant 0.000000e+00 : f32
    %neg3A_217 = vector.broadcast %neg3A_216 : f32 to vector<512x32xf32>
    %neg3A_218 = arith.subf %neg3A_217, %slice3A_215 : vector<512x32xf32>
    %concatenate3A_219 = tpu.concatenate %slice3A_215, %neg3A_218 in 1 : vector<512x32xf32>, vector<512x32xf32> -> vector<512x64xf32>
    %argmax3A_220 = tpu.reduce_index %concatenate3A_219 {axis = 1 : i32, kind = #tpu.reduction_kind<arg_max>} : vector<512x64xf32> -> vector<512xi32>
    %swap3A_221 = arith.constant 0 : index
    %swap3A_222 = arith.constant 3 : index
    %swap3A_223 = arith.constant 1 : index
    %swap3A_224 = arith.constant 0 : index
    %swap3A_225 = vector.load %arg8[%swap3A_221, %swap3A_222, %swap3A_223, %swap3A_224] : memref<1x8x4x512xi32, #tpu.memory_space<vmem>>, vector<1x1x1x512xi32>
    %swap3A_226 = vector.shape_cast %swap3A_225 : vector<1x1x1x512xi32> to vector<512xi32>
    %swap3A_227 = vector.shape_cast %argmax3A_220 : vector<512xi32> to vector<1x1x1x512xi32>
    tpu.vector_store %arg8[%swap3A_221, %swap3A_222, %swap3A_223, %swap3A_224], %swap3A_227 {strides = array<i32>} : memref<1x8x4x512xi32, #tpu.memory_space<vmem>>, vector<1x1x1x512xi32>,
    %slice3A_228 = vector.extract_strided_slice %dot_general3A_201 {offsets = [0, 64], sizes = [512, 32], strides = [1, 1]} : vector<512x128xf32> to vector<512x32xf32>
    %neg3A_229 = arith.constant 0.000000e+00 : f32
    %neg3A_230 = vector.broadcast %neg3A_229 : f32 to vector<512x32xf32>
    %neg3A_231 = arith.subf %neg3A_230, %slice3A_228 : vector<512x32xf32>
    %concatenate3A_232 = tpu.concatenate %slice3A_228, %neg3A_231 in 1 : vector<512x32xf32>, vector<512x32xf32> -> vector<512x64xf32>
    %argmax3A_233 = tpu.reduce_index %concatenate3A_232 {axis = 1 : i32, kind = #tpu.reduction_kind<arg_max>} : vector<512x64xf32> -> vector<512xi32>
    %swap3A_234 = arith.constant 0 : index
    %swap3A_235 = arith.constant 3 : index
    %swap3A_236 = arith.constant 2 : index
    %swap3A_237 = arith.constant 0 : index
    %swap3A_238 = vector.load %arg8[%swap3A_234, %swap3A_235, %swap3A_236, %swap3A_237] : memref<1x8x4x512xi32, #tpu.memory_space<vmem>>, vector<1x1x1x512xi32>
    %swap3A_239 = vector.shape_cast %swap3A_238 : vector<1x1x1x512xi32> to vector<512xi32>
    %swap3A_240 = vector.shape_cast %argmax3A_233 : vector<512xi32> to vector<1x1x1x512xi32>
    tpu.vector_store %arg8[%swap3A_234, %swap3A_235, %swap3A_236, %swap3A_237], %swap3A_240 {strides = array<i32>} : memref<1x8x4x512xi32, #tpu.memory_space<vmem>>, vector<1x1x1x512xi32>,
    %slice3A_241 = vector.extract_strided_slice %dot_general3A_201 {offsets = [0, 96], sizes = [512, 32], strides = [1, 1]} : vector<512x128xf32> to vector<512x32xf32>
    %neg3A_242 = arith.constant 0.000000e+00 : f32
    %neg3A_243 = vector.broadcast %neg3A_242 : f32 to vector<512x32xf32>
    %neg3A_244 = arith.subf %neg3A_243, %slice3A_241 : vector<512x32xf32>
    %concatenate3A_245 = tpu.concatenate %slice3A_241, %neg3A_244 in 1 : vector<512x32xf32>, vector<512x32xf32> -> vector<512x64xf32>
    %argmax3A_246 = tpu.reduce_index %concatenate3A_245 {axis = 1 : i32, kind = #tpu.reduction_kind<arg_max>} : vector<512x64xf32> -> vector<512xi32>
    %swap3A_247 = arith.constant 0 : index
    %swap3A_248 = arith.constant 3 : index
    %swap3A_249 = arith.constant 3 : index
    %swap3A_250 = arith.constant 0 : index
    %swap3A_251 = vector.load %arg8[%swap3A_247, %swap3A_248, %swap3A_249, %swap3A_250] : memref<1x8x4x512xi32, #tpu.memory_space<vmem>>, vector<1x1x1x512xi32>
    %swap3A_252 = vector.shape_cast %swap3A_251 : vector<1x1x1x512xi32> to vector<512xi32>
    %swap3A_253 = vector.shape_cast %argmax3A_246 : vector<512xi32> to vector<1x1x1x512xi32>
    tpu.vector_store %arg8[%swap3A_247, %swap3A_248, %swap3A_249, %swap3A_250], %swap3A_253 {strides = array<i32>} : memref<1x8x4x512xi32, #tpu.memory_space<vmem>>, vector<1x1x1x512xi32>,
    %slice3A_254 = vector.extract_strided_slice %dot_general3A_14 {offsets = [0, 64], sizes = [512, 16], strides = [1, 1]} : vector<512x128xf32> to vector<512x16xf32>
    %convert_element_type3A_255 = arith.truncf %slice3A_254 : vector<512x16xf32> to vector<512x16xbf16>
    %convert_element_type3A_256 = arith.truncf %get3A_12 : vector<16x128xf32> to vector<16x128xbf16>
    %dot_general3A_257 = arith.constant dense<0.000000e+00> : vector<512x128xf32>
    %dot_general3A_258 = tpu.matmul %convert_element_type3A_255, %convert_element_type3A_256, %dot_general3A_257 {dimension_numbers = #tpu.dot_dimension_numbers<[1], [0], [0], [1], [0, 0, 1, 1], [], []>, transpose_lhs_hint = false} : vector<512x16xbf16>, vector<16x128xbf16>, vector<512x128xf32> -> vector<512x128xf32>
    %slice3A_259 = vector.extract_strided_slice %dot_general3A_258 {offsets = [0, 0], sizes = [512, 32], strides = [1, 1]} : vector<512x128xf32> to vector<512x32xf32>
    %neg3A_260 = arith.constant 0.000000e+00 : f32
    %neg3A_261 = vector.broadcast %neg3A_260 : f32 to vector<512x32xf32>
    %neg3A_262 = arith.subf %neg3A_261, %slice3A_259 : vector<512x32xf32>
    %concatenate3A_263 = tpu.concatenate %slice3A_259, %neg3A_262 in 1 : vector<512x32xf32>, vector<512x32xf32> -> vector<512x64xf32>
    %argmax3A_264 = tpu.reduce_index %concatenate3A_263 {axis = 1 : i32, kind = #tpu.reduction_kind<arg_max>} : vector<512x64xf32> -> vector<512xi32>
    %swap3A_265 = arith.constant 0 : index
    %swap3A_266 = arith.constant 4 : index
    %swap3A_267 = arith.constant 0 : index
    %swap3A_268 = arith.constant 0 : index
    %swap3A_269 = vector.load %arg8[%swap3A_265, %swap3A_266, %swap3A_267, %swap3A_268] : memref<1x8x4x512xi32, #tpu.memory_space<vmem>>, vector<1x1x1x512xi32>
    %swap3A_270 = vector.shape_cast %swap3A_269 : vector<1x1x1x512xi32> to vector<512xi32>
    %swap3A_271 = vector.shape_cast %argmax3A_264 : vector<512xi32> to vector<1x1x1x512xi32>
    tpu.vector_store %arg8[%swap3A_265, %swap3A_266, %swap3A_267, %swap3A_268], %swap3A_271 {strides = array<i32>} : memref<1x8x4x512xi32, #tpu.memory_space<vmem>>, vector<1x1x1x512xi32>,
    %slice3A_272 = vector.extract_strided_slice %dot_general3A_258 {offsets = [0, 32], sizes = [512, 32], strides = [1, 1]} : vector<512x128xf32> to vector<512x32xf32>
    %neg3A_273 = arith.constant 0.000000e+00 : f32
    %neg3A_274 = vector.broadcast %neg3A_273 : f32 to vector<512x32xf32>
    %neg3A_275 = arith.subf %neg3A_274, %slice3A_272 : vector<512x32xf32>
    %concatenate3A_276 = tpu.concatenate %slice3A_272, %neg3A_275 in 1 : vector<512x32xf32>, vector<512x32xf32> -> vector<512x64xf32>
    %argmax3A_277 = tpu.reduce_index %concatenate3A_276 {axis = 1 : i32, kind = #tpu.reduction_kind<arg_max>} : vector<512x64xf32> -> vector<512xi32>
    %swap3A_278 = arith.constant 0 : index
    %swap3A_279 = arith.constant 4 : index
    %swap3A_280 = arith.constant 1 : index
    %swap3A_281 = arith.constant 0 : index
    %swap3A_282 = vector.load %arg8[%swap3A_278, %swap3A_279, %swap3A_280, %swap3A_281] : memref<1x8x4x512xi32, #tpu.memory_space<vmem>>, vector<1x1x1x512xi32>
    %swap3A_283 = vector.shape_cast %swap3A_282 : vector<1x1x1x512xi32> to vector<512xi32>
    %swap3A_284 = vector.shape_cast %argmax3A_277 : vector<512xi32> to vector<1x1x1x512xi32>
    tpu.vector_store %arg8[%swap3A_278, %swap3A_279, %swap3A_280, %swap3A_281], %swap3A_284 {strides = array<i32>} : memref<1x8x4x512xi32, #tpu.memory_space<vmem>>, vector<1x1x1x512xi32>,
    %slice3A_285 = vector.extract_strided_slice %dot_general3A_258 {offsets = [0, 64], sizes = [512, 32], strides = [1, 1]} : vector<512x128xf32> to vector<512x32xf32>
    %neg3A_286 = arith.constant 0.000000e+00 : f32
    %neg3A_287 = vector.broadcast %neg3A_286 : f32 to vector<512x32xf32>
    %neg3A_288 = arith.subf %neg3A_287, %slice3A_285 : vector<512x32xf32>
    %concatenate3A_289 = tpu.concatenate %slice3A_285, %neg3A_288 in 1 : vector<512x32xf32>, vector<512x32xf32> -> vector<512x64xf32>
    %argmax3A_290 = tpu.reduce_index %concatenate3A_289 {axis = 1 : i32, kind = #tpu.reduction_kind<arg_max>} : vector<512x64xf32> -> vector<512xi32>
    %swap3A_291 = arith.constant 0 : index
    %swap3A_292 = arith.constant 4 : index
    %swap3A_293 = arith.constant 2 : index
    %swap3A_294 = arith.constant 0 : index
    %swap3A_295 = vector.load %arg8[%swap3A_291, %swap3A_292, %swap3A_293, %swap3A_294] : memref<1x8x4x512xi32, #tpu.memory_space<vmem>>, vector<1x1x1x512xi32>
    %swap3A_296 = vector.shape_cast %swap3A_295 : vector<1x1x1x512xi32> to vector<512xi32>
    %swap3A_297 = vector.shape_cast %argmax3A_290 : vector<512xi32> to vector<1x1x1x512xi32>
    tpu.vector_store %arg8[%swap3A_291, %swap3A_292, %swap3A_293, %swap3A_294], %swap3A_297 {strides = array<i32>} : memref<1x8x4x512xi32, #tpu.memory_space<vmem>>, vector<1x1x1x512xi32>,
    %slice3A_298 = vector.extract_strided_slice %dot_general3A_258 {offsets = [0, 96], sizes = [512, 32], strides = [1, 1]} : vector<512x128xf32> to vector<512x32xf32>
    %neg3A_299 = arith.constant 0.000000e+00 : f32
    %neg3A_300 = vector.broadcast %neg3A_299 : f32 to vector<512x32xf32>
    %neg3A_301 = arith.subf %neg3A_300, %slice3A_298 : vector<512x32xf32>
    %concatenate3A_302 = tpu.concatenate %slice3A_298, %neg3A_301 in 1 : vector<512x32xf32>, vector<512x32xf32> -> vector<512x64xf32>
    %argmax3A_303 = tpu.reduce_index %concatenate3A_302 {axis = 1 : i32, kind = #tpu.reduction_kind<arg_max>} : vector<512x64xf32> -> vector<512xi32>
    %swap3A_304 = arith.constant 0 : index
    %swap3A_305 = arith.constant 4 : index
    %swap3A_306 = arith.constant 3 : index
    %swap3A_307 = arith.constant 0 : index
    %swap3A_308 = vector.load %arg8[%swap3A_304, %swap3A_305, %swap3A_306, %swap3A_307] : memref<1x8x4x512xi32, #tpu.memory_space<vmem>>, vector<1x1x1x512xi32>
    %swap3A_309 = vector.shape_cast %swap3A_308 : vector<1x1x1x512xi32> to vector<512xi32>
    %swap3A_310 = vector.shape_cast %argmax3A_303 : vector<512xi32> to vector<1x1x1x512xi32>
    tpu.vector_store %arg8[%swap3A_304, %swap3A_305, %swap3A_306, %swap3A_307], %swap3A_310 {strides = array<i32>} : memref<1x8x4x512xi32, #tpu.memory_space<vmem>>, vector<1x1x1x512xi32>,
    %slice3A_311 = vector.extract_strided_slice %dot_general3A_14 {offsets = [0, 80], sizes = [512, 16], strides = [1, 1]} : vector<512x128xf32> to vector<512x16xf32>
    %convert_element_type3A_312 = arith.truncf %slice3A_311 : vector<512x16xf32> to vector<512x16xbf16>
    %convert_element_type3A_313 = arith.truncf %get3A_12 : vector<16x128xf32> to vector<16x128xbf16>
    %dot_general3A_314 = arith.constant dense<0.000000e+00> : vector<512x128xf32>
    %dot_general3A_315 = tpu.matmul %convert_element_type3A_312, %convert_element_type3A_313, %dot_general3A_314 {dimension_numbers = #tpu.dot_dimension_numbers<[1], [0], [0], [1], [0, 0, 1, 1], [], []>, transpose_lhs_hint = false} : vector<512x16xbf16>, vector<16x128xbf16>, vector<512x128xf32> -> vector<512x128xf32>
    %slice3A_316 = vector.extract_strided_slice %dot_general3A_315 {offsets = [0, 0], sizes = [512, 32], strides = [1, 1]} : vector<512x128xf32> to vector<512x32xf32>
    %neg3A_317 = arith.constant 0.000000e+00 : f32
    %neg3A_318 = vector.broadcast %neg3A_317 : f32 to vector<512x32xf32>
    %neg3A_319 = arith.subf %neg3A_318, %slice3A_316 : vector<512x32xf32>
    %concatenate3A_320 = tpu.concatenate %slice3A_316, %neg3A_319 in 1 : vector<512x32xf32>, vector<512x32xf32> -> vector<512x64xf32>
    %argmax3A_321 = tpu.reduce_index %concatenate3A_320 {axis = 1 : i32, kind = #tpu.reduction_kind<arg_max>} : vector<512x64xf32> -> vector<512xi32>
    %swap3A_322 = arith.constant 0 : index
    %swap3A_323 = arith.constant 5 : index
    %swap3A_324 = arith.constant 0 : index
    %swap3A_325 = arith.constant 0 : index
    %swap3A_326 = vector.load %arg8[%swap3A_322, %swap3A_323, %swap3A_324, %swap3A_325] : memref<1x8x4x512xi32, #tpu.memory_space<vmem>>, vector<1x1x1x512xi32>
    %swap3A_327 = vector.shape_cast %swap3A_326 : vector<1x1x1x512xi32> to vector<512xi32>
    %swap3A_328 = vector.shape_cast %argmax3A_321 : vector<512xi32> to vector<1x1x1x512xi32>
    tpu.vector_store %arg8[%swap3A_322, %swap3A_323, %swap3A_324, %swap3A_325], %swap3A_328 {strides = array<i32>} : memref<1x8x4x512xi32, #tpu.memory_space<vmem>>, vector<1x1x1x512xi32>,
    %slice3A_329 = vector.extract_strided_slice %dot_general3A_315 {offsets = [0, 32], sizes = [512, 32], strides = [1, 1]} : vector<512x128xf32> to vector<512x32xf32>
    %neg3A_330 = arith.constant 0.000000e+00 : f32
    %neg3A_331 = vector.broadcast %neg3A_330 : f32 to vector<512x32xf32>
    %neg3A_332 = arith.subf %neg3A_331, %slice3A_329 : vector<512x32xf32>
    %concatenate3A_333 = tpu.concatenate %slice3A_329, %neg3A_332 in 1 : vector<512x32xf32>, vector<512x32xf32> -> vector<512x64xf32>
    %argmax3A_334 = tpu.reduce_index %concatenate3A_333 {axis = 1 : i32, kind = #tpu.reduction_kind<arg_max>} : vector<512x64xf32> -> vector<512xi32>
    %swap3A_335 = arith.constant 0 : index
    %swap3A_336 = arith.constant 5 : index
    %swap3A_337 = arith.constant 1 : index
    %swap3A_338 = arith.constant 0 : index
    %swap3A_339 = vector.load %arg8[%swap3A_335, %swap3A_336, %swap3A_337, %swap3A_338] : memref<1x8x4x512xi32, #tpu.memory_space<vmem>>, vector<1x1x1x512xi32>
    %swap3A_340 = vector.shape_cast %swap3A_339 : vector<1x1x1x512xi32> to vector<512xi32>
    %swap3A_341 = vector.shape_cast %argmax3A_334 : vector<512xi32> to vector<1x1x1x512xi32>
    tpu.vector_store %arg8[%swap3A_335, %swap3A_336, %swap3A_337, %swap3A_338], %swap3A_341 {strides = array<i32>} : memref<1x8x4x512xi32, #tpu.memory_space<vmem>>, vector<1x1x1x512xi32>,
    %slice3A_342 = vector.extract_strided_slice %dot_general3A_315 {offsets = [0, 64], sizes = [512, 32], strides = [1, 1]} : vector<512x128xf32> to vector<512x32xf32>
    %neg3A_343 = arith.constant 0.000000e+00 : f32
    %neg3A_344 = vector.broadcast %neg3A_343 : f32 to vector<512x32xf32>
    %neg3A_345 = arith.subf %neg3A_344, %slice3A_342 : vector<512x32xf32>
    %concatenate3A_346 = tpu.concatenate %slice3A_342, %neg3A_345 in 1 : vector<512x32xf32>, vector<512x32xf32> -> vector<512x64xf32>
    %argmax3A_347 = tpu.reduce_index %concatenate3A_346 {axis = 1 : i32, kind = #tpu.reduction_kind<arg_max>} : vector<512x64xf32> -> vector<512xi32>
    %swap3A_348 = arith.constant 0 : index
    %swap3A_349 = arith.constant 5 : index
    %swap3A_350 = arith.constant 2 : index
    %swap3A_351 = arith.constant 0 : index
    %swap3A_352 = vector.load %arg8[%swap3A_348, %swap3A_349, %swap3A_350, %swap3A_351] : memref<1x8x4x512xi32, #tpu.memory_space<vmem>>, vector<1x1x1x512xi32>
    %swap3A_353 = vector.shape_cast %swap3A_352 : vector<1x1x1x512xi32> to vector<512xi32>
    %swap3A_354 = vector.shape_cast %argmax3A_347 : vector<512xi32> to vector<1x1x1x512xi32>
    tpu.vector_store %arg8[%swap3A_348, %swap3A_349, %swap3A_350, %swap3A_351], %swap3A_354 {strides = array<i32>} : memref<1x8x4x512xi32, #tpu.memory_space<vmem>>, vector<1x1x1x512xi32>,
    %slice3A_355 = vector.extract_strided_slice %dot_general3A_315 {offsets = [0, 96], sizes = [512, 32], strides = [1, 1]} : vector<512x128xf32> to vector<512x32xf32>
    %neg3A_356 = arith.constant 0.000000e+00 : f32
    %neg3A_357 = vector.broadcast %neg3A_356 : f32 to vector<512x32xf32>
    %neg3A_358 = arith.subf %neg3A_357, %slice3A_355 : vector<512x32xf32>
    %concatenate3A_359 = tpu.concatenate %slice3A_355, %neg3A_358 in 1 : vector<512x32xf32>, vector<512x32xf32> -> vector<512x64xf32>
    %argmax3A_360 = tpu.reduce_index %concatenate3A_359 {axis = 1 : i32, kind = #tpu.reduction_kind<arg_max>} : vector<512x64xf32> -> vector<512xi32>
    %swap3A_361 = arith.constant 0 : index
    %swap3A_362 = arith.constant 5 : index
    %swap3A_363 = arith.constant 3 : index
    %swap3A_364 = arith.constant 0 : index
    %swap3A_365 = vector.load %arg8[%swap3A_361, %swap3A_362, %swap3A_363, %swap3A_364] : memref<1x8x4x512xi32, #tpu.memory_space<vmem>>, vector<1x1x1x512xi32>
    %swap3A_366 = vector.shape_cast %swap3A_365 : vector<1x1x1x512xi32> to vector<512xi32>
    %swap3A_367 = vector.shape_cast %argmax3A_360 : vector<512xi32> to vector<1x1x1x512xi32>
    tpu.vector_store %arg8[%swap3A_361, %swap3A_362, %swap3A_363, %swap3A_364], %swap3A_367 {strides = array<i32>} : memref<1x8x4x512xi32, #tpu.memory_space<vmem>>, vector<1x1x1x512xi32>,
    %slice3A_368 = vector.extract_strided_slice %dot_general3A_14 {offsets = [0, 96], sizes = [512, 16], strides = [1, 1]} : vector<512x128xf32> to vector<512x16xf32>
    %convert_element_type3A_369 = arith.truncf %slice3A_368 : vector<512x16xf32> to vector<512x16xbf16>
    %convert_element_type3A_370 = arith.truncf %get3A_12 : vector<16x128xf32> to vector<16x128xbf16>
    %dot_general3A_371 = arith.constant dense<0.000000e+00> : vector<512x128xf32>
    %dot_general3A_372 = tpu.matmul %convert_element_type3A_369, %convert_element_type3A_370, %dot_general3A_371 {dimension_numbers = #tpu.dot_dimension_numbers<[1], [0], [0], [1], [0, 0, 1, 1], [], []>, transpose_lhs_hint = false} : vector<512x16xbf16>, vector<16x128xbf16>, vector<512x128xf32> -> vector<512x128xf32>
    %slice3A_373 = vector.extract_strided_slice %dot_general3A_372 {offsets = [0, 0], sizes = [512, 32], strides = [1, 1]} : vector<512x128xf32> to vector<512x32xf32>
    %neg3A_374 = arith.constant 0.000000e+00 : f32
    %neg3A_375 = vector.broadcast %neg3A_374 : f32 to vector<512x32xf32>
    %neg3A_376 = arith.subf %neg3A_375, %slice3A_373 : vector<512x32xf32>
    %concatenate3A_377 = tpu.concatenate %slice3A_373, %neg3A_376 in 1 : vector<512x32xf32>, vector<512x32xf32> -> vector<512x64xf32>
    %argmax3A_378 = tpu.reduce_index %concatenate3A_377 {axis = 1 : i32, kind = #tpu.reduction_kind<arg_max>} : vector<512x64xf32> -> vector<512xi32>
    %swap3A_379 = arith.constant 0 : index
    %swap3A_380 = arith.constant 6 : index
    %swap3A_381 = arith.constant 0 : index
    %swap3A_382 = arith.constant 0 : index
    %swap3A_383 = vector.load %arg8[%swap3A_379, %swap3A_380, %swap3A_381, %swap3A_382] : memref<1x8x4x512xi32, #tpu.memory_space<vmem>>, vector<1x1x1x512xi32>
    %swap3A_384 = vector.shape_cast %swap3A_383 : vector<1x1x1x512xi32> to vector<512xi32>
    %swap3A_385 = vector.shape_cast %argmax3A_378 : vector<512xi32> to vector<1x1x1x512xi32>
    tpu.vector_store %arg8[%swap3A_379, %swap3A_380, %swap3A_381, %swap3A_382], %swap3A_385 {strides = array<i32>} : memref<1x8x4x512xi32, #tpu.memory_space<vmem>>, vector<1x1x1x512xi32>,
    %slice3A_386 = vector.extract_strided_slice %dot_general3A_372 {offsets = [0, 32], sizes = [512, 32], strides = [1, 1]} : vector<512x128xf32> to vector<512x32xf32>
    %neg3A_387 = arith.constant 0.000000e+00 : f32
    %neg3A_388 = vector.broadcast %neg3A_387 : f32 to vector<512x32xf32>
    %neg3A_389 = arith.subf %neg3A_388, %slice3A_386 : vector<512x32xf32>
    %concatenate3A_390 = tpu.concatenate %slice3A_386, %neg3A_389 in 1 : vector<512x32xf32>, vector<512x32xf32> -> vector<512x64xf32>
    %argmax3A_391 = tpu.reduce_index %concatenate3A_390 {axis = 1 : i32, kind = #tpu.reduction_kind<arg_max>} : vector<512x64xf32> -> vector<512xi32>
    %swap3A_392 = arith.constant 0 : index
    %swap3A_393 = arith.constant 6 : index
    %swap3A_394 = arith.constant 1 : index
    %swap3A_395 = arith.constant 0 : index
    %swap3A_396 = vector.load %arg8[%swap3A_392, %swap3A_393, %swap3A_394, %swap3A_395] : memref<1x8x4x512xi32, #tpu.memory_space<vmem>>, vector<1x1x1x512xi32>
    %swap3A_397 = vector.shape_cast %swap3A_396 : vector<1x1x1x512xi32> to vector<512xi32>
    %swap3A_398 = vector.shape_cast %argmax3A_391 : vector<512xi32> to vector<1x1x1x512xi32>
    tpu.vector_store %arg8[%swap3A_392, %swap3A_393, %swap3A_394, %swap3A_395], %swap3A_398 {strides = array<i32>} : memref<1x8x4x512xi32, #tpu.memory_space<vmem>>, vector<1x1x1x512xi32>,
    %slice3A_399 = vector.extract_strided_slice %dot_general3A_372 {offsets = [0, 64], sizes = [512, 32], strides = [1, 1]} : vector<512x128xf32> to vector<512x32xf32>
    %neg3A_400 = arith.constant 0.000000e+00 : f32
    %neg3A_401 = vector.broadcast %neg3A_400 : f32 to vector<512x32xf32>
    %neg3A_402 = arith.subf %neg3A_401, %slice3A_399 : vector<512x32xf32>
    %concatenate3A_403 = tpu.concatenate %slice3A_399, %neg3A_402 in 1 : vector<512x32xf32>, vector<512x32xf32> -> vector<512x64xf32>
    %argmax3A_404 = tpu.reduce_index %concatenate3A_403 {axis = 1 : i32, kind = #tpu.reduction_kind<arg_max>} : vector<512x64xf32> -> vector<512xi32>
    %swap3A_405 = arith.constant 0 : index
    %swap3A_406 = arith.constant 6 : index
    %swap3A_407 = arith.constant 2 : index
    %swap3A_408 = arith.constant 0 : index
    %swap3A_409 = vector.load %arg8[%swap3A_405, %swap3A_406, %swap3A_407, %swap3A_408] : memref<1x8x4x512xi32, #tpu.memory_space<vmem>>, vector<1x1x1x512xi32>
    %swap3A_410 = vector.shape_cast %swap3A_409 : vector<1x1x1x512xi32> to vector<512xi32>
    %swap3A_411 = vector.shape_cast %argmax3A_404 : vector<512xi32> to vector<1x1x1x512xi32>
    tpu.vector_store %arg8[%swap3A_405, %swap3A_406, %swap3A_407, %swap3A_408], %swap3A_411 {strides = array<i32>} : memref<1x8x4x512xi32, #tpu.memory_space<vmem>>, vector<1x1x1x512xi32>,
    %slice3A_412 = vector.extract_strided_slice %dot_general3A_372 {offsets = [0, 96], sizes = [512, 32], strides = [1, 1]} : vector<512x128xf32> to vector<512x32xf32>
    %neg3A_413 = arith.constant 0.000000e+00 : f32
    %neg3A_414 = vector.broadcast %neg3A_413 : f32 to vector<512x32xf32>
    %neg3A_415 = arith.subf %neg3A_414, %slice3A_412 : vector<512x32xf32>
    %concatenate3A_416 = tpu.concatenate %slice3A_412, %neg3A_415 in 1 : vector<512x32xf32>, vector<512x32xf32> -> vector<512x64xf32>
    %argmax3A_417 = tpu.reduce_index %concatenate3A_416 {axis = 1 : i32, kind = #tpu.reduction_kind<arg_max>} : vector<512x64xf32> -> vector<512xi32>
    %swap3A_418 = arith.constant 0 : index
    %swap3A_419 = arith.constant 6 : index
    %swap3A_420 = arith.constant 3 : index
    %swap3A_421 = arith.constant 0 : index
    %swap3A_422 = vector.load %arg8[%swap3A_418, %swap3A_419, %swap3A_420, %swap3A_421] : memref<1x8x4x512xi32, #tpu.memory_space<vmem>>, vector<1x1x1x512xi32>
    %swap3A_423 = vector.shape_cast %swap3A_422 : vector<1x1x1x512xi32> to vector<512xi32>
    %swap3A_424 = vector.shape_cast %argmax3A_417 : vector<512xi32> to vector<1x1x1x512xi32>
    tpu.vector_store %arg8[%swap3A_418, %swap3A_419, %swap3A_420, %swap3A_421], %swap3A_424 {strides = array<i32>} : memref<1x8x4x512xi32, #tpu.memory_space<vmem>>, vector<1x1x1x512xi32>,
    %slice3A_425 = vector.extract_strided_slice %dot_general3A_14 {offsets = [0, 112], sizes = [512, 16], strides = [1, 1]} : vector<512x128xf32> to vector<512x16xf32>
    %convert_element_type3A_426 = arith.truncf %slice3A_425 : vector<512x16xf32> to vector<512x16xbf16>
    %convert_element_type3A_427 = arith.truncf %get3A_12 : vector<16x128xf32> to vector<16x128xbf16>
    %dot_general3A_428 = arith.constant dense<0.000000e+00> : vector<512x128xf32>
    %dot_general3A_429 = tpu.matmul %convert_element_type3A_426, %convert_element_type3A_427, %dot_general3A_428 {dimension_numbers = #tpu.dot_dimension_numbers<[1], [0], [0], [1], [0, 0, 1, 1], [], []>, transpose_lhs_hint = false} : vector<512x16xbf16>, vector<16x128xbf16>, vector<512x128xf32> -> vector<512x128xf32>
    %slice3A_430 = vector.extract_strided_slice %dot_general3A_429 {offsets = [0, 0], sizes = [512, 32], strides = [1, 1]} : vector<512x128xf32> to vector<512x32xf32>
    %neg3A_431 = arith.constant 0.000000e+00 : f32
    %neg3A_432 = vector.broadcast %neg3A_431 : f32 to vector<512x32xf32>
    %neg3A_433 = arith.subf %neg3A_432, %slice3A_430 : vector<512x32xf32>
    %concatenate3A_434 = tpu.concatenate %slice3A_430, %neg3A_433 in 1 : vector<512x32xf32>, vector<512x32xf32> -> vector<512x64xf32>
    %argmax3A_435 = tpu.reduce_index %concatenate3A_434 {axis = 1 : i32, kind = #tpu.reduction_kind<arg_max>} : vector<512x64xf32> -> vector<512xi32>
    %swap3A_436 = arith.constant 0 : index
    %swap3A_437 = arith.constant 7 : index
    %swap3A_438 = arith.constant 0 : index
    %swap3A_439 = arith.constant 0 : index
    %swap3A_440 = vector.load %arg8[%swap3A_436, %swap3A_437, %swap3A_438, %swap3A_439] : memref<1x8x4x512xi32, #tpu.memory_space<vmem>>, vector<1x1x1x512xi32>
    %swap3A_441 = vector.shape_cast %swap3A_440 : vector<1x1x1x512xi32> to vector<512xi32>
    %swap3A_442 = vector.shape_cast %argmax3A_435 : vector<512xi32> to vector<1x1x1x512xi32>
    tpu.vector_store %arg8[%swap3A_436, %swap3A_437, %swap3A_438, %swap3A_439], %swap3A_442 {strides = array<i32>} : memref<1x8x4x512xi32, #tpu.memory_space<vmem>>, vector<1x1x1x512xi32>,
    %slice3A_443 = vector.extract_strided_slice %dot_general3A_429 {offsets = [0, 32], sizes = [512, 32], strides = [1, 1]} : vector<512x128xf32> to vector<512x32xf32>
    %neg3A_444 = arith.constant 0.000000e+00 : f32
    %neg3A_445 = vector.broadcast %neg3A_444 : f32 to vector<512x32xf32>
    %neg3A_446 = arith.subf %neg3A_445, %slice3A_443 : vector<512x32xf32>
    %concatenate3A_447 = tpu.concatenate %slice3A_443, %neg3A_446 in 1 : vector<512x32xf32>, vector<512x32xf32> -> vector<512x64xf32>
    %argmax3A_448 = tpu.reduce_index %concatenate3A_447 {axis = 1 : i32, kind = #tpu.reduction_kind<arg_max>} : vector<512x64xf32> -> vector<512xi32>
    %swap3A_449 = arith.constant 0 : index
    %swap3A_450 = arith.constant 7 : index
    %swap3A_451 = arith.constant 1 : index
    %swap3A_452 = arith.constant 0 : index
    %swap3A_453 = vector.load %arg8[%swap3A_449, %swap3A_450, %swap3A_451, %swap3A_452] : memref<1x8x4x512xi32, #tpu.memory_space<vmem>>, vector<1x1x1x512xi32>
    %swap3A_454 = vector.shape_cast %swap3A_453 : vector<1x1x1x512xi32> to vector<512xi32>
    %swap3A_455 = vector.shape_cast %argmax3A_448 : vector<512xi32> to vector<1x1x1x512xi32>
    tpu.vector_store %arg8[%swap3A_449, %swap3A_450, %swap3A_451, %swap3A_452], %swap3A_455 {strides = array<i32>} : memref<1x8x4x512xi32, #tpu.memory_space<vmem>>, vector<1x1x1x512xi32>,
    %slice3A_456 = vector.extract_strided_slice %dot_general3A_429 {offsets = [0, 64], sizes = [512, 32], strides = [1, 1]} : vector<512x128xf32> to vector<512x32xf32>
    %neg3A_457 = arith.constant 0.000000e+00 : f32
    %neg3A_458 = vector.broadcast %neg3A_457 : f32 to vector<512x32xf32>
    %neg3A_459 = arith.subf %neg3A_458, %slice3A_456 : vector<512x32xf32>
    %concatenate3A_460 = tpu.concatenate %slice3A_456, %neg3A_459 in 1 : vector<512x32xf32>, vector<512x32xf32> -> vector<512x64xf32>
    %argmax3A_461 = tpu.reduce_index %concatenate3A_460 {axis = 1 : i32, kind = #tpu.reduction_kind<arg_max>} : vector<512x64xf32> -> vector<512xi32>
    %swap3A_462 = arith.constant 0 : index
    %swap3A_463 = arith.constant 7 : index
    %swap3A_464 = arith.constant 2 : index
    %swap3A_465 = arith.constant 0 : index
    %swap3A_466 = vector.load %arg8[%swap3A_462, %swap3A_463, %swap3A_464, %swap3A_465] : memref<1x8x4x512xi32, #tpu.memory_space<vmem>>, vector<1x1x1x512xi32>
    %swap3A_467 = vector.shape_cast %swap3A_466 : vector<1x1x1x512xi32> to vector<512xi32>
    %swap3A_468 = vector.shape_cast %argmax3A_461 : vector<512xi32> to vector<1x1x1x512xi32>
    tpu.vector_store %arg8[%swap3A_462, %swap3A_463, %swap3A_464, %swap3A_465], %swap3A_468 {strides = array<i32>} : memref<1x8x4x512xi32, #tpu.memory_space<vmem>>, vector<1x1x1x512xi32>,
    %slice3A_469 = vector.extract_strided_slice %dot_general3A_429 {offsets = [0, 96], sizes = [512, 32], strides = [1, 1]} : vector<512x128xf32> to vector<512x32xf32>
    %neg3A_470 = arith.constant 0.000000e+00 : f32
    %neg3A_471 = vector.broadcast %neg3A_470 : f32 to vector<512x32xf32>
    %neg3A_472 = arith.subf %neg3A_471, %slice3A_469 : vector<512x32xf32>
    %concatenate3A_473 = tpu.concatenate %slice3A_469, %neg3A_472 in 1 : vector<512x32xf32>, vector<512x32xf32> -> vector<512x64xf32>
    %argmax3A_474 = tpu.reduce_index %concatenate3A_473 {axis = 1 : i32, kind = #tpu.reduction_kind<arg_max>} : vector<512x64xf32> -> vector<512xi32>
    %swap3A_475 = arith.constant 0 : index
    %swap3A_476 = arith.constant 7 : index
    %swap3A_477 = arith.constant 3 : index
    %swap3A_478 = arith.constant 0 : index
    %swap3A_479 = vector.load %arg8[%swap3A_475, %swap3A_476, %swap3A_477, %swap3A_478] : memref<1x8x4x512xi32, #tpu.memory_space<vmem>>, vector<1x1x1x512xi32>
    %swap3A_480 = vector.shape_cast %swap3A_479 : vector<1x1x1x512xi32> to vector<512xi32>
    %swap3A_481 = vector.shape_cast %argmax3A_474 : vector<512xi32> to vector<1x1x1x512xi32>
    tpu.vector_store %arg8[%swap3A_475, %swap3A_476, %swap3A_477, %swap3A_478], %swap3A_481 {strides = array<i32>} : memref<1x8x4x512xi32, #tpu.memory_space<vmem>>, vector<1x1x1x512xi32>,
    return
  }
  func.func @transform_0(%arg0: i32, %arg1: i32) -> (i32, i32, i32) {
    %c0_i32 = arith.constant 0 : i32
    %c0_i32_0 = arith.constant 0 : i32
    return %arg0, %arg1, %c0_i32 : i32, i32, i32
  }
  func.func @transform_1(%arg0: i32, %arg1: i32) -> (i32, i32) {
    %c0_i32 = arith.constant 0 : i32
    %c0_i32_0 = arith.constant 0 : i32
    %c0_i32_1 = arith.constant 0 : i32
    return %c0_i32, %c0_i32_0 : i32, i32
  }
  func.func @transform_2(%arg0: i32, %arg1: i32) -> (i32, i32) {
    %c0_i32 = arith.constant 0 : i32
    %c0_i32_0 = arith.constant 0 : i32
    %c0_i32_1 = arith.constant 0 : i32
    return %c0_i32, %c0_i32_0 : i32, i32
  }
  func.func @transform_3(%arg0: i32, %arg1: i32) -> (i32, i32) {
    %c0_i32 = arith.constant 0 : i32
    %c0_i32_0 = arith.constant 0 : i32
    %c0_i32_1 = arith.constant 0 : i32
    return %c0_i32, %c0_i32_0 : i32, i32
  }
  func.func @transform_4(%arg0: i32, %arg1: i32) -> (i32, i32, i32) {
    %c0_i32 = arith.constant 0 : i32
    %c0_i32_0 = arith.constant 0 : i32
    return %arg0, %arg1, %c0_i32 : i32, i32, i32
  }
  func.func @transform_5(%arg0: i32, %arg1: i32) -> (i32, i32, i32) {
    %c0_i32 = arith.constant 0 : i32
    %c0_i32_0 = arith.constant 0 : i32
    return %arg0, %arg1, %c0_i32 : i32, i32, i32
  }
  func.func @transform_6(%arg0: i32, %arg1: i32) -> (i32, i32, i32, i32) {
    %c0_i32 = arith.constant 0 : i32
    %c0_i32_0 = arith.constant 0 : i32
    %c0_i32_1 = arith.constant 0 : i32
    return %arg0, %c0_i32, %c0_i32_0, %arg1 : i32, i32, i32, i32
  }
}

module attributes {stable_mosaic.version = 14 : i64} {
  func.func @_attn_body(%arg0: i32, %arg1: memref<1x8192x16xf32, #tpu.memory_space<vmem>>, %arg2: memref<1x8192x16xf32, #tpu.memory_space<vmem>>, %arg3: memref<1x256x32xi32, #tpu.memory_space<vmem>>, %arg4: memref<1x8192x16xf32, #tpu.memory_space<vmem>>, %arg5: memref<1x256x32xf32, #tpu.memory_space<vmem>>) attributes {dimension_semantics = [#tpu.dimension_semantics<arbitrary>], iteration_bounds = array<i64: 64>, scalar_prefetch = 0 : i64, scratch_operands = 0 : i64, tpu.core_type = #tpu.core_type<tc>, window_params = [{transform_indices = @transform_0, window_bounds = array<i64: 1, 8192, 16>}, {transform_indices = @transform_1, window_bounds = array<i64: 1, 8192, 16>}, {transform_indices = @transform_2, window_bounds = array<i64: 1, 256, 32>}, {transform_indices = @transform_3, window_bounds = array<i64: 1, 8192, 16>}, {transform_indices = @transform_4, window_bounds = array<i64: 1, 256, 32>}]} {
    %get3A = arith.constant 0 : index
    %get3A_0 = arith.constant 0 : index
    %get3A_1 = arith.constant 0 : index
    %get3A_2 = vector.load %arg1[%get3A, %get3A_0, %get3A_1] : memref<1x8192x16xf32, #tpu.memory_space<vmem>>, vector<1x8192x16xf32>
    %get3A_3 = vector.shape_cast %get3A_2 : vector<1x8192x16xf32> to vector<8192x16xf32>
    %get3A_4 = arith.constant 0 : index
    %get3A_5 = arith.constant 0 : index
    %get3A_6 = arith.constant 0 : index
    %get3A_7 = vector.load %arg2[%get3A_4, %get3A_5, %get3A_6] : memref<1x8192x16xf32, #tpu.memory_space<vmem>>, vector<1x8192x16xf32>
    %get3A_8 = vector.shape_cast %get3A_7 : vector<1x8192x16xf32> to vector<8192x16xf32>
    %get3A_9 = arith.constant 0 : index
    %get3A_10 = arith.constant 0 : index
    %get3A_11 = arith.constant 0 : index
    %get3A_12 = vector.load %arg3[%get3A_9, %get3A_10, %get3A_11] : memref<1x256x32xi32, #tpu.memory_space<vmem>>, vector<1x256x32xi32>
    %get3A_13 = vector.shape_cast %get3A_12 : vector<1x256x32xi32> to vector<256x32xi32>
    %mul3A = arith.mulf %get3A_3, %get3A_3 : vector<8192x16xf32>
    %reduce_sum3A = arith.constant dense<0.000000e+00> : vector<8192xf32>
    %reduce_sum3A_14 = vector.multi_reduction <add>, %mul3A, %reduce_sum3A [1] : vector<8192x16xf32> to vector<8192xf32>
    %broadcast_in_dim3A = vector.shape_cast %reduce_sum3A_14 : vector<8192xf32> to vector<8192x1xf32>
    %sqrt3A = math.sqrt %broadcast_in_dim3A : vector<8192x1xf32>
    %max3A = arith.constant 9.99999996E-13 : f32
    %max3A_15 = vector.broadcast %max3A : f32 to vector<8192x1xf32>
    %max3A_16 = arith.maximumf %sqrt3A, %max3A_15 : vector<8192x1xf32>
    %div3A = vector.broadcast %max3A_16 : vector<8192x1xf32> to vector<8192x16xf32>
    %div3A_17 = arith.divf %get3A_3, %div3A : vector<8192x16xf32>
    %slice3A = vector.extract_strided_slice %div3A_17 {offsets = [8160, 0], sizes = [32, 16], strides = [1, 1]} : vector<8192x16xf32> to vector<32x16xf32>
    %slice3A_18 = vector.extract_strided_slice %div3A_17 {offsets = [0, 0], sizes = [8160, 16], strides = [1, 1]} : vector<8192x16xf32> to vector<8160x16xf32>
    %concatenate3A = tpu.concatenate %slice3A, %slice3A_18 in 0 : vector<32x16xf32>, vector<8160x16xf32> -> vector<8192x16xf32>
    %slice3A_19 = vector.extract_strided_slice %get3A_8 {offsets = [8160, 0], sizes = [32, 16], strides = [1, 1]} : vector<8192x16xf32> to vector<32x16xf32>
    %slice3A_20 = vector.extract_strided_slice %get3A_8 {offsets = [0, 0], sizes = [8160, 16], strides = [1, 1]} : vector<8192x16xf32> to vector<8160x16xf32>
    %concatenate3A_21 = tpu.concatenate %slice3A_19, %slice3A_20 in 0 : vector<32x16xf32>, vector<8160x16xf32> -> vector<8192x16xf32>
    %slice3A_22 = vector.extract_strided_slice %get3A_13 {offsets = [255, 0], sizes = [1, 32], strides = [1, 1]} : vector<256x32xi32> to vector<1x32xi32>
    %slice3A_23 = vector.extract_strided_slice %get3A_13 {offsets = [0, 0], sizes = [255, 32], strides = [1, 1]} : vector<256x32xi32> to vector<255x32xi32>
    %concatenate3A_24 = tpu.concatenate %slice3A_22, %slice3A_23 in 0 : vector<1x32xi32>, vector<255x32xi32> -> vector<256x32xi32>
    %slice3A_25 = vector.extract_strided_slice %get3A_3 {offsets = [0, 0], sizes = [1024, 16], strides = [1, 1]} : vector<8192x16xf32> to vector<1024x16xf32>
    %reshape3A = vector.shape_cast %slice3A_25 : vector<1024x16xf32> to vector<32x32x16xf32>
    %slice3A_26 = vector.extract_strided_slice %div3A_17 {offsets = [0, 0], sizes = [1024, 16], strides = [1, 1]} : vector<8192x16xf32> to vector<1024x16xf32>
    %reshape3A_27 = vector.shape_cast %slice3A_26 : vector<1024x16xf32> to vector<32x32x16xf32>
    %slice3A_28 = vector.extract_strided_slice %concatenate3A {offsets = [0, 0], sizes = [1024, 16], strides = [1, 1]} : vector<8192x16xf32> to vector<1024x16xf32>
    %reshape3A_29 = vector.shape_cast %slice3A_28 : vector<1024x16xf32> to vector<32x32x16xf32>
    %slice3A_30 = vector.extract_strided_slice %get3A_8 {offsets = [0, 0], sizes = [1024, 16], strides = [1, 1]} : vector<8192x16xf32> to vector<1024x16xf32>
    %reshape3A_31 = vector.shape_cast %slice3A_30 : vector<1024x16xf32> to vector<32x32x16xf32>
    %slice3A_32 = vector.extract_strided_slice %concatenate3A_21 {offsets = [0, 0], sizes = [1024, 16], strides = [1, 1]} : vector<8192x16xf32> to vector<1024x16xf32>
    %reshape3A_33 = vector.shape_cast %slice3A_32 : vector<1024x16xf32> to vector<32x32x16xf32>
    %slice3A_34 = vector.extract_strided_slice %get3A_13 {offsets = [0, 0], sizes = [32, 32], strides = [1, 1]} : vector<256x32xi32> to vector<32x32xi32>
    %slice3A_35 = vector.extract_strided_slice %concatenate3A_24 {offsets = [0, 0], sizes = [32, 32], strides = [1, 1]} : vector<256x32xi32> to vector<32x32xi32>
    %concatenate3A_36 = tpu.concatenate %reshape3A_27, %reshape3A_29 in 1 : vector<32x32x16xf32>, vector<32x32x16xf32> -> vector<32x64x16xf32>
    %concatenate3A_37 = tpu.concatenate %reshape3A_31, %reshape3A_33 in 1 : vector<32x32x16xf32>, vector<32x32x16xf32> -> vector<32x64x16xf32>
    %concatenate3A_38 = tpu.concatenate %slice3A_34, %slice3A_35 in 1 : vector<32x32xi32>, vector<32x32xi32> -> vector<32x64xi32>
    %convert_element_type3A = arith.truncf %reshape3A : vector<32x32x16xf32> to vector<32x32x16xbf16>
    %convert_element_type3A_39 = arith.truncf %concatenate3A_36 : vector<32x64x16xf32> to vector<32x64x16xbf16>
    %dot_general3A = arith.constant dense<0.000000e+00> : vector<32x32x64xf32>
    %dot_general3A_40 = tpu.matmul %convert_element_type3A, %convert_element_type3A_39, %dot_general3A {dimension_numbers = #tpu.dot_dimension_numbers<[2], [2], [1], [1], [0, 0, 0, 1, 1, 1], [0], [0]>, transpose_lhs_hint = false} : vector<32x32x16xbf16>, vector<32x64x16xbf16>, vector<32x32x64xf32> -> vector<32x32x64xf32>
    %mul3A_41 = arith.constant 2.500000e-01 : f32
    %mul3A_42 = vector.broadcast %mul3A_41 : f32 to vector<32x32x64xf32>
    %mul3A_43 = arith.mulf %dot_general3A_40, %mul3A_42 : vector<32x32x64xf32>
    %broadcast_in_dim3A_44 = vector.shape_cast %slice3A_34 : vector<32x32xi32> to vector<32x32x1xi32>
    %broadcast_in_dim3A_45 = vector.shape_cast %concatenate3A_38 : vector<32x64xi32> to vector<32x1x64xi32>
    %eq3A = vector.broadcast %broadcast_in_dim3A_44 : vector<32x32x1xi32> to vector<32x32x64xi32>
    %eq3A_46 = vector.broadcast %broadcast_in_dim3A_45 : vector<32x1x64xi32> to vector<32x32x64xi32>
    %eq3A_47 = arith.cmpi eq, %eq3A, %eq3A_46 : vector<32x32x64xi32>
    %jit3A = arith.constant -5.000000e+04 : f32
    %broadcast_in_dim3A_48 = vector.broadcast %jit3A : f32 to vector<32x32x64xf32>
    %select_n3A = arith.select %eq3A_47, %broadcast_in_dim3A_48, %mul3A_43 : vector<32x32x64xi1>, vector<32x32x64xf32>
    %reduce_max3A = arith.constant dense<0xFF800000> : vector<32x32xf32>
    %reduce_max3A_49 = vector.multi_reduction <maximumf>, %select_n3A, %reduce_max3A [2] : vector<32x32x64xf32> to vector<32x32xf32>
    %broadcast_in_dim3A_50 = vector.shape_cast %reduce_max3A_49 : vector<32x32xf32> to vector<32x32x1xf32>
    %sub3A = vector.broadcast %broadcast_in_dim3A_50 : vector<32x32x1xf32> to vector<32x32x64xf32>
    %sub3A_51 = arith.subf %select_n3A, %sub3A : vector<32x32x64xf32>
    %exp3A = math.exp %sub3A_51 : vector<32x32x64xf32>
    %reduce_sum3A_52 = arith.constant dense<0.000000e+00> : vector<32x32xf32>
    %reduce_sum3A_53 = vector.multi_reduction <add>, %exp3A, %reduce_sum3A_52 [2] : vector<32x32x64xf32> to vector<32x32xf32>
    %broadcast_in_dim3A_54 = vector.shape_cast %reduce_sum3A_53 : vector<32x32xf32> to vector<32x32x1xf32>
    %log3A = math.log %broadcast_in_dim3A_54 : vector<32x32x1xf32>
    %add3A = arith.addf %broadcast_in_dim3A_50, %log3A : vector<32x32x1xf32>
    %div3A_55 = vector.broadcast %broadcast_in_dim3A_54 : vector<32x32x1xf32> to vector<32x32x64xf32>
    %div3A_56 = arith.divf %exp3A, %div3A_55 : vector<32x32x64xf32>
    %convert_element_type3A_57 = arith.truncf %div3A_56 : vector<32x32x64xf32> to vector<32x32x64xbf16>
    %convert_element_type3A_58 = arith.truncf %concatenate3A_37 : vector<32x64x16xf32> to vector<32x64x16xbf16>
    %dot_general3A_59 = arith.constant dense<0.000000e+00> : vector<32x32x16xf32>
    %dot_general3A_60 = tpu.matmul %convert_element_type3A_57, %convert_element_type3A_58, %dot_general3A_59 {dimension_numbers = #tpu.dot_dimension_numbers<[2], [1], [1], [2], [0, 0, 0, 1, 1, 2], [0], [0]>, transpose_lhs_hint = false} : vector<32x32x64xbf16>, vector<32x64x16xbf16>, vector<32x32x16xf32> -> vector<32x32x16xf32>
    %reshape3A_61 = vector.shape_cast %dot_general3A_60 : vector<32x32x16xf32> to vector<1024x16xf32>
    %swap3A = arith.constant 0 : index
    %swap3A_62 = arith.constant 0 : index
    %swap3A_63 = arith.constant 0 : index
    %swap3A_64 = vector.load %arg4[%swap3A, %swap3A_62, %swap3A_63] : memref<1x8192x16xf32, #tpu.memory_space<vmem>>, vector<1x1024x16xf32>
    %swap3A_65 = vector.shape_cast %swap3A_64 : vector<1x1024x16xf32> to vector<1024x16xf32>
    %swap3A_66 = vector.shape_cast %reshape3A_61 : vector<1024x16xf32> to vector<1x1024x16xf32>
    tpu.vector_store %arg4[%swap3A, %swap3A_62, %swap3A_63], %swap3A_66 {strides = array<i32>} : memref<1x8192x16xf32, #tpu.memory_space<vmem>>, vector<1x1024x16xf32>,
    %squeeze3A = vector.shape_cast %add3A : vector<32x32x1xf32> to vector<32x32xf32>
    %swap3A_67 = arith.constant 0 : index
    %swap3A_68 = arith.constant 0 : index
    %swap3A_69 = arith.constant 0 : index
    %swap3A_70 = vector.load %arg5[%swap3A_67, %swap3A_68, %swap3A_69] : memref<1x256x32xf32, #tpu.memory_space<vmem>>, vector<1x32x32xf32>
    %swap3A_71 = vector.shape_cast %swap3A_70 : vector<1x32x32xf32> to vector<32x32xf32>
    %swap3A_72 = vector.shape_cast %squeeze3A : vector<32x32xf32> to vector<1x32x32xf32>
    tpu.vector_store %arg5[%swap3A_67, %swap3A_68, %swap3A_69], %swap3A_72 {strides = array<i32>} : memref<1x256x32xf32, #tpu.memory_space<vmem>>, vector<1x32x32xf32>,
    %slice3A_73 = vector.extract_strided_slice %get3A_3 {offsets = [1024, 0], sizes = [1024, 16], strides = [1, 1]} : vector<8192x16xf32> to vector<1024x16xf32>
    %reshape3A_74 = vector.shape_cast %slice3A_73 : vector<1024x16xf32> to vector<32x32x16xf32>
    %slice3A_75 = vector.extract_strided_slice %div3A_17 {offsets = [1024, 0], sizes = [1024, 16], strides = [1, 1]} : vector<8192x16xf32> to vector<1024x16xf32>
    %reshape3A_76 = vector.shape_cast %slice3A_75 : vector<1024x16xf32> to vector<32x32x16xf32>
    %slice3A_77 = vector.extract_strided_slice %concatenate3A {offsets = [1024, 0], sizes = [1024, 16], strides = [1, 1]} : vector<8192x16xf32> to vector<1024x16xf32>
    %reshape3A_78 = vector.shape_cast %slice3A_77 : vector<1024x16xf32> to vector<32x32x16xf32>
    %slice3A_79 = vector.extract_strided_slice %get3A_8 {offsets = [1024, 0], sizes = [1024, 16], strides = [1, 1]} : vector<8192x16xf32> to vector<1024x16xf32>
    %reshape3A_80 = vector.shape_cast %slice3A_79 : vector<1024x16xf32> to vector<32x32x16xf32>
    %slice3A_81 = vector.extract_strided_slice %concatenate3A_21 {offsets = [1024, 0], sizes = [1024, 16], strides = [1, 1]} : vector<8192x16xf32> to vector<1024x16xf32>
    %reshape3A_82 = vector.shape_cast %slice3A_81 : vector<1024x16xf32> to vector<32x32x16xf32>
    %slice3A_83 = vector.extract_strided_slice %get3A_13 {offsets = [32, 0], sizes = [32, 32], strides = [1, 1]} : vector<256x32xi32> to vector<32x32xi32>
    %slice3A_84 = vector.extract_strided_slice %concatenate3A_24 {offsets = [32, 0], sizes = [32, 32], strides = [1, 1]} : vector<256x32xi32> to vector<32x32xi32>
    %concatenate3A_85 = tpu.concatenate %reshape3A_76, %reshape3A_78 in 1 : vector<32x32x16xf32>, vector<32x32x16xf32> -> vector<32x64x16xf32>
    %concatenate3A_86 = tpu.concatenate %reshape3A_80, %reshape3A_82 in 1 : vector<32x32x16xf32>, vector<32x32x16xf32> -> vector<32x64x16xf32>
    %concatenate3A_87 = tpu.concatenate %slice3A_83, %slice3A_84 in 1 : vector<32x32xi32>, vector<32x32xi32> -> vector<32x64xi32>
    %convert_element_type3A_88 = arith.truncf %reshape3A_74 : vector<32x32x16xf32> to vector<32x32x16xbf16>
    %convert_element_type3A_89 = arith.truncf %concatenate3A_85 : vector<32x64x16xf32> to vector<32x64x16xbf16>
    %dot_general3A_90 = arith.constant dense<0.000000e+00> : vector<32x32x64xf32>
    %dot_general3A_91 = tpu.matmul %convert_element_type3A_88, %convert_element_type3A_89, %dot_general3A_90 {dimension_numbers = #tpu.dot_dimension_numbers<[2], [2], [1], [1], [0, 0, 0, 1, 1, 1], [0], [0]>, transpose_lhs_hint = false} : vector<32x32x16xbf16>, vector<32x64x16xbf16>, vector<32x32x64xf32> -> vector<32x32x64xf32>
    %mul3A_92 = arith.constant 2.500000e-01 : f32
    %mul3A_93 = vector.broadcast %mul3A_92 : f32 to vector<32x32x64xf32>
    %mul3A_94 = arith.mulf %dot_general3A_91, %mul3A_93 : vector<32x32x64xf32>
    %broadcast_in_dim3A_95 = vector.shape_cast %slice3A_83 : vector<32x32xi32> to vector<32x32x1xi32>
    %broadcast_in_dim3A_96 = vector.shape_cast %concatenate3A_87 : vector<32x64xi32> to vector<32x1x64xi32>
    %eq3A_97 = vector.broadcast %broadcast_in_dim3A_95 : vector<32x32x1xi32> to vector<32x32x64xi32>
    %eq3A_98 = vector.broadcast %broadcast_in_dim3A_96 : vector<32x1x64xi32> to vector<32x32x64xi32>
    %eq3A_99 = arith.cmpi eq, %eq3A_97, %eq3A_98 : vector<32x32x64xi32>
    %jit3A_100 = arith.constant -5.000000e+04 : f32
    %broadcast_in_dim3A_101 = vector.broadcast %jit3A_100 : f32 to vector<32x32x64xf32>
    %select_n3A_102 = arith.select %eq3A_99, %broadcast_in_dim3A_101, %mul3A_94 : vector<32x32x64xi1>, vector<32x32x64xf32>
    %reduce_max3A_103 = arith.constant dense<0xFF800000> : vector<32x32xf32>
    %reduce_max3A_104 = vector.multi_reduction <maximumf>, %select_n3A_102, %reduce_max3A_103 [2] : vector<32x32x64xf32> to vector<32x32xf32>
    %broadcast_in_dim3A_105 = vector.shape_cast %reduce_max3A_104 : vector<32x32xf32> to vector<32x32x1xf32>
    %sub3A_106 = vector.broadcast %broadcast_in_dim3A_105 : vector<32x32x1xf32> to vector<32x32x64xf32>
    %sub3A_107 = arith.subf %select_n3A_102, %sub3A_106 : vector<32x32x64xf32>
    %exp3A_108 = math.exp %sub3A_107 : vector<32x32x64xf32>
    %reduce_sum3A_109 = arith.constant dense<0.000000e+00> : vector<32x32xf32>
    %reduce_sum3A_110 = vector.multi_reduction <add>, %exp3A_108, %reduce_sum3A_109 [2] : vector<32x32x64xf32> to vector<32x32xf32>
    %broadcast_in_dim3A_111 = vector.shape_cast %reduce_sum3A_110 : vector<32x32xf32> to vector<32x32x1xf32>
    %log3A_112 = math.log %broadcast_in_dim3A_111 : vector<32x32x1xf32>
    %add3A_113 = arith.addf %broadcast_in_dim3A_105, %log3A_112 : vector<32x32x1xf32>
    %div3A_114 = vector.broadcast %broadcast_in_dim3A_111 : vector<32x32x1xf32> to vector<32x32x64xf32>
    %div3A_115 = arith.divf %exp3A_108, %div3A_114 : vector<32x32x64xf32>
    %convert_element_type3A_116 = arith.truncf %div3A_115 : vector<32x32x64xf32> to vector<32x32x64xbf16>
    %convert_element_type3A_117 = arith.truncf %concatenate3A_86 : vector<32x64x16xf32> to vector<32x64x16xbf16>
    %dot_general3A_118 = arith.constant dense<0.000000e+00> : vector<32x32x16xf32>
    %dot_general3A_119 = tpu.matmul %convert_element_type3A_116, %convert_element_type3A_117, %dot_general3A_118 {dimension_numbers = #tpu.dot_dimension_numbers<[2], [1], [1], [2], [0, 0, 0, 1, 1, 2], [0], [0]>, transpose_lhs_hint = false} : vector<32x32x64xbf16>, vector<32x64x16xbf16>, vector<32x32x16xf32> -> vector<32x32x16xf32>
    %reshape3A_120 = vector.shape_cast %dot_general3A_119 : vector<32x32x16xf32> to vector<1024x16xf32>
    %swap3A_121 = arith.constant 0 : index
    %swap3A_122 = arith.constant 1024 : index
    %swap3A_123 = arith.constant 0 : index
    %swap3A_124 = vector.load %arg4[%swap3A_121, %swap3A_122, %swap3A_123] : memref<1x8192x16xf32, #tpu.memory_space<vmem>>, vector<1x1024x16xf32>
    %swap3A_125 = vector.shape_cast %swap3A_124 : vector<1x1024x16xf32> to vector<1024x16xf32>
    %swap3A_126 = vector.shape_cast %reshape3A_120 : vector<1024x16xf32> to vector<1x1024x16xf32>
    tpu.vector_store %arg4[%swap3A_121, %swap3A_122, %swap3A_123], %swap3A_126 {strides = array<i32>} : memref<1x8192x16xf32, #tpu.memory_space<vmem>>, vector<1x1024x16xf32>,
    %squeeze3A_127 = vector.shape_cast %add3A_113 : vector<32x32x1xf32> to vector<32x32xf32>
    %swap3A_128 = arith.constant 0 : index
    %swap3A_129 = arith.constant 32 : index
    %swap3A_130 = arith.constant 0 : index
    %swap3A_131 = vector.load %arg5[%swap3A_128, %swap3A_129, %swap3A_130] : memref<1x256x32xf32, #tpu.memory_space<vmem>>, vector<1x32x32xf32>
    %swap3A_132 = vector.shape_cast %swap3A_131 : vector<1x32x32xf32> to vector<32x32xf32>
    %swap3A_133 = vector.shape_cast %squeeze3A_127 : vector<32x32xf32> to vector<1x32x32xf32>
    tpu.vector_store %arg5[%swap3A_128, %swap3A_129, %swap3A_130], %swap3A_133 {strides = array<i32>} : memref<1x256x32xf32, #tpu.memory_space<vmem>>, vector<1x32x32xf32>,
    %slice3A_134 = vector.extract_strided_slice %get3A_3 {offsets = [2048, 0], sizes = [1024, 16], strides = [1, 1]} : vector<8192x16xf32> to vector<1024x16xf32>
    %reshape3A_135 = vector.shape_cast %slice3A_134 : vector<1024x16xf32> to vector<32x32x16xf32>
    %slice3A_136 = vector.extract_strided_slice %div3A_17 {offsets = [2048, 0], sizes = [1024, 16], strides = [1, 1]} : vector<8192x16xf32> to vector<1024x16xf32>
    %reshape3A_137 = vector.shape_cast %slice3A_136 : vector<1024x16xf32> to vector<32x32x16xf32>
    %slice3A_138 = vector.extract_strided_slice %concatenate3A {offsets = [2048, 0], sizes = [1024, 16], strides = [1, 1]} : vector<8192x16xf32> to vector<1024x16xf32>
    %reshape3A_139 = vector.shape_cast %slice3A_138 : vector<1024x16xf32> to vector<32x32x16xf32>
    %slice3A_140 = vector.extract_strided_slice %get3A_8 {offsets = [2048, 0], sizes = [1024, 16], strides = [1, 1]} : vector<8192x16xf32> to vector<1024x16xf32>
    %reshape3A_141 = vector.shape_cast %slice3A_140 : vector<1024x16xf32> to vector<32x32x16xf32>
    %slice3A_142 = vector.extract_strided_slice %concatenate3A_21 {offsets = [2048, 0], sizes = [1024, 16], strides = [1, 1]} : vector<8192x16xf32> to vector<1024x16xf32>
    %reshape3A_143 = vector.shape_cast %slice3A_142 : vector<1024x16xf32> to vector<32x32x16xf32>
    %slice3A_144 = vector.extract_strided_slice %get3A_13 {offsets = [64, 0], sizes = [32, 32], strides = [1, 1]} : vector<256x32xi32> to vector<32x32xi32>
    %slice3A_145 = vector.extract_strided_slice %concatenate3A_24 {offsets = [64, 0], sizes = [32, 32], strides = [1, 1]} : vector<256x32xi32> to vector<32x32xi32>
    %concatenate3A_146 = tpu.concatenate %reshape3A_137, %reshape3A_139 in 1 : vector<32x32x16xf32>, vector<32x32x16xf32> -> vector<32x64x16xf32>
    %concatenate3A_147 = tpu.concatenate %reshape3A_141, %reshape3A_143 in 1 : vector<32x32x16xf32>, vector<32x32x16xf32> -> vector<32x64x16xf32>
    %concatenate3A_148 = tpu.concatenate %slice3A_144, %slice3A_145 in 1 : vector<32x32xi32>, vector<32x32xi32> -> vector<32x64xi32>
    %convert_element_type3A_149 = arith.truncf %reshape3A_135 : vector<32x32x16xf32> to vector<32x32x16xbf16>
    %convert_element_type3A_150 = arith.truncf %concatenate3A_146 : vector<32x64x16xf32> to vector<32x64x16xbf16>
    %dot_general3A_151 = arith.constant dense<0.000000e+00> : vector<32x32x64xf32>
    %dot_general3A_152 = tpu.matmul %convert_element_type3A_149, %convert_element_type3A_150, %dot_general3A_151 {dimension_numbers = #tpu.dot_dimension_numbers<[2], [2], [1], [1], [0, 0, 0, 1, 1, 1], [0], [0]>, transpose_lhs_hint = false} : vector<32x32x16xbf16>, vector<32x64x16xbf16>, vector<32x32x64xf32> -> vector<32x32x64xf32>
    %mul3A_153 = arith.constant 2.500000e-01 : f32
    %mul3A_154 = vector.broadcast %mul3A_153 : f32 to vector<32x32x64xf32>
    %mul3A_155 = arith.mulf %dot_general3A_152, %mul3A_154 : vector<32x32x64xf32>
    %broadcast_in_dim3A_156 = vector.shape_cast %slice3A_144 : vector<32x32xi32> to vector<32x32x1xi32>
    %broadcast_in_dim3A_157 = vector.shape_cast %concatenate3A_148 : vector<32x64xi32> to vector<32x1x64xi32>
    %eq3A_158 = vector.broadcast %broadcast_in_dim3A_156 : vector<32x32x1xi32> to vector<32x32x64xi32>
    %eq3A_159 = vector.broadcast %broadcast_in_dim3A_157 : vector<32x1x64xi32> to vector<32x32x64xi32>
    %eq3A_160 = arith.cmpi eq, %eq3A_158, %eq3A_159 : vector<32x32x64xi32>
    %jit3A_161 = arith.constant -5.000000e+04 : f32
    %broadcast_in_dim3A_162 = vector.broadcast %jit3A_161 : f32 to vector<32x32x64xf32>
    %select_n3A_163 = arith.select %eq3A_160, %broadcast_in_dim3A_162, %mul3A_155 : vector<32x32x64xi1>, vector<32x32x64xf32>
    %reduce_max3A_164 = arith.constant dense<0xFF800000> : vector<32x32xf32>
    %reduce_max3A_165 = vector.multi_reduction <maximumf>, %select_n3A_163, %reduce_max3A_164 [2] : vector<32x32x64xf32> to vector<32x32xf32>
    %broadcast_in_dim3A_166 = vector.shape_cast %reduce_max3A_165 : vector<32x32xf32> to vector<32x32x1xf32>
    %sub3A_167 = vector.broadcast %broadcast_in_dim3A_166 : vector<32x32x1xf32> to vector<32x32x64xf32>
    %sub3A_168 = arith.subf %select_n3A_163, %sub3A_167 : vector<32x32x64xf32>
    %exp3A_169 = math.exp %sub3A_168 : vector<32x32x64xf32>
    %reduce_sum3A_170 = arith.constant dense<0.000000e+00> : vector<32x32xf32>
    %reduce_sum3A_171 = vector.multi_reduction <add>, %exp3A_169, %reduce_sum3A_170 [2] : vector<32x32x64xf32> to vector<32x32xf32>
    %broadcast_in_dim3A_172 = vector.shape_cast %reduce_sum3A_171 : vector<32x32xf32> to vector<32x32x1xf32>
    %log3A_173 = math.log %broadcast_in_dim3A_172 : vector<32x32x1xf32>
    %add3A_174 = arith.addf %broadcast_in_dim3A_166, %log3A_173 : vector<32x32x1xf32>
    %div3A_175 = vector.broadcast %broadcast_in_dim3A_172 : vector<32x32x1xf32> to vector<32x32x64xf32>
    %div3A_176 = arith.divf %exp3A_169, %div3A_175 : vector<32x32x64xf32>
    %convert_element_type3A_177 = arith.truncf %div3A_176 : vector<32x32x64xf32> to vector<32x32x64xbf16>
    %convert_element_type3A_178 = arith.truncf %concatenate3A_147 : vector<32x64x16xf32> to vector<32x64x16xbf16>
    %dot_general3A_179 = arith.constant dense<0.000000e+00> : vector<32x32x16xf32>
    %dot_general3A_180 = tpu.matmul %convert_element_type3A_177, %convert_element_type3A_178, %dot_general3A_179 {dimension_numbers = #tpu.dot_dimension_numbers<[2], [1], [1], [2], [0, 0, 0, 1, 1, 2], [0], [0]>, transpose_lhs_hint = false} : vector<32x32x64xbf16>, vector<32x64x16xbf16>, vector<32x32x16xf32> -> vector<32x32x16xf32>
    %reshape3A_181 = vector.shape_cast %dot_general3A_180 : vector<32x32x16xf32> to vector<1024x16xf32>
    %swap3A_182 = arith.constant 0 : index
    %swap3A_183 = arith.constant 2048 : index
    %swap3A_184 = arith.constant 0 : index
    %swap3A_185 = vector.load %arg4[%swap3A_182, %swap3A_183, %swap3A_184] : memref<1x8192x16xf32, #tpu.memory_space<vmem>>, vector<1x1024x16xf32>
    %swap3A_186 = vector.shape_cast %swap3A_185 : vector<1x1024x16xf32> to vector<1024x16xf32>
    %swap3A_187 = vector.shape_cast %reshape3A_181 : vector<1024x16xf32> to vector<1x1024x16xf32>
    tpu.vector_store %arg4[%swap3A_182, %swap3A_183, %swap3A_184], %swap3A_187 {strides = array<i32>} : memref<1x8192x16xf32, #tpu.memory_space<vmem>>, vector<1x1024x16xf32>,
    %squeeze3A_188 = vector.shape_cast %add3A_174 : vector<32x32x1xf32> to vector<32x32xf32>
    %swap3A_189 = arith.constant 0 : index
    %swap3A_190 = arith.constant 64 : index
    %swap3A_191 = arith.constant 0 : index
    %swap3A_192 = vector.load %arg5[%swap3A_189, %swap3A_190, %swap3A_191] : memref<1x256x32xf32, #tpu.memory_space<vmem>>, vector<1x32x32xf32>
    %swap3A_193 = vector.shape_cast %swap3A_192 : vector<1x32x32xf32> to vector<32x32xf32>
    %swap3A_194 = vector.shape_cast %squeeze3A_188 : vector<32x32xf32> to vector<1x32x32xf32>
    tpu.vector_store %arg5[%swap3A_189, %swap3A_190, %swap3A_191], %swap3A_194 {strides = array<i32>} : memref<1x256x32xf32, #tpu.memory_space<vmem>>, vector<1x32x32xf32>,
    %slice3A_195 = vector.extract_strided_slice %get3A_3 {offsets = [3072, 0], sizes = [1024, 16], strides = [1, 1]} : vector<8192x16xf32> to vector<1024x16xf32>
    %reshape3A_196 = vector.shape_cast %slice3A_195 : vector<1024x16xf32> to vector<32x32x16xf32>
    %slice3A_197 = vector.extract_strided_slice %div3A_17 {offsets = [3072, 0], sizes = [1024, 16], strides = [1, 1]} : vector<8192x16xf32> to vector<1024x16xf32>
    %reshape3A_198 = vector.shape_cast %slice3A_197 : vector<1024x16xf32> to vector<32x32x16xf32>
    %slice3A_199 = vector.extract_strided_slice %concatenate3A {offsets = [3072, 0], sizes = [1024, 16], strides = [1, 1]} : vector<8192x16xf32> to vector<1024x16xf32>
    %reshape3A_200 = vector.shape_cast %slice3A_199 : vector<1024x16xf32> to vector<32x32x16xf32>
    %slice3A_201 = vector.extract_strided_slice %get3A_8 {offsets = [3072, 0], sizes = [1024, 16], strides = [1, 1]} : vector<8192x16xf32> to vector<1024x16xf32>
    %reshape3A_202 = vector.shape_cast %slice3A_201 : vector<1024x16xf32> to vector<32x32x16xf32>
    %slice3A_203 = vector.extract_strided_slice %concatenate3A_21 {offsets = [3072, 0], sizes = [1024, 16], strides = [1, 1]} : vector<8192x16xf32> to vector<1024x16xf32>
    %reshape3A_204 = vector.shape_cast %slice3A_203 : vector<1024x16xf32> to vector<32x32x16xf32>
    %slice3A_205 = vector.extract_strided_slice %get3A_13 {offsets = [96, 0], sizes = [32, 32], strides = [1, 1]} : vector<256x32xi32> to vector<32x32xi32>
    %slice3A_206 = vector.extract_strided_slice %concatenate3A_24 {offsets = [96, 0], sizes = [32, 32], strides = [1, 1]} : vector<256x32xi32> to vector<32x32xi32>
    %concatenate3A_207 = tpu.concatenate %reshape3A_198, %reshape3A_200 in 1 : vector<32x32x16xf32>, vector<32x32x16xf32> -> vector<32x64x16xf32>
    %concatenate3A_208 = tpu.concatenate %reshape3A_202, %reshape3A_204 in 1 : vector<32x32x16xf32>, vector<32x32x16xf32> -> vector<32x64x16xf32>
    %concatenate3A_209 = tpu.concatenate %slice3A_205, %slice3A_206 in 1 : vector<32x32xi32>, vector<32x32xi32> -> vector<32x64xi32>
    %convert_element_type3A_210 = arith.truncf %reshape3A_196 : vector<32x32x16xf32> to vector<32x32x16xbf16>
    %convert_element_type3A_211 = arith.truncf %concatenate3A_207 : vector<32x64x16xf32> to vector<32x64x16xbf16>
    %dot_general3A_212 = arith.constant dense<0.000000e+00> : vector<32x32x64xf32>
    %dot_general3A_213 = tpu.matmul %convert_element_type3A_210, %convert_element_type3A_211, %dot_general3A_212 {dimension_numbers = #tpu.dot_dimension_numbers<[2], [2], [1], [1], [0, 0, 0, 1, 1, 1], [0], [0]>, transpose_lhs_hint = false} : vector<32x32x16xbf16>, vector<32x64x16xbf16>, vector<32x32x64xf32> -> vector<32x32x64xf32>
    %mul3A_214 = arith.constant 2.500000e-01 : f32
    %mul3A_215 = vector.broadcast %mul3A_214 : f32 to vector<32x32x64xf32>
    %mul3A_216 = arith.mulf %dot_general3A_213, %mul3A_215 : vector<32x32x64xf32>
    %broadcast_in_dim3A_217 = vector.shape_cast %slice3A_205 : vector<32x32xi32> to vector<32x32x1xi32>
    %broadcast_in_dim3A_218 = vector.shape_cast %concatenate3A_209 : vector<32x64xi32> to vector<32x1x64xi32>
    %eq3A_219 = vector.broadcast %broadcast_in_dim3A_217 : vector<32x32x1xi32> to vector<32x32x64xi32>
    %eq3A_220 = vector.broadcast %broadcast_in_dim3A_218 : vector<32x1x64xi32> to vector<32x32x64xi32>
    %eq3A_221 = arith.cmpi eq, %eq3A_219, %eq3A_220 : vector<32x32x64xi32>
    %jit3A_222 = arith.constant -5.000000e+04 : f32
    %broadcast_in_dim3A_223 = vector.broadcast %jit3A_222 : f32 to vector<32x32x64xf32>
    %select_n3A_224 = arith.select %eq3A_221, %broadcast_in_dim3A_223, %mul3A_216 : vector<32x32x64xi1>, vector<32x32x64xf32>
    %reduce_max3A_225 = arith.constant dense<0xFF800000> : vector<32x32xf32>
    %reduce_max3A_226 = vector.multi_reduction <maximumf>, %select_n3A_224, %reduce_max3A_225 [2] : vector<32x32x64xf32> to vector<32x32xf32>
    %broadcast_in_dim3A_227 = vector.shape_cast %reduce_max3A_226 : vector<32x32xf32> to vector<32x32x1xf32>
    %sub3A_228 = vector.broadcast %broadcast_in_dim3A_227 : vector<32x32x1xf32> to vector<32x32x64xf32>
    %sub3A_229 = arith.subf %select_n3A_224, %sub3A_228 : vector<32x32x64xf32>
    %exp3A_230 = math.exp %sub3A_229 : vector<32x32x64xf32>
    %reduce_sum3A_231 = arith.constant dense<0.000000e+00> : vector<32x32xf32>
    %reduce_sum3A_232 = vector.multi_reduction <add>, %exp3A_230, %reduce_sum3A_231 [2] : vector<32x32x64xf32> to vector<32x32xf32>
    %broadcast_in_dim3A_233 = vector.shape_cast %reduce_sum3A_232 : vector<32x32xf32> to vector<32x32x1xf32>
    %log3A_234 = math.log %broadcast_in_dim3A_233 : vector<32x32x1xf32>
    %add3A_235 = arith.addf %broadcast_in_dim3A_227, %log3A_234 : vector<32x32x1xf32>
    %div3A_236 = vector.broadcast %broadcast_in_dim3A_233 : vector<32x32x1xf32> to vector<32x32x64xf32>
    %div3A_237 = arith.divf %exp3A_230, %div3A_236 : vector<32x32x64xf32>
    %convert_element_type3A_238 = arith.truncf %div3A_237 : vector<32x32x64xf32> to vector<32x32x64xbf16>
    %convert_element_type3A_239 = arith.truncf %concatenate3A_208 : vector<32x64x16xf32> to vector<32x64x16xbf16>
    %dot_general3A_240 = arith.constant dense<0.000000e+00> : vector<32x32x16xf32>
    %dot_general3A_241 = tpu.matmul %convert_element_type3A_238, %convert_element_type3A_239, %dot_general3A_240 {dimension_numbers = #tpu.dot_dimension_numbers<[2], [1], [1], [2], [0, 0, 0, 1, 1, 2], [0], [0]>, transpose_lhs_hint = false} : vector<32x32x64xbf16>, vector<32x64x16xbf16>, vector<32x32x16xf32> -> vector<32x32x16xf32>
    %reshape3A_242 = vector.shape_cast %dot_general3A_241 : vector<32x32x16xf32> to vector<1024x16xf32>
    %swap3A_243 = arith.constant 0 : index
    %swap3A_244 = arith.constant 3072 : index
    %swap3A_245 = arith.constant 0 : index
    %swap3A_246 = vector.load %arg4[%swap3A_243, %swap3A_244, %swap3A_245] : memref<1x8192x16xf32, #tpu.memory_space<vmem>>, vector<1x1024x16xf32>
    %swap3A_247 = vector.shape_cast %swap3A_246 : vector<1x1024x16xf32> to vector<1024x16xf32>
    %swap3A_248 = vector.shape_cast %reshape3A_242 : vector<1024x16xf32> to vector<1x1024x16xf32>
    tpu.vector_store %arg4[%swap3A_243, %swap3A_244, %swap3A_245], %swap3A_248 {strides = array<i32>} : memref<1x8192x16xf32, #tpu.memory_space<vmem>>, vector<1x1024x16xf32>,
    %squeeze3A_249 = vector.shape_cast %add3A_235 : vector<32x32x1xf32> to vector<32x32xf32>
    %swap3A_250 = arith.constant 0 : index
    %swap3A_251 = arith.constant 96 : index
    %swap3A_252 = arith.constant 0 : index
    %swap3A_253 = vector.load %arg5[%swap3A_250, %swap3A_251, %swap3A_252] : memref<1x256x32xf32, #tpu.memory_space<vmem>>, vector<1x32x32xf32>
    %swap3A_254 = vector.shape_cast %swap3A_253 : vector<1x32x32xf32> to vector<32x32xf32>
    %swap3A_255 = vector.shape_cast %squeeze3A_249 : vector<32x32xf32> to vector<1x32x32xf32>
    tpu.vector_store %arg5[%swap3A_250, %swap3A_251, %swap3A_252], %swap3A_255 {strides = array<i32>} : memref<1x256x32xf32, #tpu.memory_space<vmem>>, vector<1x32x32xf32>,
    %slice3A_256 = vector.extract_strided_slice %get3A_3 {offsets = [4096, 0], sizes = [1024, 16], strides = [1, 1]} : vector<8192x16xf32> to vector<1024x16xf32>
    %reshape3A_257 = vector.shape_cast %slice3A_256 : vector<1024x16xf32> to vector<32x32x16xf32>
    %slice3A_258 = vector.extract_strided_slice %div3A_17 {offsets = [4096, 0], sizes = [1024, 16], strides = [1, 1]} : vector<8192x16xf32> to vector<1024x16xf32>
    %reshape3A_259 = vector.shape_cast %slice3A_258 : vector<1024x16xf32> to vector<32x32x16xf32>
    %slice3A_260 = vector.extract_strided_slice %concatenate3A {offsets = [4096, 0], sizes = [1024, 16], strides = [1, 1]} : vector<8192x16xf32> to vector<1024x16xf32>
    %reshape3A_261 = vector.shape_cast %slice3A_260 : vector<1024x16xf32> to vector<32x32x16xf32>
    %slice3A_262 = vector.extract_strided_slice %get3A_8 {offsets = [4096, 0], sizes = [1024, 16], strides = [1, 1]} : vector<8192x16xf32> to vector<1024x16xf32>
    %reshape3A_263 = vector.shape_cast %slice3A_262 : vector<1024x16xf32> to vector<32x32x16xf32>
    %slice3A_264 = vector.extract_strided_slice %concatenate3A_21 {offsets = [4096, 0], sizes = [1024, 16], strides = [1, 1]} : vector<8192x16xf32> to vector<1024x16xf32>
    %reshape3A_265 = vector.shape_cast %slice3A_264 : vector<1024x16xf32> to vector<32x32x16xf32>
    %slice3A_266 = vector.extract_strided_slice %get3A_13 {offsets = [128, 0], sizes = [32, 32], strides = [1, 1]} : vector<256x32xi32> to vector<32x32xi32>
    %slice3A_267 = vector.extract_strided_slice %concatenate3A_24 {offsets = [128, 0], sizes = [32, 32], strides = [1, 1]} : vector<256x32xi32> to vector<32x32xi32>
    %concatenate3A_268 = tpu.concatenate %reshape3A_259, %reshape3A_261 in 1 : vector<32x32x16xf32>, vector<32x32x16xf32> -> vector<32x64x16xf32>
    %concatenate3A_269 = tpu.concatenate %reshape3A_263, %reshape3A_265 in 1 : vector<32x32x16xf32>, vector<32x32x16xf32> -> vector<32x64x16xf32>
    %concatenate3A_270 = tpu.concatenate %slice3A_266, %slice3A_267 in 1 : vector<32x32xi32>, vector<32x32xi32> -> vector<32x64xi32>
    %convert_element_type3A_271 = arith.truncf %reshape3A_257 : vector<32x32x16xf32> to vector<32x32x16xbf16>
    %convert_element_type3A_272 = arith.truncf %concatenate3A_268 : vector<32x64x16xf32> to vector<32x64x16xbf16>
    %dot_general3A_273 = arith.constant dense<0.000000e+00> : vector<32x32x64xf32>
    %dot_general3A_274 = tpu.matmul %convert_element_type3A_271, %convert_element_type3A_272, %dot_general3A_273 {dimension_numbers = #tpu.dot_dimension_numbers<[2], [2], [1], [1], [0, 0, 0, 1, 1, 1], [0], [0]>, transpose_lhs_hint = false} : vector<32x32x16xbf16>, vector<32x64x16xbf16>, vector<32x32x64xf32> -> vector<32x32x64xf32>
    %mul3A_275 = arith.constant 2.500000e-01 : f32
    %mul3A_276 = vector.broadcast %mul3A_275 : f32 to vector<32x32x64xf32>
    %mul3A_277 = arith.mulf %dot_general3A_274, %mul3A_276 : vector<32x32x64xf32>
    %broadcast_in_dim3A_278 = vector.shape_cast %slice3A_266 : vector<32x32xi32> to vector<32x32x1xi32>
    %broadcast_in_dim3A_279 = vector.shape_cast %concatenate3A_270 : vector<32x64xi32> to vector<32x1x64xi32>
    %eq3A_280 = vector.broadcast %broadcast_in_dim3A_278 : vector<32x32x1xi32> to vector<32x32x64xi32>
    %eq3A_281 = vector.broadcast %broadcast_in_dim3A_279 : vector<32x1x64xi32> to vector<32x32x64xi32>
    %eq3A_282 = arith.cmpi eq, %eq3A_280, %eq3A_281 : vector<32x32x64xi32>
    %jit3A_283 = arith.constant -5.000000e+04 : f32
    %broadcast_in_dim3A_284 = vector.broadcast %jit3A_283 : f32 to vector<32x32x64xf32>
    %select_n3A_285 = arith.select %eq3A_282, %broadcast_in_dim3A_284, %mul3A_277 : vector<32x32x64xi1>, vector<32x32x64xf32>
    %reduce_max3A_286 = arith.constant dense<0xFF800000> : vector<32x32xf32>
    %reduce_max3A_287 = vector.multi_reduction <maximumf>, %select_n3A_285, %reduce_max3A_286 [2] : vector<32x32x64xf32> to vector<32x32xf32>
    %broadcast_in_dim3A_288 = vector.shape_cast %reduce_max3A_287 : vector<32x32xf32> to vector<32x32x1xf32>
    %sub3A_289 = vector.broadcast %broadcast_in_dim3A_288 : vector<32x32x1xf32> to vector<32x32x64xf32>
    %sub3A_290 = arith.subf %select_n3A_285, %sub3A_289 : vector<32x32x64xf32>
    %exp3A_291 = math.exp %sub3A_290 : vector<32x32x64xf32>
    %reduce_sum3A_292 = arith.constant dense<0.000000e+00> : vector<32x32xf32>
    %reduce_sum3A_293 = vector.multi_reduction <add>, %exp3A_291, %reduce_sum3A_292 [2] : vector<32x32x64xf32> to vector<32x32xf32>
    %broadcast_in_dim3A_294 = vector.shape_cast %reduce_sum3A_293 : vector<32x32xf32> to vector<32x32x1xf32>
    %log3A_295 = math.log %broadcast_in_dim3A_294 : vector<32x32x1xf32>
    %add3A_296 = arith.addf %broadcast_in_dim3A_288, %log3A_295 : vector<32x32x1xf32>
    %div3A_297 = vector.broadcast %broadcast_in_dim3A_294 : vector<32x32x1xf32> to vector<32x32x64xf32>
    %div3A_298 = arith.divf %exp3A_291, %div3A_297 : vector<32x32x64xf32>
    %convert_element_type3A_299 = arith.truncf %div3A_298 : vector<32x32x64xf32> to vector<32x32x64xbf16>
    %convert_element_type3A_300 = arith.truncf %concatenate3A_269 : vector<32x64x16xf32> to vector<32x64x16xbf16>
    %dot_general3A_301 = arith.constant dense<0.000000e+00> : vector<32x32x16xf32>
    %dot_general3A_302 = tpu.matmul %convert_element_type3A_299, %convert_element_type3A_300, %dot_general3A_301 {dimension_numbers = #tpu.dot_dimension_numbers<[2], [1], [1], [2], [0, 0, 0, 1, 1, 2], [0], [0]>, transpose_lhs_hint = false} : vector<32x32x64xbf16>, vector<32x64x16xbf16>, vector<32x32x16xf32> -> vector<32x32x16xf32>
    %reshape3A_303 = vector.shape_cast %dot_general3A_302 : vector<32x32x16xf32> to vector<1024x16xf32>
    %swap3A_304 = arith.constant 0 : index
    %swap3A_305 = arith.constant 4096 : index
    %swap3A_306 = arith.constant 0 : index
    %swap3A_307 = vector.load %arg4[%swap3A_304, %swap3A_305, %swap3A_306] : memref<1x8192x16xf32, #tpu.memory_space<vmem>>, vector<1x1024x16xf32>
    %swap3A_308 = vector.shape_cast %swap3A_307 : vector<1x1024x16xf32> to vector<1024x16xf32>
    %swap3A_309 = vector.shape_cast %reshape3A_303 : vector<1024x16xf32> to vector<1x1024x16xf32>
    tpu.vector_store %arg4[%swap3A_304, %swap3A_305, %swap3A_306], %swap3A_309 {strides = array<i32>} : memref<1x8192x16xf32, #tpu.memory_space<vmem>>, vector<1x1024x16xf32>,
    %squeeze3A_310 = vector.shape_cast %add3A_296 : vector<32x32x1xf32> to vector<32x32xf32>
    %swap3A_311 = arith.constant 0 : index
    %swap3A_312 = arith.constant 128 : index
    %swap3A_313 = arith.constant 0 : index
    %swap3A_314 = vector.load %arg5[%swap3A_311, %swap3A_312, %swap3A_313] : memref<1x256x32xf32, #tpu.memory_space<vmem>>, vector<1x32x32xf32>
    %swap3A_315 = vector.shape_cast %swap3A_314 : vector<1x32x32xf32> to vector<32x32xf32>
    %swap3A_316 = vector.shape_cast %squeeze3A_310 : vector<32x32xf32> to vector<1x32x32xf32>
    tpu.vector_store %arg5[%swap3A_311, %swap3A_312, %swap3A_313], %swap3A_316 {strides = array<i32>} : memref<1x256x32xf32, #tpu.memory_space<vmem>>, vector<1x32x32xf32>,
    %slice3A_317 = vector.extract_strided_slice %get3A_3 {offsets = [5120, 0], sizes = [1024, 16], strides = [1, 1]} : vector<8192x16xf32> to vector<1024x16xf32>
    %reshape3A_318 = vector.shape_cast %slice3A_317 : vector<1024x16xf32> to vector<32x32x16xf32>
    %slice3A_319 = vector.extract_strided_slice %div3A_17 {offsets = [5120, 0], sizes = [1024, 16], strides = [1, 1]} : vector<8192x16xf32> to vector<1024x16xf32>
    %reshape3A_320 = vector.shape_cast %slice3A_319 : vector<1024x16xf32> to vector<32x32x16xf32>
    %slice3A_321 = vector.extract_strided_slice %concatenate3A {offsets = [5120, 0], sizes = [1024, 16], strides = [1, 1]} : vector<8192x16xf32> to vector<1024x16xf32>
    %reshape3A_322 = vector.shape_cast %slice3A_321 : vector<1024x16xf32> to vector<32x32x16xf32>
    %slice3A_323 = vector.extract_strided_slice %get3A_8 {offsets = [5120, 0], sizes = [1024, 16], strides = [1, 1]} : vector<8192x16xf32> to vector<1024x16xf32>
    %reshape3A_324 = vector.shape_cast %slice3A_323 : vector<1024x16xf32> to vector<32x32x16xf32>
    %slice3A_325 = vector.extract_strided_slice %concatenate3A_21 {offsets = [5120, 0], sizes = [1024, 16], strides = [1, 1]} : vector<8192x16xf32> to vector<1024x16xf32>
    %reshape3A_326 = vector.shape_cast %slice3A_325 : vector<1024x16xf32> to vector<32x32x16xf32>
    %slice3A_327 = vector.extract_strided_slice %get3A_13 {offsets = [160, 0], sizes = [32, 32], strides = [1, 1]} : vector<256x32xi32> to vector<32x32xi32>
    %slice3A_328 = vector.extract_strided_slice %concatenate3A_24 {offsets = [160, 0], sizes = [32, 32], strides = [1, 1]} : vector<256x32xi32> to vector<32x32xi32>
    %concatenate3A_329 = tpu.concatenate %reshape3A_320, %reshape3A_322 in 1 : vector<32x32x16xf32>, vector<32x32x16xf32> -> vector<32x64x16xf32>
    %concatenate3A_330 = tpu.concatenate %reshape3A_324, %reshape3A_326 in 1 : vector<32x32x16xf32>, vector<32x32x16xf32> -> vector<32x64x16xf32>
    %concatenate3A_331 = tpu.concatenate %slice3A_327, %slice3A_328 in 1 : vector<32x32xi32>, vector<32x32xi32> -> vector<32x64xi32>
    %convert_element_type3A_332 = arith.truncf %reshape3A_318 : vector<32x32x16xf32> to vector<32x32x16xbf16>
    %convert_element_type3A_333 = arith.truncf %concatenate3A_329 : vector<32x64x16xf32> to vector<32x64x16xbf16>
    %dot_general3A_334 = arith.constant dense<0.000000e+00> : vector<32x32x64xf32>
    %dot_general3A_335 = tpu.matmul %convert_element_type3A_332, %convert_element_type3A_333, %dot_general3A_334 {dimension_numbers = #tpu.dot_dimension_numbers<[2], [2], [1], [1], [0, 0, 0, 1, 1, 1], [0], [0]>, transpose_lhs_hint = false} : vector<32x32x16xbf16>, vector<32x64x16xbf16>, vector<32x32x64xf32> -> vector<32x32x64xf32>
    %mul3A_336 = arith.constant 2.500000e-01 : f32
    %mul3A_337 = vector.broadcast %mul3A_336 : f32 to vector<32x32x64xf32>
    %mul3A_338 = arith.mulf %dot_general3A_335, %mul3A_337 : vector<32x32x64xf32>
    %broadcast_in_dim3A_339 = vector.shape_cast %slice3A_327 : vector<32x32xi32> to vector<32x32x1xi32>
    %broadcast_in_dim3A_340 = vector.shape_cast %concatenate3A_331 : vector<32x64xi32> to vector<32x1x64xi32>
    %eq3A_341 = vector.broadcast %broadcast_in_dim3A_339 : vector<32x32x1xi32> to vector<32x32x64xi32>
    %eq3A_342 = vector.broadcast %broadcast_in_dim3A_340 : vector<32x1x64xi32> to vector<32x32x64xi32>
    %eq3A_343 = arith.cmpi eq, %eq3A_341, %eq3A_342 : vector<32x32x64xi32>
    %jit3A_344 = arith.constant -5.000000e+04 : f32
    %broadcast_in_dim3A_345 = vector.broadcast %jit3A_344 : f32 to vector<32x32x64xf32>
    %select_n3A_346 = arith.select %eq3A_343, %broadcast_in_dim3A_345, %mul3A_338 : vector<32x32x64xi1>, vector<32x32x64xf32>
    %reduce_max3A_347 = arith.constant dense<0xFF800000> : vector<32x32xf32>
    %reduce_max3A_348 = vector.multi_reduction <maximumf>, %select_n3A_346, %reduce_max3A_347 [2] : vector<32x32x64xf32> to vector<32x32xf32>
    %broadcast_in_dim3A_349 = vector.shape_cast %reduce_max3A_348 : vector<32x32xf32> to vector<32x32x1xf32>
    %sub3A_350 = vector.broadcast %broadcast_in_dim3A_349 : vector<32x32x1xf32> to vector<32x32x64xf32>
    %sub3A_351 = arith.subf %select_n3A_346, %sub3A_350 : vector<32x32x64xf32>
    %exp3A_352 = math.exp %sub3A_351 : vector<32x32x64xf32>
    %reduce_sum3A_353 = arith.constant dense<0.000000e+00> : vector<32x32xf32>
    %reduce_sum3A_354 = vector.multi_reduction <add>, %exp3A_352, %reduce_sum3A_353 [2] : vector<32x32x64xf32> to vector<32x32xf32>
    %broadcast_in_dim3A_355 = vector.shape_cast %reduce_sum3A_354 : vector<32x32xf32> to vector<32x32x1xf32>
    %log3A_356 = math.log %broadcast_in_dim3A_355 : vector<32x32x1xf32>
    %add3A_357 = arith.addf %broadcast_in_dim3A_349, %log3A_356 : vector<32x32x1xf32>
    %div3A_358 = vector.broadcast %broadcast_in_dim3A_355 : vector<32x32x1xf32> to vector<32x32x64xf32>
    %div3A_359 = arith.divf %exp3A_352, %div3A_358 : vector<32x32x64xf32>
    %convert_element_type3A_360 = arith.truncf %div3A_359 : vector<32x32x64xf32> to vector<32x32x64xbf16>
    %convert_element_type3A_361 = arith.truncf %concatenate3A_330 : vector<32x64x16xf32> to vector<32x64x16xbf16>
    %dot_general3A_362 = arith.constant dense<0.000000e+00> : vector<32x32x16xf32>
    %dot_general3A_363 = tpu.matmul %convert_element_type3A_360, %convert_element_type3A_361, %dot_general3A_362 {dimension_numbers = #tpu.dot_dimension_numbers<[2], [1], [1], [2], [0, 0, 0, 1, 1, 2], [0], [0]>, transpose_lhs_hint = false} : vector<32x32x64xbf16>, vector<32x64x16xbf16>, vector<32x32x16xf32> -> vector<32x32x16xf32>
    %reshape3A_364 = vector.shape_cast %dot_general3A_363 : vector<32x32x16xf32> to vector<1024x16xf32>
    %swap3A_365 = arith.constant 0 : index
    %swap3A_366 = arith.constant 5120 : index
    %swap3A_367 = arith.constant 0 : index
    %swap3A_368 = vector.load %arg4[%swap3A_365, %swap3A_366, %swap3A_367] : memref<1x8192x16xf32, #tpu.memory_space<vmem>>, vector<1x1024x16xf32>
    %swap3A_369 = vector.shape_cast %swap3A_368 : vector<1x1024x16xf32> to vector<1024x16xf32>
    %swap3A_370 = vector.shape_cast %reshape3A_364 : vector<1024x16xf32> to vector<1x1024x16xf32>
    tpu.vector_store %arg4[%swap3A_365, %swap3A_366, %swap3A_367], %swap3A_370 {strides = array<i32>} : memref<1x8192x16xf32, #tpu.memory_space<vmem>>, vector<1x1024x16xf32>,
    %squeeze3A_371 = vector.shape_cast %add3A_357 : vector<32x32x1xf32> to vector<32x32xf32>
    %swap3A_372 = arith.constant 0 : index
    %swap3A_373 = arith.constant 160 : index
    %swap3A_374 = arith.constant 0 : index
    %swap3A_375 = vector.load %arg5[%swap3A_372, %swap3A_373, %swap3A_374] : memref<1x256x32xf32, #tpu.memory_space<vmem>>, vector<1x32x32xf32>
    %swap3A_376 = vector.shape_cast %swap3A_375 : vector<1x32x32xf32> to vector<32x32xf32>
    %swap3A_377 = vector.shape_cast %squeeze3A_371 : vector<32x32xf32> to vector<1x32x32xf32>
    tpu.vector_store %arg5[%swap3A_372, %swap3A_373, %swap3A_374], %swap3A_377 {strides = array<i32>} : memref<1x256x32xf32, #tpu.memory_space<vmem>>, vector<1x32x32xf32>,
    %slice3A_378 = vector.extract_strided_slice %get3A_3 {offsets = [6144, 0], sizes = [1024, 16], strides = [1, 1]} : vector<8192x16xf32> to vector<1024x16xf32>
    %reshape3A_379 = vector.shape_cast %slice3A_378 : vector<1024x16xf32> to vector<32x32x16xf32>
    %slice3A_380 = vector.extract_strided_slice %div3A_17 {offsets = [6144, 0], sizes = [1024, 16], strides = [1, 1]} : vector<8192x16xf32> to vector<1024x16xf32>
    %reshape3A_381 = vector.shape_cast %slice3A_380 : vector<1024x16xf32> to vector<32x32x16xf32>
    %slice3A_382 = vector.extract_strided_slice %concatenate3A {offsets = [6144, 0], sizes = [1024, 16], strides = [1, 1]} : vector<8192x16xf32> to vector<1024x16xf32>
    %reshape3A_383 = vector.shape_cast %slice3A_382 : vector<1024x16xf32> to vector<32x32x16xf32>
    %slice3A_384 = vector.extract_strided_slice %get3A_8 {offsets = [6144, 0], sizes = [1024, 16], strides = [1, 1]} : vector<8192x16xf32> to vector<1024x16xf32>
    %reshape3A_385 = vector.shape_cast %slice3A_384 : vector<1024x16xf32> to vector<32x32x16xf32>
    %slice3A_386 = vector.extract_strided_slice %concatenate3A_21 {offsets = [6144, 0], sizes = [1024, 16], strides = [1, 1]} : vector<8192x16xf32> to vector<1024x16xf32>
    %reshape3A_387 = vector.shape_cast %slice3A_386 : vector<1024x16xf32> to vector<32x32x16xf32>
    %slice3A_388 = vector.extract_strided_slice %get3A_13 {offsets = [192, 0], sizes = [32, 32], strides = [1, 1]} : vector<256x32xi32> to vector<32x32xi32>
    %slice3A_389 = vector.extract_strided_slice %concatenate3A_24 {offsets = [192, 0], sizes = [32, 32], strides = [1, 1]} : vector<256x32xi32> to vector<32x32xi32>
    %concatenate3A_390 = tpu.concatenate %reshape3A_381, %reshape3A_383 in 1 : vector<32x32x16xf32>, vector<32x32x16xf32> -> vector<32x64x16xf32>
    %concatenate3A_391 = tpu.concatenate %reshape3A_385, %reshape3A_387 in 1 : vector<32x32x16xf32>, vector<32x32x16xf32> -> vector<32x64x16xf32>
    %concatenate3A_392 = tpu.concatenate %slice3A_388, %slice3A_389 in 1 : vector<32x32xi32>, vector<32x32xi32> -> vector<32x64xi32>
    %convert_element_type3A_393 = arith.truncf %reshape3A_379 : vector<32x32x16xf32> to vector<32x32x16xbf16>
    %convert_element_type3A_394 = arith.truncf %concatenate3A_390 : vector<32x64x16xf32> to vector<32x64x16xbf16>
    %dot_general3A_395 = arith.constant dense<0.000000e+00> : vector<32x32x64xf32>
    %dot_general3A_396 = tpu.matmul %convert_element_type3A_393, %convert_element_type3A_394, %dot_general3A_395 {dimension_numbers = #tpu.dot_dimension_numbers<[2], [2], [1], [1], [0, 0, 0, 1, 1, 1], [0], [0]>, transpose_lhs_hint = false} : vector<32x32x16xbf16>, vector<32x64x16xbf16>, vector<32x32x64xf32> -> vector<32x32x64xf32>
    %mul3A_397 = arith.constant 2.500000e-01 : f32
    %mul3A_398 = vector.broadcast %mul3A_397 : f32 to vector<32x32x64xf32>
    %mul3A_399 = arith.mulf %dot_general3A_396, %mul3A_398 : vector<32x32x64xf32>
    %broadcast_in_dim3A_400 = vector.shape_cast %slice3A_388 : vector<32x32xi32> to vector<32x32x1xi32>
    %broadcast_in_dim3A_401 = vector.shape_cast %concatenate3A_392 : vector<32x64xi32> to vector<32x1x64xi32>
    %eq3A_402 = vector.broadcast %broadcast_in_dim3A_400 : vector<32x32x1xi32> to vector<32x32x64xi32>
    %eq3A_403 = vector.broadcast %broadcast_in_dim3A_401 : vector<32x1x64xi32> to vector<32x32x64xi32>
    %eq3A_404 = arith.cmpi eq, %eq3A_402, %eq3A_403 : vector<32x32x64xi32>
    %jit3A_405 = arith.constant -5.000000e+04 : f32
    %broadcast_in_dim3A_406 = vector.broadcast %jit3A_405 : f32 to vector<32x32x64xf32>
    %select_n3A_407 = arith.select %eq3A_404, %broadcast_in_dim3A_406, %mul3A_399 : vector<32x32x64xi1>, vector<32x32x64xf32>
    %reduce_max3A_408 = arith.constant dense<0xFF800000> : vector<32x32xf32>
    %reduce_max3A_409 = vector.multi_reduction <maximumf>, %select_n3A_407, %reduce_max3A_408 [2] : vector<32x32x64xf32> to vector<32x32xf32>
    %broadcast_in_dim3A_410 = vector.shape_cast %reduce_max3A_409 : vector<32x32xf32> to vector<32x32x1xf32>
    %sub3A_411 = vector.broadcast %broadcast_in_dim3A_410 : vector<32x32x1xf32> to vector<32x32x64xf32>
    %sub3A_412 = arith.subf %select_n3A_407, %sub3A_411 : vector<32x32x64xf32>
    %exp3A_413 = math.exp %sub3A_412 : vector<32x32x64xf32>
    %reduce_sum3A_414 = arith.constant dense<0.000000e+00> : vector<32x32xf32>
    %reduce_sum3A_415 = vector.multi_reduction <add>, %exp3A_413, %reduce_sum3A_414 [2] : vector<32x32x64xf32> to vector<32x32xf32>
    %broadcast_in_dim3A_416 = vector.shape_cast %reduce_sum3A_415 : vector<32x32xf32> to vector<32x32x1xf32>
    %log3A_417 = math.log %broadcast_in_dim3A_416 : vector<32x32x1xf32>
    %add3A_418 = arith.addf %broadcast_in_dim3A_410, %log3A_417 : vector<32x32x1xf32>
    %div3A_419 = vector.broadcast %broadcast_in_dim3A_416 : vector<32x32x1xf32> to vector<32x32x64xf32>
    %div3A_420 = arith.divf %exp3A_413, %div3A_419 : vector<32x32x64xf32>
    %convert_element_type3A_421 = arith.truncf %div3A_420 : vector<32x32x64xf32> to vector<32x32x64xbf16>
    %convert_element_type3A_422 = arith.truncf %concatenate3A_391 : vector<32x64x16xf32> to vector<32x64x16xbf16>
    %dot_general3A_423 = arith.constant dense<0.000000e+00> : vector<32x32x16xf32>
    %dot_general3A_424 = tpu.matmul %convert_element_type3A_421, %convert_element_type3A_422, %dot_general3A_423 {dimension_numbers = #tpu.dot_dimension_numbers<[2], [1], [1], [2], [0, 0, 0, 1, 1, 2], [0], [0]>, transpose_lhs_hint = false} : vector<32x32x64xbf16>, vector<32x64x16xbf16>, vector<32x32x16xf32> -> vector<32x32x16xf32>
    %reshape3A_425 = vector.shape_cast %dot_general3A_424 : vector<32x32x16xf32> to vector<1024x16xf32>
    %swap3A_426 = arith.constant 0 : index
    %swap3A_427 = arith.constant 6144 : index
    %swap3A_428 = arith.constant 0 : index
    %swap3A_429 = vector.load %arg4[%swap3A_426, %swap3A_427, %swap3A_428] : memref<1x8192x16xf32, #tpu.memory_space<vmem>>, vector<1x1024x16xf32>
    %swap3A_430 = vector.shape_cast %swap3A_429 : vector<1x1024x16xf32> to vector<1024x16xf32>
    %swap3A_431 = vector.shape_cast %reshape3A_425 : vector<1024x16xf32> to vector<1x1024x16xf32>
    tpu.vector_store %arg4[%swap3A_426, %swap3A_427, %swap3A_428], %swap3A_431 {strides = array<i32>} : memref<1x8192x16xf32, #tpu.memory_space<vmem>>, vector<1x1024x16xf32>,
    %squeeze3A_432 = vector.shape_cast %add3A_418 : vector<32x32x1xf32> to vector<32x32xf32>
    %swap3A_433 = arith.constant 0 : index
    %swap3A_434 = arith.constant 192 : index
    %swap3A_435 = arith.constant 0 : index
    %swap3A_436 = vector.load %arg5[%swap3A_433, %swap3A_434, %swap3A_435] : memref<1x256x32xf32, #tpu.memory_space<vmem>>, vector<1x32x32xf32>
    %swap3A_437 = vector.shape_cast %swap3A_436 : vector<1x32x32xf32> to vector<32x32xf32>
    %swap3A_438 = vector.shape_cast %squeeze3A_432 : vector<32x32xf32> to vector<1x32x32xf32>
    tpu.vector_store %arg5[%swap3A_433, %swap3A_434, %swap3A_435], %swap3A_438 {strides = array<i32>} : memref<1x256x32xf32, #tpu.memory_space<vmem>>, vector<1x32x32xf32>,
    %slice3A_439 = vector.extract_strided_slice %get3A_3 {offsets = [7168, 0], sizes = [1024, 16], strides = [1, 1]} : vector<8192x16xf32> to vector<1024x16xf32>
    %reshape3A_440 = vector.shape_cast %slice3A_439 : vector<1024x16xf32> to vector<32x32x16xf32>
    %slice3A_441 = vector.extract_strided_slice %div3A_17 {offsets = [7168, 0], sizes = [1024, 16], strides = [1, 1]} : vector<8192x16xf32> to vector<1024x16xf32>
    %reshape3A_442 = vector.shape_cast %slice3A_441 : vector<1024x16xf32> to vector<32x32x16xf32>
    %slice3A_443 = vector.extract_strided_slice %concatenate3A {offsets = [7168, 0], sizes = [1024, 16], strides = [1, 1]} : vector<8192x16xf32> to vector<1024x16xf32>
    %reshape3A_444 = vector.shape_cast %slice3A_443 : vector<1024x16xf32> to vector<32x32x16xf32>
    %slice3A_445 = vector.extract_strided_slice %get3A_8 {offsets = [7168, 0], sizes = [1024, 16], strides = [1, 1]} : vector<8192x16xf32> to vector<1024x16xf32>
    %reshape3A_446 = vector.shape_cast %slice3A_445 : vector<1024x16xf32> to vector<32x32x16xf32>
    %slice3A_447 = vector.extract_strided_slice %concatenate3A_21 {offsets = [7168, 0], sizes = [1024, 16], strides = [1, 1]} : vector<8192x16xf32> to vector<1024x16xf32>
    %reshape3A_448 = vector.shape_cast %slice3A_447 : vector<1024x16xf32> to vector<32x32x16xf32>
    %slice3A_449 = vector.extract_strided_slice %get3A_13 {offsets = [224, 0], sizes = [32, 32], strides = [1, 1]} : vector<256x32xi32> to vector<32x32xi32>
    %slice3A_450 = vector.extract_strided_slice %concatenate3A_24 {offsets = [224, 0], sizes = [32, 32], strides = [1, 1]} : vector<256x32xi32> to vector<32x32xi32>
    %concatenate3A_451 = tpu.concatenate %reshape3A_442, %reshape3A_444 in 1 : vector<32x32x16xf32>, vector<32x32x16xf32> -> vector<32x64x16xf32>
    %concatenate3A_452 = tpu.concatenate %reshape3A_446, %reshape3A_448 in 1 : vector<32x32x16xf32>, vector<32x32x16xf32> -> vector<32x64x16xf32>
    %concatenate3A_453 = tpu.concatenate %slice3A_449, %slice3A_450 in 1 : vector<32x32xi32>, vector<32x32xi32> -> vector<32x64xi32>
    %convert_element_type3A_454 = arith.truncf %reshape3A_440 : vector<32x32x16xf32> to vector<32x32x16xbf16>
    %convert_element_type3A_455 = arith.truncf %concatenate3A_451 : vector<32x64x16xf32> to vector<32x64x16xbf16>
    %dot_general3A_456 = arith.constant dense<0.000000e+00> : vector<32x32x64xf32>
    %dot_general3A_457 = tpu.matmul %convert_element_type3A_454, %convert_element_type3A_455, %dot_general3A_456 {dimension_numbers = #tpu.dot_dimension_numbers<[2], [2], [1], [1], [0, 0, 0, 1, 1, 1], [0], [0]>, transpose_lhs_hint = false} : vector<32x32x16xbf16>, vector<32x64x16xbf16>, vector<32x32x64xf32> -> vector<32x32x64xf32>
    %mul3A_458 = arith.constant 2.500000e-01 : f32
    %mul3A_459 = vector.broadcast %mul3A_458 : f32 to vector<32x32x64xf32>
    %mul3A_460 = arith.mulf %dot_general3A_457, %mul3A_459 : vector<32x32x64xf32>
    %broadcast_in_dim3A_461 = vector.shape_cast %slice3A_449 : vector<32x32xi32> to vector<32x32x1xi32>
    %broadcast_in_dim3A_462 = vector.shape_cast %concatenate3A_453 : vector<32x64xi32> to vector<32x1x64xi32>
    %eq3A_463 = vector.broadcast %broadcast_in_dim3A_461 : vector<32x32x1xi32> to vector<32x32x64xi32>
    %eq3A_464 = vector.broadcast %broadcast_in_dim3A_462 : vector<32x1x64xi32> to vector<32x32x64xi32>
    %eq3A_465 = arith.cmpi eq, %eq3A_463, %eq3A_464 : vector<32x32x64xi32>
    %jit3A_466 = arith.constant -5.000000e+04 : f32
    %broadcast_in_dim3A_467 = vector.broadcast %jit3A_466 : f32 to vector<32x32x64xf32>
    %select_n3A_468 = arith.select %eq3A_465, %broadcast_in_dim3A_467, %mul3A_460 : vector<32x32x64xi1>, vector<32x32x64xf32>
    %reduce_max3A_469 = arith.constant dense<0xFF800000> : vector<32x32xf32>
    %reduce_max3A_470 = vector.multi_reduction <maximumf>, %select_n3A_468, %reduce_max3A_469 [2] : vector<32x32x64xf32> to vector<32x32xf32>
    %broadcast_in_dim3A_471 = vector.shape_cast %reduce_max3A_470 : vector<32x32xf32> to vector<32x32x1xf32>
    %sub3A_472 = vector.broadcast %broadcast_in_dim3A_471 : vector<32x32x1xf32> to vector<32x32x64xf32>
    %sub3A_473 = arith.subf %select_n3A_468, %sub3A_472 : vector<32x32x64xf32>
    %exp3A_474 = math.exp %sub3A_473 : vector<32x32x64xf32>
    %reduce_sum3A_475 = arith.constant dense<0.000000e+00> : vector<32x32xf32>
    %reduce_sum3A_476 = vector.multi_reduction <add>, %exp3A_474, %reduce_sum3A_475 [2] : vector<32x32x64xf32> to vector<32x32xf32>
    %broadcast_in_dim3A_477 = vector.shape_cast %reduce_sum3A_476 : vector<32x32xf32> to vector<32x32x1xf32>
    %log3A_478 = math.log %broadcast_in_dim3A_477 : vector<32x32x1xf32>
    %add3A_479 = arith.addf %broadcast_in_dim3A_471, %log3A_478 : vector<32x32x1xf32>
    %div3A_480 = vector.broadcast %broadcast_in_dim3A_477 : vector<32x32x1xf32> to vector<32x32x64xf32>
    %div3A_481 = arith.divf %exp3A_474, %div3A_480 : vector<32x32x64xf32>
    %convert_element_type3A_482 = arith.truncf %div3A_481 : vector<32x32x64xf32> to vector<32x32x64xbf16>
    %convert_element_type3A_483 = arith.truncf %concatenate3A_452 : vector<32x64x16xf32> to vector<32x64x16xbf16>
    %dot_general3A_484 = arith.constant dense<0.000000e+00> : vector<32x32x16xf32>
    %dot_general3A_485 = tpu.matmul %convert_element_type3A_482, %convert_element_type3A_483, %dot_general3A_484 {dimension_numbers = #tpu.dot_dimension_numbers<[2], [1], [1], [2], [0, 0, 0, 1, 1, 2], [0], [0]>, transpose_lhs_hint = false} : vector<32x32x64xbf16>, vector<32x64x16xbf16>, vector<32x32x16xf32> -> vector<32x32x16xf32>
    %reshape3A_486 = vector.shape_cast %dot_general3A_485 : vector<32x32x16xf32> to vector<1024x16xf32>
    %swap3A_487 = arith.constant 0 : index
    %swap3A_488 = arith.constant 7168 : index
    %swap3A_489 = arith.constant 0 : index
    %swap3A_490 = vector.load %arg4[%swap3A_487, %swap3A_488, %swap3A_489] : memref<1x8192x16xf32, #tpu.memory_space<vmem>>, vector<1x1024x16xf32>
    %swap3A_491 = vector.shape_cast %swap3A_490 : vector<1x1024x16xf32> to vector<1024x16xf32>
    %swap3A_492 = vector.shape_cast %reshape3A_486 : vector<1024x16xf32> to vector<1x1024x16xf32>
    tpu.vector_store %arg4[%swap3A_487, %swap3A_488, %swap3A_489], %swap3A_492 {strides = array<i32>} : memref<1x8192x16xf32, #tpu.memory_space<vmem>>, vector<1x1024x16xf32>,
    %squeeze3A_493 = vector.shape_cast %add3A_479 : vector<32x32x1xf32> to vector<32x32xf32>
    %swap3A_494 = arith.constant 0 : index
    %swap3A_495 = arith.constant 224 : index
    %swap3A_496 = arith.constant 0 : index
    %swap3A_497 = vector.load %arg5[%swap3A_494, %swap3A_495, %swap3A_496] : memref<1x256x32xf32, #tpu.memory_space<vmem>>, vector<1x32x32xf32>
    %swap3A_498 = vector.shape_cast %swap3A_497 : vector<1x32x32xf32> to vector<32x32xf32>
    %swap3A_499 = vector.shape_cast %squeeze3A_493 : vector<32x32xf32> to vector<1x32x32xf32>
    tpu.vector_store %arg5[%swap3A_494, %swap3A_495, %swap3A_496], %swap3A_499 {strides = array<i32>} : memref<1x256x32xf32, #tpu.memory_space<vmem>>, vector<1x32x32xf32>,
    return
  }
  func.func @transform_0(%arg0: i32) -> (i32, i32, i32) {
    %c0_i32 = arith.constant 0 : i32
    %c0_i32_0 = arith.constant 0 : i32
    %c0_i32_1 = arith.constant 0 : i32
    return %arg0, %c0_i32, %c0_i32_0 : i32, i32, i32
  }
  func.func @transform_1(%arg0: i32) -> (i32, i32, i32) {
    %c0_i32 = arith.constant 0 : i32
    %c0_i32_0 = arith.constant 0 : i32
    %c0_i32_1 = arith.constant 0 : i32
    return %arg0, %c0_i32, %c0_i32_0 : i32, i32, i32
  }
  func.func @transform_2(%arg0: i32) -> (i32, i32, i32) {
    %c0_i32 = arith.constant 0 : i32
    %c0_i32_0 = arith.constant 0 : i32
    %c0_i32_1 = arith.constant 0 : i32
    return %arg0, %c0_i32, %c0_i32_0 : i32, i32, i32
  }
  func.func @transform_3(%arg0: i32) -> (i32, i32, i32) {
    %c0_i32 = arith.constant 0 : i32
    %c0_i32_0 = arith.constant 0 : i32
    %c0_i32_1 = arith.constant 0 : i32
    return %arg0, %c0_i32, %c0_i32_0 : i32, i32, i32
  }
  func.func @transform_4(%arg0: i32) -> (i32, i32, i32) {
    %c0_i32 = arith.constant 0 : i32
    %c0_i32_0 = arith.constant 0 : i32
    %c0_i32_1 = arith.constant 0 : i32
    return %arg0, %c0_i32, %c0_i32_0 : i32, i32, i32
  }
}

module attributes {stable_mosaic.version = 14 : i64} {
  func.func @_combine_body(%arg0: i32, %arg1: i32, %arg2: memref<1x8x4x512x16xf32, #tpu.memory_space<vmem>>, %arg3: memref<1x8x4x512xf32, #tpu.memory_space<vmem>>, %arg4: memref<1x512x128xf32, #tpu.memory_space<vmem>>, %arg5: memref<128x128xf32, #tpu.memory_space<vmem>>, %arg6: memref<1x128xf32, #tpu.memory_space<vmem>>, %arg7: memref<1x128xf32, #tpu.memory_space<vmem>>, %arg8: memref<1x128xf32, #tpu.memory_space<vmem>>, %arg9: memref<1x128xf32, #tpu.memory_space<vmem>>, %arg10: memref<1x128xf32, #tpu.memory_space<vmem>>, %arg11: memref<128x128xf32, #tpu.memory_space<vmem>>, %arg12: memref<1x128xf32, #tpu.memory_space<vmem>>, %arg13: memref<128x128xf32, #tpu.memory_space<vmem>>, %arg14: memref<1x128xf32, #tpu.memory_space<vmem>>, %arg15: memref<1x512x128xf32, #tpu.memory_space<vmem>>) attributes {dimension_semantics = [#tpu.dimension_semantics<arbitrary>, #tpu.dimension_semantics<arbitrary>], iteration_bounds = array<i64: 8, 4>, scalar_prefetch = 0 : i64, scratch_operands = 0 : i64, tpu.core_type = #tpu.core_type<tc>, window_params = [{transform_indices = @transform_0, window_bounds = array<i64: 1, 8, 4, 512, 16>}, {transform_indices = @transform_1, window_bounds = array<i64: 1, 8, 4, 512>}, {transform_indices = @transform_2, window_bounds = array<i64: 1, 512, 128>}, {pipeline_mode = #tpu.pipeline_mode<synchronous>, transform_indices = @transform_3, window_bounds = array<i64: 128, 128>}, {pipeline_mode = #tpu.pipeline_mode<synchronous>, transform_indices = @transform_4, window_bounds = array<i64: 1, 128>}, {pipeline_mode = #tpu.pipeline_mode<synchronous>, transform_indices = @transform_5, window_bounds = array<i64: 1, 128>}, {pipeline_mode = #tpu.pipeline_mode<synchronous>, transform_indices = @transform_6, window_bounds = array<i64: 1, 128>}, {pipeline_mode = #tpu.pipeline_mode<synchronous>, transform_indices = @transform_7, window_bounds = array<i64: 1, 128>}, {pipeline_mode = #tpu.pipeline_mode<synchronous>, transform_indices = @transform_8, window_bounds = array<i64: 1, 128>}, {pipeline_mode = #tpu.pipeline_mode<synchronous>, transform_indices = @transform_9, window_bounds = array<i64: 128, 128>}, {pipeline_mode = #tpu.pipeline_mode<synchronous>, transform_indices = @transform_10, window_bounds = array<i64: 1, 128>}, {pipeline_mode = #tpu.pipeline_mode<synchronous>, transform_indices = @transform_11, window_bounds = array<i64: 128, 128>}, {pipeline_mode = #tpu.pipeline_mode<synchronous>, transform_indices = @transform_12, window_bounds = array<i64: 1, 128>}, {transform_indices = @transform_13, window_bounds = array<i64: 1, 512, 128>}]} {
    %get3A = arith.constant 0 : index
    %get3A_0 = arith.constant 0 : index
    %get3A_1 = arith.constant 0 : index
    %get3A_2 = arith.constant 0 : index
    %get3A_3 = vector.load %arg3[%get3A, %get3A_0, %get3A_1, %get3A_2] : memref<1x8x4x512xf32, #tpu.memory_space<vmem>>, vector<1x8x4x512xf32>
    %get3A_4 = vector.shape_cast %get3A_3 : vector<1x8x4x512xf32> to vector<8x4x512xf32>
    %get3A_5 = arith.constant 0 : index
    %get3A_6 = arith.constant 0 : index
    %get3A_7 = arith.constant 0 : index
    %get3A_8 = arith.constant 0 : index
    %get3A_9 = arith.constant 0 : index
    %get3A_10 = vector.load %arg2[%get3A_5, %get3A_6, %get3A_7, %get3A_8, %get3A_9] : memref<1x8x4x512x16xf32, #tpu.memory_space<vmem>>, vector<1x8x4x512x16xf32>
    %get3A_11 = vector.shape_cast %get3A_10 : vector<1x8x4x512x16xf32> to vector<8x4x512x16xf32>
    %reduce_max3A = arith.constant dense<0xFF800000> : vector<8x512xf32>
    %reduce_max3A_12 = vector.multi_reduction <maximumf>, %get3A_4, %reduce_max3A [1] : vector<8x4x512xf32> to vector<8x512xf32>
    %broadcast_in_dim3A = vector.shape_cast %reduce_max3A_12 : vector<8x512xf32> to vector<8x1x512xf32>
    %sub3A = vector.broadcast %broadcast_in_dim3A : vector<8x1x512xf32> to vector<8x4x512xf32>
    %sub3A_13 = arith.subf %get3A_4, %sub3A : vector<8x4x512xf32>
    %exp3A = math.exp %sub3A_13 : vector<8x4x512xf32>
    %reduce_sum3A = arith.constant dense<0.000000e+00> : vector<8x512xf32>
    %reduce_sum3A_14 = vector.multi_reduction <add>, %exp3A, %reduce_sum3A [1] : vector<8x4x512xf32> to vector<8x512xf32>
    %broadcast_in_dim3A_15 = vector.shape_cast %reduce_sum3A_14 : vector<8x512xf32> to vector<8x1x512xf32>
    %div3A = vector.broadcast %broadcast_in_dim3A_15 : vector<8x1x512xf32> to vector<8x4x512xf32>
    %div3A_16 = arith.divf %exp3A, %div3A : vector<8x4x512xf32>
    %broadcast_in_dim3A_17 = vector.shape_cast %div3A_16 : vector<8x4x512xf32> to vector<8x4x512x1xf32>
    %mul3A = vector.broadcast %broadcast_in_dim3A_17 : vector<8x4x512x1xf32> to vector<8x4x512x16xf32>
    %mul3A_18 = arith.mulf %get3A_11, %mul3A : vector<8x4x512x16xf32>
    %reduce_sum3A_19 = arith.constant dense<0.000000e+00> : vector<8x512x16xf32>
    %reduce_sum3A_20 = vector.multi_reduction <add>, %mul3A_18, %reduce_sum3A_19 [1] : vector<8x4x512x16xf32> to vector<8x512x16xf32>
    %get3A_21 = arith.constant 0 : index
    %get3A_22 = arith.constant 0 : index
    %get3A_23 = vector.load %arg5[%get3A_21, %get3A_22] : memref<128x128xf32, #tpu.memory_space<vmem>>, vector<128x128xf32>
    %broadcast_in_dim3A_24 = arith.constant 0.000000e+00 : f32
    %broadcast_in_dim3A_25 = vector.broadcast %broadcast_in_dim3A_24 : f32 to vector<512x128xf32>
    %slice3A = vector.extract_strided_slice %reduce_sum3A_20 {offsets = [0, 0, 0], sizes = [1, 512, 16], strides = [1, 1, 1]} : vector<8x512x16xf32> to vector<1x512x16xf32>
    %squeeze3A = vector.shape_cast %slice3A : vector<1x512x16xf32> to vector<512x16xf32>
    %slice3A_26 = vector.extract_strided_slice %get3A_23 {offsets = [0, 0], sizes = [16, 128], strides = [1, 1]} : vector<128x128xf32> to vector<16x128xf32>
    %convert_element_type3A = arith.truncf %squeeze3A : vector<512x16xf32> to vector<512x16xbf16>
    %convert_element_type3A_27 = arith.truncf %slice3A_26 : vector<16x128xf32> to vector<16x128xbf16>
    %dot_general3A = arith.constant dense<0.000000e+00> : vector<512x128xf32>
    %dot_general3A_28 = tpu.matmul %convert_element_type3A, %convert_element_type3A_27, %dot_general3A {dimension_numbers = #tpu.dot_dimension_numbers<[1], [0], [0], [1], [0, 0, 1, 1], [], []>, transpose_lhs_hint = false} : vector<512x16xbf16>, vector<16x128xbf16>, vector<512x128xf32> -> vector<512x128xf32>
    %add3A = arith.addf %broadcast_in_dim3A_25, %dot_general3A_28 : vector<512x128xf32>
    %slice3A_29 = vector.extract_strided_slice %reduce_sum3A_20 {offsets = [1, 0, 0], sizes = [1, 512, 16], strides = [1, 1, 1]} : vector<8x512x16xf32> to vector<1x512x16xf32>
    %squeeze3A_30 = vector.shape_cast %slice3A_29 : vector<1x512x16xf32> to vector<512x16xf32>
    %slice3A_31 = vector.extract_strided_slice %get3A_23 {offsets = [16, 0], sizes = [16, 128], strides = [1, 1]} : vector<128x128xf32> to vector<16x128xf32>
    %convert_element_type3A_32 = arith.truncf %squeeze3A_30 : vector<512x16xf32> to vector<512x16xbf16>
    %convert_element_type3A_33 = arith.truncf %slice3A_31 : vector<16x128xf32> to vector<16x128xbf16>
    %dot_general3A_34 = arith.constant dense<0.000000e+00> : vector<512x128xf32>
    %dot_general3A_35 = tpu.matmul %convert_element_type3A_32, %convert_element_type3A_33, %dot_general3A_34 {dimension_numbers = #tpu.dot_dimension_numbers<[1], [0], [0], [1], [0, 0, 1, 1], [], []>, transpose_lhs_hint = false} : vector<512x16xbf16>, vector<16x128xbf16>, vector<512x128xf32> -> vector<512x128xf32>
    %add3A_36 = arith.addf %add3A, %dot_general3A_35 : vector<512x128xf32>
    %slice3A_37 = vector.extract_strided_slice %reduce_sum3A_20 {offsets = [2, 0, 0], sizes = [1, 512, 16], strides = [1, 1, 1]} : vector<8x512x16xf32> to vector<1x512x16xf32>
    %squeeze3A_38 = vector.shape_cast %slice3A_37 : vector<1x512x16xf32> to vector<512x16xf32>
    %slice3A_39 = vector.extract_strided_slice %get3A_23 {offsets = [32, 0], sizes = [16, 128], strides = [1, 1]} : vector<128x128xf32> to vector<16x128xf32>
    %convert_element_type3A_40 = arith.truncf %squeeze3A_38 : vector<512x16xf32> to vector<512x16xbf16>
    %convert_element_type3A_41 = arith.truncf %slice3A_39 : vector<16x128xf32> to vector<16x128xbf16>
    %dot_general3A_42 = arith.constant dense<0.000000e+00> : vector<512x128xf32>
    %dot_general3A_43 = tpu.matmul %convert_element_type3A_40, %convert_element_type3A_41, %dot_general3A_42 {dimension_numbers = #tpu.dot_dimension_numbers<[1], [0], [0], [1], [0, 0, 1, 1], [], []>, transpose_lhs_hint = false} : vector<512x16xbf16>, vector<16x128xbf16>, vector<512x128xf32> -> vector<512x128xf32>
    %add3A_44 = arith.addf %add3A_36, %dot_general3A_43 : vector<512x128xf32>
    %slice3A_45 = vector.extract_strided_slice %reduce_sum3A_20 {offsets = [3, 0, 0], sizes = [1, 512, 16], strides = [1, 1, 1]} : vector<8x512x16xf32> to vector<1x512x16xf32>
    %squeeze3A_46 = vector.shape_cast %slice3A_45 : vector<1x512x16xf32> to vector<512x16xf32>
    %slice3A_47 = vector.extract_strided_slice %get3A_23 {offsets = [48, 0], sizes = [16, 128], strides = [1, 1]} : vector<128x128xf32> to vector<16x128xf32>
    %convert_element_type3A_48 = arith.truncf %squeeze3A_46 : vector<512x16xf32> to vector<512x16xbf16>
    %convert_element_type3A_49 = arith.truncf %slice3A_47 : vector<16x128xf32> to vector<16x128xbf16>
    %dot_general3A_50 = arith.constant dense<0.000000e+00> : vector<512x128xf32>
    %dot_general3A_51 = tpu.matmul %convert_element_type3A_48, %convert_element_type3A_49, %dot_general3A_50 {dimension_numbers = #tpu.dot_dimension_numbers<[1], [0], [0], [1], [0, 0, 1, 1], [], []>, transpose_lhs_hint = false} : vector<512x16xbf16>, vector<16x128xbf16>, vector<512x128xf32> -> vector<512x128xf32>
    %add3A_52 = arith.addf %add3A_44, %dot_general3A_51 : vector<512x128xf32>
    %slice3A_53 = vector.extract_strided_slice %reduce_sum3A_20 {offsets = [4, 0, 0], sizes = [1, 512, 16], strides = [1, 1, 1]} : vector<8x512x16xf32> to vector<1x512x16xf32>
    %squeeze3A_54 = vector.shape_cast %slice3A_53 : vector<1x512x16xf32> to vector<512x16xf32>
    %slice3A_55 = vector.extract_strided_slice %get3A_23 {offsets = [64, 0], sizes = [16, 128], strides = [1, 1]} : vector<128x128xf32> to vector<16x128xf32>
    %convert_element_type3A_56 = arith.truncf %squeeze3A_54 : vector<512x16xf32> to vector<512x16xbf16>
    %convert_element_type3A_57 = arith.truncf %slice3A_55 : vector<16x128xf32> to vector<16x128xbf16>
    %dot_general3A_58 = arith.constant dense<0.000000e+00> : vector<512x128xf32>
    %dot_general3A_59 = tpu.matmul %convert_element_type3A_56, %convert_element_type3A_57, %dot_general3A_58 {dimension_numbers = #tpu.dot_dimension_numbers<[1], [0], [0], [1], [0, 0, 1, 1], [], []>, transpose_lhs_hint = false} : vector<512x16xbf16>, vector<16x128xbf16>, vector<512x128xf32> -> vector<512x128xf32>
    %add3A_60 = arith.addf %add3A_52, %dot_general3A_59 : vector<512x128xf32>
    %slice3A_61 = vector.extract_strided_slice %reduce_sum3A_20 {offsets = [5, 0, 0], sizes = [1, 512, 16], strides = [1, 1, 1]} : vector<8x512x16xf32> to vector<1x512x16xf32>
    %squeeze3A_62 = vector.shape_cast %slice3A_61 : vector<1x512x16xf32> to vector<512x16xf32>
    %slice3A_63 = vector.extract_strided_slice %get3A_23 {offsets = [80, 0], sizes = [16, 128], strides = [1, 1]} : vector<128x128xf32> to vector<16x128xf32>
    %convert_element_type3A_64 = arith.truncf %squeeze3A_62 : vector<512x16xf32> to vector<512x16xbf16>
    %convert_element_type3A_65 = arith.truncf %slice3A_63 : vector<16x128xf32> to vector<16x128xbf16>
    %dot_general3A_66 = arith.constant dense<0.000000e+00> : vector<512x128xf32>
    %dot_general3A_67 = tpu.matmul %convert_element_type3A_64, %convert_element_type3A_65, %dot_general3A_66 {dimension_numbers = #tpu.dot_dimension_numbers<[1], [0], [0], [1], [0, 0, 1, 1], [], []>, transpose_lhs_hint = false} : vector<512x16xbf16>, vector<16x128xbf16>, vector<512x128xf32> -> vector<512x128xf32>
    %add3A_68 = arith.addf %add3A_60, %dot_general3A_67 : vector<512x128xf32>
    %slice3A_69 = vector.extract_strided_slice %reduce_sum3A_20 {offsets = [6, 0, 0], sizes = [1, 512, 16], strides = [1, 1, 1]} : vector<8x512x16xf32> to vector<1x512x16xf32>
    %squeeze3A_70 = vector.shape_cast %slice3A_69 : vector<1x512x16xf32> to vector<512x16xf32>
    %slice3A_71 = vector.extract_strided_slice %get3A_23 {offsets = [96, 0], sizes = [16, 128], strides = [1, 1]} : vector<128x128xf32> to vector<16x128xf32>
    %convert_element_type3A_72 = arith.truncf %squeeze3A_70 : vector<512x16xf32> to vector<512x16xbf16>
    %convert_element_type3A_73 = arith.truncf %slice3A_71 : vector<16x128xf32> to vector<16x128xbf16>
    %dot_general3A_74 = arith.constant dense<0.000000e+00> : vector<512x128xf32>
    %dot_general3A_75 = tpu.matmul %convert_element_type3A_72, %convert_element_type3A_73, %dot_general3A_74 {dimension_numbers = #tpu.dot_dimension_numbers<[1], [0], [0], [1], [0, 0, 1, 1], [], []>, transpose_lhs_hint = false} : vector<512x16xbf16>, vector<16x128xbf16>, vector<512x128xf32> -> vector<512x128xf32>
    %add3A_76 = arith.addf %add3A_68, %dot_general3A_75 : vector<512x128xf32>
    %slice3A_77 = vector.extract_strided_slice %reduce_sum3A_20 {offsets = [7, 0, 0], sizes = [1, 512, 16], strides = [1, 1, 1]} : vector<8x512x16xf32> to vector<1x512x16xf32>
    %squeeze3A_78 = vector.shape_cast %slice3A_77 : vector<1x512x16xf32> to vector<512x16xf32>
    %slice3A_79 = vector.extract_strided_slice %get3A_23 {offsets = [112, 0], sizes = [16, 128], strides = [1, 1]} : vector<128x128xf32> to vector<16x128xf32>
    %convert_element_type3A_80 = arith.truncf %squeeze3A_78 : vector<512x16xf32> to vector<512x16xbf16>
    %convert_element_type3A_81 = arith.truncf %slice3A_79 : vector<16x128xf32> to vector<16x128xbf16>
    %dot_general3A_82 = arith.constant dense<0.000000e+00> : vector<512x128xf32>
    %dot_general3A_83 = tpu.matmul %convert_element_type3A_80, %convert_element_type3A_81, %dot_general3A_82 {dimension_numbers = #tpu.dot_dimension_numbers<[1], [0], [0], [1], [0, 0, 1, 1], [], []>, transpose_lhs_hint = false} : vector<512x16xbf16>, vector<16x128xbf16>, vector<512x128xf32> -> vector<512x128xf32>
    %add3A_84 = arith.addf %add3A_76, %dot_general3A_83 : vector<512x128xf32>
    %get3A_85 = arith.constant 0 : index
    %get3A_86 = arith.constant 0 : index
    %get3A_87 = arith.constant 0 : index
    %get3A_88 = vector.load %arg4[%get3A_85, %get3A_86, %get3A_87] : memref<1x512x128xf32, #tpu.memory_space<vmem>>, vector<1x512x128xf32>
    %get3A_89 = vector.shape_cast %get3A_88 : vector<1x512x128xf32> to vector<512x128xf32>
    %add3A_90 = arith.addf %get3A_89, %add3A_84 : vector<512x128xf32>
    %get3A_91 = arith.constant 0 : index
    %get3A_92 = arith.constant 0 : index
    %get3A_93 = vector.load %arg6[%get3A_91, %get3A_92] : memref<1x128xf32, #tpu.memory_space<vmem>>, vector<1x128xf32>
    %add3A_94 = vector.broadcast %get3A_93 : vector<1x128xf32> to vector<512x128xf32>
    %add3A_95 = arith.addf %add3A_90, %add3A_94 : vector<512x128xf32>
    %reduce_sum3A_96 = arith.constant dense<0.000000e+00> : vector<512xf32>
    %reduce_sum3A_97 = vector.multi_reduction <add>, %add3A_95, %reduce_sum3A_96 [1] : vector<512x128xf32> to vector<512xf32>
    %broadcast_in_dim3A_98 = vector.shape_cast %reduce_sum3A_97 : vector<512xf32> to vector<512x1xf32>
    %div3A_99 = arith.constant 1.280000e+02 : f32
    %div3A_100 = vector.broadcast %div3A_99 : f32 to vector<512x1xf32>
    %div3A_101 = arith.divf %broadcast_in_dim3A_98, %div3A_100 : vector<512x1xf32>
    %sub3A_102 = vector.broadcast %div3A_101 : vector<512x1xf32> to vector<512x128xf32>
    %sub3A_103 = arith.subf %add3A_95, %sub3A_102 : vector<512x128xf32>
    %integer_pow3A = arith.mulf %sub3A_103, %sub3A_103 : vector<512x128xf32>
    %reduce_sum3A_104 = arith.constant dense<0.000000e+00> : vector<512xf32>
    %reduce_sum3A_105 = vector.multi_reduction <add>, %integer_pow3A, %reduce_sum3A_104 [1] : vector<512x128xf32> to vector<512xf32>
    %broadcast_in_dim3A_106 = vector.shape_cast %reduce_sum3A_105 : vector<512xf32> to vector<512x1xf32>
    %div3A_107 = arith.constant 1.280000e+02 : f32
    %div3A_108 = vector.broadcast %div3A_107 : f32 to vector<512x1xf32>
    %div3A_109 = arith.divf %broadcast_in_dim3A_106, %div3A_108 : vector<512x1xf32>
    %sub3A_110 = vector.broadcast %div3A_101 : vector<512x1xf32> to vector<512x128xf32>
    %sub3A_111 = arith.subf %add3A_95, %sub3A_110 : vector<512x128xf32>
    %add3A_112 = arith.constant 9.99999974E-6 : f32
    %add3A_113 = vector.broadcast %add3A_112 : f32 to vector<512x1xf32>
    %add3A_114 = arith.addf %div3A_109, %add3A_113 : vector<512x1xf32>
    %sqrt3A = math.sqrt %add3A_114 : vector<512x1xf32>
    %div3A_115 = vector.broadcast %sqrt3A : vector<512x1xf32> to vector<512x128xf32>
    %div3A_116 = arith.divf %sub3A_111, %div3A_115 : vector<512x128xf32>
    %get3A_117 = arith.constant 0 : index
    %get3A_118 = arith.constant 0 : index
    %get3A_119 = vector.load %arg7[%get3A_117, %get3A_118] : memref<1x128xf32, #tpu.memory_space<vmem>>, vector<1x128xf32>
    %mul3A_120 = vector.broadcast %get3A_119 : vector<1x128xf32> to vector<512x128xf32>
    %mul3A_121 = arith.mulf %div3A_116, %mul3A_120 : vector<512x128xf32>
    %get3A_122 = arith.constant 0 : index
    %get3A_123 = arith.constant 0 : index
    %get3A_124 = vector.load %arg8[%get3A_122, %get3A_123] : memref<1x128xf32, #tpu.memory_space<vmem>>, vector<1x128xf32>
    %add3A_125 = vector.broadcast %get3A_124 : vector<1x128xf32> to vector<512x128xf32>
    %add3A_126 = arith.addf %mul3A_121, %add3A_125 : vector<512x128xf32>
    %get3A_127 = arith.constant 0 : index
    %get3A_128 = arith.constant 0 : index
    %get3A_129 = vector.load %arg11[%get3A_127, %get3A_128] : memref<128x128xf32, #tpu.memory_space<vmem>>, vector<128x128xf32>
    %convert_element_type3A_130 = arith.truncf %add3A_126 : vector<512x128xf32> to vector<512x128xbf16>
    %convert_element_type3A_131 = arith.truncf %get3A_129 : vector<128x128xf32> to vector<128x128xbf16>
    %dot_general3A_132 = arith.constant dense<0.000000e+00> : vector<512x128xf32>
    %dot_general3A_133 = tpu.matmul %convert_element_type3A_130, %convert_element_type3A_131, %dot_general3A_132 {dimension_numbers = #tpu.dot_dimension_numbers<[1], [0], [0], [1], [0, 0, 1, 1], [], []>, transpose_lhs_hint = false} : vector<512x128xbf16>, vector<128x128xbf16>, vector<512x128xf32> -> vector<512x128xf32>
    %get3A_134 = arith.constant 0 : index
    %get3A_135 = arith.constant 0 : index
    %get3A_136 = vector.load %arg12[%get3A_134, %get3A_135] : memref<1x128xf32, #tpu.memory_space<vmem>>, vector<1x128xf32>
    %add3A_137 = vector.broadcast %get3A_136 : vector<1x128xf32> to vector<512x128xf32>
    %add3A_138 = arith.addf %dot_general3A_133, %add3A_137 : vector<512x128xf32>
    %mul3A_139 = arith.constant 5.000000e-01 : f32
    %mul3A_140 = vector.broadcast %mul3A_139 : f32 to vector<512x128xf32>
    %mul3A_141 = arith.mulf %mul3A_140, %add3A_138 : vector<512x128xf32>
    %mul3A_142 = arith.constant 0.707106769 : f32
    %mul3A_143 = vector.broadcast %mul3A_142 : f32 to vector<512x128xf32>
    %mul3A_144 = arith.mulf %add3A_138, %mul3A_143 : vector<512x128xf32>
    %erf3A = math.erf %mul3A_144 : vector<512x128xf32>
    %add3A_145 = arith.constant 1.000000e+00 : f32
    %add3A_146 = vector.broadcast %add3A_145 : f32 to vector<512x128xf32>
    %add3A_147 = arith.addf %add3A_146, %erf3A : vector<512x128xf32>
    %mul3A_148 = arith.mulf %mul3A_141, %add3A_147 : vector<512x128xf32>
    %get3A_149 = arith.constant 0 : index
    %get3A_150 = arith.constant 0 : index
    %get3A_151 = vector.load %arg13[%get3A_149, %get3A_150] : memref<128x128xf32, #tpu.memory_space<vmem>>, vector<128x128xf32>
    %convert_element_type3A_152 = arith.truncf %mul3A_148 : vector<512x128xf32> to vector<512x128xbf16>
    %convert_element_type3A_153 = arith.truncf %get3A_151 : vector<128x128xf32> to vector<128x128xbf16>
    %dot_general3A_154 = arith.constant dense<0.000000e+00> : vector<512x128xf32>
    %dot_general3A_155 = tpu.matmul %convert_element_type3A_152, %convert_element_type3A_153, %dot_general3A_154 {dimension_numbers = #tpu.dot_dimension_numbers<[1], [0], [0], [1], [0, 0, 1, 1], [], []>, transpose_lhs_hint = false} : vector<512x128xbf16>, vector<128x128xbf16>, vector<512x128xf32> -> vector<512x128xf32>
    %get3A_156 = arith.constant 0 : index
    %get3A_157 = arith.constant 0 : index
    %get3A_158 = vector.load %arg14[%get3A_156, %get3A_157] : memref<1x128xf32, #tpu.memory_space<vmem>>, vector<1x128xf32>
    %add3A_159 = vector.broadcast %get3A_158 : vector<1x128xf32> to vector<512x128xf32>
    %add3A_160 = arith.addf %dot_general3A_155, %add3A_159 : vector<512x128xf32>
    %add3A_161 = arith.addf %add3A_126, %add3A_160 : vector<512x128xf32>
    %reduce_sum3A_162 = arith.constant dense<0.000000e+00> : vector<512xf32>
    %reduce_sum3A_163 = vector.multi_reduction <add>, %add3A_161, %reduce_sum3A_162 [1] : vector<512x128xf32> to vector<512xf32>
    %broadcast_in_dim3A_164 = vector.shape_cast %reduce_sum3A_163 : vector<512xf32> to vector<512x1xf32>
    %div3A_165 = arith.constant 1.280000e+02 : f32
    %div3A_166 = vector.broadcast %div3A_165 : f32 to vector<512x1xf32>
    %div3A_167 = arith.divf %broadcast_in_dim3A_164, %div3A_166 : vector<512x1xf32>
    %sub3A_168 = vector.broadcast %div3A_167 : vector<512x1xf32> to vector<512x128xf32>
    %sub3A_169 = arith.subf %add3A_161, %sub3A_168 : vector<512x128xf32>
    %integer_pow3A_170 = arith.mulf %sub3A_169, %sub3A_169 : vector<512x128xf32>
    %reduce_sum3A_171 = arith.constant dense<0.000000e+00> : vector<512xf32>
    %reduce_sum3A_172 = vector.multi_reduction <add>, %integer_pow3A_170, %reduce_sum3A_171 [1] : vector<512x128xf32> to vector<512xf32>
    %broadcast_in_dim3A_173 = vector.shape_cast %reduce_sum3A_172 : vector<512xf32> to vector<512x1xf32>
    %div3A_174 = arith.constant 1.280000e+02 : f32
    %div3A_175 = vector.broadcast %div3A_174 : f32 to vector<512x1xf32>
    %div3A_176 = arith.divf %broadcast_in_dim3A_173, %div3A_175 : vector<512x1xf32>
    %sub3A_177 = vector.broadcast %div3A_167 : vector<512x1xf32> to vector<512x128xf32>
    %sub3A_178 = arith.subf %add3A_161, %sub3A_177 : vector<512x128xf32>
    %add3A_179 = arith.constant 9.99999974E-6 : f32
    %add3A_180 = vector.broadcast %add3A_179 : f32 to vector<512x1xf32>
    %add3A_181 = arith.addf %div3A_176, %add3A_180 : vector<512x1xf32>
    %sqrt3A_182 = math.sqrt %add3A_181 : vector<512x1xf32>
    %div3A_183 = vector.broadcast %sqrt3A_182 : vector<512x1xf32> to vector<512x128xf32>
    %div3A_184 = arith.divf %sub3A_178, %div3A_183 : vector<512x128xf32>
    %get3A_185 = arith.constant 0 : index
    %get3A_186 = arith.constant 0 : index
    %get3A_187 = vector.load %arg9[%get3A_185, %get3A_186] : memref<1x128xf32, #tpu.memory_space<vmem>>, vector<1x128xf32>
    %mul3A_188 = vector.broadcast %get3A_187 : vector<1x128xf32> to vector<512x128xf32>
    %mul3A_189 = arith.mulf %div3A_184, %mul3A_188 : vector<512x128xf32>
    %get3A_190 = arith.constant 0 : index
    %get3A_191 = arith.constant 0 : index
    %get3A_192 = vector.load %arg10[%get3A_190, %get3A_191] : memref<1x128xf32, #tpu.memory_space<vmem>>, vector<1x128xf32>
    %add3A_193 = vector.broadcast %get3A_192 : vector<1x128xf32> to vector<512x128xf32>
    %add3A_194 = arith.addf %mul3A_189, %add3A_193 : vector<512x128xf32>
    %swap3A = arith.constant 0 : index
    %swap3A_195 = arith.constant 0 : index
    %swap3A_196 = arith.constant 0 : index
    %swap3A_197 = vector.load %arg15[%swap3A, %swap3A_195, %swap3A_196] : memref<1x512x128xf32, #tpu.memory_space<vmem>>, vector<1x512x128xf32>
    %swap3A_198 = vector.shape_cast %swap3A_197 : vector<1x512x128xf32> to vector<512x128xf32>
    %swap3A_199 = vector.shape_cast %add3A_194 : vector<512x128xf32> to vector<1x512x128xf32>
    tpu.vector_store %arg15[%swap3A, %swap3A_195, %swap3A_196], %swap3A_199 {strides = array<i32>} : memref<1x512x128xf32, #tpu.memory_space<vmem>>, vector<1x512x128xf32>,
    return
  }
  func.func @transform_0(%arg0: i32, %arg1: i32) -> (i32, i32, i32, i32, i32) {
    %c0_i32 = arith.constant 0 : i32
    %c0_i32_0 = arith.constant 0 : i32
    %c0_i32_1 = arith.constant 0 : i32
    %c0_i32_2 = arith.constant 0 : i32
    return %arg0, %c0_i32, %c0_i32_0, %arg1, %c0_i32_1 : i32, i32, i32, i32, i32
  }
  func.func @transform_1(%arg0: i32, %arg1: i32) -> (i32, i32, i32, i32) {
    %c0_i32 = arith.constant 0 : i32
    %c0_i32_0 = arith.constant 0 : i32
    %c0_i32_1 = arith.constant 0 : i32
    return %arg0, %c0_i32, %c0_i32_0, %arg1 : i32, i32, i32, i32
  }
  func.func @transform_2(%arg0: i32, %arg1: i32) -> (i32, i32, i32) {
    %c0_i32 = arith.constant 0 : i32
    %c0_i32_0 = arith.constant 0 : i32
    return %arg0, %arg1, %c0_i32 : i32, i32, i32
  }
  func.func @transform_3(%arg0: i32, %arg1: i32) -> (i32, i32) {
    %c0_i32 = arith.constant 0 : i32
    %c0_i32_0 = arith.constant 0 : i32
    %c0_i32_1 = arith.constant 0 : i32
    return %c0_i32, %c0_i32_0 : i32, i32
  }
  func.func @transform_4(%arg0: i32, %arg1: i32) -> (i32, i32) {
    %c0_i32 = arith.constant 0 : i32
    %c0_i32_0 = arith.constant 0 : i32
    %c0_i32_1 = arith.constant 0 : i32
    return %c0_i32, %c0_i32_0 : i32, i32
  }
  func.func @transform_5(%arg0: i32, %arg1: i32) -> (i32, i32) {
    %c0_i32 = arith.constant 0 : i32
    %c0_i32_0 = arith.constant 0 : i32
    %c0_i32_1 = arith.constant 0 : i32
    return %c0_i32, %c0_i32_0 : i32, i32
  }
  func.func @transform_6(%arg0: i32, %arg1: i32) -> (i32, i32) {
    %c0_i32 = arith.constant 0 : i32
    %c0_i32_0 = arith.constant 0 : i32
    %c0_i32_1 = arith.constant 0 : i32
    return %c0_i32, %c0_i32_0 : i32, i32
  }
  func.func @transform_7(%arg0: i32, %arg1: i32) -> (i32, i32) {
    %c0_i32 = arith.constant 0 : i32
    %c0_i32_0 = arith.constant 0 : i32
    %c0_i32_1 = arith.constant 0 : i32
    return %c0_i32, %c0_i32_0 : i32, i32
  }
  func.func @transform_8(%arg0: i32, %arg1: i32) -> (i32, i32) {
    %c0_i32 = arith.constant 0 : i32
    %c0_i32_0 = arith.constant 0 : i32
    %c0_i32_1 = arith.constant 0 : i32
    return %c0_i32, %c0_i32_0 : i32, i32
  }
  func.func @transform_9(%arg0: i32, %arg1: i32) -> (i32, i32) {
    %c0_i32 = arith.constant 0 : i32
    %c0_i32_0 = arith.constant 0 : i32
    %c0_i32_1 = arith.constant 0 : i32
    return %c0_i32, %c0_i32_0 : i32, i32
  }
  func.func @transform_10(%arg0: i32, %arg1: i32) -> (i32, i32) {
    %c0_i32 = arith.constant 0 : i32
    %c0_i32_0 = arith.constant 0 : i32
    %c0_i32_1 = arith.constant 0 : i32
    return %c0_i32, %c0_i32_0 : i32, i32
  }
  func.func @transform_11(%arg0: i32, %arg1: i32) -> (i32, i32) {
    %c0_i32 = arith.constant 0 : i32
    %c0_i32_0 = arith.constant 0 : i32
    %c0_i32_1 = arith.constant 0 : i32
    return %c0_i32, %c0_i32_0 : i32, i32
  }
  func.func @transform_12(%arg0: i32, %arg1: i32) -> (i32, i32) {
    %c0_i32 = arith.constant 0 : i32
    %c0_i32_0 = arith.constant 0 : i32
    %c0_i32_1 = arith.constant 0 : i32
    return %c0_i32, %c0_i32_0 : i32, i32
  }
  func.func @transform_13(%arg0: i32, %arg1: i32) -> (i32, i32, i32) {
    %c0_i32 = arith.constant 0 : i32
    %c0_i32_0 = arith.constant 0 : i32
    return %arg0, %arg1, %c0_i32 : i32, i32, i32
  }
}

module attributes {stable_mosaic.version = 14 : i64} {
  func.func @_final_body(%arg0: i32, %arg1: memref<1x336x128xf32, #tpu.memory_space<vmem>>, %arg2: memref<1x128xf32, #tpu.memory_space<vmem>>, %arg3: memref<1x128xf32, #tpu.memory_space<vmem>>, %arg4: memref<1x128xf32, #tpu.memory_space<vmem>>, %arg5: memref<1x1xf32, #tpu.memory_space<vmem>>, %arg6: memref<1x1x336xf32, #tpu.memory_space<vmem>>) attributes {dimension_semantics = [#tpu.dimension_semantics<arbitrary>], iteration_bounds = array<i64: 8>, scalar_prefetch = 0 : i64, scratch_operands = 0 : i64, tpu.core_type = #tpu.core_type<tc>, window_params = [{transform_indices = @transform_0, window_bounds = array<i64: 1, 336, 128>}, {pipeline_mode = #tpu.pipeline_mode<synchronous>, transform_indices = @transform_1, window_bounds = array<i64: 1, 128>}, {pipeline_mode = #tpu.pipeline_mode<synchronous>, transform_indices = @transform_2, window_bounds = array<i64: 1, 128>}, {pipeline_mode = #tpu.pipeline_mode<synchronous>, transform_indices = @transform_3, window_bounds = array<i64: 1, 128>}, {pipeline_mode = #tpu.pipeline_mode<synchronous>, transform_indices = @transform_4, window_bounds = array<i64: 1, 1>}, {transform_indices = @transform_5, window_bounds = array<i64: 1, 1, 336>}]} {
    %get3A = arith.constant 0 : index
    %get3A_0 = arith.constant 0 : index
    %get3A_1 = arith.constant 0 : index
    %get3A_2 = vector.load %arg1[%get3A, %get3A_0, %get3A_1] : memref<1x336x128xf32, #tpu.memory_space<vmem>>, vector<1x336x128xf32>
    %get3A_3 = vector.shape_cast %get3A_2 : vector<1x336x128xf32> to vector<336x128xf32>
    %reduce_sum3A = arith.constant dense<0.000000e+00> : vector<336xf32>
    %reduce_sum3A_4 = vector.multi_reduction <add>, %get3A_3, %reduce_sum3A [1] : vector<336x128xf32> to vector<336xf32>
    %broadcast_in_dim3A = vector.shape_cast %reduce_sum3A_4 : vector<336xf32> to vector<336x1xf32>
    %div3A = arith.constant 1.280000e+02 : f32
    %div3A_5 = vector.broadcast %div3A : f32 to vector<336x1xf32>
    %div3A_6 = arith.divf %broadcast_in_dim3A, %div3A_5 : vector<336x1xf32>
    %sub3A = vector.broadcast %div3A_6 : vector<336x1xf32> to vector<336x128xf32>
    %sub3A_7 = arith.subf %get3A_3, %sub3A : vector<336x128xf32>
    %integer_pow3A = arith.mulf %sub3A_7, %sub3A_7 : vector<336x128xf32>
    %reduce_sum3A_8 = arith.constant dense<0.000000e+00> : vector<336xf32>
    %reduce_sum3A_9 = vector.multi_reduction <add>, %integer_pow3A, %reduce_sum3A_8 [1] : vector<336x128xf32> to vector<336xf32>
    %broadcast_in_dim3A_10 = vector.shape_cast %reduce_sum3A_9 : vector<336xf32> to vector<336x1xf32>
    %div3A_11 = arith.constant 1.280000e+02 : f32
    %div3A_12 = vector.broadcast %div3A_11 : f32 to vector<336x1xf32>
    %div3A_13 = arith.divf %broadcast_in_dim3A_10, %div3A_12 : vector<336x1xf32>
    %sub3A_14 = vector.broadcast %div3A_6 : vector<336x1xf32> to vector<336x128xf32>
    %sub3A_15 = arith.subf %get3A_3, %sub3A_14 : vector<336x128xf32>
    %add3A = arith.constant 9.99999974E-6 : f32
    %add3A_16 = vector.broadcast %add3A : f32 to vector<336x1xf32>
    %add3A_17 = arith.addf %div3A_13, %add3A_16 : vector<336x1xf32>
    %sqrt3A = math.sqrt %add3A_17 : vector<336x1xf32>
    %div3A_18 = vector.broadcast %sqrt3A : vector<336x1xf32> to vector<336x128xf32>
    %div3A_19 = arith.divf %sub3A_15, %div3A_18 : vector<336x128xf32>
    %get3A_20 = arith.constant 0 : index
    %get3A_21 = arith.constant 0 : index
    %get3A_22 = vector.load %arg2[%get3A_20, %get3A_21] : memref<1x128xf32, #tpu.memory_space<vmem>>, vector<1x128xf32>
    %mul3A = vector.broadcast %get3A_22 : vector<1x128xf32> to vector<336x128xf32>
    %mul3A_23 = arith.mulf %div3A_19, %mul3A : vector<336x128xf32>
    %get3A_24 = arith.constant 0 : index
    %get3A_25 = arith.constant 0 : index
    %get3A_26 = vector.load %arg3[%get3A_24, %get3A_25] : memref<1x128xf32, #tpu.memory_space<vmem>>, vector<1x128xf32>
    %add3A_27 = vector.broadcast %get3A_26 : vector<1x128xf32> to vector<336x128xf32>
    %add3A_28 = arith.addf %mul3A_23, %add3A_27 : vector<336x128xf32>
    %convert_element_type3A = arith.truncf %add3A_28 : vector<336x128xf32> to vector<336x128xbf16>
    %convert_element_type3A_29 = arith.extf %convert_element_type3A : vector<336x128xbf16> to vector<336x128xf32>
    %get3A_30 = arith.constant 0 : index
    %get3A_31 = arith.constant 0 : index
    %get3A_32 = vector.load %arg4[%get3A_30, %get3A_31] : memref<1x128xf32, #tpu.memory_space<vmem>>, vector<1x128xf32>
    %convert_element_type3A_33 = arith.truncf %get3A_32 : vector<1x128xf32> to vector<1x128xbf16>
    %convert_element_type3A_34 = arith.extf %convert_element_type3A_33 : vector<1x128xbf16> to vector<1x128xf32>
    %mul3A_35 = vector.broadcast %convert_element_type3A_34 : vector<1x128xf32> to vector<336x128xf32>
    %mul3A_36 = arith.mulf %convert_element_type3A_29, %mul3A_35 : vector<336x128xf32>
    %reduce_sum3A_37 = arith.constant dense<0.000000e+00> : vector<336xf32>
    %reduce_sum3A_38 = vector.multi_reduction <add>, %mul3A_36, %reduce_sum3A_37 [1] : vector<336x128xf32> to vector<336xf32>
    %get3A_39 = arith.constant 0 : index
    %get3A_40 = arith.constant 0 : index
    %get3A_41 = vector.load %arg5[%get3A_39, %get3A_40] : memref<1x1xf32, #tpu.memory_space<vmem>>, vector<1x1xf32>
    %get3A_42 = vector.extract %get3A_41[0, 0] : f32 from vector<1x1xf32>
    %add3A_43 = vector.broadcast %get3A_42 : f32 to vector<336xf32>
    %add3A_44 = arith.addf %reduce_sum3A_38, %add3A_43 : vector<336xf32>
    %swap3A = arith.constant 0 : index
    %swap3A_45 = arith.constant 0 : index
    %swap3A_46 = arith.constant 0 : index
    %swap3A_47 = vector.load %arg6[%swap3A, %swap3A_45, %swap3A_46] : memref<1x1x336xf32, #tpu.memory_space<vmem>>, vector<1x1x336xf32>
    %swap3A_48 = vector.shape_cast %swap3A_47 : vector<1x1x336xf32> to vector<336xf32>
    %swap3A_49 = vector.shape_cast %add3A_44 : vector<336xf32> to vector<1x1x336xf32>
    tpu.vector_store %arg6[%swap3A, %swap3A_45, %swap3A_46], %swap3A_49 {strides = array<i32>} : memref<1x1x336xf32, #tpu.memory_space<vmem>>, vector<1x1x336xf32>,
    return
  }
  func.func @transform_0(%arg0: i32) -> (i32, i32, i32) {
    %c0_i32 = arith.constant 0 : i32
    %c0_i32_0 = arith.constant 0 : i32
    %c0_i32_1 = arith.constant 0 : i32
    return %arg0, %c0_i32, %c0_i32_0 : i32, i32, i32
  }
  func.func @transform_1(%arg0: i32) -> (i32, i32) {
    %c0_i32 = arith.constant 0 : i32
    %c0_i32_0 = arith.constant 0 : i32
    %c0_i32_1 = arith.constant 0 : i32
    return %c0_i32, %c0_i32_0 : i32, i32
  }
  func.func @transform_2(%arg0: i32) -> (i32, i32) {
    %c0_i32 = arith.constant 0 : i32
    %c0_i32_0 = arith.constant 0 : i32
    %c0_i32_1 = arith.constant 0 : i32
    return %c0_i32, %c0_i32_0 : i32, i32
  }
  func.func @transform_3(%arg0: i32) -> (i32, i32) {
    %c0_i32 = arith.constant 0 : i32
    %c0_i32_0 = arith.constant 0 : i32
    %c0_i32_1 = arith.constant 0 : i32
    return %c0_i32, %c0_i32_0 : i32, i32
  }
  func.func @transform_4(%arg0: i32) -> (i32, i32) {
    %c0_i32 = arith.constant 0 : i32
    %c0_i32_0 = arith.constant 0 : i32
    %c0_i32_1 = arith.constant 0 : i32
    return %c0_i32, %c0_i32_0 : i32, i32
  }
  func.func @transform_5(%arg0: i32) -> (i32, i32, i32) {
    %c0_i32 = arith.constant 0 : i32
    %c0_i32_0 = arith.constant 0 : i32
    %c0_i32_1 = arith.constant 0 : i32
    return %arg0, %c0_i32, %c0_i32_0 : i32, i32, i32
  }
}

</mosaic_0001>

<sc_bundles>
// kernel: gather_offload_async_start.1
scs
__scs_entry_jumppad:
0x0: {  	(pc) =	sbr.rel $0x88, $3  }
0x1: {  	(tag) =	ssettag $0x0;
	lr =	simm.s32 $0x1  }
0x2: {  	[smem:$0x3F8E] =	sst lr;
	_ =	strace $0xD0000000  }
0x3: {  	_ = 	snop  }
0x4: {  	_ = 	snop  }
0x5: {  	_ = 	snop  }
0x6: {  	_ = 	snop  }
0x7: {  	_ = 	snop  }
__scs_overlays_trampoline_lowered:
0x8: {  	[smem:$0x3F9D] =	sst s0  }
0x9: {  	[smem:$0x3F9E] =	sst s1  }
0xa: {  	[smem:$0x3F9F] =	sst s2  }
0xb: {  	[smem:$0x3FA0] =	sst s3  }
0xc: {  	[smem:$0x3FA1] =	sst s4  }
0xd: {  	[smem:$0x3FA2] =	sst s5  }
0xe: {  	[smem:$0x3FA3] =	sst s6  }
0xf: {  	[smem:$0x3FA4] =	sst s7  }
0x10: {  	[smem:$0x3FA5] =	sst s8  }
0x11: {  	[smem:$0x3FA6] =	sst s9;
	s0 =	simm.s32 @!p0 $0x0  }
0x12: {  	s1 =	sld [smem:$0x3F8C];
	s0 =	simm.s32 @p0 $0x1  }
0x13: {  	[smem:$0x3FA7] =	sst s0;
	s0 =	simm.s32 @!p1 $0x0  }
0x14: {  	s2 =	sld [smem:$0x3F8B];
	s0 =	simm.s32 @p1 $0x1  }
0x15: {  	[smem:$0x3FA8] =	sst s0;
	s0 =	simm.s32 @!p2 $0x0  }
0x16: {  	s3 =	sld [smem:$0x3FDB];
	s0 =	simm.s32 @p2 $0x1  }
0x17: {  	s4 =	simm.s32 $0x1BF5;
	[smem:$0x3FAA] =	sst s0  }
0x18: {  	s0 =	sld [smem:$0x3F8D];
	_ =	swait.ge [sflag:s4], $0x0  }
0x19: {  	s7 =	sld [smem:$0x3F8E]  }
0x1a: {  	s8 =	sadd.s32 $0xFFFFE003, lr  }
0x1b: {  	s9 =	sadd.s32 $0xFFFFFEF7, lr;
	s5 =	simm.s32 $0xFFFFFFFF;
	p2 =	slt.u32 s8, $0xFFFFF086  }
0x1c: {  	p1 =	slt.u32 s9, $0xF7A;
	s5 =	simm.s32 @!p2 $0x0  }
0x1d: {  	s5 =	simm.s32 @p1 $0x1;
	p0 =	seq.s32 s7, s2  }
0x1e: {  	s7 =	smul.u32 @!p0 $0xF7A, s2;
	p2 =	seq.s32 @!p0 s5, $0x0  }
0x1f: {  	s9 =	smul.u32 $0xF7A, s1;
	s8 =	simm.s32 @!p0 $0x1BF5;
	p2 =	por !p2, p0  }
0x20: {  	[sflag:s8] =	ssyncset.s32 @!p0 $0xFFFFF086;
	s6 =	sadd.s32 @!p0 s3, s7;
	s7 =	simm.s32 @!p0 $0x108  }
0x21: {  	s3 =	sadd.s32 s3, s9;
	s6 =	sadd.s32 @!p0 $0x88, s6;
	s7 =	simm.s32 @p2 $0x1082  }
0x22: {  	[simem:s7], [sflag:s8] =	dma.local @!p0 [hbm:s6], $0xF7A  }
0x23: {  	s9 =	sor.u32 $0xD0000000, s2;
	s6 =	simm.s32 $0x108;
	_ =	swait.ge @!p0 [sflag:s8], $0x0  }
0x24: {  	s3 =	sadd.s32 $0x88, s3;
	s6 =	simm.s32 @!p1 $0x1082;
	[sflag:s4] =	ssyncset.s32 $0xFFFFF086  }
0x25: {  	[simem:s6], [sflag:s4] =	dma.local [hbm:s3], $0xF7A  }
0x26: {  	[smem:$0x3F8E] =	sst s1;
	(tag) =	ssettag s2;
	_ =	strace s9  }
0x27: {  	s1 =	sld [smem:$0x3F9E]  }
0x28: {  	s2 =	sld [smem:$0x3F9F]  }
0x29: {  	s4 =	sld [smem:$0x3FA1]  }
0x2a: {  	p0 =	seq.s32 s5, $0x0;
	s5 =	sld [smem:$0x3FA2]  }
0x2b: {  	s6 =	sld [smem:$0x3FA3]  }
0x2c: {  	s7 =	sld [smem:$0x3FA4]  }
0x2d: {  	s3 =	simm.s32 $0x108;
	s8 =	sld [smem:$0x3FA5]  }
0x2e: {  	s3 =	simm.s32 @!p0 $0x1082;
	s9 =	sld [smem:$0x3FA6]  }
0x2f: {  	lr =	sadd.s32 s0, s3;
	s0 =	sld [smem:$0x3F9D]  }
0x30: {  	s3 =	sld [smem:$0x3FA0]  }
0x31: {  	[smem:$0x3FA9] =	sst s10  }
0x32: {  	s10 =	sld [smem:$0x3FA7];
	_ =	sdelay $0x3  }
0x33: {  	p0 =	seq.s32 s10, $0x1;
	s10 =	sld [smem:$0x3FA9];
	_ =	sdelay $0x3  }
0x34: {  	[smem:$0x3FA9] =	sst s10  }
0x35: {  	s10 =	sld [smem:$0x3FA8];
	_ =	sdelay $0x3  }
0x36: {  	p1 =	seq.s32 s10, $0x1;
	s10 =	sld [smem:$0x3FA9];
	_ =	sdelay $0x3  }
0x37: {  	[smem:$0x3FA9] =	sst s10  }
0x38: {  	s10 =	sld [smem:$0x3FAA]  }
0x39: {  	_ = 	snop;
	(pc) =	sbr.ind lr, $3  }
0x3a: {  	_ = 	snop  }
0x3b: {  	_ = 	snop  }
0x3c: {  	p2 =	seq.s32 s10, $0x1;
	s10 =	sld [smem:$0x3FA9]  }
0x3d: {  	_ =	shalt  }
0x3e: {  	_ =	shalt  }
0x3f: {  	_ =	shalt  }
0x40: {  	_ =	shalt  }
0x41: {  	_ =	shalt  }
0x42: {  	_ =	shalt  }
0x43: {  	_ =	shalt  }
0x44: {  	_ =	shalt  }
0x45: {  	_ =	shalt  }
0x46: {  	_ =	shalt  }
0x47: {  	_ =	shalt  }
0x48: {  	_ =	shalt  }
0x49: {  	_ =	shalt  }
0x4a: {  	_ =	shalt  }
0x4b: {  	_ =	shalt  }
0x4c: {  	_ =	shalt  }
0x4d: {  	_ =	shalt  }
0x4e: {  	_ =	shalt  }
0x4f: {  	_ =	shalt  }
0x50: {  	_ =	shalt  }
0x51: {  	_ =	shalt  }
0x52: {  	_ =	shalt  }
0x53: {  	_ =	shalt  }
0x54: {  	_ =	shalt  }
0x55: {  	_ =	shalt  }
0x56: {  	_ =	shalt  }
0x57: {  	_ =	shalt  }
0x58: {  	_ =	shalt  }
0x59: {  	_ =	shalt  }
0x5a: {  	_ =	shalt  }
0x5b: {  	_ =	shalt  }
0x5c: {  	_ =	shalt  }
0x5d: {  	_ =	shalt  }
0x5e: {  	_ =	shalt  }
0x5f: {  	_ =	shalt  }
0x60: {  	_ =	shalt  }
0x61: {  	_ =	shalt  }
0x62: {  	_ =	shalt  }
0x63: {  	_ =	shalt  }
0x64: {  	_ =	shalt  }
0x65: {  	_ =	shalt  }
0x66: {  	_ =	shalt  }
0x67: {  	_ =	shalt  }
0x68: {  	_ =	shalt  }
0x69: {  	_ =	shalt  }
0x6a: {  	_ =	shalt  }
0x6b: {  	_ =	shalt  }
0x6c: {  	_ =	shalt  }
0x6d: {  	_ =	shalt  }
0x6e: {  	_ =	shalt  }
0x6f: {  	_ =	shalt  }
0x70: {  	_ =	shalt  }
0x71: {  	_ =	shalt  }
0x72: {  	_ =	shalt  }
0x73: {  	_ =	shalt  }
0x74: {  	_ =	shalt  }
0x75: {  	_ =	shalt  }
0x76: {  	_ =	shalt  }
0x77: {  	_ =	shalt  }
0x78: {  	_ =	shalt  }
0x79: {  	_ =	shalt  }
0x7a: {  	_ =	shalt  }
0x7b: {  	_ =	shalt  }
0x7c: {  	_ =	shalt  }
0x7d: {  	_ =	shalt  }
0x7e: {  	_ =	shalt  }
0x7f: {  	_ =	shalt  }
0x80: {  	_ =	shalt  }
0x81: {  	_ =	shalt  }
0x82: {  	_ =	shalt  }
0x83: {  	_ =	shalt  }
0x84: {  	_ =	shalt  }
0x85: {  	_ =	shalt  }
0x86: {  	_ =	shalt  }
0x87: {  	_ =	shalt  }
.Lfunc_end0:
.L_simem_size_0:
called_computation.3_lowered:
.L_overlay_start_0:
0x88: {  	s2 =	sld [smem:$0x3FD9]  }
0x89: {  	s3 =	sld [smem:$0x3FFE];
	_ =	sdelay $0x1  }
0x8a: {  	s1 =	srdreg.scid  }
0x8b: {  	s0 =	sand.u32 $0x1, s1  }
0x8c: {  	s16 =	sshll.u32 s0, $0xA;
	s2 =	sadd.s32 s3, s2  }
0x8d: {  	s2 =	sadd.s32 s2, s16  }
0x8e: {  	[smem:$0x3FB5] =	sst s2  }
0x8f: {  	_ = 	snop  }
0x90: {  	(tm) =	ssettm $0x1  }
0x91: {  	s17 =	sld [smem:$0x3FFB];
	_ =	sdelay $0x3  }
0x92: {  	_ =	strace s17  }
0x93: {  	s2 =	sld [smem:$0x3FFC];
	_ =	sdelay $0x3  }
0x94: {  	_ =	strace s2  }
0x95: {  	s2 =	sld [smem:$0x3FFD];
	_ =	sdelay $0x3  }
0x96: {  	_ =	strace s2  }
0x97: {  	_ =	strace $0x8FFFFFFF  }
0x98: {  	s18 =	sld [smem:$0x3FDB];
	_ =	sdelay $0x1  }
0x99: {  	s19 =	simm.s32 $_scs_section_size  }
0x9a: {  	s4 =	simm.s32 $_size__tile_overlayer_lowered;
	s5 =	simm.s32 $_tile_overlayer_lowered  }
0x9b: {  	s22 =	simm.s32 $0x1BFF;
	s21 =	sshll.u32 s5, $0x1;
	s2 =	sadd.s32 s19, s18  }
0x9c: {  	s6 =	simm.s32 $0x0;
	s20 =	sshll.u32 s4, $0x1;
	s4 =	sadd.s32 s21, s2  }
0x9d: {  	[timem:s6], [sflag:s22] =	dma.local [hbm:s4], s20  }
0x9e: {  	_ =	swait.ge [sflag:s22], s20  }
0x9f: {  	s3 =	ssub.s32 $0x0, s20;
	[sflag:s22] =	ssyncset.done $0x0  }
0xa0: {  	[sflag:s22] =	ssyncadd.s32 s3;
	_ =	sdelay $0x1  }
0xa1: {  	s23 =	simm.s32 $0x1B8B  }
0xa2: {  	_ =	swait.ge [sflag:s23], $0x1  }
0xa3: {  	[sflag:s23] =	ssyncset.done $0x0  }
0xa4: {  	s25 =	simm.s32 $0x1B8E;
	s24 =	sld [smem:$0x3FFE];
	[sflag:s23] =	ssyncadd.s32 $0xFFFFFFFF  }
0xa5: {  	s26 =	simm.s32 $execute0_lowered;
	[smem:$0x3FD2] =	sst s25  }
0xa6: {  	s4 =	sshll.u32 s26, $0x1;
	_ =	strace $0x80000049;
	[dreg:$0x1] =	wrdreg $0xFFFFFFFF  }
0xa7: {  	s28 =	simm.s32 $_size_execute0_lowered;
	s2 =	sadd.s32 s2, s4;
	[dreg:$0x0] =	wrdreg $0x0  }
0xa8: {  	s4 =	sshll.u32 s28, $0x1;
	[dreg:$0x2] =	wrdreg s2  }
0xa9: {  	[dreg:$0x3] =	wrdreg s4  }
0xaa: {  	[dreg:$0x4] =	wrdreg $0xC0  }
0xab: {  	_ =	task [dreg:s6], $0x5FFFF  }
0xac: {  	[dreg:$0x1] =	wrdreg $0xFFFFFFFF  }
0xad: {  	[dreg:$0x0] =	wrdreg $0x60  }
0xae: {  	[dreg:$0x2] =	wrdreg s24  }
0xaf: {  	[dreg:$0x3] =	wrdreg $0xA  }
0xb0: {  	_ =	task.clear_ibuf [dreg:s6], $0x4FFFF;
	_ =	strace $0x90000049  }
0xb1: {  	s29 =	simm.s32 $0xA;
	_ =	strace $0x8000004B  }
0xb2: {  	_ =	swait.ge [sflag:s29], $0x1  }
0xb3: {  	[sflag:s29] =	ssyncadd.s32 $0xFFFFFFFF  }
0xb4: {  	_ =	strace $0x9000004B  }
0xb5: {  	_ =	sfence  }
0xb6: {  	s30 =	sld [smem:$0x0];
	_ =	sdelay $0x2  }
0xb7: {  	s31 =	sshll.u32 s1, $0xD;
	s1 =	sshrl.u32 s1, $0x2  }
0xb8: {  	s3 =	sand.u32 $0x4000, s31;
	s1 =	sadd.s32 s1, s30  }
0xb9: {  	s0 =	sor.u32 s3, s0;
	s1 =	sshll.u32 s1, $0x11  }
0xba: {  	s0 =	sor.u32 s1, s0  }
0xbb: {  	s0 =	sadd.s32 $0x8F2B, s0  }
0xbc: {  	[sflag:s0] =	ssyncadd.remote.s32 $0x1  }
0xbd: {  	_ =	sfence.sel $0xFFFF  }
0xbe: {  	[dreg:$0x0] =	wrdreg $0xFFFFFFFF;
	(pc) =	sbr.abs _section_cstart, $3  }
0xbf: {  	[dreg:$0x1] =	wrdreg $0xFFFFFFFF  }
0xc0: {  	_ =	task.clear_ibuf [dreg:s6], $0x2FFFF;
	_ =	strace $0x9FFFFFFF  }
0xc1: {  	(tm) =	ssettm $0x7FFFFFFF  }
tec
execute0_lowered:
.L_overlay_start_1:
0x0: {  	(tag) =	ssettag $0x1  }
0x1: {  	s0 =	srdreg.scid;
	s5 =	rddreg [dreg:$0x0]  }
0x2: {  	s1 =	stileid.u32;
	s6 =	simm.s32 $0x1;
	s9 =	simm.s32 $0x1  }
0x3: {  	s10 =	simm.s32 $0x3;
	s13 =	simm.s32 $0x0;
	s2 =	sshll.u32 s0, $0xD  }
0x4: {  	s12 =	simm.s32 $0x0;
	s3 =	sshll.u32 s1, $0xE;
	s4 =	sand.u32 $0x2000, s2  }
0x5: {  	s0 =	rddreg [dreg:$0x1];
	_ =	strace $0x8000004A;
	s3 =	sor.u32 s3, s4  }
0x6: {  	s2 =	sadd.s32 $0x183200, s5;
	[sflag:s6] =	ssyncpa.u1 $0x0;
	s8 =	ssub.s32 $0x80000, s3  }
.Ltmp0:
0x7: {  	s4 =	sadd.s32 $0x1A3200, s5;
	s7 =	sand.u32 $0x3E000, s8;
	(pc) =	sbr.rel .LBB2_1-.Ltmp0, $4  }
0x8: {  	s5 =	sadd.s32 $0x1B3200, s5;
	s11 =	smov.u32 s3;
	p0 =	sne.s32 s7, $0x0  }
0x9: {  	s8 =	sshrl.u32 s8, $0x12;
	s7 =	simm.s32 $0x2;
	s9 =	simm.s32 @!p0 $0x0  }
0xa: {  	[sflag:s7] =	ssyncpa.u1 $0x0;
	p0 =	por $0x0, $0x0;
	s8 =	sadd.s32 s9, s8  }
0xb: {  	vm0 =	vmmov $0xffff;
	[sflag:s10] =	ssyncpa.u1 $0x0;
	s10 =	simm.s32 $0x0;
	s9 =	sadd.s32 $0x1, s8  }
.LBB2_4:
0xc: {  	v5 =	vshll.u32 v1, $0x1  }
0xd: {  	vm1 =	veq.s32 v1, $0x80000000;
	v60 =	vand.u32 $0x3F, v1;
	v5 =	vand.u32 $0xFFF80, v5  }
0xe: {  	v1 =	vsel vm1, $0xFFFFFFFF, v60;
	v5 =	vsel vm1, $0xFFFFFF80, v5  }
0xf: {  	v3 =	vor.u32 v4, v3;
	v6 =	vand.u32 $0xFFFFFC00, v1;
	v61 =	vand.u32 $0xFFFFFC00, v5  }
0x10: {  	v2 =	vor.u32 v2, v3;
	v63 =	vand.u32 $0x380, v5;
	v62 =	vadd.s32 v6, v61  }
0x11: {  	v1 =	vand.u32 $0x7F, v1;
	v3 =	vor.u32 v63, v62  }
0x12: {  	v1 =	vor.u32 v1, v3  }
0x13: {  	[tilespmem:s15], [sflag:$0x1] =	stream.indirect_vreg.gather [hbm4b:s2+s10], $0x1, v0, vm0, $0x4038;
	[tilespmem:$0x8000] =	vst v63  }
0x14: {  	(ifvalue) =	ssetifvalue $0x7FFFFFFF  }
0x15: {  	[tilespmem:s16], [sflag:$0x1] =	stream.indirect_vreg.gather [hbm4b:s2+s10], $0x1, v2, vm0, $0x4038;
	[tilespmem:$0x8000] =	vst v63  }
0x16: {  	s29 =	sadd.s32 $0x10, s16;
	(ifvalue) =	ssetifvalue $0x7FFFFFFF  }
0x17: {  	[tilespmem:s29], [sflag:$0x1] =	stream.indirect_vreg.gather [hbm4b:s2+s10], $0x1, v1, vm0, $0x4038;
	[tilespmem:$0x8000] =	vst v63  }
0x18: {  	_ =	swait.ge [sflag:s6], $0x2000  }
0x19: {  	s30 =	sshrl.u32 s13, $0x3;
	[sflag:s6] =	ssyncset.done $0x0  }
0x1a: {  	s31 =	sand.u32 $0x7, s13;
	s15 =	sadd.s32 s5, s30;
	[sflag:s6] =	ssyncadd.s32 $0xFFFFE000  }
0x1b: {  	[hbm4b:s15+s31] =	stream.linear.scatter [tilespmem:s14], [sflag:$0x3], $0x2000, $0x38;
	[tilespmem:$0x8000] =	vst v63  }
.LBB2_5:
0x1c: {  	s15 =	sadd.s32 $0x40000, s11  }
0x1d: {  	p2 =	sgt.s32 s15, $0x7FFFF  }
0x1e: {  	s15 =	smov.u32 @p2 s3;
	p2 =	sne.s32 s12, s9  }
.Ltmp1:
0x1f: {  	p1 =	slt.u32 s12, $0x2;
	(pc) =	sbr.rel @!p2 .LBB2_6-.Ltmp1, $4  }
0x20: {  	s14 =	simm.s32 @!p1 $0x3  }
0x21: {  	s16 =	sadd.s32 $0x1, s12;
	_ =	swait.ge @!p1 [sflag:s14], $0x2000  }
0x22: {  	s13 =	smov.u32 s11;
	p0 =	por !p0, !p0;
	[sflag:s14] =	ssyncset.done @!p1 $0x0  }
0x23: {  	s12 =	smov.u32 s16;
	s11 =	smov.u32 s15;
	[sflag:s14] =	ssyncadd.s32 @!p1 $0xFFFFE000  }
.LBB2_1:
0x24: {  	p1 =	sge.u32 s12, s8  }
0x25: {  	s14 =	sxor.u32 @!p1 $0xFFFFFFFF, s12  }
0x26: {  	s31 =	sadd.s32 $0xFFFFFFFF, s12;
	s15 =	sshrl.u32 @!p1 s11, $0x3;
	s14 =	sshll.u32 @!p1 s14, $0xD  }
0x27: {  	s16 =	sand.u32 @!p1 $0x7, s11;
	s15 =	sadd.s32 @!p1 s4, s15;
	s14 =	sand.u32 @!p1 $0x2000, s14  }
0x28: {  	[tilespmem:s14], [sflag:$0x2] =	stream.linear.gather @!p1 [hbm4b:s15+s16], $0x2000, $0x38;
	[tilespmem:$0x8000] =	vst v63  }
0x29: {  	p1 =	sge.u32 s31, s8  }
.Ltmp2:
0x2a: {  	_ = 	snop;
	(pc) =	sbr.rel @p1 .LBB2_5-.Ltmp2, $1  }
0x2b: {  	_ =	sdelay $0x3  }
0x2c: {  	s14 =	simm.s32 $0x1  }
0x2d: {  	_ =	swait.ge [sflag:s7], $0x2000;
	s14 =	simm.s32 @!p0 $0x0  }
0x2e: {  	[sflag:s7] =	ssyncset.done $0x0;
	s14 =	sshll.u32 s14, $0xD  }
0x2f: {  	[sflag:s7] =	ssyncadd.s32 $0xFFFFE000;
	(ifvalue) =	ssetifvalue $0x7FFFFFFF;
	v0 =	vld.msk [tilespmem:s14+$0x0 ss:$0x1], $0xffff;
	_ =	sdelay $0x4  }
0x30: {  	s15 =	sadd.s32 $0x10, s14;
	v2 =	vshll.u32 v0, $0x1  }
0x31: {  	v1 =	vld.msk [tilespmem:s15+$0x0 ss:$0x1], $0xffff;
	vm1 =	veq.s32 v0, $0x80000000;
	v0 =	vand.u32 $0x3F, v0;
	v2 =	vand.u32 $0xFFF80, v2  }
0x32: {  	v0 =	vsel vm1, $0xFFFFFFFF, v0;
	v2 =	vsel vm1, $0xFFFFFF80, v2  }
0x33: {  	v3 =	vand.u32 $0x7F, v0;
	v0 =	vand.u32 $0xFFFFFC00, v0;
	v4 =	vand.u32 $0xFFFFFC00, v2  }
0x34: {  	v2 =	vand.u32 $0x380, v2;
	v0 =	vadd.s32 v0, v4  }
0x35: {  	v0 =	vor.u32 v2, v0  }
0x36: {  	v4 =	vshll.u32 v1, $0x1;
	v0 =	vor.u32 v3, v0  }
0x37: {  	s16 =	sshll.u32 s12, $0xD;
	vm1 =	veq.s32 v1, $0x80000000;
	v1 =	vand.u32 $0x3F, v1;
	v4 =	vand.u32 $0xFFF80, v4  }
0x38: {  	s16 =	sand.u32 $0x2000, s16;
	s18 =	sadd.s32 $0x10, s15;
	v2 =	vsel vm1, $0xFFFFFFFF, v1;
	v4 =	vsel vm1, $0xFFFFFF80, v4  }
0x39: {  	s17 =	simm.s32 $0x20;
	s15 =	sor.u32 $0x4000, s14;
	s14 =	sor.u32 $0x4000, s16;
	v1 =	vld.msk [tilespmem:s18+$0x0 ss:$0x1], $0xffff;
	v5 =	vand.u32 $0xFFFFFC00, v2;
	v3 =	vand.u32 $0xFFFFFC00, v4  }
0x3a: {  	s16 =	sadd.s32 $0x10, s15;
	s18 =	sadd.s32 $0x10, s18;
	(ifvalue) =	ssetifvalue $0x7FFFFFFF;
	v2 =	vand.u32 $0x7F, v2;
	v4 =	vand.u32 $0x380, v4;
	v3 =	vadd.s32 v5, v3  }
.LBB2_3:
0x3b: {  	[tilespmem:s15], [sflag:$0x1] =	stream.indirect_vreg.gather [hbm4b:s2+s10], $0x1, v0, vm0, $0x4038;
	[tilespmem:$0x8000] =	vst v63  }
0x3c: {  	s17 =	sadd.s32 $0x10, s17  }
0x3d: {  	v3 =	vor.u32 v4, v3;
	p1 =	slt.u32 s17, $0x1FF0  }
.Ltmp3:
0x3e: {  	v4 =	vshll.u32 v1, $0x1;
	s15 =	smov.u32 s16;
	v0 =	vor.u32 v2, v3;
	v2 =	vmov v1;
	v1 =	vld.msk [tilespmem:s18+$0x0 ss:$0x1], $0xffff;
	(pc) =	sbr.rel @p1 .LBB2_3-.Ltmp3, $4  }
0x3f: {  	v3 =	vand.u32 $0xFFF80, v4;
	vm1 =	veq.s32 v2, $0x80000000;
	v2 =	vand.u32 $0x3F, v2  }
0x40: {  	v4 =	vsel vm1, $0xFFFFFFFF, v2;
	v5 =	vsel vm1, $0xFFFFFF80, v3  }
0x41: {  	v2 =	vand.u32 $0x7F, v4;
	v3 =	vand.u32 $0xFFFFFC00, v5;
	v4 =	vand.u32 $0xFFFFFC00, v4  }
0x42: {  	s16 =	sadd.s32 $0x10, s16;
	s18 =	sadd.s32 $0x10, s18;
	v3 =	vadd.s32 v4, v3;
	v4 =	vand.u32 $0x380, v5;
	(ifvalue) =	ssetifvalue $0x7FFFFFFF  }
.Ltmp4:
0x43: {  	_ = 	snop;
	(pc) =	sbr.rel .LBB2_4-.Ltmp4, $1  }
0x44: {  	_ =	sdelay $0x3  }
.LBB2_6:
0x45: {  	_ =	sfence.sel $0x180000  }
0x46: {  	s2 =	simm.s32 $0x2;
	[bflag:$0x0] =	sbarrier.arrive $0xFFFF  }
0x47: {  	s30 =	simm.s32 $0x3;
	[sflag:s2] =	ssyncpa.u1 $0x1  }
0x48: {  	s31 =	simm.s32 $0x1;
	[sflag:s30] =	ssyncpa.u1 $0x1  }
0x49: {  	[sflag:s31] =	ssyncpa.u1 $0x1  }
0x4a: {  	p0 =	sne.s32 s1, $0x0;
	_ =	strace $0x9000004A  }
0x4b: {  	s0 =	sadd.s32 @!p0 $0x100000, s0;
	[bflag:$0x2] =	sbarrier.arrive $0xFFFF  }
0x4c: {  	[sflag:s0] =	ssyncadd.tile.s32 @!p0 $0x1;
	_ =	shalt  }
.Lfunc_end2:
_tile_overlayer_lowered:
.L_overlay_start_2:
0x4d: {  	(tag) =	ssettag $0x2  }
0x4e: {  	s0 =	rddreg [dreg:$0x0];
	s2 =	stileid.u32  }
0x4f: {  	s1 =	rddreg [dreg:$0x1];
	p0 =	sne.s32 s2, $0x0  }
0x50: {  	s3 =	rddreg [dreg:$0x2];
	[bflag:$0x3] =	sbarrier.arrive $0xFFFF;
	s2 =	simm.s32 @!p0 $0x1C01  }
0x51: {  	[timem:s3], [sflag:s2] =	dma.local @!p0 [hbm:s0], s1  }
0x52: {  	s0 =	simm.s32 @!p0 $0x1  }
0x53: {  	_ =	swait.ge @!p0 [sflag:s0], s1  }
0x54: {  	s1 =	ssub.s32 @!p0 $0x0, s1;
	[sflag:s0] =	ssyncset.done @!p0 $0x0  }
0x55: {  	[sflag:s0] =	ssyncadd.s32 @!p0 s1  }
0x56: {  	[bflag:$0x3] =	sbarrier.arrive $0xFFFF  }
0x57: {  	_ =	shalt  }

// kernel: gather_offload_async_start.2
scs
__scs_entry_jumppad:
0x0: {  	(pc) =	sbr.rel $0x88, $3  }
0x1: {  	(tag) =	ssettag $0x0;
	lr =	simm.s32 $0x1  }
0x2: {  	[smem:$0x3F8E] =	sst lr;
	_ =	strace $0xD0000000  }
0x3: {  	_ = 	snop  }
0x4: {  	_ = 	snop  }
0x5: {  	_ = 	snop  }
0x6: {  	_ = 	snop  }
0x7: {  	_ = 	snop  }
__scs_overlays_trampoline_lowered:
0x8: {  	[smem:$0x3F9D] =	sst s0  }
0x9: {  	[smem:$0x3F9E] =	sst s1  }
0xa: {  	[smem:$0x3F9F] =	sst s2  }
0xb: {  	[smem:$0x3FA0] =	sst s3  }
0xc: {  	[smem:$0x3FA1] =	sst s4  }
0xd: {  	[smem:$0x3FA2] =	sst s5  }
0xe: {  	[smem:$0x3FA3] =	sst s6  }
0xf: {  	[smem:$0x3FA4] =	sst s7  }
0x10: {  	[smem:$0x3FA5] =	sst s8  }
0x11: {  	[smem:$0x3FA6] =	sst s9;
	s0 =	simm.s32 @!p0 $0x0  }
0x12: {  	s1 =	sld [smem:$0x3F8C];
	s0 =	simm.s32 @p0 $0x1  }
0x13: {  	[smem:$0x3FA7] =	sst s0;
	s0 =	simm.s32 @!p1 $0x0  }
0x14: {  	s2 =	sld [smem:$0x3F8B];
	s0 =	simm.s32 @p1 $0x1  }
0x15: {  	[smem:$0x3FA8] =	sst s0;
	s0 =	simm.s32 @!p2 $0x0  }
0x16: {  	s3 =	sld [smem:$0x3FDB];
	s0 =	simm.s32 @p2 $0x1  }
0x17: {  	s4 =	simm.s32 $0x1BF5;
	[smem:$0x3FAA] =	sst s0  }
0x18: {  	s0 =	sld [smem:$0x3F8D];
	_ =	swait.ge [sflag:s4], $0x0  }
0x19: {  	s7 =	sld [smem:$0x3F8E]  }
0x1a: {  	s8 =	sadd.s32 $0xFFFFE003, lr  }
0x1b: {  	s9 =	sadd.s32 $0xFFFFFEF7, lr;
	s5 =	simm.s32 $0xFFFFFFFF;
	p2 =	slt.u32 s8, $0xFFFFF086  }
0x1c: {  	p1 =	slt.u32 s9, $0xF7A;
	s5 =	simm.s32 @!p2 $0x0  }
0x1d: {  	s5 =	simm.s32 @p1 $0x1;
	p0 =	seq.s32 s7, s2  }
0x1e: {  	s7 =	smul.u32 @!p0 $0xF7A, s2;
	p2 =	seq.s32 @!p0 s5, $0x0  }
0x1f: {  	s9 =	smul.u32 $0xF7A, s1;
	s8 =	simm.s32 @!p0 $0x1BF5;
	p2 =	por !p2, p0  }
0x20: {  	[sflag:s8] =	ssyncset.s32 @!p0 $0xFFFFF086;
	s6 =	sadd.s32 @!p0 s3, s7;
	s7 =	simm.s32 @!p0 $0x108  }
0x21: {  	s3 =	sadd.s32 s3, s9;
	s6 =	sadd.s32 @!p0 $0x88, s6;
	s7 =	simm.s32 @p2 $0x1082  }
0x22: {  	[simem:s7], [sflag:s8] =	dma.local @!p0 [hbm:s6], $0xF7A  }
0x23: {  	s9 =	sor.u32 $0xD0000000, s2;
	s6 =	simm.s32 $0x108;
	_ =	swait.ge @!p0 [sflag:s8], $0x0  }
0x24: {  	s3 =	sadd.s32 $0x88, s3;
	s6 =	simm.s32 @!p1 $0x1082;
	[sflag:s4] =	ssyncset.s32 $0xFFFFF086  }
0x25: {  	[simem:s6], [sflag:s4] =	dma.local [hbm:s3], $0xF7A  }
0x26: {  	[smem:$0x3F8E] =	sst s1;
	(tag) =	ssettag s2;
	_ =	strace s9  }
0x27: {  	s1 =	sld [smem:$0x3F9E]  }
0x28: {  	s2 =	sld [smem:$0x3F9F]  }
0x29: {  	s4 =	sld [smem:$0x3FA1]  }
0x2a: {  	p0 =	seq.s32 s5, $0x0;
	s5 =	sld [smem:$0x3FA2]  }
0x2b: {  	s6 =	sld [smem:$0x3FA3]  }
0x2c: {  	s7 =	sld [smem:$0x3FA4]  }
0x2d: {  	s3 =	simm.s32 $0x108;
	s8 =	sld [smem:$0x3FA5]  }
0x2e: {  	s3 =	simm.s32 @!p0 $0x1082;
	s9 =	sld [smem:$0x3FA6]  }
0x2f: {  	lr =	sadd.s32 s0, s3;
	s0 =	sld [smem:$0x3F9D]  }
0x30: {  	s3 =	sld [smem:$0x3FA0]  }
0x31: {  	[smem:$0x3FA9] =	sst s10  }
0x32: {  	s10 =	sld [smem:$0x3FA7];
	_ =	sdelay $0x3  }
0x33: {  	p0 =	seq.s32 s10, $0x1;
	s10 =	sld [smem:$0x3FA9];
	_ =	sdelay $0x3  }
0x34: {  	[smem:$0x3FA9] =	sst s10  }
0x35: {  	s10 =	sld [smem:$0x3FA8];
	_ =	sdelay $0x3  }
0x36: {  	p1 =	seq.s32 s10, $0x1;
	s10 =	sld [smem:$0x3FA9];
	_ =	sdelay $0x3  }
0x37: {  	[smem:$0x3FA9] =	sst s10  }
0x38: {  	s10 =	sld [smem:$0x3FAA]  }
0x39: {  	_ = 	snop;
	(pc) =	sbr.ind lr, $3  }
0x3a: {  	_ = 	snop  }
0x3b: {  	_ = 	snop  }
0x3c: {  	p2 =	seq.s32 s10, $0x1;
	s10 =	sld [smem:$0x3FA9]  }
0x3d: {  	_ =	shalt  }
0x3e: {  	_ =	shalt  }
0x3f: {  	_ =	shalt  }
0x40: {  	_ =	shalt  }
0x41: {  	_ =	shalt  }
0x42: {  	_ =	shalt  }
0x43: {  	_ =	shalt  }
0x44: {  	_ =	shalt  }
0x45: {  	_ =	shalt  }
0x46: {  	_ =	shalt  }
0x47: {  	_ =	shalt  }
0x48: {  	_ =	shalt  }
0x49: {  	_ =	shalt  }
0x4a: {  	_ =	shalt  }
0x4b: {  	_ =	shalt  }
0x4c: {  	_ =	shalt  }
0x4d: {  	_ =	shalt  }
0x4e: {  	_ =	shalt  }
0x4f: {  	_ =	shalt  }
0x50: {  	_ =	shalt  }
0x51: {  	_ =	shalt  }
0x52: {  	_ =	shalt  }
0x53: {  	_ =	shalt  }
0x54: {  	_ =	shalt  }
0x55: {  	_ =	shalt  }
0x56: {  	_ =	shalt  }
0x57: {  	_ =	shalt  }
0x58: {  	_ =	shalt  }
0x59: {  	_ =	shalt  }
0x5a: {  	_ =	shalt  }
0x5b: {  	_ =	shalt  }
0x5c: {  	_ =	shalt  }
0x5d: {  	_ =	shalt  }
0x5e: {  	_ =	shalt  }
0x5f: {  	_ =	shalt  }
0x60: {  	_ =	shalt  }
0x61: {  	_ =	shalt  }
0x62: {  	_ =	shalt  }
0x63: {  	_ =	shalt  }
0x64: {  	_ =	shalt  }
0x65: {  	_ =	shalt  }
0x66: {  	_ =	shalt  }
0x67: {  	_ =	shalt  }
0x68: {  	_ =	shalt  }
0x69: {  	_ =	shalt  }
0x6a: {  	_ =	shalt  }
0x6b: {  	_ =	shalt  }
0x6c: {  	_ =	shalt  }
0x6d: {  	_ =	shalt  }
0x6e: {  	_ =	shalt  }
0x6f: {  	_ =	shalt  }
0x70: {  	_ =	shalt  }
0x71: {  	_ =	shalt  }
0x72: {  	_ =	shalt  }
0x73: {  	_ =	shalt  }
0x74: {  	_ =	shalt  }
0x75: {  	_ =	shalt  }
0x76: {  	_ =	shalt  }
0x77: {  	_ =	shalt  }
0x78: {  	_ =	shalt  }
0x79: {  	_ =	shalt  }
0x7a: {  	_ =	shalt  }
0x7b: {  	_ =	shalt  }
0x7c: {  	_ =	shalt  }
0x7d: {  	_ =	shalt  }
0x7e: {  	_ =	shalt  }
0x7f: {  	_ =	shalt  }
0x80: {  	_ =	shalt  }
0x81: {  	_ =	shalt  }
0x82: {  	_ =	shalt  }
0x83: {  	_ =	shalt  }
0x84: {  	_ =	shalt  }
0x85: {  	_ =	shalt  }
0x86: {  	_ =	shalt  }
0x87: {  	_ =	shalt  }
.Lfunc_end0:
.L_simem_size_0:
called_computation.4_lowered:
.L_overlay_start_0:
0x88: {  	s2 =	sld [smem:$0x3FD9]  }
0x89: {  	s3 =	sld [smem:$0x3FFE];
	_ =	sdelay $0x1  }
0x8a: {  	s1 =	srdreg.scid  }
0x8b: {  	s0 =	sand.u32 $0x1, s1  }
0x8c: {  	s17 =	sshll.u32 s0, $0xA;
	s2 =	sadd.s32 s3, s2  }
0x8d: {  	s2 =	sadd.s32 s2, s17  }
0x8e: {  	[smem:$0x3FB5] =	sst s2  }
0x8f: {  	_ = 	snop  }
0x90: {  	(tm) =	ssettm $0x1  }
0x91: {  	s18 =	sld [smem:$0x3FFB];
	_ =	sdelay $0x3  }
0x92: {  	_ =	strace s18  }
0x93: {  	s2 =	sld [smem:$0x3FFC];
	_ =	sdelay $0x3  }
0x94: {  	_ =	strace s2  }
0x95: {  	s2 =	sld [smem:$0x3FFD];
	_ =	sdelay $0x3  }
0x96: {  	_ =	strace s2  }
0x97: {  	_ =	strace $0x8FFFFFFF  }
0x98: {  	s19 =	sld [smem:$0x3FDB];
	_ =	sdelay $0x1  }
0x99: {  	s20 =	simm.s32 $_scs_section_size  }
0x9a: {  	s4 =	simm.s32 $_size__tile_overlayer_lowered;
	s5 =	simm.s32 $_tile_overlayer_lowered  }
0x9b: {  	s6 =	simm.s32 $0x1BFF;
	s21 =	sshll.u32 s5, $0x1;
	s3 =	sadd.s32 s20, s19  }
0x9c: {  	s22 =	simm.s32 $0x0;
	s4 =	sshll.u32 s4, $0x1;
	s5 =	sadd.s32 s21, s3  }
0x9d: {  	[timem:s22], [sflag:s6] =	dma.local [hbm:s5], s4  }
0x9e: {  	_ =	swait.ge [sflag:s6], s4  }
0x9f: {  	s4 =	ssub.s32 $0x0, s4;
	[sflag:s6] =	ssyncset.done $0x0  }
0xa0: {  	[sflag:s6] =	ssyncadd.s32 s4;
	_ =	sdelay $0x1  }
0xa1: {  	s23 =	simm.s32 $0x1B8B  }
0xa2: {  	_ =	swait.ge [sflag:s23], $0x1  }
0xa3: {  	[sflag:s23] =	ssyncset.done $0x0  }
0xa4: {  	[sflag:s23] =	ssyncadd.s32 $0xFFFFFFFF  }
0xa5: {  	s4 =	sld [smem:$0x0]  }
0xa6: {  	s5 =	sand.u32 $0xFFFFFFFE, s1  }
0xa7: {  	p0 =	sne.s32 s1, s5  }
0xa8: {  	s5 =	sshll.u32 @p0 s5, $0xE  }
0xa9: {  	s5 =	sadd.s32 @p0 $0x11B8D, s5;
	s6 =	sshll.u32 @p0 s4, $0x11  }
0xaa: {  	s5 =	sor.u32 @p0 s6, s5  }
0xab: {  	[sflag:s5] =	ssyncadd.remote.s32 @p0 $0x1;
	_ =	sdelay $0x1  }
0xac: {  	s5 =	simm.s32 @p0 $0x1B8D  }
0xad: {  	_ =	swait.eq @p0 [sflag:s5], $0x1  }
0xae: {  	[sflag:s5] =	ssyncadd.s32 @p0 $0xFFFFFFFF  }
0xaf: {  	s6 =	sshll.u32 @!p0 s1, $0xE  }
0xb0: {  	s6 =	sor.u32 @!p0 $0x4000, s6;
	s5 =	simm.s32 @!p0 $0x1B8D  }
0xb1: {  	s4 =	sshll.u32 @!p0 s4, $0x11;
	s6 =	sadd.s32 @!p0 $0x11B8D, s6;
	_ =	swait.eq @!p0 [sflag:s5], $0x1  }
0xb2: {  	s4 =	sor.u32 @!p0 s4, s6;
	[sflag:s5] =	ssyncadd.s32 @!p0 $0xFFFFFFFF  }
0xb3: {  	s25 =	simm.s32 $0x1B8E;
	s24 =	sld [smem:$0x3FFE];
	[sflag:s4] =	ssyncadd.remote.s32 @!p0 $0x1  }
0xb4: {  	s26 =	simm.s32 $execute0_lowered;
	[smem:$0x3FD2] =	sst s25  }
0xb5: {  	s5 =	sshll.u32 s26, $0x1;
	_ =	strace $0x80000058;
	[dreg:$0x1] =	wrdreg $0xFFFFFFFF  }
0xb6: {  	s28 =	simm.s32 $_size_execute0_lowered;
	s3 =	sadd.s32 s3, s5;
	[dreg:$0x0] =	wrdreg $0x0  }
0xb7: {  	s5 =	sshll.u32 s28, $0x1;
	[dreg:$0x2] =	wrdreg s3  }
0xb8: {  	[dreg:$0x3] =	wrdreg s5  }
0xb9: {  	[dreg:$0x4] =	wrdreg $0xC0  }
0xba: {  	_ =	task [dreg:s22], $0x5FFFF  }
0xbb: {  	[dreg:$0x1] =	wrdreg $0xFFFFFFFF  }
0xbc: {  	[dreg:$0x0] =	wrdreg $0x60  }
0xbd: {  	[dreg:$0x2] =	wrdreg s24  }
0xbe: {  	[dreg:$0x3] =	wrdreg $0x9  }
0xbf: {  	_ =	task.clear_ibuf [dreg:s22], $0x4FFFF;
	_ =	strace $0x90000058  }
0xc0: {  	s29 =	simm.s32 $0x9;
	_ =	strace $0x8000005A  }
0xc1: {  	_ =	swait.ge [sflag:s29], $0x1  }
0xc2: {  	[sflag:s29] =	ssyncadd.s32 $0xFFFFFFFF  }
0xc3: {  	_ =	strace $0x9000005A  }
0xc4: {  	_ =	sfence  }
0xc5: {  	s30 =	sld [smem:$0x0];
	_ =	sdelay $0x2  }
0xc6: {  	s31 =	sshll.u32 s1, $0xD;
	s1 =	sshrl.u32 s1, $0x2  }
0xc7: {  	s4 =	sand.u32 $0x4000, s31;
	s1 =	sadd.s32 s1, s30  }
0xc8: {  	s0 =	sor.u32 s4, s0;
	s1 =	sshll.u32 s1, $0x11  }
0xc9: {  	s0 =	sor.u32 s1, s0  }
0xca: {  	s0 =	sadd.s32 $0x8F2B, s0  }
0xcb: {  	[sflag:s0] =	ssyncadd.remote.s32 $0x1  }
0xcc: {  	_ =	sfence.sel $0xFFFF  }
0xcd: {  	[dreg:$0x0] =	wrdreg $0xFFFFFFFF;
	(pc) =	sbr.abs _section_cstart, $3  }
0xce: {  	[dreg:$0x1] =	wrdreg $0xFFFFFFFF  }
0xcf: {  	_ =	task.clear_ibuf [dreg:s22], $0x2FFFF;
	_ =	strace $0x9FFFFFFF  }
0xd0: {  	(tm) =	ssettm $0x7FFFFFFF  }
0xd1: {  	_ =	shalt  }
tec
execute0_lowered:
.L_overlay_start_1:
0x0: {  	(tag) =	ssettag $0x1  }
0x1: {  	s0 =	srdreg.scid  }
0x2: {  	s9 =	rddreg [dreg:$0x0];
	s1 =	stileid.u32  }
0x3: {  	s5 =	simm.s32 $0x1;
	s6 =	simm.s32 $0x2;
	s10 =	simm.s32 $0x3  }
0x4: {  	s14 =	simm.s32 $0x0;
	s13 =	simm.s32 $0x0;
	s2 =	sshll.u32 s0, $0xB  }
0x5: {  	s0 =	rddreg [dreg:$0x1];
	s3 =	sshll.u32 s1, $0xC;
	s4 =	sand.u32 $0x800, s2  }
0x6: {  	_ =	strace $0x80000059;
	s2 =	sadd.s32 $0x2C3A00, s9;
	s3 =	sor.u32 s3, s4  }
0x7: {  	[sflag:s5] =	ssyncpa.u1 $0x0;
	s4 =	sadd.s32 $0x2B3200, s9;
	s7 =	ssub.s32 $0x80000, s3  }
.Ltmp0:
0x8: {  	[sflag:s6] =	ssyncpa.u1 $0x0;
	s8 =	sand.u32 $0xF800, s7;
	(pc) =	sbr.rel .LBB2_1-.Ltmp0, $4  }
0x9: {  	[sflag:s10] =	ssyncpa.u1 $0x0;
	p0 =	sne.s32 s8, $0x0;
	s8 =	simm.s32 $0x1  }
0xa: {  	s12 =	smov.u32 s3;
	s11 =	sshrl.u32 s7, $0x10;
	s8 =	simm.s32 @!p0 $0x0  }
0xb: {  	s7 =	sadd.s32 $0x53200, s9;
	s9 =	sadd.s32 $0xD3200, s9;
	s8 =	sadd.s32 s8, s11  }
0xc: {  	vm0 =	vmmov $0xffff;
	v0 =	vlaneseq.u32;
	p0 =	por $0x0, $0x0;
	s11 =	simm.s32 $0x0;
	s10 =	sadd.s32 $0x1, s8  }
.LBB2_4:
0xd: {  	_ =	sdelay $0x1  }
0xe: {  	(ifvalue) =	ssetifvalue $0x7FFFFFFF  }
0xf: {  	s17 =	sshll.u32 s14, $0x3;
	(ifvalue) =	ssetifvalue $0x7FFFFFFF  }
0x10: {  	[tilespmem:s23], [sflag:$0x1] =	stream.indirect_vreg.gather [hbm4b:s2+s11], $0x1, v1, vm0, $0x4038;
	[tilespmem:$0x11000] =	vst v63  }
0x11: {  	s30 =	sand.u32 $0x78, s14;
	s17 =	sand.u32 $0xFFFFFC00, s17  }
0x12: {  	_ =	swait.ge [sflag:s5], $0x8000;
	s14 =	sor.u32 s30, s17  }
0x13: {  	[sflag:s5] =	ssyncset.done $0x0;
	s14 =	sshrl.u32 s14, $0x3  }
0x14: {  	[sflag:s5] =	ssyncadd.s32 $0xFFFF8000;
	s31 =	sadd.s32 s7, s14  }
0x15: {  	[hbm:s31] =	stream.linear.scatter [tilespmem:s16], [sflag:$0x3], $0x4000, $0x38;
	[tilespmem:$0x11000] =	vst v63  }
0x16: {  	s15 =	sadd.s32 $0x5000, s15;
	s14 =	sadd.s32 s14, s9  }
0x17: {  	[hbm:s14] =	stream.linear.scatter [tilespmem:s15], [sflag:$0x3], $0x4000, $0x38;
	[tilespmem:$0x11000] =	vst v63  }
.LBB2_5:
0x18: {  	s16 =	sadd.s32 $0x10000, s12  }
0x19: {  	p2 =	sgt.s32 s16, $0x7FFFF  }
0x1a: {  	s16 =	smov.u32 @p2 s3;
	p2 =	sne.s32 s13, s10  }
.Ltmp1:
0x1b: {  	p1 =	slt.u32 s13, $0x2;
	(pc) =	sbr.rel @!p2 .LBB2_6-.Ltmp1, $4  }
0x1c: {  	s15 =	simm.s32 @!p1 $0x3  }
0x1d: {  	s17 =	sadd.s32 $0x1, s13;
	_ =	swait.ge @!p1 [sflag:s15], $0x8000  }
0x1e: {  	s14 =	smov.u32 s12;
	p0 =	por !p0, !p0;
	[sflag:s15] =	ssyncset.done @!p1 $0x0  }
0x1f: {  	s13 =	smov.u32 s17;
	s12 =	smov.u32 s16;
	[sflag:s15] =	ssyncadd.s32 @!p1 $0xFFFF8000  }
.LBB2_1:
0x20: {  	p1 =	sge.u32 s13, s8  }
0x21: {  	s15 =	sxor.u32 @!p1 $0xFFFFFFFF, s13  }
0x22: {  	s31 =	sadd.s32 $0xFFFFFFFF, s13;
	s16 =	sshrl.u32 @!p1 s12, $0x3;
	s15 =	sshll.u32 @!p1 s15, $0xB  }
0x23: {  	s17 =	sand.u32 @!p1 $0x7, s12;
	s16 =	sadd.s32 @!p1 s4, s16;
	s15 =	sand.u32 @!p1 $0x800, s15  }
0x24: {  	[tilespmem:s15], [sflag:$0x2] =	stream.linear.gather @!p1 [hbm4b:s16+s17], $0x800, $0x38;
	[tilespmem:$0x11000] =	vst v63  }
0x25: {  	p1 =	sge.u32 s31, s8  }
.Ltmp2:
0x26: {  	_ = 	snop;
	(pc) =	sbr.rel @p1 .LBB2_5-.Ltmp2, $1  }
0x27: {  	_ =	sdelay $0x3  }
0x28: {  	s15 =	simm.s32 $0x1;
	_ =	swait.ge [sflag:s6], $0x800  }
0x29: {  	s15 =	simm.s32 @!p0 $0x0;
	[sflag:s6] =	ssyncset.done $0x0  }
0x2a: {  	s19 =	sshll.u32 s15, $0xB;
	[sflag:s6] =	ssyncadd.s32 $0xFFFFF800  }
0x2b: {  	v1 =	vld.msk [tilespmem:s19+$0x0 ss:$0x1], $0xffff;
	_ =	sdelay $0x3  }
0x2c: {  	s20 =	ssub.s32 $0x80000, s14  }
0x2d: {  	p1 =	slt.s32 s20, $0x800;
	v2 =	vshrl.u32 v1, $0x6  }
0x2e: {  	s20 =	simm.s32 @!p1 $0x800;
	vm1 =	veq.s32 v1, $0x80000000;
	v2 =	vand.u32 $0x1FFF, v2  }
0x2f: {  	p1 =	sgt.s32 s20, $0x0;
	s15 =	smov.u32 s20;
	v1 =	vshll.u32 v1, $0x11;
	v2 =	vsel vm1, $0xFFFFFFFF, v2  }
0x30: {  	s15 =	simm.s32 @!p1 $0x0;
	v1 =	vand.u32 $0x7E0000, v1;
	v3 =	vshll.u32 v2, $0x3  }
0x31: {  	s15 =	smin.u32 s15, $0x10;
	v1 =	vsel vm1, $0xFFFE0000, v1;
	v3 =	vand.u32 $0xFFFFFC00, v3  }
0x32: {  	v4 =	vmov s15;
	v2 =	vand.u32 $0x7F, v2;
	v1 =	vadd.s32 v1, v3  }
0x33: {  	vm1 =	vgt.u32 v4, v0;
	v1 =	vor.u32 v2, v1  }
0x34: {  	s26 =	sshll.u32 s13, $0xF;
	v2 =	vnsel vm1, $0x7FFFFFFF, v1  }
0x35: {  	s18 =	simm.s32 $0x0;
	s15 =	sand.u32 $0x8000, s26  }
0x36: {  	s17 =	simm.s32 $0x0;
	s18 =	sand.u32 $0x3C00, s18;
	s16 =	sor.u32 $0x1000, s15;
	v3 =	vor.u32 $0x80, v1  }
0x37: {  	s21 =	sand.u32 $0x70, s17;
	(ifvalue) =	ssetifvalue $0x7FFFFFFF;
	s18 =	sadd.s32 s18, s16;
	v3 =	vnsel vm1, $0x7FFFFFFF, v3  }
0x38: {  	(ifvalue) =	ssetifvalue $0x7FFFFFFF;
	s21 =	sadd.s32 s21, s18  }
0x39: {  	v51 =	vor.u32 $0x100, v1;
	[tilespmem:s21], [sflag:$0x1] =	stream.indirect_vreg.gather [hbm4b:s2+s11], $0x1, v2, vm0, $0x4038;
	[tilespmem:$0x11000] =	vst v63  }
0x3a: {  	v2 =	vnsel vm1, $0x7FFFFFFF, v51;
	(ifvalue) =	ssetifvalue $0x7FFFFFFF  }
0x3b: {  	s18 =	sadd.s32 $0x80, s21;
	(ifvalue) =	ssetifvalue $0x7FFFFFFF  }
0x3c: {  	v52 =	vor.u32 $0x180, v1;
	[tilespmem:s18], [sflag:$0x1] =	stream.indirect_vreg.gather [hbm4b:s2+s11], $0x1, v3, vm0, $0x4038;
	[tilespmem:$0x11000] =	vst v63  }
0x3d: {  	v3 =	vnsel vm1, $0x7FFFFFFF, v52;
	(ifvalue) =	ssetifvalue $0x7FFFFFFF  }
0x3e: {  	s28 =	sadd.s32 $0x100, s21;
	(ifvalue) =	ssetifvalue $0x7FFFFFFF  }
0x3f: {  	v53 =	vor.u32 $0x200, v1;
	[tilespmem:s28], [sflag:$0x1] =	stream.indirect_vreg.gather [hbm4b:s2+s11], $0x1, v2, vm0, $0x4038;
	[tilespmem:$0x11000] =	vst v63  }
0x40: {  	v2 =	vnsel vm1, $0x7FFFFFFF, v53;
	(ifvalue) =	ssetifvalue $0x7FFFFFFF  }
0x41: {  	s29 =	sadd.s32 $0x180, s21;
	(ifvalue) =	ssetifvalue $0x7FFFFFFF  }
0x42: {  	v54 =	vor.u32 $0x280, v1;
	[tilespmem:s29], [sflag:$0x1] =	stream.indirect_vreg.gather [hbm4b:s2+s11], $0x1, v3, vm0, $0x4038;
	[tilespmem:$0x11000] =	vst v63  }
0x43: {  	v3 =	vnsel vm1, $0x7FFFFFFF, v54;
	(ifvalue) =	ssetifvalue $0x7FFFFFFF  }
0x44: {  	s30 =	sadd.s32 $0x200, s21;
	(ifvalue) =	ssetifvalue $0x7FFFFFFF  }
0x45: {  	v55 =	vor.u32 $0x300, v1;
	[tilespmem:s30], [sflag:$0x1] =	stream.indirect_vreg.gather [hbm4b:s2+s11], $0x1, v2, vm0, $0x4038;
	[tilespmem:$0x11000] =	vst v63  }
0x46: {  	v2 =	vnsel vm1, $0x7FFFFFFF, v55;
	(ifvalue) =	ssetifvalue $0x7FFFFFFF  }
0x47: {  	s31 =	sand.u32 $0x7, s17;
	s22 =	sadd.s32 $0x280, s21;
	(ifvalue) =	ssetifvalue $0x7FFFFFFF  }
0x48: {  	v56 =	vor.u32 $0x380, v1;
	[tilespmem:s22], [sflag:$0x1] =	stream.indirect_vreg.gather [hbm4b:s2+s11], $0x1, v3, vm0, $0x4038;
	[tilespmem:$0x11000] =	vst v63  }
0x49: {  	s18 =	sshll.u32 s31, $0x4;
	v3 =	vnsel vm1, $0x7FFFFFFF, v56;
	(ifvalue) =	ssetifvalue $0x7FFFFFFF  }
0x4a: {  	s23 =	sadd.s32 $0x300, s21;
	s18 =	sadd.s32 $0x0, s18;
	(ifvalue) =	ssetifvalue $0x7FFFFFFF  }
0x4b: {  	v57 =	vadd.s32 $0x10000, v1;
	[tilespmem:s23], [sflag:$0x1] =	stream.indirect_vreg.gather [hbm4b:s2+s11], $0x1, v2, vm0, $0x4038;
	[tilespmem:$0x11000] =	vst v63  }
0x4c: {  	s18 =	sor.u32 $0x380, s18;
	v2 =	vnsel vm1, $0x7FFFFFFF, v57;
	(ifvalue) =	ssetifvalue $0x7FFFFFFF  }
0x4d: {  	s18 =	sadd.s32 s18, s16;
	(ifvalue) =	ssetifvalue $0x7FFFFFFF  }
0x4e: {  	v58 =	vadd.s32 $0x10080, v1;
	[tilespmem:s18], [sflag:$0x1] =	stream.indirect_vreg.gather [hbm4b:s2+s11], $0x1, v3, vm0, $0x4038;
	[tilespmem:$0x11000] =	vst v63  }
0x4f: {  	v3 =	vnsel vm1, $0x7FFFFFFF, v58;
	(ifvalue) =	ssetifvalue $0x7FFFFFFF  }
0x50: {  	s24 =	sadd.s32 $0x4000, s21;
	(ifvalue) =	ssetifvalue $0x7FFFFFFF  }
0x51: {  	v59 =	vadd.s32 $0x10100, v1;
	[tilespmem:s24], [sflag:$0x1] =	stream.indirect_vreg.gather [hbm4b:s2+s11], $0x1, v2, vm0, $0x4038;
	[tilespmem:$0x11000] =	vst v63  }
0x52: {  	v2 =	vnsel vm1, $0x7FFFFFFF, v59;
	(ifvalue) =	ssetifvalue $0x7FFFFFFF  }
0x53: {  	s25 =	sadd.s32 $0x4080, s21;
	(ifvalue) =	ssetifvalue $0x7FFFFFFF  }
0x54: {  	v60 =	vadd.s32 $0x10180, v1;
	[tilespmem:s25], [sflag:$0x1] =	stream.indirect_vreg.gather [hbm4b:s2+s11], $0x1, v3, vm0, $0x4038;
	[tilespmem:$0x11000] =	vst v63  }
0x55: {  	v3 =	vnsel vm1, $0x7FFFFFFF, v60;
	(ifvalue) =	ssetifvalue $0x7FFFFFFF  }
0x56: {  	s26 =	sadd.s32 $0x4100, s21;
	(ifvalue) =	ssetifvalue $0x7FFFFFFF  }
0x57: {  	v61 =	vadd.s32 $0x10200, v1;
	[tilespmem:s26], [sflag:$0x1] =	stream.indirect_vreg.gather [hbm4b:s2+s11], $0x1, v2, vm0, $0x4038;
	[tilespmem:$0x11000] =	vst v63  }
0x58: {  	v2 =	vnsel vm1, $0x7FFFFFFF, v61;
	(ifvalue) =	ssetifvalue $0x7FFFFFFF  }
0x59: {  	s28 =	sadd.s32 $0x4180, s21;
	(ifvalue) =	ssetifvalue $0x7FFFFFFF  }
0x5a: {  	v62 =	vadd.s32 $0x10280, v1;
	[tilespmem:s28], [sflag:$0x1] =	stream.indirect_vreg.gather [hbm4b:s2+s11], $0x1, v3, vm0, $0x4038;
	[tilespmem:$0x11000] =	vst v63  }
0x5b: {  	v3 =	vnsel vm1, $0x7FFFFFFF, v62;
	(ifvalue) =	ssetifvalue $0x7FFFFFFF  }
0x5c: {  	s29 =	sadd.s32 $0x4200, s21;
	(ifvalue) =	ssetifvalue $0x7FFFFFFF  }
0x5d: {  	v63 =	vadd.s32 $0x10300, v1;
	[tilespmem:s29], [sflag:$0x1] =	stream.indirect_vreg.gather [hbm4b:s2+s11], $0x1, v2, vm0, $0x4038;
	[tilespmem:$0x11000] =	vst v63  }
0x5e: {  	s19 =	sadd.s32 $0x10, s19;
	s20 =	sadd.s32 $0xFFFFFFF0, s20;
	v2 =	vnsel vm1, $0x7FFFFFFF, v63;
	(ifvalue) =	ssetifvalue $0x7FFFFFFF  }
0x5f: {  	s31 =	sadd.s32 $0x4300, s21;
	s30 =	sadd.s32 $0x4280, s21;
	(ifvalue) =	ssetifvalue $0x7FFFFFFF  }
0x60: {  	[tilespmem:s30], [sflag:$0x1] =	stream.indirect_vreg.gather [hbm4b:s2+s11], $0x1, v3, vm0, $0x4038;
	[tilespmem:$0x11000] =	vst v63  }
0x61: {  	v1 =	vadd.s32 $0x10380, v1;
	s22 =	simm.s32 $0x0;
	s23 =	sadd.s32 $0x4380, s21;
	(ifvalue) =	ssetifvalue $0x7FFFFFFF  }
0x62: {  	v1 =	vnsel vm1, $0x7FFFFFFF, v1;
	s21 =	simm.s32 $0xFFFFC080;
	s18 =	simm.s32 $0x10;
	(ifvalue) =	ssetifvalue $0x7FFFFFFF  }
0x63: {  	[tilespmem:s31], [sflag:$0x1] =	stream.indirect_vreg.gather [hbm4b:s2+s11], $0x1, v2, vm0, $0x4038;
	[tilespmem:$0x11000] =	vst v63  }
.LBB2_3:
0x64: {  	(ifvalue) =	ssetifvalue $0x7FFFFFFF  }
0x65: {  	s17 =	sadd.s32 $0x80, s17;
	s22 =	sadd.s32 $0x1, s22;
	s24 =	smov.u32 s18  }
0x66: {  	p1 =	sne.s32 s18, $0x7F0;
	s18 =	sadd.s32 $0x10, s18;
	(ifvalue) =	ssetifvalue $0x7FFFFFFF  }
0x67: {  	[tilespmem:s23], [sflag:$0x1] =	stream.indirect_vreg.gather [hbm4b:s2+s11], $0x1, v1, vm0, $0x4038;
	[tilespmem:$0x11000] =	vst v63  }
0x68: {  	v1 =	vld.msk [tilespmem:s19+$0x0 ss:$0x1], $0xffff;
	_ =	sdelay $0x5  }
0x69: {  	p2 =	sgt.s32 s20, $0x0;
	s23 =	smov.u32 s20;
	v2 =	vshrl.u32 v1, $0x6;
	v3 =	vshll.u32 v1, $0x11  }
0x6a: {  	s23 =	simm.s32 @!p2 $0x0;
	vm1 =	veq.s32 v1, $0x80000000;
	v1 =	vand.u32 $0x1FFF, v2;
	v2 =	vand.u32 $0x7E0000, v3  }
0x6b: {  	s23 =	smin.u32 s23, $0x10;
	v1 =	vsel vm1, $0xFFFFFFFF, v1;
	v2 =	vsel vm1, $0xFFFE0000, v2  }
0x6c: {  	v4 =	vmov s23;
	v3 =	vand.u32 $0x7F, v1;
	v1 =	vshll.u32 v1, $0x3  }
0x6d: {  	vm1 =	vgt.u32 v4, v0;
	v1 =	vand.u32 $0xFFFFFC00, v1  }
0x6e: {  	v1 =	vadd.s32 v2, v1  }
0x6f: {  	s23 =	sadd.s32 $0x4000, s21;
	v1 =	vor.u32 v3, v1  }
0x70: {  	s23 =	sand.u32 $0x3C00, s23;
	v2 =	vnsel vm1, $0x7FFFFFFF, v1;
	v3 =	vor.u32 $0x80, v1;
	v4 =	vor.u32 $0x100, v1  }
0x71: {  	s24 =	sand.u32 $0x70, s24;
	s23 =	sadd.s32 s23, s16;
	v5 =	vor.u32 $0x180, v1;
	v3 =	vnsel vm1, $0x7FFFFFFF, v3;
	v4 =	vnsel vm1, $0x7FFFFFFF, v4;
	(ifvalue) =	ssetifvalue $0x7FFFFFFF  }
0x72: {  	s23 =	sadd.s32 s24, s23;
	v6 =	vor.u32 $0x200, v1;
	v7 =	vor.u32 $0x280, v1;
	v5 =	vnsel vm1, $0x7FFFFFFF, v5;
	(ifvalue) =	ssetifvalue $0x7FFFFFFF  }
0x73: {  	v8 =	vor.u32 $0x300, v1;
	v6 =	vnsel vm1, $0x7FFFFFFF, v6;
	v7 =	vnsel vm1, $0x7FFFFFFF, v7  }
0x74: {  	v9 =	vor.u32 $0x380, v1;
	v10 =	vadd.s32 $0x10000, v1;
	v8 =	vnsel vm1, $0x7FFFFFFF, v8  }
0x75: {  	[tilespmem:s23], [sflag:$0x1] =	stream.indirect_vreg.gather [hbm4b:s2+s11], $0x1, v2, vm0, $0x4038;
	v2 =	vnsel vm1, $0x7FFFFFFF, v9;
	v9 =	vnsel vm1, $0x7FFFFFFF, v10;
	v10 =	vadd.s32 $0x10080, v1;
	[tilespmem:$0x11000] =	vst v63  }
0x76: {  	v11 =	vadd.s32 $0x10100, v1;
	v12 =	vadd.s32 $0x10180, v1;
	(ifvalue) =	ssetifvalue $0x7FFFFFFF;
	v10 =	vnsel vm1, $0x7FFFFFFF, v10  }
0x77: {  	s24 =	sadd.s32 $0x80, s23;
	v13 =	vadd.s32 $0x10200, v1;
	v11 =	vnsel vm1, $0x7FFFFFFF, v11;
	v12 =	vnsel vm1, $0x7FFFFFFF, v12;
	(ifvalue) =	ssetifvalue $0x7FFFFFFF  }
0x78: {  	v14 =	vadd.s32 $0x10300, v1;
	[tilespmem:s24], [sflag:$0x1] =	stream.indirect_vreg.gather [hbm4b:s2+s11], $0x1, v3, vm0, $0x4038;
	v3 =	vnsel vm1, $0x7FFFFFFF, v13;
	v13 =	vadd.s32 $0x10280, v1;
	[tilespmem:$0x11000] =	vst v63  }
0x79: {  	v14 =	vnsel vm1, $0x7FFFFFFF, v14;
	v1 =	vadd.s32 $0x10380, v1;
	(ifvalue) =	ssetifvalue $0x7FFFFFFF;
	v13 =	vnsel vm1, $0x7FFFFFFF, v13  }
0x7a: {  	s24 =	sadd.s32 $0x100, s23;
	v1 =	vnsel vm1, $0x7FFFFFFF, v1;
	(ifvalue) =	ssetifvalue $0x7FFFFFFF  }
0x7b: {  	[tilespmem:s24], [sflag:$0x1] =	stream.indirect_vreg.gather [hbm4b:s2+s11], $0x1, v4, vm0, $0x4038;
	[tilespmem:$0x11000] =	vst v63  }
0x7c: {  	(ifvalue) =	ssetifvalue $0x7FFFFFFF  }
0x7d: {  	s24 =	sadd.s32 $0x180, s23;
	(ifvalue) =	ssetifvalue $0x7FFFFFFF  }
0x7e: {  	[tilespmem:s24], [sflag:$0x1] =	stream.indirect_vreg.gather [hbm4b:s2+s11], $0x1, v5, vm0, $0x4038;
	[tilespmem:$0x11000] =	vst v63  }
0x7f: {  	(ifvalue) =	ssetifvalue $0x7FFFFFFF  }
0x80: {  	s24 =	sadd.s32 $0x200, s23;
	(ifvalue) =	ssetifvalue $0x7FFFFFFF  }
0x81: {  	[tilespmem:s24], [sflag:$0x1] =	stream.indirect_vreg.gather [hbm4b:s2+s11], $0x1, v6, vm0, $0x4038;
	[tilespmem:$0x11000] =	vst v63  }
0x82: {  	(ifvalue) =	ssetifvalue $0x7FFFFFFF  }
0x83: {  	s25 =	sadd.s32 $0x280, s23;
	s24 =	sand.u32 $0x7, s22;
	(ifvalue) =	ssetifvalue $0x7FFFFFFF  }
0x84: {  	[tilespmem:s25], [sflag:$0x1] =	stream.indirect_vreg.gather [hbm4b:s2+s11], $0x1, v7, vm0, $0x4038;
	[tilespmem:$0x11000] =	vst v63  }
0x85: {  	s24 =	sshll.u32 s24, $0x4;
	(ifvalue) =	ssetifvalue $0x7FFFFFFF  }
0x86: {  	s24 =	sadd.s32 s24, s17;
	s25 =	sadd.s32 $0x300, s23;
	(ifvalue) =	ssetifvalue $0x7FFFFFFF  }
0x87: {  	[tilespmem:s25], [sflag:$0x1] =	stream.indirect_vreg.gather [hbm4b:s2+s11], $0x1, v8, vm0, $0x4038;
	[tilespmem:$0x11000] =	vst v63  }
0x88: {  	s24 =	sor.u32 $0x380, s24;
	(ifvalue) =	ssetifvalue $0x7FFFFFFF  }
0x89: {  	s24 =	sadd.s32 s24, s16;
	(ifvalue) =	ssetifvalue $0x7FFFFFFF  }
0x8a: {  	[tilespmem:s24], [sflag:$0x1] =	stream.indirect_vreg.gather [hbm4b:s2+s11], $0x1, v2, vm0, $0x4038;
	[tilespmem:$0x11000] =	vst v63  }
0x8b: {  	(ifvalue) =	ssetifvalue $0x7FFFFFFF  }
0x8c: {  	s24 =	sadd.s32 $0x4000, s23;
	(ifvalue) =	ssetifvalue $0x7FFFFFFF  }
0x8d: {  	[tilespmem:s24], [sflag:$0x1] =	stream.indirect_vreg.gather [hbm4b:s2+s11], $0x1, v9, vm0, $0x4038;
	[tilespmem:$0x11000] =	vst v63  }
0x8e: {  	(ifvalue) =	ssetifvalue $0x7FFFFFFF  }
0x8f: {  	s25 =	sadd.s32 $0x4100, s23;
	s24 =	sadd.s32 $0x4080, s23;
	(ifvalue) =	ssetifvalue $0x7FFFFFFF  }
0x90: {  	[tilespmem:s24], [sflag:$0x1] =	stream.indirect_vreg.gather [hbm4b:s2+s11], $0x1, v10, vm0, $0x4038;
	[tilespmem:$0x11000] =	vst v63  }
0x91: {  	(ifvalue) =	ssetifvalue $0x7FFFFFFF  }
0x92: {  	(ifvalue) =	ssetifvalue $0x7FFFFFFF  }
0x93: {  	[tilespmem:s25], [sflag:$0x1] =	stream.indirect_vreg.gather [hbm4b:s2+s11], $0x1, v11, vm0, $0x4038;
	[tilespmem:$0x11000] =	vst v63  }
0x94: {  	(ifvalue) =	ssetifvalue $0x7FFFFFFF  }
0x95: {  	s24 =	sadd.s32 $0x4180, s23;
	s25 =	sadd.s32 $0x4200, s23;
	(ifvalue) =	ssetifvalue $0x7FFFFFFF  }
0x96: {  	[tilespmem:s24], [sflag:$0x1] =	stream.indirect_vreg.gather [hbm4b:s2+s11], $0x1, v12, vm0, $0x4038;
	[tilespmem:$0x11000] =	vst v63  }
0x97: {  	(ifvalue) =	ssetifvalue $0x7FFFFFFF  }
0x98: {  	s24 =	sadd.s32 $0x4280, s23;
	(ifvalue) =	ssetifvalue $0x7FFFFFFF  }
0x99: {  	[tilespmem:s25], [sflag:$0x1] =	stream.indirect_vreg.gather [hbm4b:s2+s11], $0x1, v3, vm0, $0x4038;
	[tilespmem:$0x11000] =	vst v63  }
0x9a: {  	(ifvalue) =	ssetifvalue $0x7FFFFFFF  }
.Ltmp3:
0x9b: {  	s25 =	sadd.s32 $0x4300, s23;
	(ifvalue) =	ssetifvalue $0x7FFFFFFF;
	(pc) =	sbr.rel @p1 .LBB2_3-.Ltmp3, $4  }
0x9c: {  	[tilespmem:s24], [sflag:$0x1] =	stream.indirect_vreg.gather [hbm4b:s2+s11], $0x1, v13, vm0, $0x4038;
	[tilespmem:$0x11000] =	vst v63  }
0x9d: {  	s20 =	sadd.s32 $0xFFFFFFF0, s20;
	s19 =	sadd.s32 $0x10, s19;
	(ifvalue) =	ssetifvalue $0x7FFFFFFF  }
0x9e: {  	s21 =	sadd.s32 $0x80, s21;
	s23 =	sadd.s32 $0x4380, s23;
	(ifvalue) =	ssetifvalue $0x7FFFFFFF  }
0x9f: {  	[tilespmem:s25], [sflag:$0x1] =	stream.indirect_vreg.gather [hbm4b:s2+s11], $0x1, v14, vm0, $0x4038;
	[tilespmem:$0x11000] =	vst v63  }
.Ltmp4:
0xa0: {  	_ = 	snop;
	(pc) =	sbr.rel .LBB2_4-.Ltmp4, $1  }
0xa1: {  	_ =	sdelay $0x3  }
.LBB2_6:
0xa2: {  	_ =	sfence.sel $0x180000  }
0xa3: {  	s2 =	simm.s32 $0x2;
	[bflag:$0x0] =	sbarrier.arrive $0xFFFF  }
0xa4: {  	s30 =	simm.s32 $0x3;
	[sflag:s2] =	ssyncpa.u1 $0x1  }
0xa5: {  	s31 =	simm.s32 $0x1;
	[sflag:s30] =	ssyncpa.u1 $0x1  }
0xa6: {  	[sflag:s31] =	ssyncpa.u1 $0x1  }
0xa7: {  	p0 =	sne.s32 s1, $0x0;
	_ =	strace $0x90000059  }
0xa8: {  	s0 =	sadd.s32 @!p0 $0x100000, s0;
	[bflag:$0x2] =	sbarrier.arrive $0xFFFF  }
0xa9: {  	[sflag:s0] =	ssyncadd.tile.s32 @!p0 $0x1;
	_ =	shalt  }
.Lfunc_end2:
_tile_overlayer_lowered:
.L_overlay_start_2:
0xaa: {  	(tag) =	ssettag $0x2  }
0xab: {  	s0 =	rddreg [dreg:$0x0];
	s2 =	stileid.u32  }
0xac: {  	s1 =	rddreg [dreg:$0x1];
	p0 =	sne.s32 s2, $0x0  }
0xad: {  	s3 =	rddreg [dreg:$0x2];
	[bflag:$0x3] =	sbarrier.arrive $0xFFFF;
	s2 =	simm.s32 @!p0 $0x1C01  }
0xae: {  	[timem:s3], [sflag:s2] =	dma.local @!p0 [hbm:s0], s1  }
0xaf: {  	s0 =	simm.s32 @!p0 $0x1  }
0xb0: {  	_ =	swait.ge @!p0 [sflag:s0], s1  }
0xb1: {  	s1 =	ssub.s32 @!p0 $0x0, s1;
	[sflag:s0] =	ssyncset.done @!p0 $0x0  }
0xb2: {  	[sflag:s0] =	ssyncadd.s32 @!p0 s1  }
0xb3: {  	[bflag:$0x3] =	sbarrier.arrive $0xFFFF  }
0xb4: {  	_ =	shalt  }

// kernel: gather_offload_async_start.3
scs
__scs_entry_jumppad:
0x0: {  	(pc) =	sbr.rel $0x88, $3  }
0x1: {  	(tag) =	ssettag $0x0;
	lr =	simm.s32 $0x1  }
0x2: {  	[smem:$0x3F8E] =	sst lr;
	_ =	strace $0xD0000000  }
0x3: {  	_ = 	snop  }
0x4: {  	_ = 	snop  }
0x5: {  	_ = 	snop  }
0x6: {  	_ = 	snop  }
0x7: {  	_ = 	snop  }
__scs_overlays_trampoline_lowered:
0x8: {  	[smem:$0x3F9D] =	sst s0  }
0x9: {  	[smem:$0x3F9E] =	sst s1  }
0xa: {  	[smem:$0x3F9F] =	sst s2  }
0xb: {  	[smem:$0x3FA0] =	sst s3  }
0xc: {  	[smem:$0x3FA1] =	sst s4  }
0xd: {  	[smem:$0x3FA2] =	sst s5  }
0xe: {  	[smem:$0x3FA3] =	sst s6  }
0xf: {  	[smem:$0x3FA4] =	sst s7  }
0x10: {  	[smem:$0x3FA5] =	sst s8  }
0x11: {  	[smem:$0x3FA6] =	sst s9;
	s0 =	simm.s32 @!p0 $0x0  }
0x12: {  	s1 =	sld [smem:$0x3F8C];
	s0 =	simm.s32 @p0 $0x1  }
0x13: {  	[smem:$0x3FA7] =	sst s0;
	s0 =	simm.s32 @!p1 $0x0  }
0x14: {  	s2 =	sld [smem:$0x3F8B];
	s0 =	simm.s32 @p1 $0x1  }
0x15: {  	[smem:$0x3FA8] =	sst s0;
	s0 =	simm.s32 @!p2 $0x0  }
0x16: {  	s3 =	sld [smem:$0x3FDB];
	s0 =	simm.s32 @p2 $0x1  }
0x17: {  	s4 =	simm.s32 $0x1BF5;
	[smem:$0x3FAA] =	sst s0  }
0x18: {  	s0 =	sld [smem:$0x3F8D];
	_ =	swait.ge [sflag:s4], $0x0  }
0x19: {  	s7 =	sld [smem:$0x3F8E]  }
0x1a: {  	s8 =	sadd.s32 $0xFFFFE003, lr  }
0x1b: {  	s9 =	sadd.s32 $0xFFFFFEF7, lr;
	s5 =	simm.s32 $0xFFFFFFFF;
	p2 =	slt.u32 s8, $0xFFFFF086  }
0x1c: {  	p1 =	slt.u32 s9, $0xF7A;
	s5 =	simm.s32 @!p2 $0x0  }
0x1d: {  	s5 =	simm.s32 @p1 $0x1;
	p0 =	seq.s32 s7, s2  }
0x1e: {  	s7 =	smul.u32 @!p0 $0xF7A, s2;
	p2 =	seq.s32 @!p0 s5, $0x0  }
0x1f: {  	s9 =	smul.u32 $0xF7A, s1;
	s8 =	simm.s32 @!p0 $0x1BF5;
	p2 =	por !p2, p0  }
0x20: {  	[sflag:s8] =	ssyncset.s32 @!p0 $0xFFFFF086;
	s6 =	sadd.s32 @!p0 s3, s7;
	s7 =	simm.s32 @!p0 $0x108  }
0x21: {  	s3 =	sadd.s32 s3, s9;
	s6 =	sadd.s32 @!p0 $0x88, s6;
	s7 =	simm.s32 @p2 $0x1082  }
0x22: {  	[simem:s7], [sflag:s8] =	dma.local @!p0 [hbm:s6], $0xF7A  }
0x23: {  	s9 =	sor.u32 $0xD0000000, s2;
	s6 =	simm.s32 $0x108;
	_ =	swait.ge @!p0 [sflag:s8], $0x0  }
0x24: {  	s3 =	sadd.s32 $0x88, s3;
	s6 =	simm.s32 @!p1 $0x1082;
	[sflag:s4] =	ssyncset.s32 $0xFFFFF086  }
0x25: {  	[simem:s6], [sflag:s4] =	dma.local [hbm:s3], $0xF7A  }
0x26: {  	[smem:$0x3F8E] =	sst s1;
	(tag) =	ssettag s2;
	_ =	strace s9  }
0x27: {  	s1 =	sld [smem:$0x3F9E]  }
0x28: {  	s2 =	sld [smem:$0x3F9F]  }
0x29: {  	s4 =	sld [smem:$0x3FA1]  }
0x2a: {  	p0 =	seq.s32 s5, $0x0;
	s5 =	sld [smem:$0x3FA2]  }
0x2b: {  	s6 =	sld [smem:$0x3FA3]  }
0x2c: {  	s7 =	sld [smem:$0x3FA4]  }
0x2d: {  	s3 =	simm.s32 $0x108;
	s8 =	sld [smem:$0x3FA5]  }
0x2e: {  	s3 =	simm.s32 @!p0 $0x1082;
	s9 =	sld [smem:$0x3FA6]  }
0x2f: {  	lr =	sadd.s32 s0, s3;
	s0 =	sld [smem:$0x3F9D]  }
0x30: {  	s3 =	sld [smem:$0x3FA0]  }
0x31: {  	[smem:$0x3FA9] =	sst s10  }
0x32: {  	s10 =	sld [smem:$0x3FA7];
	_ =	sdelay $0x3  }
0x33: {  	p0 =	seq.s32 s10, $0x1;
	s10 =	sld [smem:$0x3FA9];
	_ =	sdelay $0x3  }
0x34: {  	[smem:$0x3FA9] =	sst s10  }
0x35: {  	s10 =	sld [smem:$0x3FA8];
	_ =	sdelay $0x3  }
0x36: {  	p1 =	seq.s32 s10, $0x1;
	s10 =	sld [smem:$0x3FA9];
	_ =	sdelay $0x3  }
0x37: {  	[smem:$0x3FA9] =	sst s10  }
0x38: {  	s10 =	sld [smem:$0x3FAA]  }
0x39: {  	_ = 	snop;
	(pc) =	sbr.ind lr, $3  }
0x3a: {  	_ = 	snop  }
0x3b: {  	_ = 	snop  }
0x3c: {  	p2 =	seq.s32 s10, $0x1;
	s10 =	sld [smem:$0x3FA9]  }
0x3d: {  	_ =	shalt  }
0x3e: {  	_ =	shalt  }
0x3f: {  	_ =	shalt  }
0x40: {  	_ =	shalt  }
0x41: {  	_ =	shalt  }
0x42: {  	_ =	shalt  }
0x43: {  	_ =	shalt  }
0x44: {  	_ =	shalt  }
0x45: {  	_ =	shalt  }
0x46: {  	_ =	shalt  }
0x47: {  	_ =	shalt  }
0x48: {  	_ =	shalt  }
0x49: {  	_ =	shalt  }
0x4a: {  	_ =	shalt  }
0x4b: {  	_ =	shalt  }
0x4c: {  	_ =	shalt  }
0x4d: {  	_ =	shalt  }
0x4e: {  	_ =	shalt  }
0x4f: {  	_ =	shalt  }
0x50: {  	_ =	shalt  }
0x51: {  	_ =	shalt  }
0x52: {  	_ =	shalt  }
0x53: {  	_ =	shalt  }
0x54: {  	_ =	shalt  }
0x55: {  	_ =	shalt  }
0x56: {  	_ =	shalt  }
0x57: {  	_ =	shalt  }
0x58: {  	_ =	shalt  }
0x59: {  	_ =	shalt  }
0x5a: {  	_ =	shalt  }
0x5b: {  	_ =	shalt  }
0x5c: {  	_ =	shalt  }
0x5d: {  	_ =	shalt  }
0x5e: {  	_ =	shalt  }
0x5f: {  	_ =	shalt  }
0x60: {  	_ =	shalt  }
0x61: {  	_ =	shalt  }
0x62: {  	_ =	shalt  }
0x63: {  	_ =	shalt  }
0x64: {  	_ =	shalt  }
0x65: {  	_ =	shalt  }
0x66: {  	_ =	shalt  }
0x67: {  	_ =	shalt  }
0x68: {  	_ =	shalt  }
0x69: {  	_ =	shalt  }
0x6a: {  	_ =	shalt  }
0x6b: {  	_ =	shalt  }
0x6c: {  	_ =	shalt  }
0x6d: {  	_ =	shalt  }
0x6e: {  	_ =	shalt  }
0x6f: {  	_ =	shalt  }
0x70: {  	_ =	shalt  }
0x71: {  	_ =	shalt  }
0x72: {  	_ =	shalt  }
0x73: {  	_ =	shalt  }
0x74: {  	_ =	shalt  }
0x75: {  	_ =	shalt  }
0x76: {  	_ =	shalt  }
0x77: {  	_ =	shalt  }
0x78: {  	_ =	shalt  }
0x79: {  	_ =	shalt  }
0x7a: {  	_ =	shalt  }
0x7b: {  	_ =	shalt  }
0x7c: {  	_ =	shalt  }
0x7d: {  	_ =	shalt  }
0x7e: {  	_ =	shalt  }
0x7f: {  	_ =	shalt  }
0x80: {  	_ =	shalt  }
0x81: {  	_ =	shalt  }
0x82: {  	_ =	shalt  }
0x83: {  	_ =	shalt  }
0x84: {  	_ =	shalt  }
0x85: {  	_ =	shalt  }
0x86: {  	_ =	shalt  }
0x87: {  	_ =	shalt  }
.Lfunc_end0:
.L_simem_size_0:
called_computation.5_lowered:
.L_overlay_start_0:
0x88: {  	s2 =	sld [smem:$0x3FD9]  }
0x89: {  	s3 =	sld [smem:$0x3FFE];
	_ =	sdelay $0x1  }
0x8a: {  	s1 =	srdreg.scid  }
0x8b: {  	s0 =	sand.u32 $0x1, s1  }
0x8c: {  	s16 =	sshll.u32 s0, $0xA;
	s2 =	sadd.s32 s3, s2  }
0x8d: {  	s2 =	sadd.s32 s2, s16  }
0x8e: {  	[smem:$0x3FB5] =	sst s2  }
0x8f: {  	_ = 	snop  }
0x90: {  	(tm) =	ssettm $0x1  }
0x91: {  	s17 =	sld [smem:$0x3FFB];
	_ =	sdelay $0x3  }
0x92: {  	_ =	strace s17  }
0x93: {  	s2 =	sld [smem:$0x3FFC];
	_ =	sdelay $0x3  }
0x94: {  	_ =	strace s2  }
0x95: {  	s2 =	sld [smem:$0x3FFD];
	_ =	sdelay $0x3  }
0x96: {  	_ =	strace s2  }
0x97: {  	_ =	strace $0x8FFFFFFF  }
0x98: {  	s18 =	sld [smem:$0x3FDB];
	_ =	sdelay $0x1  }
0x99: {  	s19 =	simm.s32 $_scs_section_size  }
0x9a: {  	s4 =	simm.s32 $_size__tile_overlayer_lowered;
	s5 =	simm.s32 $_tile_overlayer_lowered  }
0x9b: {  	s22 =	simm.s32 $0x1BFF;
	s21 =	sshll.u32 s5, $0x1;
	s2 =	sadd.s32 s19, s18  }
0x9c: {  	s6 =	simm.s32 $0x0;
	s20 =	sshll.u32 s4, $0x1;
	s4 =	sadd.s32 s21, s2  }
0x9d: {  	[timem:s6], [sflag:s22] =	dma.local [hbm:s4], s20  }
0x9e: {  	_ =	swait.ge [sflag:s22], s20  }
0x9f: {  	s3 =	ssub.s32 $0x0, s20;
	[sflag:s22] =	ssyncset.done $0x0  }
0xa0: {  	[sflag:s22] =	ssyncadd.s32 s3;
	_ =	sdelay $0x1  }
0xa1: {  	s23 =	simm.s32 $0x1B8B  }
0xa2: {  	_ =	swait.ge [sflag:s23], $0x1  }
0xa3: {  	[sflag:s23] =	ssyncset.done $0x0  }
0xa4: {  	s25 =	simm.s32 $0x1B8E;
	s24 =	sld [smem:$0x3FFE];
	[sflag:s23] =	ssyncadd.s32 $0xFFFFFFFF  }
0xa5: {  	s26 =	simm.s32 $execute0_lowered;
	[smem:$0x3FD2] =	sst s25  }
0xa6: {  	s4 =	sshll.u32 s26, $0x1;
	_ =	strace $0x80000055;
	[dreg:$0x1] =	wrdreg $0xFFFFFFFF  }
0xa7: {  	s28 =	simm.s32 $_size_execute0_lowered;
	s2 =	sadd.s32 s2, s4;
	[dreg:$0x0] =	wrdreg $0x0  }
0xa8: {  	s4 =	sshll.u32 s28, $0x1;
	[dreg:$0x2] =	wrdreg s2  }
0xa9: {  	[dreg:$0x3] =	wrdreg s4  }
0xaa: {  	[dreg:$0x4] =	wrdreg $0xC0  }
0xab: {  	_ =	task [dreg:s6], $0x5FFFF  }
0xac: {  	[dreg:$0x1] =	wrdreg $0xFFFFFFFF  }
0xad: {  	[dreg:$0x0] =	wrdreg $0x60  }
0xae: {  	[dreg:$0x2] =	wrdreg s24  }
0xaf: {  	[dreg:$0x3] =	wrdreg $0xA  }
0xb0: {  	_ =	task.clear_ibuf [dreg:s6], $0x4FFFF;
	_ =	strace $0x90000055  }
0xb1: {  	s29 =	simm.s32 $0xA;
	_ =	strace $0x80000057  }
0xb2: {  	_ =	swait.ge [sflag:s29], $0x1  }
0xb3: {  	[sflag:s29] =	ssyncadd.s32 $0xFFFFFFFF  }
0xb4: {  	_ =	strace $0x90000057  }
0xb5: {  	_ =	sfence  }
0xb6: {  	s30 =	sld [smem:$0x0];
	_ =	sdelay $0x2  }
0xb7: {  	s31 =	sshll.u32 s1, $0xD;
	s1 =	sshrl.u32 s1, $0x2  }
0xb8: {  	s3 =	sand.u32 $0x4000, s31;
	s1 =	sadd.s32 s1, s30  }
0xb9: {  	s0 =	sor.u32 s3, s0;
	s1 =	sshll.u32 s1, $0x11  }
0xba: {  	s0 =	sor.u32 s1, s0  }
0xbb: {  	s0 =	sadd.s32 $0x8F2B, s0  }
0xbc: {  	[sflag:s0] =	ssyncadd.remote.s32 $0x1  }
0xbd: {  	_ =	sfence.sel $0xFFFF  }
0xbe: {  	[dreg:$0x0] =	wrdreg $0xFFFFFFFF;
	(pc) =	sbr.abs _section_cstart, $3  }
0xbf: {  	[dreg:$0x1] =	wrdreg $0xFFFFFFFF  }
0xc0: {  	_ =	task.clear_ibuf [dreg:s6], $0x2FFFF;
	_ =	strace $0x9FFFFFFF  }
0xc1: {  	(tm) =	ssettm $0x7FFFFFFF  }
tec
execute0_lowered:
.L_overlay_start_1:
0x0: {  	(tag) =	ssettag $0x1  }
0x1: {  	s0 =	srdreg.scid;
	s5 =	rddreg [dreg:$0x0]  }
0x2: {  	s1 =	stileid.u32;
	s6 =	simm.s32 $0x1;
	s9 =	simm.s32 $0x1  }
0x3: {  	s10 =	simm.s32 $0x3;
	s13 =	simm.s32 $0x0;
	s2 =	sshll.u32 s0, $0xD  }
0x4: {  	s12 =	simm.s32 $0x0;
	s3 =	sshll.u32 s1, $0xE;
	s4 =	sand.u32 $0x2000, s2  }
0x5: {  	s0 =	rddreg [dreg:$0x1];
	_ =	strace $0x80000056;
	s3 =	sor.u32 s3, s4  }
0x6: {  	s2 =	sadd.s32 $0x3C3A00, s5;
	[sflag:s6] =	ssyncpa.u1 $0x0;
	s8 =	ssub.s32 $0x80000, s3  }
.Ltmp0:
0x7: {  	s4 =	sadd.s32 $0x3E3A00, s5;
	s7 =	sand.u32 $0x3E000, s8;
	(pc) =	sbr.rel .LBB2_1-.Ltmp0, $4  }
0x8: {  	s5 =	sadd.s32 $0x3F3A00, s5;
	s11 =	smov.u32 s3;
	p0 =	sne.s32 s7, $0x0  }
0x9: {  	s8 =	sshrl.u32 s8, $0x12;
	s7 =	simm.s32 $0x2;
	s9 =	simm.s32 @!p0 $0x0  }
0xa: {  	[sflag:s7] =	ssyncpa.u1 $0x0;
	p0 =	por $0x0, $0x0;
	s8 =	sadd.s32 s9, s8  }
0xb: {  	vm0 =	vmmov $0xffff;
	[sflag:s10] =	ssyncpa.u1 $0x0;
	s10 =	simm.s32 $0x0;
	s9 =	sadd.s32 $0x1, s8  }
.LBB2_4:
0xc: {  	v5 =	vshll.u32 v1, $0x1  }
0xd: {  	vm1 =	veq.s32 v1, $0x80000000;
	v60 =	vand.u32 $0x3F, v1;
	v5 =	vand.u32 $0xFFF80, v5  }
0xe: {  	v1 =	vsel vm1, $0xFFFFFFFF, v60;
	v5 =	vsel vm1, $0xFFFFFF80, v5  }
0xf: {  	v3 =	vor.u32 v4, v3;
	v6 =	vand.u32 $0xFFFFFC00, v1;
	v61 =	vand.u32 $0xFFFFFC00, v5  }
0x10: {  	v2 =	vor.u32 v2, v3;
	v63 =	vand.u32 $0x380, v5;
	v62 =	vadd.s32 v6, v61  }
0x11: {  	v1 =	vand.u32 $0x7F, v1;
	v3 =	vor.u32 v63, v62  }
0x12: {  	v1 =	vor.u32 v1, v3  }
0x13: {  	[tilespmem:s15], [sflag:$0x1] =	stream.indirect_vreg.gather [hbm4b:s2+s10], $0x1, v0, vm0, $0x4038;
	[tilespmem:$0x8000] =	vst v63  }
0x14: {  	(ifvalue) =	ssetifvalue $0x7FFFFFFF  }
0x15: {  	[tilespmem:s16], [sflag:$0x1] =	stream.indirect_vreg.gather [hbm4b:s2+s10], $0x1, v2, vm0, $0x4038;
	[tilespmem:$0x8000] =	vst v63  }
0x16: {  	s29 =	sadd.s32 $0x10, s16;
	(ifvalue) =	ssetifvalue $0x7FFFFFFF  }
0x17: {  	[tilespmem:s29], [sflag:$0x1] =	stream.indirect_vreg.gather [hbm4b:s2+s10], $0x1, v1, vm0, $0x4038;
	[tilespmem:$0x8000] =	vst v63  }
0x18: {  	_ =	swait.ge [sflag:s6], $0x2000  }
0x19: {  	s30 =	sshrl.u32 s13, $0x3;
	[sflag:s6] =	ssyncset.done $0x0  }
0x1a: {  	s31 =	sand.u32 $0x7, s13;
	s15 =	sadd.s32 s5, s30;
	[sflag:s6] =	ssyncadd.s32 $0xFFFFE000  }
0x1b: {  	[hbm4b:s15+s31] =	stream.linear.scatter [tilespmem:s14], [sflag:$0x3], $0x2000, $0x38;
	[tilespmem:$0x8000] =	vst v63  }
.LBB2_5:
0x1c: {  	s15 =	sadd.s32 $0x40000, s11  }
0x1d: {  	p2 =	sgt.s32 s15, $0x7FFFF  }
0x1e: {  	s15 =	smov.u32 @p2 s3;
	p2 =	sne.s32 s12, s9  }
.Ltmp1:
0x1f: {  	p1 =	slt.u32 s12, $0x2;
	(pc) =	sbr.rel @!p2 .LBB2_6-.Ltmp1, $4  }
0x20: {  	s14 =	simm.s32 @!p1 $0x3  }
0x21: {  	s16 =	sadd.s32 $0x1, s12;
	_ =	swait.ge @!p1 [sflag:s14], $0x2000  }
0x22: {  	s13 =	smov.u32 s11;
	p0 =	por !p0, !p0;
	[sflag:s14] =	ssyncset.done @!p1 $0x0  }
0x23: {  	s12 =	smov.u32 s16;
	s11 =	smov.u32 s15;
	[sflag:s14] =	ssyncadd.s32 @!p1 $0xFFFFE000  }
.LBB2_1:
0x24: {  	p1 =	sge.u32 s12, s8  }
0x25: {  	s14 =	sxor.u32 @!p1 $0xFFFFFFFF, s12  }
0x26: {  	s31 =	sadd.s32 $0xFFFFFFFF, s12;
	s15 =	sshrl.u32 @!p1 s11, $0x3;
	s14 =	sshll.u32 @!p1 s14, $0xD  }
0x27: {  	s16 =	sand.u32 @!p1 $0x7, s11;
	s15 =	sadd.s32 @!p1 s4, s15;
	s14 =	sand.u32 @!p1 $0x2000, s14  }
0x28: {  	[tilespmem:s14], [sflag:$0x2] =	stream.linear.gather @!p1 [hbm4b:s15+s16], $0x2000, $0x38;
	[tilespmem:$0x8000] =	vst v63  }
0x29: {  	p1 =	sge.u32 s31, s8  }
.Ltmp2:
0x2a: {  	_ = 	snop;
	(pc) =	sbr.rel @p1 .LBB2_5-.Ltmp2, $1  }
0x2b: {  	_ =	sdelay $0x3  }
0x2c: {  	s14 =	simm.s32 $0x1  }
0x2d: {  	_ =	swait.ge [sflag:s7], $0x2000;
	s14 =	simm.s32 @!p0 $0x0  }
0x2e: {  	[sflag:s7] =	ssyncset.done $0x0;
	s14 =	sshll.u32 s14, $0xD  }
0x2f: {  	[sflag:s7] =	ssyncadd.s32 $0xFFFFE000;
	(ifvalue) =	ssetifvalue $0x7FFFFFFF;
	v0 =	vld.msk [tilespmem:s14+$0x0 ss:$0x1], $0xffff;
	_ =	sdelay $0x4  }
0x30: {  	s15 =	sadd.s32 $0x10, s14;
	v2 =	vshll.u32 v0, $0x1  }
0x31: {  	v1 =	vld.msk [tilespmem:s15+$0x0 ss:$0x1], $0xffff;
	vm1 =	veq.s32 v0, $0x80000000;
	v0 =	vand.u32 $0x3F, v0;
	v2 =	vand.u32 $0xFFF80, v2  }
0x32: {  	v0 =	vsel vm1, $0xFFFFFFFF, v0;
	v2 =	vsel vm1, $0xFFFFFF80, v2  }
0x33: {  	v3 =	vand.u32 $0x7F, v0;
	v0 =	vand.u32 $0xFFFFFC00, v0;
	v4 =	vand.u32 $0xFFFFFC00, v2  }
0x34: {  	v2 =	vand.u32 $0x380, v2;
	v0 =	vadd.s32 v0, v4  }
0x35: {  	v0 =	vor.u32 v2, v0  }
0x36: {  	v4 =	vshll.u32 v1, $0x1;
	v0 =	vor.u32 v3, v0  }
0x37: {  	s16 =	sshll.u32 s12, $0xD;
	vm1 =	veq.s32 v1, $0x80000000;
	v1 =	vand.u32 $0x3F, v1;
	v4 =	vand.u32 $0xFFF80, v4  }
0x38: {  	s16 =	sand.u32 $0x2000, s16;
	s18 =	sadd.s32 $0x10, s15;
	v2 =	vsel vm1, $0xFFFFFFFF, v1;
	v4 =	vsel vm1, $0xFFFFFF80, v4  }
0x39: {  	s17 =	simm.s32 $0x20;
	s15 =	sor.u32 $0x4000, s14;
	s14 =	sor.u32 $0x4000, s16;
	v1 =	vld.msk [tilespmem:s18+$0x0 ss:$0x1], $0xffff;
	v5 =	vand.u32 $0xFFFFFC00, v2;
	v3 =	vand.u32 $0xFFFFFC00, v4  }
0x3a: {  	s16 =	sadd.s32 $0x10, s15;
	s18 =	sadd.s32 $0x10, s18;
	(ifvalue) =	ssetifvalue $0x7FFFFFFF;
	v2 =	vand.u32 $0x7F, v2;
	v4 =	vand.u32 $0x380, v4;
	v3 =	vadd.s32 v5, v3  }
.LBB2_3:
0x3b: {  	[tilespmem:s15], [sflag:$0x1] =	stream.indirect_vreg.gather [hbm4b:s2+s10], $0x1, v0, vm0, $0x4038;
	[tilespmem:$0x8000] =	vst v63  }
0x3c: {  	s17 =	sadd.s32 $0x10, s17  }
0x3d: {  	v3 =	vor.u32 v4, v3;
	p1 =	slt.u32 s17, $0x1FF0  }
.Ltmp3:
0x3e: {  	v4 =	vshll.u32 v1, $0x1;
	s15 =	smov.u32 s16;
	v0 =	vor.u32 v2, v3;
	v2 =	vmov v1;
	v1 =	vld.msk [tilespmem:s18+$0x0 ss:$0x1], $0xffff;
	(pc) =	sbr.rel @p1 .LBB2_3-.Ltmp3, $4  }
0x3f: {  	v3 =	vand.u32 $0xFFF80, v4;
	vm1 =	veq.s32 v2, $0x80000000;
	v2 =	vand.u32 $0x3F, v2  }
0x40: {  	v4 =	vsel vm1, $0xFFFFFFFF, v2;
	v5 =	vsel vm1, $0xFFFFFF80, v3  }
0x41: {  	v2 =	vand.u32 $0x7F, v4;
	v3 =	vand.u32 $0xFFFFFC00, v5;
	v4 =	vand.u32 $0xFFFFFC00, v4  }
0x42: {  	s16 =	sadd.s32 $0x10, s16;
	s18 =	sadd.s32 $0x10, s18;
	v3 =	vadd.s32 v4, v3;
	v4 =	vand.u32 $0x380, v5;
	(ifvalue) =	ssetifvalue $0x7FFFFFFF  }
.Ltmp4:
0x43: {  	_ = 	snop;
	(pc) =	sbr.rel .LBB2_4-.Ltmp4, $1  }
0x44: {  	_ =	sdelay $0x3  }
.LBB2_6:
0x45: {  	_ =	sfence.sel $0x180000  }
0x46: {  	s2 =	simm.s32 $0x2;
	[bflag:$0x0] =	sbarrier.arrive $0xFFFF  }
0x47: {  	s30 =	simm.s32 $0x3;
	[sflag:s2] =	ssyncpa.u1 $0x1  }
0x48: {  	s31 =	simm.s32 $0x1;
	[sflag:s30] =	ssyncpa.u1 $0x1  }
0x49: {  	[sflag:s31] =	ssyncpa.u1 $0x1  }
0x4a: {  	p0 =	sne.s32 s1, $0x0;
	_ =	strace $0x90000056  }
0x4b: {  	s0 =	sadd.s32 @!p0 $0x100000, s0;
	[bflag:$0x2] =	sbarrier.arrive $0xFFFF  }
0x4c: {  	[sflag:s0] =	ssyncadd.tile.s32 @!p0 $0x1;
	_ =	shalt  }
.Lfunc_end2:
_tile_overlayer_lowered:
.L_overlay_start_2:
0x4d: {  	(tag) =	ssettag $0x2  }
0x4e: {  	s0 =	rddreg [dreg:$0x0];
	s2 =	stileid.u32  }
0x4f: {  	s1 =	rddreg [dreg:$0x1];
	p0 =	sne.s32 s2, $0x0  }
0x50: {  	s3 =	rddreg [dreg:$0x2];
	[bflag:$0x3] =	sbarrier.arrive $0xFFFF;
	s2 =	simm.s32 @!p0 $0x1C01  }
0x51: {  	[timem:s3], [sflag:s2] =	dma.local @!p0 [hbm:s0], s1  }
0x52: {  	s0 =	simm.s32 @!p0 $0x1  }
0x53: {  	_ =	swait.ge @!p0 [sflag:s0], s1  }
0x54: {  	s1 =	ssub.s32 @!p0 $0x0, s1;
	[sflag:s0] =	ssyncset.done @!p0 $0x0  }
0x55: {  	[sflag:s0] =	ssyncadd.s32 @!p0 s1  }
0x56: {  	[bflag:$0x3] =	sbarrier.arrive $0xFFFF  }
0x57: {  	_ =	shalt  }

// kernel: gather_offload_async_start
scs
__scs_entry_jumppad:
0x0: {  	(pc) =	sbr.rel $0x88, $3  }
0x1: {  	(tag) =	ssettag $0x0;
	lr =	simm.s32 $0x1  }
0x2: {  	[smem:$0x3F8E] =	sst lr;
	_ =	strace $0xD0000000  }
0x3: {  	_ = 	snop  }
0x4: {  	_ = 	snop  }
0x5: {  	_ = 	snop  }
0x6: {  	_ = 	snop  }
0x7: {  	_ = 	snop  }
__scs_overlays_trampoline_lowered:
0x8: {  	[smem:$0x3F9D] =	sst s0  }
0x9: {  	[smem:$0x3F9E] =	sst s1  }
0xa: {  	[smem:$0x3F9F] =	sst s2  }
0xb: {  	[smem:$0x3FA0] =	sst s3  }
0xc: {  	[smem:$0x3FA1] =	sst s4  }
0xd: {  	[smem:$0x3FA2] =	sst s5  }
0xe: {  	[smem:$0x3FA3] =	sst s6  }
0xf: {  	[smem:$0x3FA4] =	sst s7  }
0x10: {  	[smem:$0x3FA5] =	sst s8  }
0x11: {  	[smem:$0x3FA6] =	sst s9;
	s0 =	simm.s32 @!p0 $0x0  }
0x12: {  	s1 =	sld [smem:$0x3F8C];
	s0 =	simm.s32 @p0 $0x1  }
0x13: {  	[smem:$0x3FA7] =	sst s0;
	s0 =	simm.s32 @!p1 $0x0  }
0x14: {  	s2 =	sld [smem:$0x3F8B];
	s0 =	simm.s32 @p1 $0x1  }
0x15: {  	[smem:$0x3FA8] =	sst s0;
	s0 =	simm.s32 @!p2 $0x0  }
0x16: {  	s3 =	sld [smem:$0x3FDB];
	s0 =	simm.s32 @p2 $0x1  }
0x17: {  	s4 =	simm.s32 $0x1BF5;
	[smem:$0x3FAA] =	sst s0  }
0x18: {  	s0 =	sld [smem:$0x3F8D];
	_ =	swait.ge [sflag:s4], $0x0  }
0x19: {  	s7 =	sld [smem:$0x3F8E]  }
0x1a: {  	s8 =	sadd.s32 $0xFFFFE003, lr  }
0x1b: {  	s9 =	sadd.s32 $0xFFFFFEF7, lr;
	s5 =	simm.s32 $0xFFFFFFFF;
	p2 =	slt.u32 s8, $0xFFFFF086  }
0x1c: {  	p1 =	slt.u32 s9, $0xF7A;
	s5 =	simm.s32 @!p2 $0x0  }
0x1d: {  	s5 =	simm.s32 @p1 $0x1;
	p0 =	seq.s32 s7, s2  }
0x1e: {  	s7 =	smul.u32 @!p0 $0xF7A, s2;
	p2 =	seq.s32 @!p0 s5, $0x0  }
0x1f: {  	s9 =	smul.u32 $0xF7A, s1;
	s8 =	simm.s32 @!p0 $0x1BF5;
	p2 =	por !p2, p0  }
0x20: {  	[sflag:s8] =	ssyncset.s32 @!p0 $0xFFFFF086;
	s6 =	sadd.s32 @!p0 s3, s7;
	s7 =	simm.s32 @!p0 $0x108  }
0x21: {  	s3 =	sadd.s32 s3, s9;
	s6 =	sadd.s32 @!p0 $0x88, s6;
	s7 =	simm.s32 @p2 $0x1082  }
0x22: {  	[simem:s7], [sflag:s8] =	dma.local @!p0 [hbm:s6], $0xF7A  }
0x23: {  	s9 =	sor.u32 $0xD0000000, s2;
	s6 =	simm.s32 $0x108;
	_ =	swait.ge @!p0 [sflag:s8], $0x0  }
0x24: {  	s3 =	sadd.s32 $0x88, s3;
	s6 =	simm.s32 @!p1 $0x1082;
	[sflag:s4] =	ssyncset.s32 $0xFFFFF086  }
0x25: {  	[simem:s6], [sflag:s4] =	dma.local [hbm:s3], $0xF7A  }
0x26: {  	[smem:$0x3F8E] =	sst s1;
	(tag) =	ssettag s2;
	_ =	strace s9  }
0x27: {  	s1 =	sld [smem:$0x3F9E]  }
0x28: {  	s2 =	sld [smem:$0x3F9F]  }
0x29: {  	s4 =	sld [smem:$0x3FA1]  }
0x2a: {  	p0 =	seq.s32 s5, $0x0;
	s5 =	sld [smem:$0x3FA2]  }
0x2b: {  	s6 =	sld [smem:$0x3FA3]  }
0x2c: {  	s7 =	sld [smem:$0x3FA4]  }
0x2d: {  	s3 =	simm.s32 $0x108;
	s8 =	sld [smem:$0x3FA5]  }
0x2e: {  	s3 =	simm.s32 @!p0 $0x1082;
	s9 =	sld [smem:$0x3FA6]  }
0x2f: {  	lr =	sadd.s32 s0, s3;
	s0 =	sld [smem:$0x3F9D]  }
0x30: {  	s3 =	sld [smem:$0x3FA0]  }
0x31: {  	[smem:$0x3FA9] =	sst s10  }
0x32: {  	s10 =	sld [smem:$0x3FA7];
	_ =	sdelay $0x3  }
0x33: {  	p0 =	seq.s32 s10, $0x1;
	s10 =	sld [smem:$0x3FA9];
	_ =	sdelay $0x3  }
0x34: {  	[smem:$0x3FA9] =	sst s10  }
0x35: {  	s10 =	sld [smem:$0x3FA8];
	_ =	sdelay $0x3  }
0x36: {  	p1 =	seq.s32 s10, $0x1;
	s10 =	sld [smem:$0x3FA9];
	_ =	sdelay $0x3  }
0x37: {  	[smem:$0x3FA9] =	sst s10  }
0x38: {  	s10 =	sld [smem:$0x3FAA]  }
0x39: {  	_ = 	snop;
	(pc) =	sbr.ind lr, $3  }
0x3a: {  	_ = 	snop  }
0x3b: {  	_ = 	snop  }
0x3c: {  	p2 =	seq.s32 s10, $0x1;
	s10 =	sld [smem:$0x3FA9]  }
0x3d: {  	_ =	shalt  }
0x3e: {  	_ =	shalt  }
0x3f: {  	_ =	shalt  }
0x40: {  	_ =	shalt  }
0x41: {  	_ =	shalt  }
0x42: {  	_ =	shalt  }
0x43: {  	_ =	shalt  }
0x44: {  	_ =	shalt  }
0x45: {  	_ =	shalt  }
0x46: {  	_ =	shalt  }
0x47: {  	_ =	shalt  }
0x48: {  	_ =	shalt  }
0x49: {  	_ =	shalt  }
0x4a: {  	_ =	shalt  }
0x4b: {  	_ =	shalt  }
0x4c: {  	_ =	shalt  }
0x4d: {  	_ =	shalt  }
0x4e: {  	_ =	shalt  }
0x4f: {  	_ =	shalt  }
0x50: {  	_ =	shalt  }
0x51: {  	_ =	shalt  }
0x52: {  	_ =	shalt  }
0x53: {  	_ =	shalt  }
0x54: {  	_ =	shalt  }
0x55: {  	_ =	shalt  }
0x56: {  	_ =	shalt  }
0x57: {  	_ =	shalt  }
0x58: {  	_ =	shalt  }
0x59: {  	_ =	shalt  }
0x5a: {  	_ =	shalt  }
0x5b: {  	_ =	shalt  }
0x5c: {  	_ =	shalt  }
0x5d: {  	_ =	shalt  }
0x5e: {  	_ =	shalt  }
0x5f: {  	_ =	shalt  }
0x60: {  	_ =	shalt  }
0x61: {  	_ =	shalt  }
0x62: {  	_ =	shalt  }
0x63: {  	_ =	shalt  }
0x64: {  	_ =	shalt  }
0x65: {  	_ =	shalt  }
0x66: {  	_ =	shalt  }
0x67: {  	_ =	shalt  }
0x68: {  	_ =	shalt  }
0x69: {  	_ =	shalt  }
0x6a: {  	_ =	shalt  }
0x6b: {  	_ =	shalt  }
0x6c: {  	_ =	shalt  }
0x6d: {  	_ =	shalt  }
0x6e: {  	_ =	shalt  }
0x6f: {  	_ =	shalt  }
0x70: {  	_ =	shalt  }
0x71: {  	_ =	shalt  }
0x72: {  	_ =	shalt  }
0x73: {  	_ =	shalt  }
0x74: {  	_ =	shalt  }
0x75: {  	_ =	shalt  }
0x76: {  	_ =	shalt  }
0x77: {  	_ =	shalt  }
0x78: {  	_ =	shalt  }
0x79: {  	_ =	shalt  }
0x7a: {  	_ =	shalt  }
0x7b: {  	_ =	shalt  }
0x7c: {  	_ =	shalt  }
0x7d: {  	_ =	shalt  }
0x7e: {  	_ =	shalt  }
0x7f: {  	_ =	shalt  }
0x80: {  	_ =	shalt  }
0x81: {  	_ =	shalt  }
0x82: {  	_ =	shalt  }
0x83: {  	_ =	shalt  }
0x84: {  	_ =	shalt  }
0x85: {  	_ =	shalt  }
0x86: {  	_ =	shalt  }
0x87: {  	_ =	shalt  }
.Lfunc_end0:
.L_simem_size_0:
called_computation.2_lowered:
.L_overlay_start_0:
0x88: {  	s2 =	sld [smem:$0x3FD9]  }
0x89: {  	s3 =	sld [smem:$0x3FFE];
	_ =	sdelay $0x1  }
0x8a: {  	s1 =	srdreg.scid  }
0x8b: {  	s0 =	sand.u32 $0x1, s1  }
0x8c: {  	s17 =	sshll.u32 s0, $0xA;
	s2 =	sadd.s32 s3, s2  }
0x8d: {  	s2 =	sadd.s32 s2, s17  }
0x8e: {  	[smem:$0x3FB5] =	sst s2  }
0x8f: {  	_ = 	snop  }
0x90: {  	(tm) =	ssettm $0x1  }
0x91: {  	s18 =	sld [smem:$0x3FFB];
	_ =	sdelay $0x3  }
0x92: {  	_ =	strace s18  }
0x93: {  	s2 =	sld [smem:$0x3FFC];
	_ =	sdelay $0x3  }
0x94: {  	_ =	strace s2  }
0x95: {  	s2 =	sld [smem:$0x3FFD];
	_ =	sdelay $0x3  }
0x96: {  	_ =	strace s2  }
0x97: {  	_ =	strace $0x8FFFFFFF  }
0x98: {  	s19 =	sld [smem:$0x3FDB];
	_ =	sdelay $0x1  }
0x99: {  	s20 =	simm.s32 $_scs_section_size  }
0x9a: {  	s4 =	simm.s32 $_size__tile_overlayer_lowered;
	s5 =	simm.s32 $_tile_overlayer_lowered  }
0x9b: {  	s6 =	simm.s32 $0x1BFF;
	s21 =	sshll.u32 s5, $0x1;
	s3 =	sadd.s32 s20, s19  }
0x9c: {  	s22 =	simm.s32 $0x0;
	s4 =	sshll.u32 s4, $0x1;
	s5 =	sadd.s32 s21, s3  }
0x9d: {  	[timem:s22], [sflag:s6] =	dma.local [hbm:s5], s4  }
0x9e: {  	_ =	swait.ge [sflag:s6], s4  }
0x9f: {  	s4 =	ssub.s32 $0x0, s4;
	[sflag:s6] =	ssyncset.done $0x0  }
0xa0: {  	[sflag:s6] =	ssyncadd.s32 s4;
	_ =	sdelay $0x1  }
0xa1: {  	s23 =	simm.s32 $0x1B8B  }
0xa2: {  	_ =	swait.ge [sflag:s23], $0x1  }
0xa3: {  	[sflag:s23] =	ssyncset.done $0x0  }
0xa4: {  	[sflag:s23] =	ssyncadd.s32 $0xFFFFFFFF  }
0xa5: {  	s4 =	sld [smem:$0x0]  }
0xa6: {  	s5 =	sand.u32 $0xFFFFFFFE, s1  }
0xa7: {  	p0 =	sne.s32 s1, s5  }
0xa8: {  	s5 =	sshll.u32 @p0 s5, $0xE  }
0xa9: {  	s5 =	sadd.s32 @p0 $0x11B8D, s5;
	s6 =	sshll.u32 @p0 s4, $0x11  }
0xaa: {  	s5 =	sor.u32 @p0 s6, s5  }
0xab: {  	[sflag:s5] =	ssyncadd.remote.s32 @p0 $0x1;
	_ =	sdelay $0x1  }
0xac: {  	s5 =	simm.s32 @p0 $0x1B8D  }
0xad: {  	_ =	swait.eq @p0 [sflag:s5], $0x1  }
0xae: {  	[sflag:s5] =	ssyncadd.s32 @p0 $0xFFFFFFFF  }
0xaf: {  	s6 =	sshll.u32 @!p0 s1, $0xE  }
0xb0: {  	s6 =	sor.u32 @!p0 $0x4000, s6;
	s5 =	simm.s32 @!p0 $0x1B8D  }
0xb1: {  	s4 =	sshll.u32 @!p0 s4, $0x11;
	s6 =	sadd.s32 @!p0 $0x11B8D, s6;
	_ =	swait.eq @!p0 [sflag:s5], $0x1  }
0xb2: {  	s4 =	sor.u32 @!p0 s4, s6;
	[sflag:s5] =	ssyncadd.s32 @!p0 $0xFFFFFFFF  }
0xb3: {  	s25 =	simm.s32 $0x1B8E;
	s24 =	sld [smem:$0x3FFE];
	[sflag:s4] =	ssyncadd.remote.s32 @!p0 $0x1  }
0xb4: {  	s26 =	simm.s32 $execute0_lowered;
	[smem:$0x3FD2] =	sst s25  }
0xb5: {  	s5 =	sshll.u32 s26, $0x1;
	_ =	strace $0x8000004C;
	[dreg:$0x1] =	wrdreg $0xFFFFFFFF  }
0xb6: {  	s28 =	simm.s32 $_size_execute0_lowered;
	s3 =	sadd.s32 s3, s5;
	[dreg:$0x0] =	wrdreg $0x0  }
0xb7: {  	s5 =	sshll.u32 s28, $0x1;
	[dreg:$0x2] =	wrdreg s3  }
0xb8: {  	[dreg:$0x3] =	wrdreg s5  }
0xb9: {  	[dreg:$0x4] =	wrdreg $0xC0  }
0xba: {  	_ =	task [dreg:s22], $0x5FFFF  }
0xbb: {  	[dreg:$0x1] =	wrdreg $0xFFFFFFFF  }
0xbc: {  	[dreg:$0x0] =	wrdreg $0x60  }
0xbd: {  	[dreg:$0x2] =	wrdreg s24  }
0xbe: {  	[dreg:$0x3] =	wrdreg $0x9  }
0xbf: {  	_ =	task.clear_ibuf [dreg:s22], $0x4FFFF;
	_ =	strace $0x9000004C  }
0xc0: {  	s29 =	simm.s32 $0x9;
	_ =	strace $0x8000004E  }
0xc1: {  	_ =	swait.ge [sflag:s29], $0x1  }
0xc2: {  	[sflag:s29] =	ssyncadd.s32 $0xFFFFFFFF  }
0xc3: {  	_ =	strace $0x9000004E  }
0xc4: {  	_ =	sfence  }
0xc5: {  	s30 =	sld [smem:$0x0];
	_ =	sdelay $0x2  }
0xc6: {  	s31 =	sshll.u32 s1, $0xD;
	s1 =	sshrl.u32 s1, $0x2  }
0xc7: {  	s4 =	sand.u32 $0x4000, s31;
	s1 =	sadd.s32 s1, s30  }
0xc8: {  	s0 =	sor.u32 s4, s0;
	s1 =	sshll.u32 s1, $0x11  }
0xc9: {  	s0 =	sor.u32 s1, s0  }
0xca: {  	s0 =	sadd.s32 $0x8F2B, s0  }
0xcb: {  	[sflag:s0] =	ssyncadd.remote.s32 $0x1  }
0xcc: {  	_ =	sfence.sel $0xFFFF  }
0xcd: {  	[dreg:$0x0] =	wrdreg $0xFFFFFFFF;
	(pc) =	sbr.abs _section_cstart, $3  }
0xce: {  	[dreg:$0x1] =	wrdreg $0xFFFFFFFF  }
0xcf: {  	_ =	task.clear_ibuf [dreg:s22], $0x2FFFF;
	_ =	strace $0x9FFFFFFF  }
0xd0: {  	(tm) =	ssettm $0x7FFFFFFF  }
0xd1: {  	_ =	shalt  }
tec
execute0_lowered:
.L_overlay_start_1:
0x0: {  	(tag) =	ssettag $0x1  }
0x1: {  	s0 =	srdreg.scid  }
0x2: {  	s9 =	rddreg [dreg:$0x0];
	s1 =	stileid.u32  }
0x3: {  	s5 =	simm.s32 $0x1;
	s6 =	simm.s32 $0x2;
	s10 =	simm.s32 $0x3  }
0x4: {  	s14 =	simm.s32 $0x0;
	s13 =	simm.s32 $0x0;
	s2 =	sshll.u32 s0, $0xB  }
0x5: {  	s0 =	rddreg [dreg:$0x1];
	s3 =	sshll.u32 s1, $0xC;
	s4 =	sand.u32 $0x800, s2  }
0x6: {  	_ =	strace $0x8000004D;
	s2 =	sadd.s32 $0x73200, s9;
	s3 =	sor.u32 s3, s4  }
0x7: {  	[sflag:s5] =	ssyncpa.u1 $0x0;
	s4 =	sadd.s32 $0x173200, s9;
	s7 =	ssub.s32 $0x80000, s3  }
.Ltmp0:
0x8: {  	[sflag:s6] =	ssyncpa.u1 $0x0;
	s8 =	sand.u32 $0xF800, s7;
	(pc) =	sbr.rel .LBB2_1-.Ltmp0, $4  }
0x9: {  	[sflag:s10] =	ssyncpa.u1 $0x0;
	p0 =	sne.s32 s8, $0x0;
	s8 =	simm.s32 $0x1  }
0xa: {  	s12 =	smov.u32 s3;
	s11 =	sshrl.u32 s7, $0x10;
	s8 =	simm.s32 @!p0 $0x0  }
0xb: {  	s7 =	sadd.s32 $0x1C3200, s9;
	s9 =	sadd.s32 $0x243200, s9;
	s8 =	sadd.s32 s8, s11  }
0xc: {  	vm0 =	vmmov $0xffff;
	v0 =	vlaneseq.u32;
	p0 =	por $0x0, $0x0;
	s11 =	simm.s32 $0x0;
	s10 =	sadd.s32 $0x1, s8  }
.LBB2_4:
0xd: {  	_ =	sdelay $0x1  }
0xe: {  	(ifvalue) =	ssetifvalue $0x7FFFFFFF  }
0xf: {  	s17 =	sshll.u32 s14, $0x3;
	(ifvalue) =	ssetifvalue $0x7FFFFFFF  }
0x10: {  	[tilespmem:s23], [sflag:$0x1] =	stream.indirect_vreg.gather [hbm4b:s2+s11], $0x1, v1, vm0, $0x4038;
	[tilespmem:$0x11000] =	vst v63  }
0x11: {  	s30 =	sand.u32 $0x78, s14;
	s17 =	sand.u32 $0xFFFFFC00, s17  }
0x12: {  	_ =	swait.ge [sflag:s5], $0x8000;
	s14 =	sor.u32 s30, s17  }
0x13: {  	[sflag:s5] =	ssyncset.done $0x0;
	s14 =	sshrl.u32 s14, $0x3  }
0x14: {  	[sflag:s5] =	ssyncadd.s32 $0xFFFF8000;
	s31 =	sadd.s32 s7, s14  }
0x15: {  	[hbm:s31] =	stream.linear.scatter [tilespmem:s16], [sflag:$0x3], $0x4000, $0x38;
	[tilespmem:$0x11000] =	vst v63  }
0x16: {  	s15 =	sadd.s32 $0x5000, s15;
	s14 =	sadd.s32 s14, s9  }
0x17: {  	[hbm:s14] =	stream.linear.scatter [tilespmem:s15], [sflag:$0x3], $0x4000, $0x38;
	[tilespmem:$0x11000] =	vst v63  }
.LBB2_5:
0x18: {  	s16 =	sadd.s32 $0x10000, s12  }
0x19: {  	p2 =	sgt.s32 s16, $0x7FFFF  }
0x1a: {  	s16 =	smov.u32 @p2 s3;
	p2 =	sne.s32 s13, s10  }
.Ltmp1:
0x1b: {  	p1 =	slt.u32 s13, $0x2;
	(pc) =	sbr.rel @!p2 .LBB2_6-.Ltmp1, $4  }
0x1c: {  	s15 =	simm.s32 @!p1 $0x3  }
0x1d: {  	s17 =	sadd.s32 $0x1, s13;
	_ =	swait.ge @!p1 [sflag:s15], $0x8000  }
0x1e: {  	s14 =	smov.u32 s12;
	p0 =	por !p0, !p0;
	[sflag:s15] =	ssyncset.done @!p1 $0x0  }
0x1f: {  	s13 =	smov.u32 s17;
	s12 =	smov.u32 s16;
	[sflag:s15] =	ssyncadd.s32 @!p1 $0xFFFF8000  }
.LBB2_1:
0x20: {  	p1 =	sge.u32 s13, s8  }
0x21: {  	s15 =	sxor.u32 @!p1 $0xFFFFFFFF, s13  }
0x22: {  	s31 =	sadd.s32 $0xFFFFFFFF, s13;
	s16 =	sshrl.u32 @!p1 s12, $0x3;
	s15 =	sshll.u32 @!p1 s15, $0xB  }
0x23: {  	s17 =	sand.u32 @!p1 $0x7, s12;
	s16 =	sadd.s32 @!p1 s4, s16;
	s15 =	sand.u32 @!p1 $0x800, s15  }
0x24: {  	[tilespmem:s15], [sflag:$0x2] =	stream.linear.gather @!p1 [hbm4b:s16+s17], $0x800, $0x38;
	[tilespmem:$0x11000] =	vst v63  }
0x25: {  	p1 =	sge.u32 s31, s8  }
.Ltmp2:
0x26: {  	_ = 	snop;
	(pc) =	sbr.rel @p1 .LBB2_5-.Ltmp2, $1  }
0x27: {  	_ =	sdelay $0x3  }
0x28: {  	s15 =	simm.s32 $0x1;
	_ =	swait.ge [sflag:s6], $0x800  }
0x29: {  	s15 =	simm.s32 @!p0 $0x0;
	[sflag:s6] =	ssyncset.done $0x0  }
0x2a: {  	s19 =	sshll.u32 s15, $0xB;
	[sflag:s6] =	ssyncadd.s32 $0xFFFFF800  }
0x2b: {  	v1 =	vld.msk [tilespmem:s19+$0x0 ss:$0x1], $0xffff;
	_ =	sdelay $0x3  }
0x2c: {  	s20 =	ssub.s32 $0x80000, s14  }
0x2d: {  	p1 =	slt.s32 s20, $0x800;
	v2 =	vshrl.u32 v1, $0x6  }
0x2e: {  	s20 =	simm.s32 @!p1 $0x800;
	vm1 =	veq.s32 v1, $0x80000000;
	v2 =	vand.u32 $0x1FFF, v2  }
0x2f: {  	p1 =	sgt.s32 s20, $0x0;
	s15 =	smov.u32 s20;
	v1 =	vshll.u32 v1, $0x11;
	v2 =	vsel vm1, $0xFFFFFFFF, v2  }
0x30: {  	s15 =	simm.s32 @!p1 $0x0;
	v1 =	vand.u32 $0x7E0000, v1;
	v3 =	vshll.u32 v2, $0x3  }
0x31: {  	s15 =	smin.u32 s15, $0x10;
	v1 =	vsel vm1, $0xFFFE0000, v1;
	v3 =	vand.u32 $0xFFFFFC00, v3  }
0x32: {  	v4 =	vmov s15;
	v2 =	vand.u32 $0x7F, v2;
	v1 =	vadd.s32 v1, v3  }
0x33: {  	vm1 =	vgt.u32 v4, v0;
	v1 =	vor.u32 v2, v1  }
0x34: {  	s26 =	sshll.u32 s13, $0xF;
	v2 =	vnsel vm1, $0x7FFFFFFF, v1  }
0x35: {  	s18 =	simm.s32 $0x0;
	s15 =	sand.u32 $0x8000, s26  }
0x36: {  	s17 =	simm.s32 $0x0;
	s18 =	sand.u32 $0x3C00, s18;
	s16 =	sor.u32 $0x1000, s15;
	v3 =	vor.u32 $0x80, v1  }
0x37: {  	s21 =	sand.u32 $0x70, s17;
	(ifvalue) =	ssetifvalue $0x7FFFFFFF;
	s18 =	sadd.s32 s18, s16;
	v3 =	vnsel vm1, $0x7FFFFFFF, v3  }
0x38: {  	(ifvalue) =	ssetifvalue $0x7FFFFFFF;
	s21 =	sadd.s32 s21, s18  }
0x39: {  	v51 =	vor.u32 $0x100, v1;
	[tilespmem:s21], [sflag:$0x1] =	stream.indirect_vreg.gather [hbm4b:s2+s11], $0x1, v2, vm0, $0x4038;
	[tilespmem:$0x11000] =	vst v63  }
0x3a: {  	v2 =	vnsel vm1, $0x7FFFFFFF, v51;
	(ifvalue) =	ssetifvalue $0x7FFFFFFF  }
0x3b: {  	s18 =	sadd.s32 $0x80, s21;
	(ifvalue) =	ssetifvalue $0x7FFFFFFF  }
0x3c: {  	v52 =	vor.u32 $0x180, v1;
	[tilespmem:s18], [sflag:$0x1] =	stream.indirect_vreg.gather [hbm4b:s2+s11], $0x1, v3, vm0, $0x4038;
	[tilespmem:$0x11000] =	vst v63  }
0x3d: {  	v3 =	vnsel vm1, $0x7FFFFFFF, v52;
	(ifvalue) =	ssetifvalue $0x7FFFFFFF  }
0x3e: {  	s28 =	sadd.s32 $0x100, s21;
	(ifvalue) =	ssetifvalue $0x7FFFFFFF  }
0x3f: {  	v53 =	vor.u32 $0x200, v1;
	[tilespmem:s28], [sflag:$0x1] =	stream.indirect_vreg.gather [hbm4b:s2+s11], $0x1, v2, vm0, $0x4038;
	[tilespmem:$0x11000] =	vst v63  }
0x40: {  	v2 =	vnsel vm1, $0x7FFFFFFF, v53;
	(ifvalue) =	ssetifvalue $0x7FFFFFFF  }
0x41: {  	s29 =	sadd.s32 $0x180, s21;
	(ifvalue) =	ssetifvalue $0x7FFFFFFF  }
0x42: {  	v54 =	vor.u32 $0x280, v1;
	[tilespmem:s29], [sflag:$0x1] =	stream.indirect_vreg.gather [hbm4b:s2+s11], $0x1, v3, vm0, $0x4038;
	[tilespmem:$0x11000] =	vst v63  }
0x43: {  	v3 =	vnsel vm1, $0x7FFFFFFF, v54;
	(ifvalue) =	ssetifvalue $0x7FFFFFFF  }
0x44: {  	s30 =	sadd.s32 $0x200, s21;
	(ifvalue) =	ssetifvalue $0x7FFFFFFF  }
0x45: {  	v55 =	vor.u32 $0x300, v1;
	[tilespmem:s30], [sflag:$0x1] =	stream.indirect_vreg.gather [hbm4b:s2+s11], $0x1, v2, vm0, $0x4038;
	[tilespmem:$0x11000] =	vst v63  }
0x46: {  	v2 =	vnsel vm1, $0x7FFFFFFF, v55;
	(ifvalue) =	ssetifvalue $0x7FFFFFFF  }
0x47: {  	s31 =	sand.u32 $0x7, s17;
	s22 =	sadd.s32 $0x280, s21;
	(ifvalue) =	ssetifvalue $0x7FFFFFFF  }
0x48: {  	v56 =	vor.u32 $0x380, v1;
	[tilespmem:s22], [sflag:$0x1] =	stream.indirect_vreg.gather [hbm4b:s2+s11], $0x1, v3, vm0, $0x4038;
	[tilespmem:$0x11000] =	vst v63  }
0x49: {  	s18 =	sshll.u32 s31, $0x4;
	v3 =	vnsel vm1, $0x7FFFFFFF, v56;
	(ifvalue) =	ssetifvalue $0x7FFFFFFF  }
0x4a: {  	s23 =	sadd.s32 $0x300, s21;
	s18 =	sadd.s32 $0x0, s18;
	(ifvalue) =	ssetifvalue $0x7FFFFFFF  }
0x4b: {  	v57 =	vadd.s32 $0x10000, v1;
	[tilespmem:s23], [sflag:$0x1] =	stream.indirect_vreg.gather [hbm4b:s2+s11], $0x1, v2, vm0, $0x4038;
	[tilespmem:$0x11000] =	vst v63  }
0x4c: {  	s18 =	sor.u32 $0x380, s18;
	v2 =	vnsel vm1, $0x7FFFFFFF, v57;
	(ifvalue) =	ssetifvalue $0x7FFFFFFF  }
0x4d: {  	s18 =	sadd.s32 s18, s16;
	(ifvalue) =	ssetifvalue $0x7FFFFFFF  }
0x4e: {  	v58 =	vadd.s32 $0x10080, v1;
	[tilespmem:s18], [sflag:$0x1] =	stream.indirect_vreg.gather [hbm4b:s2+s11], $0x1, v3, vm0, $0x4038;
	[tilespmem:$0x11000] =	vst v63  }
0x4f: {  	v3 =	vnsel vm1, $0x7FFFFFFF, v58;
	(ifvalue) =	ssetifvalue $0x7FFFFFFF  }
0x50: {  	s24 =	sadd.s32 $0x4000, s21;
	(ifvalue) =	ssetifvalue $0x7FFFFFFF  }
0x51: {  	v59 =	vadd.s32 $0x10100, v1;
	[tilespmem:s24], [sflag:$0x1] =	stream.indirect_vreg.gather [hbm4b:s2+s11], $0x1, v2, vm0, $0x4038;
	[tilespmem:$0x11000] =	vst v63  }
0x52: {  	v2 =	vnsel vm1, $0x7FFFFFFF, v59;
	(ifvalue) =	ssetifvalue $0x7FFFFFFF  }
0x53: {  	s25 =	sadd.s32 $0x4080, s21;
	(ifvalue) =	ssetifvalue $0x7FFFFFFF  }
0x54: {  	v60 =	vadd.s32 $0x10180, v1;
	[tilespmem:s25], [sflag:$0x1] =	stream.indirect_vreg.gather [hbm4b:s2+s11], $0x1, v3, vm0, $0x4038;
	[tilespmem:$0x11000] =	vst v63  }
0x55: {  	v3 =	vnsel vm1, $0x7FFFFFFF, v60;
	(ifvalue) =	ssetifvalue $0x7FFFFFFF  }
0x56: {  	s26 =	sadd.s32 $0x4100, s21;
	(ifvalue) =	ssetifvalue $0x7FFFFFFF  }
0x57: {  	v61 =	vadd.s32 $0x10200, v1;
	[tilespmem:s26], [sflag:$0x1] =	stream.indirect_vreg.gather [hbm4b:s2+s11], $0x1, v2, vm0, $0x4038;
	[tilespmem:$0x11000] =	vst v63  }
0x58: {  	v2 =	vnsel vm1, $0x7FFFFFFF, v61;
	(ifvalue) =	ssetifvalue $0x7FFFFFFF  }
0x59: {  	s28 =	sadd.s32 $0x4180, s21;
	(ifvalue) =	ssetifvalue $0x7FFFFFFF  }
0x5a: {  	v62 =	vadd.s32 $0x10280, v1;
	[tilespmem:s28], [sflag:$0x1] =	stream.indirect_vreg.gather [hbm4b:s2+s11], $0x1, v3, vm0, $0x4038;
	[tilespmem:$0x11000] =	vst v63  }
0x5b: {  	v3 =	vnsel vm1, $0x7FFFFFFF, v62;
	(ifvalue) =	ssetifvalue $0x7FFFFFFF  }
0x5c: {  	s29 =	sadd.s32 $0x4200, s21;
	(ifvalue) =	ssetifvalue $0x7FFFFFFF  }
0x5d: {  	v63 =	vadd.s32 $0x10300, v1;
	[tilespmem:s29], [sflag:$0x1] =	stream.indirect_vreg.gather [hbm4b:s2+s11], $0x1, v2, vm0, $0x4038;
	[tilespmem:$0x11000] =	vst v63  }
0x5e: {  	s19 =	sadd.s32 $0x10, s19;
	s20 =	sadd.s32 $0xFFFFFFF0, s20;
	v2 =	vnsel vm1, $0x7FFFFFFF, v63;
	(ifvalue) =	ssetifvalue $0x7FFFFFFF  }
0x5f: {  	s31 =	sadd.s32 $0x4300, s21;
	s30 =	sadd.s32 $0x4280, s21;
	(ifvalue) =	ssetifvalue $0x7FFFFFFF  }
0x60: {  	[tilespmem:s30], [sflag:$0x1] =	stream.indirect_vreg.gather [hbm4b:s2+s11], $0x1, v3, vm0, $0x4038;
	[tilespmem:$0x11000] =	vst v63  }
0x61: {  	v1 =	vadd.s32 $0x10380, v1;
	s22 =	simm.s32 $0x0;
	s23 =	sadd.s32 $0x4380, s21;
	(ifvalue) =	ssetifvalue $0x7FFFFFFF  }
0x62: {  	v1 =	vnsel vm1, $0x7FFFFFFF, v1;
	s21 =	simm.s32 $0xFFFFC080;
	s18 =	simm.s32 $0x10;
	(ifvalue) =	ssetifvalue $0x7FFFFFFF  }
0x63: {  	[tilespmem:s31], [sflag:$0x1] =	stream.indirect_vreg.gather [hbm4b:s2+s11], $0x1, v2, vm0, $0x4038;
	[tilespmem:$0x11000] =	vst v63  }
.LBB2_3:
0x64: {  	(ifvalue) =	ssetifvalue $0x7FFFFFFF  }
0x65: {  	s17 =	sadd.s32 $0x80, s17;
	s22 =	sadd.s32 $0x1, s22;
	s24 =	smov.u32 s18  }
0x66: {  	p1 =	sne.s32 s18, $0x7F0;
	s18 =	sadd.s32 $0x10, s18;
	(ifvalue) =	ssetifvalue $0x7FFFFFFF  }
0x67: {  	[tilespmem:s23], [sflag:$0x1] =	stream.indirect_vreg.gather [hbm4b:s2+s11], $0x1, v1, vm0, $0x4038;
	[tilespmem:$0x11000] =	vst v63  }
0x68: {  	v1 =	vld.msk [tilespmem:s19+$0x0 ss:$0x1], $0xffff;
	_ =	sdelay $0x5  }
0x69: {  	p2 =	sgt.s32 s20, $0x0;
	s23 =	smov.u32 s20;
	v2 =	vshrl.u32 v1, $0x6;
	v3 =	vshll.u32 v1, $0x11  }
0x6a: {  	s23 =	simm.s32 @!p2 $0x0;
	vm1 =	veq.s32 v1, $0x80000000;
	v1 =	vand.u32 $0x1FFF, v2;
	v2 =	vand.u32 $0x7E0000, v3  }
0x6b: {  	s23 =	smin.u32 s23, $0x10;
	v1 =	vsel vm1, $0xFFFFFFFF, v1;
	v2 =	vsel vm1, $0xFFFE0000, v2  }
0x6c: {  	v4 =	vmov s23;
	v3 =	vand.u32 $0x7F, v1;
	v1 =	vshll.u32 v1, $0x3  }
0x6d: {  	vm1 =	vgt.u32 v4, v0;
	v1 =	vand.u32 $0xFFFFFC00, v1  }
0x6e: {  	v1 =	vadd.s32 v2, v1  }
0x6f: {  	s23 =	sadd.s32 $0x4000, s21;
	v1 =	vor.u32 v3, v1  }
0x70: {  	s23 =	sand.u32 $0x3C00, s23;
	v2 =	vnsel vm1, $0x7FFFFFFF, v1;
	v3 =	vor.u32 $0x80, v1;
	v4 =	vor.u32 $0x100, v1  }
0x71: {  	s24 =	sand.u32 $0x70, s24;
	s23 =	sadd.s32 s23, s16;
	v5 =	vor.u32 $0x180, v1;
	v3 =	vnsel vm1, $0x7FFFFFFF, v3;
	v4 =	vnsel vm1, $0x7FFFFFFF, v4;
	(ifvalue) =	ssetifvalue $0x7FFFFFFF  }
0x72: {  	s23 =	sadd.s32 s24, s23;
	v6 =	vor.u32 $0x200, v1;
	v7 =	vor.u32 $0x280, v1;
	v5 =	vnsel vm1, $0x7FFFFFFF, v5;
	(ifvalue) =	ssetifvalue $0x7FFFFFFF  }
0x73: {  	v8 =	vor.u32 $0x300, v1;
	v6 =	vnsel vm1, $0x7FFFFFFF, v6;
	v7 =	vnsel vm1, $0x7FFFFFFF, v7  }
0x74: {  	v9 =	vor.u32 $0x380, v1;
	v10 =	vadd.s32 $0x10000, v1;
	v8 =	vnsel vm1, $0x7FFFFFFF, v8  }
0x75: {  	[tilespmem:s23], [sflag:$0x1] =	stream.indirect_vreg.gather [hbm4b:s2+s11], $0x1, v2, vm0, $0x4038;
	v2 =	vnsel vm1, $0x7FFFFFFF, v9;
	v9 =	vnsel vm1, $0x7FFFFFFF, v10;
	v10 =	vadd.s32 $0x10080, v1;
	[tilespmem:$0x11000] =	vst v63  }
0x76: {  	v11 =	vadd.s32 $0x10100, v1;
	v12 =	vadd.s32 $0x10180, v1;
	(ifvalue) =	ssetifvalue $0x7FFFFFFF;
	v10 =	vnsel vm1, $0x7FFFFFFF, v10  }
0x77: {  	s24 =	sadd.s32 $0x80, s23;
	v13 =	vadd.s32 $0x10200, v1;
	v11 =	vnsel vm1, $0x7FFFFFFF, v11;
	v12 =	vnsel vm1, $0x7FFFFFFF, v12;
	(ifvalue) =	ssetifvalue $0x7FFFFFFF  }
0x78: {  	v14 =	vadd.s32 $0x10300, v1;
	[tilespmem:s24], [sflag:$0x1] =	stream.indirect_vreg.gather [hbm4b:s2+s11], $0x1, v3, vm0, $0x4038;
	v3 =	vnsel vm1, $0x7FFFFFFF, v13;
	v13 =	vadd.s32 $0x10280, v1;
	[tilespmem:$0x11000] =	vst v63  }
0x79: {  	v14 =	vnsel vm1, $0x7FFFFFFF, v14;
	v1 =	vadd.s32 $0x10380, v1;
	(ifvalue) =	ssetifvalue $0x7FFFFFFF;
	v13 =	vnsel vm1, $0x7FFFFFFF, v13  }
0x7a: {  	s24 =	sadd.s32 $0x100, s23;
	v1 =	vnsel vm1, $0x7FFFFFFF, v1;
	(ifvalue) =	ssetifvalue $0x7FFFFFFF  }
0x7b: {  	[tilespmem:s24], [sflag:$0x1] =	stream.indirect_vreg.gather [hbm4b:s2+s11], $0x1, v4, vm0, $0x4038;
	[tilespmem:$0x11000] =	vst v63  }
0x7c: {  	(ifvalue) =	ssetifvalue $0x7FFFFFFF  }
0x7d: {  	s24 =	sadd.s32 $0x180, s23;
	(ifvalue) =	ssetifvalue $0x7FFFFFFF  }
0x7e: {  	[tilespmem:s24], [sflag:$0x1] =	stream.indirect_vreg.gather [hbm4b:s2+s11], $0x1, v5, vm0, $0x4038;
	[tilespmem:$0x11000] =	vst v63  }
0x7f: {  	(ifvalue) =	ssetifvalue $0x7FFFFFFF  }
0x80: {  	s24 =	sadd.s32 $0x200, s23;
	(ifvalue) =	ssetifvalue $0x7FFFFFFF  }
0x81: {  	[tilespmem:s24], [sflag:$0x1] =	stream.indirect_vreg.gather [hbm4b:s2+s11], $0x1, v6, vm0, $0x4038;
	[tilespmem:$0x11000] =	vst v63  }
0x82: {  	(ifvalue) =	ssetifvalue $0x7FFFFFFF  }
0x83: {  	s25 =	sadd.s32 $0x280, s23;
	s24 =	sand.u32 $0x7, s22;
	(ifvalue) =	ssetifvalue $0x7FFFFFFF  }
0x84: {  	[tilespmem:s25], [sflag:$0x1] =	stream.indirect_vreg.gather [hbm4b:s2+s11], $0x1, v7, vm0, $0x4038;
	[tilespmem:$0x11000] =	vst v63  }
0x85: {  	s24 =	sshll.u32 s24, $0x4;
	(ifvalue) =	ssetifvalue $0x7FFFFFFF  }
0x86: {  	s24 =	sadd.s32 s24, s17;
	s25 =	sadd.s32 $0x300, s23;
	(ifvalue) =	ssetifvalue $0x7FFFFFFF  }
0x87: {  	[tilespmem:s25], [sflag:$0x1] =	stream.indirect_vreg.gather [hbm4b:s2+s11], $0x1, v8, vm0, $0x4038;
	[tilespmem:$0x11000] =	vst v63  }
0x88: {  	s24 =	sor.u32 $0x380, s24;
	(ifvalue) =	ssetifvalue $0x7FFFFFFF  }
0x89: {  	s24 =	sadd.s32 s24, s16;
	(ifvalue) =	ssetifvalue $0x7FFFFFFF  }
0x8a: {  	[tilespmem:s24], [sflag:$0x1] =	stream.indirect_vreg.gather [hbm4b:s2+s11], $0x1, v2, vm0, $0x4038;
	[tilespmem:$0x11000] =	vst v63  }
0x8b: {  	(ifvalue) =	ssetifvalue $0x7FFFFFFF  }
0x8c: {  	s24 =	sadd.s32 $0x4000, s23;
	(ifvalue) =	ssetifvalue $0x7FFFFFFF  }
0x8d: {  	[tilespmem:s24], [sflag:$0x1] =	stream.indirect_vreg.gather [hbm4b:s2+s11], $0x1, v9, vm0, $0x4038;
	[tilespmem:$0x11000] =	vst v63  }
0x8e: {  	(ifvalue) =	ssetifvalue $0x7FFFFFFF  }
0x8f: {  	s25 =	sadd.s32 $0x4100, s23;
	s24 =	sadd.s32 $0x4080, s23;
	(ifvalue) =	ssetifvalue $0x7FFFFFFF  }
0x90: {  	[tilespmem:s24], [sflag:$0x1] =	stream.indirect_vreg.gather [hbm4b:s2+s11], $0x1, v10, vm0, $0x4038;
	[tilespmem:$0x11000] =	vst v63  }
0x91: {  	(ifvalue) =	ssetifvalue $0x7FFFFFFF  }
0x92: {  	(ifvalue) =	ssetifvalue $0x7FFFFFFF  }
0x93: {  	[tilespmem:s25], [sflag:$0x1] =	stream.indirect_vreg.gather [hbm4b:s2+s11], $0x1, v11, vm0, $0x4038;
	[tilespmem:$0x11000] =	vst v63  }
0x94: {  	(ifvalue) =	ssetifvalue $0x7FFFFFFF  }
0x95: {  	s24 =	sadd.s32 $0x4180, s23;
	s25 =	sadd.s32 $0x4200, s23;
	(ifvalue) =	ssetifvalue $0x7FFFFFFF  }
0x96: {  	[tilespmem:s24], [sflag:$0x1] =	stream.indirect_vreg.gather [hbm4b:s2+s11], $0x1, v12, vm0, $0x4038;
	[tilespmem:$0x11000] =	vst v63  }
0x97: {  	(ifvalue) =	ssetifvalue $0x7FFFFFFF  }
0x98: {  	s24 =	sadd.s32 $0x4280, s23;
	(ifvalue) =	ssetifvalue $0x7FFFFFFF  }
0x99: {  	[tilespmem:s25], [sflag:$0x1] =	stream.indirect_vreg.gather [hbm4b:s2+s11], $0x1, v3, vm0, $0x4038;
	[tilespmem:$0x11000] =	vst v63  }
0x9a: {  	(ifvalue) =	ssetifvalue $0x7FFFFFFF  }
.Ltmp3:
0x9b: {  	s25 =	sadd.s32 $0x4300, s23;
	(ifvalue) =	ssetifvalue $0x7FFFFFFF;
	(pc) =	sbr.rel @p1 .LBB2_3-.Ltmp3, $4  }
0x9c: {  	[tilespmem:s24], [sflag:$0x1] =	stream.indirect_vreg.gather [hbm4b:s2+s11], $0x1, v13, vm0, $0x4038;
	[tilespmem:$0x11000] =	vst v63  }
0x9d: {  	s20 =	sadd.s32 $0xFFFFFFF0, s20;
	s19 =	sadd.s32 $0x10, s19;
	(ifvalue) =	ssetifvalue $0x7FFFFFFF  }
0x9e: {  	s21 =	sadd.s32 $0x80, s21;
	s23 =	sadd.s32 $0x4380, s23;
	(ifvalue) =	ssetifvalue $0x7FFFFFFF  }
0x9f: {  	[tilespmem:s25], [sflag:$0x1] =	stream.indirect_vreg.gather [hbm4b:s2+s11], $0x1, v14, vm0, $0x4038;
	[tilespmem:$0x11000] =	vst v63  }
.Ltmp4:
0xa0: {  	_ = 	snop;
	(pc) =	sbr.rel .LBB2_4-.Ltmp4, $1  }
0xa1: {  	_ =	sdelay $0x3  }
.LBB2_6:
0xa2: {  	_ =	sfence.sel $0x180000  }
0xa3: {  	s2 =	simm.s32 $0x2;
	[bflag:$0x0] =	sbarrier.arrive $0xFFFF  }
0xa4: {  	s30 =	simm.s32 $0x3;
	[sflag:s2] =	ssyncpa.u1 $0x1  }
0xa5: {  	s31 =	simm.s32 $0x1;
	[sflag:s30] =	ssyncpa.u1 $0x1  }
0xa6: {  	[sflag:s31] =	ssyncpa.u1 $0x1  }
0xa7: {  	p0 =	sne.s32 s1, $0x0;
	_ =	strace $0x9000004D  }
0xa8: {  	s0 =	sadd.s32 @!p0 $0x100000, s0;
	[bflag:$0x2] =	sbarrier.arrive $0xFFFF  }
0xa9: {  	[sflag:s0] =	ssyncadd.tile.s32 @!p0 $0x1;
	_ =	shalt  }
.Lfunc_end2:
_tile_overlayer_lowered:
.L_overlay_start_2:
0xaa: {  	(tag) =	ssettag $0x2  }
0xab: {  	s0 =	rddreg [dreg:$0x0];
	s2 =	stileid.u32  }
0xac: {  	s1 =	rddreg [dreg:$0x1];
	p0 =	sne.s32 s2, $0x0  }
0xad: {  	s3 =	rddreg [dreg:$0x2];
	[bflag:$0x3] =	sbarrier.arrive $0xFFFF;
	s2 =	simm.s32 @!p0 $0x1C01  }
0xae: {  	[timem:s3], [sflag:s2] =	dma.local @!p0 [hbm:s0], s1  }
0xaf: {  	s0 =	simm.s32 @!p0 $0x1  }
0xb0: {  	_ =	swait.ge @!p0 [sflag:s0], s1  }
0xb1: {  	s1 =	ssub.s32 @!p0 $0x0, s1;
	[sflag:s0] =	ssyncset.done @!p0 $0x0  }
0xb2: {  	[sflag:s0] =	ssyncadd.s32 @!p0 s1  }
0xb3: {  	[bflag:$0x3] =	sbarrier.arrive $0xFFFF  }
0xb4: {  	_ =	shalt  }

// kernel: kernel.12.cloned.1.call-start
scs
__scs_entry_jumppad:
0x0: {  	(pc) =	sbr.rel $0x88, $3  }
0x1: {  	(tag) =	ssettag $0x0;
	lr =	simm.s32 $0x1  }
0x2: {  	[smem:$0x3F8E] =	sst lr;
	_ =	strace $0xD0000000  }
0x3: {  	_ = 	snop  }
0x4: {  	_ = 	snop  }
0x5: {  	_ = 	snop  }
0x6: {  	_ = 	snop  }
0x7: {  	_ = 	snop  }
__scs_overlays_trampoline_lowered:
0x8: {  	[smem:$0x3F9D] =	sst s0  }
0x9: {  	[smem:$0x3F9E] =	sst s1  }
0xa: {  	[smem:$0x3F9F] =	sst s2  }
0xb: {  	[smem:$0x3FA0] =	sst s3  }
0xc: {  	[smem:$0x3FA1] =	sst s4  }
0xd: {  	[smem:$0x3FA2] =	sst s5  }
0xe: {  	[smem:$0x3FA3] =	sst s6  }
0xf: {  	[smem:$0x3FA4] =	sst s7  }
0x10: {  	[smem:$0x3FA5] =	sst s8  }
0x11: {  	[smem:$0x3FA6] =	sst s9;
	s0 =	simm.s32 @!p0 $0x0  }
0x12: {  	s1 =	sld [smem:$0x3F8C];
	s0 =	simm.s32 @p0 $0x1  }
0x13: {  	[smem:$0x3FA7] =	sst s0;
	s0 =	simm.s32 @!p1 $0x0  }
0x14: {  	s2 =	sld [smem:$0x3F8B];
	s0 =	simm.s32 @p1 $0x1  }
0x15: {  	[smem:$0x3FA8] =	sst s0;
	s0 =	simm.s32 @!p2 $0x0  }
0x16: {  	s3 =	sld [smem:$0x3FDB];
	s0 =	simm.s32 @p2 $0x1  }
0x17: {  	s4 =	simm.s32 $0x1BF5;
	[smem:$0x3FAA] =	sst s0  }
0x18: {  	s0 =	sld [smem:$0x3F8D];
	_ =	swait.ge [sflag:s4], $0x0  }
0x19: {  	s7 =	sld [smem:$0x3F8E]  }
0x1a: {  	s8 =	sadd.s32 $0xFFFFE003, lr  }
0x1b: {  	s9 =	sadd.s32 $0xFFFFFEF7, lr;
	s5 =	simm.s32 $0xFFFFFFFF;
	p2 =	slt.u32 s8, $0xFFFFF086  }
0x1c: {  	p1 =	slt.u32 s9, $0xF7A;
	s5 =	simm.s32 @!p2 $0x0  }
0x1d: {  	s5 =	simm.s32 @p1 $0x1;
	p0 =	seq.s32 s7, s2  }
0x1e: {  	s7 =	smul.u32 @!p0 $0xF7A, s2;
	p2 =	seq.s32 @!p0 s5, $0x0  }
0x1f: {  	s9 =	smul.u32 $0xF7A, s1;
	s8 =	simm.s32 @!p0 $0x1BF5;
	p2 =	por !p2, p0  }
0x20: {  	[sflag:s8] =	ssyncset.s32 @!p0 $0xFFFFF086;
	s6 =	sadd.s32 @!p0 s3, s7;
	s7 =	simm.s32 @!p0 $0x108  }
0x21: {  	s3 =	sadd.s32 s3, s9;
	s6 =	sadd.s32 @!p0 $0x88, s6;
	s7 =	simm.s32 @p2 $0x1082  }
0x22: {  	[simem:s7], [sflag:s8] =	dma.local @!p0 [hbm:s6], $0xF7A  }
0x23: {  	s9 =	sor.u32 $0xD0000000, s2;
	s6 =	simm.s32 $0x108;
	_ =	swait.ge @!p0 [sflag:s8], $0x0  }
0x24: {  	s3 =	sadd.s32 $0x88, s3;
	s6 =	simm.s32 @!p1 $0x1082;
	[sflag:s4] =	ssyncset.s32 $0xFFFFF086  }
0x25: {  	[simem:s6], [sflag:s4] =	dma.local [hbm:s3], $0xF7A  }
0x26: {  	[smem:$0x3F8E] =	sst s1;
	(tag) =	ssettag s2;
	_ =	strace s9  }
0x27: {  	s1 =	sld [smem:$0x3F9E]  }
0x28: {  	s2 =	sld [smem:$0x3F9F]  }
0x29: {  	s4 =	sld [smem:$0x3FA1]  }
0x2a: {  	p0 =	seq.s32 s5, $0x0;
	s5 =	sld [smem:$0x3FA2]  }
0x2b: {  	s6 =	sld [smem:$0x3FA3]  }
0x2c: {  	s7 =	sld [smem:$0x3FA4]  }
0x2d: {  	s3 =	simm.s32 $0x108;
	s8 =	sld [smem:$0x3FA5]  }
0x2e: {  	s3 =	simm.s32 @!p0 $0x1082;
	s9 =	sld [smem:$0x3FA6]  }
0x2f: {  	lr =	sadd.s32 s0, s3;
	s0 =	sld [smem:$0x3F9D]  }
0x30: {  	s3 =	sld [smem:$0x3FA0]  }
0x31: {  	[smem:$0x3FA9] =	sst s10  }
0x32: {  	s10 =	sld [smem:$0x3FA7];
	_ =	sdelay $0x3  }
0x33: {  	p0 =	seq.s32 s10, $0x1;
	s10 =	sld [smem:$0x3FA9];
	_ =	sdelay $0x3  }
0x34: {  	[smem:$0x3FA9] =	sst s10  }
0x35: {  	s10 =	sld [smem:$0x3FA8];
	_ =	sdelay $0x3  }
0x36: {  	p1 =	seq.s32 s10, $0x1;
	s10 =	sld [smem:$0x3FA9];
	_ =	sdelay $0x3  }
0x37: {  	[smem:$0x3FA9] =	sst s10  }
0x38: {  	s10 =	sld [smem:$0x3FAA]  }
0x39: {  	_ = 	snop;
	(pc) =	sbr.ind lr, $3  }
0x3a: {  	_ = 	snop  }
0x3b: {  	_ = 	snop  }
0x3c: {  	p2 =	seq.s32 s10, $0x1;
	s10 =	sld [smem:$0x3FA9]  }
0x3d: {  	_ =	shalt  }
0x3e: {  	_ =	shalt  }
0x3f: {  	_ =	shalt  }
0x40: {  	_ =	shalt  }
0x41: {  	_ =	shalt  }
0x42: {  	_ =	shalt  }
0x43: {  	_ =	shalt  }
0x44: {  	_ =	shalt  }
0x45: {  	_ =	shalt  }
0x46: {  	_ =	shalt  }
0x47: {  	_ =	shalt  }
0x48: {  	_ =	shalt  }
0x49: {  	_ =	shalt  }
0x4a: {  	_ =	shalt  }
0x4b: {  	_ =	shalt  }
0x4c: {  	_ =	shalt  }
0x4d: {  	_ =	shalt  }
0x4e: {  	_ =	shalt  }
0x4f: {  	_ =	shalt  }
0x50: {  	_ =	shalt  }
0x51: {  	_ =	shalt  }
0x52: {  	_ =	shalt  }
0x53: {  	_ =	shalt  }
0x54: {  	_ =	shalt  }
0x55: {  	_ =	shalt  }
0x56: {  	_ =	shalt  }
0x57: {  	_ =	shalt  }
0x58: {  	_ =	shalt  }
0x59: {  	_ =	shalt  }
0x5a: {  	_ =	shalt  }
0x5b: {  	_ =	shalt  }
0x5c: {  	_ =	shalt  }
0x5d: {  	_ =	shalt  }
0x5e: {  	_ =	shalt  }
0x5f: {  	_ =	shalt  }
0x60: {  	_ =	shalt  }
0x61: {  	_ =	shalt  }
0x62: {  	_ =	shalt  }
0x63: {  	_ =	shalt  }
0x64: {  	_ =	shalt  }
0x65: {  	_ =	shalt  }
0x66: {  	_ =	shalt  }
0x67: {  	_ =	shalt  }
0x68: {  	_ =	shalt  }
0x69: {  	_ =	shalt  }
0x6a: {  	_ =	shalt  }
0x6b: {  	_ =	shalt  }
0x6c: {  	_ =	shalt  }
0x6d: {  	_ =	shalt  }
0x6e: {  	_ =	shalt  }
0x6f: {  	_ =	shalt  }
0x70: {  	_ =	shalt  }
0x71: {  	_ =	shalt  }
0x72: {  	_ =	shalt  }
0x73: {  	_ =	shalt  }
0x74: {  	_ =	shalt  }
0x75: {  	_ =	shalt  }
0x76: {  	_ =	shalt  }
0x77: {  	_ =	shalt  }
0x78: {  	_ =	shalt  }
0x79: {  	_ =	shalt  }
0x7a: {  	_ =	shalt  }
0x7b: {  	_ =	shalt  }
0x7c: {  	_ =	shalt  }
0x7d: {  	_ =	shalt  }
0x7e: {  	_ =	shalt  }
0x7f: {  	_ =	shalt  }
0x80: {  	_ =	shalt  }
0x81: {  	_ =	shalt  }
0x82: {  	_ =	shalt  }
0x83: {  	_ =	shalt  }
0x84: {  	_ =	shalt  }
0x85: {  	_ =	shalt  }
0x86: {  	_ =	shalt  }
0x87: {  	_ =	shalt  }
.Lfunc_end0:
.L_simem_size_0:
called_computation.6_lowered:
.L_overlay_start_0:
0x88: {  	s2 =	sld [smem:$0x3FD9]  }
0x89: {  	s3 =	sld [smem:$0x3FFE];
	_ =	sdelay $0x1  }
0x8a: {  	s1 =	srdreg.scid  }
0x8b: {  	s0 =	sand.u32 $0x1, s1  }
0x8c: {  	s16 =	sshll.u32 s0, $0xA;
	s2 =	sadd.s32 s3, s2  }
0x8d: {  	s2 =	sadd.s32 s2, s16  }
0x8e: {  	[smem:$0x3FB5] =	sst s2  }
0x8f: {  	_ = 	snop  }
0x90: {  	(tm) =	ssettm $0x1  }
0x91: {  	s17 =	sld [smem:$0x3FFB];
	_ =	sdelay $0x3  }
0x92: {  	_ =	strace s17  }
0x93: {  	s2 =	sld [smem:$0x3FFC];
	_ =	sdelay $0x3  }
0x94: {  	_ =	strace s2  }
0x95: {  	s2 =	sld [smem:$0x3FFD];
	_ =	sdelay $0x3  }
0x96: {  	_ =	strace s2  }
0x97: {  	_ =	strace $0x8FFFFFFF  }
0x98: {  	s18 =	sld [smem:$0x3FDB];
	_ =	sdelay $0x1  }
0x99: {  	s19 =	simm.s32 $_scs_section_size  }
0x9a: {  	s4 =	simm.s32 $_size__tile_overlayer_lowered;
	s5 =	simm.s32 $_tile_overlayer_lowered  }
0x9b: {  	s22 =	simm.s32 $0x1BFF;
	s21 =	sshll.u32 s5, $0x1;
	s2 =	sadd.s32 s19, s18  }
0x9c: {  	s6 =	simm.s32 $0x0;
	s20 =	sshll.u32 s4, $0x1;
	s4 =	sadd.s32 s21, s2  }
0x9d: {  	[timem:s6], [sflag:s22] =	dma.local [hbm:s4], s20  }
0x9e: {  	_ =	swait.ge [sflag:s22], s20  }
0x9f: {  	s3 =	ssub.s32 $0x0, s20;
	[sflag:s22] =	ssyncset.done $0x0  }
0xa0: {  	[sflag:s22] =	ssyncadd.s32 s3;
	_ =	sdelay $0x1  }
0xa1: {  	s23 =	simm.s32 $0x1B8B  }
0xa2: {  	_ =	swait.ge [sflag:s23], $0x1  }
0xa3: {  	[sflag:s23] =	ssyncset.done $0x0  }
0xa4: {  	s25 =	simm.s32 $0x1B8E;
	s24 =	sld [smem:$0x3FFE];
	[sflag:s23] =	ssyncadd.s32 $0xFFFFFFFF  }
0xa5: {  	s26 =	simm.s32 $execute0_lowered;
	[smem:$0x3FD2] =	sst s25  }
0xa6: {  	s4 =	sshll.u32 s26, $0x1;
	_ =	strace $0x80000046;
	[dreg:$0x1] =	wrdreg $0xFFFFFFFF  }
0xa7: {  	s28 =	simm.s32 $_size_execute0_lowered;
	s2 =	sadd.s32 s2, s4;
	[dreg:$0x0] =	wrdreg $0x0  }
0xa8: {  	s4 =	sshll.u32 s28, $0x1;
	[dreg:$0x2] =	wrdreg s2  }
0xa9: {  	[dreg:$0x3] =	wrdreg s4  }
0xaa: {  	[dreg:$0x4] =	wrdreg $0xC0  }
0xab: {  	_ =	task [dreg:s6], $0x5FFFF  }
0xac: {  	[dreg:$0x1] =	wrdreg $0xFFFFFFFF  }
0xad: {  	[dreg:$0x0] =	wrdreg $0x60  }
0xae: {  	[dreg:$0x2] =	wrdreg s24  }
0xaf: {  	[dreg:$0x3] =	wrdreg $0x9  }
0xb0: {  	_ =	task.clear_ibuf [dreg:s6], $0x4FFFF;
	_ =	strace $0x90000046  }
0xb1: {  	s29 =	simm.s32 $0x9;
	_ =	strace $0x80000048  }
0xb2: {  	_ =	swait.ge [sflag:s29], $0x1  }
0xb3: {  	[sflag:s29] =	ssyncadd.s32 $0xFFFFFFFF  }
0xb4: {  	_ =	strace $0x90000048  }
0xb5: {  	_ =	sfence  }
0xb6: {  	s30 =	sld [smem:$0x0];
	_ =	sdelay $0x2  }
0xb7: {  	s31 =	sshll.u32 s1, $0xD;
	s1 =	sshrl.u32 s1, $0x2  }
0xb8: {  	s3 =	sand.u32 $0x4000, s31;
	s1 =	sadd.s32 s1, s30  }
0xb9: {  	s0 =	sor.u32 s3, s0;
	s1 =	sshll.u32 s1, $0x11  }
0xba: {  	s0 =	sor.u32 s1, s0  }
0xbb: {  	s0 =	sadd.s32 $0x8F2B, s0  }
0xbc: {  	[sflag:s0] =	ssyncadd.remote.s32 $0x1  }
0xbd: {  	_ =	sfence.sel $0xFFFF  }
0xbe: {  	[dreg:$0x0] =	wrdreg $0xFFFFFFFF;
	(pc) =	sbr.abs _section_cstart, $3  }
0xbf: {  	[dreg:$0x1] =	wrdreg $0xFFFFFFFF  }
0xc0: {  	_ =	task.clear_ibuf [dreg:s6], $0x2FFFF;
	_ =	strace $0x9FFFFFFF  }
0xc1: {  	(tm) =	ssettm $0x7FFFFFFF  }
tec
execute0_lowered:
.L_overlay_start_1:
0x0: {  	(tag) =	ssettag $0x1  }
0x1: {  	s5 =	rddreg [dreg:$0x0]  }
0x2: {  	s0 =	rddreg [dreg:$0x1];
	s1 =	simm.s32 $0x0;
	s2 =	srdreg.scid  }
0x3: {  	s9 =	simm.s32 $0x400;
	s10 =	simm.s32 $0x1;
	s11 =	simm.s32 $0x1000  }
0x4: {  	s12 =	simm.s32 $0x800;
	s13 =	simm.s32 $0x1400;
	s14 =	simm.s32 $0x2000  }
0x5: {  	s15 =	simm.s32 $0x1800;
	s16 =	simm.s32 $0x0;
	[smem:$0x7FF] =	sst s1  }
.Ltmp0:
0x6: {  	s6 =	sand.u32 $0x1, s2;
	s3 =	sadd.s32 $0x4F200, s5;
	(pc) =	sbr.rel .LBB2_1-.Ltmp0, $4  }
0x7: {  	s4 =	sadd.s32 $0x5F200, s5;
	s2 =	stileid.u32;
	s7 =	ssub.s32 $0x2, s6  }
0x8: {  	v0 =	vlaneseq.u32;
	s5 =	sadd.s32 $0x6F200, s5;
	_ =	strace $0x80000047;
	s8 =	sshrl.u32 s7, $0x1  }
0x9: {  	v2 =	vmul.u32 $0x80, v0;
	s31 =	sshll.u32 s2, $0xC;
	s6 =	sshll.u32 s6, $0xB;
	s7 =	ssub.s32 s7, s8  }
0xa: {  	v1 =	vimm.s32 $0x0;
	s6 =	sor.u32 s6, s31;
	s8 =	simm.s32 $0x80;
	s7 =	smax.u32 s7, $0x1  }
.LBB2_19:
0xb: {  	s16 =	sadd.s32 $0x1, s16  }
0xc: {  	p0 =	sne.s32 s16, s7  }
.Ltmp1:
0xd: {  	_ = 	snop;
	(pc) =	sbr.rel @!p0 .LBB2_20-.Ltmp1, $1  }
0xe: {  	_ =	sdelay $0x3  }
.LBB2_1:
0xf: {  	s17 =	simm.s32 $0x0  }
.LBB2_2:
0x10: {  	s18 =	sshll.u32 s17, $0x4  }
0x11: {  	s18 =	sadd.s32 s6, s18  }
0x12: {  	s19 =	simm.s32 $0x0;
	s20 =	sadd.s32 s3, s18  }
0x13: {  	[tilespmem:s19], [sflag:$0x1] =	stream.strided.gather [hbm4b:s20+s8], $0x800, s9, s8, $0x38;
	[tilespmem:$0x2800] =	vst v63  }
0x14: {  	_ =	swait.ge [sflag:s10], $0x800  }
0x15: {  	[sflag:s10] =	ssyncset.done $0x0  }
0x16: {  	s21 =	simm.s32 $0x0;
	s20 =	simm.s32 $0x40;
	[sflag:s10] =	ssyncadd.s32 $0xFFFFF800  }
.LBB2_3:
0x17: {  	p0 =	sne.s32 s20, $0xFC0;
	[tilespmem:s21+$0x1000] =	vst v1;
	s21 =	smov.u32 s20;
	s20 =	sadd.s32 $0x40, s20  }
.Ltmp2:
0x18: {  	(pc) =	sbr.rel @p0 .LBB2_3-.Ltmp2, $2  }
0x19: {  	_ =	sdelay $0x2  }
0x1a: {  	s21 =	sshra.s32 s21, $0x2  }
0x1b: {  	v3 =	vor.u32 s19, v2;
	_ =	sdelay $0x3  }
0x1c: {  	[tilespmem:s21+$0x1000] =	vst v1;
	s19 =	simm.s32 $0x0  }
0x1d: {  	v4 =	vld.idx.msk [tilespmem:v3+s19+$0x0], $0xffff;
	_ =	sdelay $0x4  }
0x1e: {  	v4 =	vshll.u32 v4, $0x4  }
0x1f: {  	v4 =	vor.u32 v0, v4;
	_ =	sdelay $0x4  }
0x20: {  	v6 =	vld.idx.msk [tilespmem:v4+s11+$0x0], $0xffff;
	_ =	sdelay $0x2  }
0x21: {  	s20 =	simm.s32 $0x1  }
0x22: {  	v5 =	vor.u32 s20, v2;
	s20 =	simm.s32 $0x2  }
.LBB2_5:
0x23: {  	p0 =	sne.s32 s20, $0x7F;
	v7 =	vadd.s32 $0x1, v6  }
0x24: {  	[tilespmem:v4+s11+$0x0] =	vst.idx.msk $0xffff, v7  }
0x25: {  	[tilespmem:v3+s12+$0x0] =	vst.idx.msk $0xffff, v6;
	v3 =	vmov v5  }
0x26: {  	v4 =	vld.idx.msk [tilespmem:v5+s19+$0x0], $0xffff;
	_ =	sdelay $0x5  }
0x27: {  	v4 =	vshll.u32 v4, $0x4  }
0x28: {  	v4 =	vor.u32 v0, v4;
	_ =	sdelay $0x4  }
0x29: {  	v6 =	vld.idx.msk [tilespmem:v4+s11+$0x0], $0xffff  }
.Ltmp3:
0x2a: {  	(pc) =	sbr.rel @p0 .LBB2_5-.Ltmp3, $3  }
0x2b: {  	_ =	sdelay $0x1  }
0x2c: {  	v5 =	vor.u32 s20, v2  }
0x2d: {  	s20 =	sadd.s32 $0x1, s20  }
0x2e: {  	_ =	sdelay $0x2  }
0x2f: {  	v7 =	vadd.s32 $0x1, v6  }
0x30: {  	[tilespmem:v4+s11+$0x0] =	vst.idx.msk $0xffff, v7  }
0x31: {  	s19 =	simm.s32 $0x0;
	[tilespmem:v3+s12+$0x0] =	vst.idx.msk $0xffff, v6  }
0x32: {  	v3 =	vld.idx.msk [tilespmem:v5+s19+$0x0], $0xffff;
	_ =	sdelay $0x4  }
0x33: {  	v3 =	vshll.u32 v3, $0x4  }
0x34: {  	v3 =	vor.u32 v0, v3;
	_ =	sdelay $0x4  }
0x35: {  	v4 =	vld.idx.msk [tilespmem:v3+s11+$0x0], $0xffff;
	_ =	sdelay $0x2  }
0x36: {  	p3 =	por $0x1, $0x1  }
.Ltmp4:
0x37: {  	_ = 	snop;
	(pc) =	sbr.rel @!p3 .LBB2_7-.Ltmp4, $4  }
0x38: {  	v6 =	vadd.s32 $0x1, v4  }
0x39: {  	[tilespmem:v3+s11+$0x0] =	vst.idx.msk $0xffff, v6  }
0x3a: {  	s20 =	simm.s32 $0x0;
	[tilespmem:v5+s12+$0x0] =	vst.idx.msk $0xffff, v4  }
0x3b: {  	p0 =	por $0x0, $0x0;
	p1 =	por $0x0, $0x0;
	p2 =	por $0x0, $0x0;
	v4 =	vld [tilespmem:s20+$0x1000]  }
0x3c: {  	s21 =	simm.s32 $0x10;
	p3 =	por $0x1, $0x1  }
.Ltmp5:
0x3d: {  	v5 =	vld [tilespmem:s21+$0x1000];
	(pc) =	sbr.rel @!p3 .LBB2_9-.Ltmp5, $2  }
0x3e: {  	_ =	sdelay $0x2  }
0x3f: {  	p0 =	por $0x1, $0x1;
	(xrf0) =	vadd.scan.msk.s32 $0xffff, v4  }
0x40: {  	_ =	sdelay $0x4  }
0x41: {  	v6, _, _ =	vpop (xrf0)  }
0x42: {  	(v2sf) =	vpush v6, $0xF;
	_ =	sdelay $0x4  }
0x43: {  	s24 =	simm.s32 $0x20;
	p3 =	por $0x1, $0x1  }
.Ltmp6:
0x44: {  	v11 =	vld [tilespmem:s24+$0x1000];
	(pc) =	sbr.rel @!p3 .LBB2_11-.Ltmp6, $2  }
0x45: {  	_ =	sdelay $0x2  }
0x46: {  	p1 =	por $0x1, $0x1;
	(xrf0) =	vadd.scan.msk.s32 $0xffff, v5  }
0x47: {  	_ =	sdelay $0x4  }
0x48: {  	v7, _, _ =	vpop (xrf0)  }
0x49: {  	(v2sf) =	vpush v7, $0xF;
	_ =	sdelay $0x3  }
0x4a: {  	s26 =	simm.s32 $0x30;
	p3 =	por $0x1, $0x1;
	(xrf0) =	vadd.scan.msk.s32 $0xffff, v11  }
.Ltmp7:
0x4b: {  	v3 =	vld [tilespmem:s26+$0x1000];
	(pc) =	sbr.rel @!p3 .LBB2_13-.Ltmp7, $3  }
0x4c: {  	_ =	sdelay $0x1  }
0x4d: {  	s25 =	simm.s32 $0x100  }
0x4e: {  	p2 =	por $0x1, $0x1;
	s22 =	simm.s32 $0x0;
	v8 =	vmov v4;
	v9 =	vmov v6;
	s23 =	simm.s32 $0x0  }
.LBB2_14:
0x4f: {  	s28 =	sshra.s32 s25, $0x2;
	p3 =	sne.s32 s25, $0xFC0;
	s25 =	sadd.s32 $0x40, s25;
	(xrf0) =	vadd.scan.msk.s32 $0xffff, v3;
	v10, _, _ =	vpop (xrf0);
	v12 =	vsub.s32 s22, v8;
	v8 =	vmov v5;
	v5 =	vmov v11  }
.Ltmp8:
0x50: {  	v11 =	vmovc v3;
	(v2sf) =	vpush v10, $0xF;
	v12 =	vadd.s32 v9, v12;
	v9 =	vmovc v7;
	v7 =	vmov v10;
	v3 =	vld [tilespmem:s28+$0x1000];
	(pc) =	sbr.rel @p3 .LBB2_14-.Ltmp8, $4  }
0x51: {  	[tilespmem:s23+$0x1400] =	vst v12;
	s23 =	smov.u32 s21;
	s21 =	smov.u32 s24;
	s24 =	smov.u32 s26  }
0x52: {  	s26 =	smov.u32 s28  }
0x53: {  	s28 =	spop (v2sf)  }
0x54: {  	s22 =	sadd.s32 s22, s28  }
0x55: {  	v10 =	vmov v5;
	s25 =	smov.u32 s21;
	v5 =	vmov v11;
	s21 =	smov.u32 s26  }
.LBB2_16:
0x56: {  	(xrf0) =	vadd.scan.msk.s32 $0xffff, v3  }
0x57: {  	v11, _, _ =	vpop @p0 (xrf0)  }
0x58: {  	(v2sf) =	vpush @p0 v11, $0xF;
	_ =	sdelay $0x3  }
0x59: {  	v12, _, _ =	vpop (xrf0)  }
0x5a: {  	(v2sf) =	vpush v12, $0xF;
	_ =	sdelay $0x5  }
0x5b: {  	s26 =	spop @p2 (v2sf)  }
0x5c: {  	s28 =	simm.s32 $0x0;
	s26 =	sadd.s32 @p2 s22, s26  }
0x5d: {  	v8 =	vsub.s32 @p2 s22, v8;
	s22 =	smov.u32 @p0 s24;
	s28 =	smov.u32 @p2 s26;
	s24 =	spop @p1 (v2sf)  }
0x5e: {  	v4 =	vpsel p0, v5, v4;
	v5 =	vmovc @p1 v7;
	v8 =	vadd.s32 @p2 v9, v8;
	v9 =	vmov @p1 v10;
	s20 =	smov.u32 @p0 s22;
	s22 =	sadd.s32 @p1 s28, s24;
	s24 =	simm.s32 $0x0  }
0x5f: {  	v10 =	vmov @p0 v11;
	v5 =	vpsel p1, v5, v0;
	v7 =	vpsel p1, v9, v0;
	s24 =	smov.u32 @p1 s22;
	s22 =	spop @p0 (v2sf)  }
0x60: {  	v4 =	vpsel p0, v4, v0;
	v6 =	vpsel p0, v10, v6;
	s26 =	simm.s32 $0x0;
	v7 =	vsub.s32 @p1 s28, v7;
	s22 =	sadd.s32 @p0 s24, s22  }
0x61: {  	[tilespmem:s23+$0x1400] =	vst @p2 v8;
	s23 =	smov.u32 @p1 s25;
	v6 =	vpsel p0, v6, v0;
	v5 =	vadd.s32 @p1 v5, v7;
	v4 =	vsub.s32 @p0 s24, v4;
	s26 =	smov.u32 @p0 s22  }
0x62: {  	s20 =	smov.u32 @p0 s20;
	[tilespmem:s23+$0x1400] =	vst @p1 v5;
	v4 =	vadd.s32 @p0 v6, v4;
	v3 =	vsub.s32 s26, v3  }
0x63: {  	[tilespmem:s20+$0x1400] =	vst @p0 v4;
	v3 =	vadd.s32 v12, v3  }
0x64: {  	[tilespmem:s21+$0x1400] =	vst v3;
	s31 =	spop (v2sf)  }
.LBB2_17:
0x65: {  	v3 =	vor.u32 s19, v2;
	_ =	sdelay $0x4  }
0x66: {  	v4 =	vld.idx.msk [tilespmem:v3+s1+$0x0], $0xffff;
	_ =	sdelay $0x4  }
0x67: {  	v4 =	vshll.u32 v4, $0x4  }
0x68: {  	v4 =	vor.u32 v0, v4;
	_ =	sdelay $0x3  }
0x69: {  	v5 =	vld.idx.msk [tilespmem:v3+s12+$0x0], $0xffff  }
0x6a: {  	v4 =	vld.idx.msk [tilespmem:v4+s13+$0x0], $0xffff;
	_ =	sdelay $0x4  }
0x6b: {  	p0 =	sne.s32 s19, $0x7F;
	v4 =	vadd.s32 v5, v4  }
.Ltmp9:
0x6c: {  	_ = 	snop;
	(pc) =	sbr.rel @p0 .LBB2_17-.Ltmp9, $3  }
0x6d: {  	_ =	sdelay $0x1  }
0x6e: {  	[tilespmem:v3+s14+$0x0] =	vst.idx.msk $0xffff, v4  }
0x6f: {  	s19 =	sadd.s32 $0x1, s19;
	[tilespmem:v4+s15+$0x0] =	vst.idx.msk $0xffff, v3  }
0x70: {  	s19 =	sadd.s32 s4, s18  }
0x71: {  	[hbm4b:s19+s8] =	stream.strided.scatter [tilespmem:s15], [sflag:$0x1], $0x800, s9, s8, $0x38;
	[tilespmem:$0x2800] =	vst v63  }
0x72: {  	_ =	swait.ge [sflag:s10], $0x800  }
0x73: {  	s17 =	sadd.s32 $0x1, s17;
	[sflag:s10] =	ssyncset.done $0x0  }
0x74: {  	s31 =	sadd.s32 s5, s18;
	p0 =	sne.s32 s17, $0x8;
	[sflag:s10] =	ssyncadd.s32 $0xFFFFF800  }
0x75: {  	[hbm4b:s31+s8] =	stream.strided.scatter [tilespmem:s14], [sflag:$0x1], $0x800, s9, s8, $0x38;
	[tilespmem:$0x2800] =	vst v63  }
.Ltmp10:
0x76: {  	_ = 	snop;
	(pc) =	sbr.rel @p0 .LBB2_2-.Ltmp10, $4  }
.Ltmp11:
0x77: {  	_ = 	snop;
	(pc) =	sbr.rel @!p0 .LBB2_19-.Ltmp11, $4  }
0x78: {  	_ =	swait.ge [sflag:s10], $0x800  }
0x79: {  	[sflag:s10] =	ssyncset.done $0x0  }
0x7a: {  	[sflag:s10] =	ssyncadd.s32 $0xFFFFF800  }
0x7b: {  	_ = 	snop  }
.LBB2_7:
.Ltmp12:
0x7c: {  	_ = 	snop;
	(pc) =	sbr.rel .LBB2_16-.Ltmp12, $2  }
0x7d: {  	_ =	sdelay $0x2  }
0x7e: {  	s22 =	simm.s32 $0x0;
	s21 =	simm.s32 $0x0;
	v3 =	vmov v4  }
.LBB2_9:
.Ltmp13:
0x7f: {  	(pc) =	sbr.rel .LBB2_16-.Ltmp13, $2  }
0x80: {  	_ =	sdelay $0x2  }
0x81: {  	v3 =	vmov v5;
	v5 =	vmov v4;
	s22 =	simm.s32 $0x0;
	s24 =	simm.s32 $0x0  }
.LBB2_11:
.Ltmp14:
0x82: {  	(pc) =	sbr.rel .LBB2_16-.Ltmp14, $3  }
0x83: {  	_ =	sdelay $0x1  }
0x84: {  	s22 =	simm.s32 $0x0  }
0x85: {  	v3 =	vmov v11;
	v10 =	vmov v4;
	v7 =	vmov v6;
	s25 =	simm.s32 $0x0;
	s24 =	simm.s32 $0x10;
	s21 =	simm.s32 $0x20  }
.LBB2_13:
.Ltmp15:
0x86: {  	(pc) =	sbr.rel .LBB2_16-.Ltmp15, $3  }
0x87: {  	_ =	sdelay $0x1  }
0x88: {  	s22 =	simm.s32 $0x0  }
0x89: {  	v10 =	vmovc v5;
	v8 =	vmov v4;
	v5 =	vmov v11;
	v9 =	vmov v6;
	s23 =	simm.s32 $0x0;
	s25 =	simm.s32 $0x10;
	s21 =	simm.s32 $0x30  }
.LBB2_20:
0x8a: {  	_ =	sfence.sel $0x180000  }
0x8b: {  	[bflag:$0x0] =	sbarrier.arrive $0xFFFF  }
0x8c: {  	p0 =	sne.s32 s2, $0x0;
	_ =	strace $0x90000047  }
0x8d: {  	s0 =	sadd.s32 @!p0 $0x100000, s0;
	[bflag:$0x2] =	sbarrier.arrive $0xFFFF  }
0x8e: {  	[sflag:s0] =	ssyncadd.tile.s32 @!p0 $0x1;
	_ =	shalt  }
.Lfunc_end2:
_tile_overlayer_lowered:
.L_overlay_start_2:
0x8f: {  	(tag) =	ssettag $0x2  }
0x90: {  	s0 =	rddreg [dreg:$0x0];
	s2 =	stileid.u32  }
0x91: {  	s1 =	rddreg [dreg:$0x1];
	p0 =	sne.s32 s2, $0x0  }
0x92: {  	s3 =	rddreg [dreg:$0x2];
	[bflag:$0x3] =	sbarrier.arrive $0xFFFF;
	s2 =	simm.s32 @!p0 $0x1C01  }
0x93: {  	[timem:s3], [sflag:s2] =	dma.local @!p0 [hbm:s0], s1  }
0x94: {  	s0 =	simm.s32 @!p0 $0x1  }
0x95: {  	_ =	swait.ge @!p0 [sflag:s0], s1  }
0x96: {  	s1 =	ssub.s32 @!p0 $0x0, s1;
	[sflag:s0] =	ssyncset.done @!p0 $0x0  }
0x97: {  	[sflag:s0] =	ssyncadd.s32 @!p0 s1  }
0x98: {  	[bflag:$0x3] =	sbarrier.arrive $0xFFFF  }
0x99: {  	_ =	shalt  }

// kernel: kernel.15.cloned.1.call-start
scs
__scs_entry_jumppad:
0x0: {  	(pc) =	sbr.rel $0x88, $3  }
0x1: {  	(tag) =	ssettag $0x0;
	lr =	simm.s32 $0x1  }
0x2: {  	[smem:$0x3F8E] =	sst lr;
	_ =	strace $0xD0000000  }
0x3: {  	_ = 	snop  }
0x4: {  	_ = 	snop  }
0x5: {  	_ = 	snop  }
0x6: {  	_ = 	snop  }
0x7: {  	_ = 	snop  }
__scs_overlays_trampoline_lowered:
0x8: {  	[smem:$0x3F9D] =	sst s0  }
0x9: {  	[smem:$0x3F9E] =	sst s1  }
0xa: {  	[smem:$0x3F9F] =	sst s2  }
0xb: {  	[smem:$0x3FA0] =	sst s3  }
0xc: {  	[smem:$0x3FA1] =	sst s4  }
0xd: {  	[smem:$0x3FA2] =	sst s5  }
0xe: {  	[smem:$0x3FA3] =	sst s6  }
0xf: {  	[smem:$0x3FA4] =	sst s7  }
0x10: {  	[smem:$0x3FA5] =	sst s8  }
0x11: {  	[smem:$0x3FA6] =	sst s9;
	s0 =	simm.s32 @!p0 $0x0  }
0x12: {  	s1 =	sld [smem:$0x3F8C];
	s0 =	simm.s32 @p0 $0x1  }
0x13: {  	[smem:$0x3FA7] =	sst s0;
	s0 =	simm.s32 @!p1 $0x0  }
0x14: {  	s2 =	sld [smem:$0x3F8B];
	s0 =	simm.s32 @p1 $0x1  }
0x15: {  	[smem:$0x3FA8] =	sst s0;
	s0 =	simm.s32 @!p2 $0x0  }
0x16: {  	s3 =	sld [smem:$0x3FDB];
	s0 =	simm.s32 @p2 $0x1  }
0x17: {  	s4 =	simm.s32 $0x1BF5;
	[smem:$0x3FAA] =	sst s0  }
0x18: {  	s0 =	sld [smem:$0x3F8D];
	_ =	swait.ge [sflag:s4], $0x0  }
0x19: {  	s7 =	sld [smem:$0x3F8E]  }
0x1a: {  	s8 =	sadd.s32 $0xFFFFE003, lr  }
0x1b: {  	s9 =	sadd.s32 $0xFFFFFEF7, lr;
	s5 =	simm.s32 $0xFFFFFFFF;
	p2 =	slt.u32 s8, $0xFFFFF086  }
0x1c: {  	p1 =	slt.u32 s9, $0xF7A;
	s5 =	simm.s32 @!p2 $0x0  }
0x1d: {  	s5 =	simm.s32 @p1 $0x1;
	p0 =	seq.s32 s7, s2  }
0x1e: {  	s7 =	smul.u32 @!p0 $0xF7A, s2;
	p2 =	seq.s32 @!p0 s5, $0x0  }
0x1f: {  	s9 =	smul.u32 $0xF7A, s1;
	s8 =	simm.s32 @!p0 $0x1BF5;
	p2 =	por !p2, p0  }
0x20: {  	[sflag:s8] =	ssyncset.s32 @!p0 $0xFFFFF086;
	s6 =	sadd.s32 @!p0 s3, s7;
	s7 =	simm.s32 @!p0 $0x108  }
0x21: {  	s3 =	sadd.s32 s3, s9;
	s6 =	sadd.s32 @!p0 $0x88, s6;
	s7 =	simm.s32 @p2 $0x1082  }
0x22: {  	[simem:s7], [sflag:s8] =	dma.local @!p0 [hbm:s6], $0xF7A  }
0x23: {  	s9 =	sor.u32 $0xD0000000, s2;
	s6 =	simm.s32 $0x108;
	_ =	swait.ge @!p0 [sflag:s8], $0x0  }
0x24: {  	s3 =	sadd.s32 $0x88, s3;
	s6 =	simm.s32 @!p1 $0x1082;
	[sflag:s4] =	ssyncset.s32 $0xFFFFF086  }
0x25: {  	[simem:s6], [sflag:s4] =	dma.local [hbm:s3], $0xF7A  }
0x26: {  	[smem:$0x3F8E] =	sst s1;
	(tag) =	ssettag s2;
	_ =	strace s9  }
0x27: {  	s1 =	sld [smem:$0x3F9E]  }
0x28: {  	s2 =	sld [smem:$0x3F9F]  }
0x29: {  	s4 =	sld [smem:$0x3FA1]  }
0x2a: {  	p0 =	seq.s32 s5, $0x0;
	s5 =	sld [smem:$0x3FA2]  }
0x2b: {  	s6 =	sld [smem:$0x3FA3]  }
0x2c: {  	s7 =	sld [smem:$0x3FA4]  }
0x2d: {  	s3 =	simm.s32 $0x108;
	s8 =	sld [smem:$0x3FA5]  }
0x2e: {  	s3 =	simm.s32 @!p0 $0x1082;
	s9 =	sld [smem:$0x3FA6]  }
0x2f: {  	lr =	sadd.s32 s0, s3;
	s0 =	sld [smem:$0x3F9D]  }
0x30: {  	s3 =	sld [smem:$0x3FA0]  }
0x31: {  	[smem:$0x3FA9] =	sst s10  }
0x32: {  	s10 =	sld [smem:$0x3FA7];
	_ =	sdelay $0x3  }
0x33: {  	p0 =	seq.s32 s10, $0x1;
	s10 =	sld [smem:$0x3FA9];
	_ =	sdelay $0x3  }
0x34: {  	[smem:$0x3FA9] =	sst s10  }
0x35: {  	s10 =	sld [smem:$0x3FA8];
	_ =	sdelay $0x3  }
0x36: {  	p1 =	seq.s32 s10, $0x1;
	s10 =	sld [smem:$0x3FA9];
	_ =	sdelay $0x3  }
0x37: {  	[smem:$0x3FA9] =	sst s10  }
0x38: {  	s10 =	sld [smem:$0x3FAA]  }
0x39: {  	_ = 	snop;
	(pc) =	sbr.ind lr, $3  }
0x3a: {  	_ = 	snop  }
0x3b: {  	_ = 	snop  }
0x3c: {  	p2 =	seq.s32 s10, $0x1;
	s10 =	sld [smem:$0x3FA9]  }
0x3d: {  	_ =	shalt  }
0x3e: {  	_ =	shalt  }
0x3f: {  	_ =	shalt  }
0x40: {  	_ =	shalt  }
0x41: {  	_ =	shalt  }
0x42: {  	_ =	shalt  }
0x43: {  	_ =	shalt  }
0x44: {  	_ =	shalt  }
0x45: {  	_ =	shalt  }
0x46: {  	_ =	shalt  }
0x47: {  	_ =	shalt  }
0x48: {  	_ =	shalt  }
0x49: {  	_ =	shalt  }
0x4a: {  	_ =	shalt  }
0x4b: {  	_ =	shalt  }
0x4c: {  	_ =	shalt  }
0x4d: {  	_ =	shalt  }
0x4e: {  	_ =	shalt  }
0x4f: {  	_ =	shalt  }
0x50: {  	_ =	shalt  }
0x51: {  	_ =	shalt  }
0x52: {  	_ =	shalt  }
0x53: {  	_ =	shalt  }
0x54: {  	_ =	shalt  }
0x55: {  	_ =	shalt  }
0x56: {  	_ =	shalt  }
0x57: {  	_ =	shalt  }
0x58: {  	_ =	shalt  }
0x59: {  	_ =	shalt  }
0x5a: {  	_ =	shalt  }
0x5b: {  	_ =	shalt  }
0x5c: {  	_ =	shalt  }
0x5d: {  	_ =	shalt  }
0x5e: {  	_ =	shalt  }
0x5f: {  	_ =	shalt  }
0x60: {  	_ =	shalt  }
0x61: {  	_ =	shalt  }
0x62: {  	_ =	shalt  }
0x63: {  	_ =	shalt  }
0x64: {  	_ =	shalt  }
0x65: {  	_ =	shalt  }
0x66: {  	_ =	shalt  }
0x67: {  	_ =	shalt  }
0x68: {  	_ =	shalt  }
0x69: {  	_ =	shalt  }
0x6a: {  	_ =	shalt  }
0x6b: {  	_ =	shalt  }
0x6c: {  	_ =	shalt  }
0x6d: {  	_ =	shalt  }
0x6e: {  	_ =	shalt  }
0x6f: {  	_ =	shalt  }
0x70: {  	_ =	shalt  }
0x71: {  	_ =	shalt  }
0x72: {  	_ =	shalt  }
0x73: {  	_ =	shalt  }
0x74: {  	_ =	shalt  }
0x75: {  	_ =	shalt  }
0x76: {  	_ =	shalt  }
0x77: {  	_ =	shalt  }
0x78: {  	_ =	shalt  }
0x79: {  	_ =	shalt  }
0x7a: {  	_ =	shalt  }
0x7b: {  	_ =	shalt  }
0x7c: {  	_ =	shalt  }
0x7d: {  	_ =	shalt  }
0x7e: {  	_ =	shalt  }
0x7f: {  	_ =	shalt  }
0x80: {  	_ =	shalt  }
0x81: {  	_ =	shalt  }
0x82: {  	_ =	shalt  }
0x83: {  	_ =	shalt  }
0x84: {  	_ =	shalt  }
0x85: {  	_ =	shalt  }
0x86: {  	_ =	shalt  }
0x87: {  	_ =	shalt  }
.Lfunc_end0:
.L_simem_size_0:
called_computation.7_lowered:
.L_overlay_start_0:
0x88: {  	s2 =	sld [smem:$0x3FD9]  }
0x89: {  	s3 =	sld [smem:$0x3FFE];
	_ =	sdelay $0x1  }
0x8a: {  	s1 =	srdreg.scid  }
0x8b: {  	s0 =	sand.u32 $0x1, s1  }
0x8c: {  	s16 =	sshll.u32 s0, $0xA;
	s2 =	sadd.s32 s3, s2  }
0x8d: {  	s2 =	sadd.s32 s2, s16  }
0x8e: {  	[smem:$0x3FB5] =	sst s2  }
0x8f: {  	_ = 	snop  }
0x90: {  	(tm) =	ssettm $0x1  }
0x91: {  	s17 =	sld [smem:$0x3FFB];
	_ =	sdelay $0x3  }
0x92: {  	_ =	strace s17  }
0x93: {  	s2 =	sld [smem:$0x3FFC];
	_ =	sdelay $0x3  }
0x94: {  	_ =	strace s2  }
0x95: {  	s2 =	sld [smem:$0x3FFD];
	_ =	sdelay $0x3  }
0x96: {  	_ =	strace s2  }
0x97: {  	_ =	strace $0x8FFFFFFF  }
0x98: {  	s18 =	sld [smem:$0x3FDB];
	_ =	sdelay $0x1  }
0x99: {  	s19 =	simm.s32 $_scs_section_size  }
0x9a: {  	s4 =	simm.s32 $_size__tile_overlayer_lowered;
	s5 =	simm.s32 $_tile_overlayer_lowered  }
0x9b: {  	s22 =	simm.s32 $0x1BFF;
	s21 =	sshll.u32 s5, $0x1;
	s2 =	sadd.s32 s19, s18  }
0x9c: {  	s6 =	simm.s32 $0x0;
	s20 =	sshll.u32 s4, $0x1;
	s4 =	sadd.s32 s21, s2  }
0x9d: {  	[timem:s6], [sflag:s22] =	dma.local [hbm:s4], s20  }
0x9e: {  	_ =	swait.ge [sflag:s22], s20  }
0x9f: {  	s3 =	ssub.s32 $0x0, s20;
	[sflag:s22] =	ssyncset.done $0x0  }
0xa0: {  	[sflag:s22] =	ssyncadd.s32 s3;
	_ =	sdelay $0x1  }
0xa1: {  	s23 =	simm.s32 $0x1B8B  }
0xa2: {  	_ =	swait.ge [sflag:s23], $0x1  }
0xa3: {  	[sflag:s23] =	ssyncset.done $0x0  }
0xa4: {  	s25 =	simm.s32 $0x1B8E;
	s24 =	sld [smem:$0x3FFE];
	[sflag:s23] =	ssyncadd.s32 $0xFFFFFFFF  }
0xa5: {  	s26 =	simm.s32 $execute0_lowered;
	[smem:$0x3FD2] =	sst s25  }
0xa6: {  	s4 =	sshll.u32 s26, $0x1;
	_ =	strace $0x80000052;
	[dreg:$0x1] =	wrdreg $0xFFFFFFFF  }
0xa7: {  	s28 =	simm.s32 $_size_execute0_lowered;
	s2 =	sadd.s32 s2, s4;
	[dreg:$0x0] =	wrdreg $0x0  }
0xa8: {  	s4 =	sshll.u32 s28, $0x1;
	[dreg:$0x2] =	wrdreg s2  }
0xa9: {  	[dreg:$0x3] =	wrdreg s4  }
0xaa: {  	[dreg:$0x4] =	wrdreg $0xC0  }
0xab: {  	_ =	task [dreg:s6], $0x5FFFF  }
0xac: {  	[dreg:$0x1] =	wrdreg $0xFFFFFFFF  }
0xad: {  	[dreg:$0x0] =	wrdreg $0x60  }
0xae: {  	[dreg:$0x2] =	wrdreg s24  }
0xaf: {  	[dreg:$0x3] =	wrdreg $0x9  }
0xb0: {  	_ =	task.clear_ibuf [dreg:s6], $0x4FFFF;
	_ =	strace $0x90000052  }
0xb1: {  	s29 =	simm.s32 $0x9;
	_ =	strace $0x80000054  }
0xb2: {  	_ =	swait.ge [sflag:s29], $0x1  }
0xb3: {  	[sflag:s29] =	ssyncadd.s32 $0xFFFFFFFF  }
0xb4: {  	_ =	strace $0x90000054  }
0xb5: {  	_ =	sfence  }
0xb6: {  	s30 =	sld [smem:$0x0];
	_ =	sdelay $0x2  }
0xb7: {  	s31 =	sshll.u32 s1, $0xD;
	s1 =	sshrl.u32 s1, $0x2  }
0xb8: {  	s3 =	sand.u32 $0x4000, s31;
	s1 =	sadd.s32 s1, s30  }
0xb9: {  	s0 =	sor.u32 s3, s0;
	s1 =	sshll.u32 s1, $0x11  }
0xba: {  	s0 =	sor.u32 s1, s0  }
0xbb: {  	s0 =	sadd.s32 $0x8F2B, s0  }
0xbc: {  	[sflag:s0] =	ssyncadd.remote.s32 $0x1  }
0xbd: {  	_ =	sfence.sel $0xFFFF  }
0xbe: {  	[dreg:$0x0] =	wrdreg $0xFFFFFFFF;
	(pc) =	sbr.abs _section_cstart, $3  }
0xbf: {  	[dreg:$0x1] =	wrdreg $0xFFFFFFFF  }
0xc0: {  	_ =	task.clear_ibuf [dreg:s6], $0x2FFFF;
	_ =	strace $0x9FFFFFFF  }
0xc1: {  	(tm) =	ssettm $0x7FFFFFFF  }
tec
execute0_lowered:
.L_overlay_start_1:
0x0: {  	(tag) =	ssettag $0x1  }
0x1: {  	s5 =	rddreg [dreg:$0x0]  }
0x2: {  	s0 =	rddreg [dreg:$0x1];
	s1 =	simm.s32 $0x0;
	s2 =	srdreg.scid  }
0x3: {  	s9 =	simm.s32 $0x400;
	s10 =	simm.s32 $0x1;
	s11 =	simm.s32 $0x1000  }
0x4: {  	s12 =	simm.s32 $0x800;
	s13 =	simm.s32 $0x1400;
	s14 =	simm.s32 $0x2000  }
0x5: {  	s15 =	simm.s32 $0x1800;
	s16 =	simm.s32 $0x0;
	[smem:$0x7FF] =	sst s1  }
.Ltmp0:
0x6: {  	s6 =	sand.u32 $0x1, s2;
	s3 =	sadd.s32 $0x2C3A00, s5;
	(pc) =	sbr.rel .LBB2_1-.Ltmp0, $4  }
0x7: {  	s4 =	sadd.s32 $0x2D3A00, s5;
	s2 =	stileid.u32;
	s7 =	ssub.s32 $0x2, s6  }
0x8: {  	v0 =	vlaneseq.u32;
	s5 =	sadd.s32 $0x2E3A00, s5;
	_ =	strace $0x80000053;
	s8 =	sshrl.u32 s7, $0x1  }
0x9: {  	v2 =	vmul.u32 $0x80, v0;
	s31 =	sshll.u32 s2, $0xC;
	s6 =	sshll.u32 s6, $0xB;
	s7 =	ssub.s32 s7, s8  }
0xa: {  	v1 =	vimm.s32 $0x0;
	s6 =	sor.u32 s6, s31;
	s8 =	simm.s32 $0x80;
	s7 =	smax.u32 s7, $0x1  }
.LBB2_19:
0xb: {  	s16 =	sadd.s32 $0x1, s16  }
0xc: {  	p0 =	sne.s32 s16, s7  }
.Ltmp1:
0xd: {  	_ = 	snop;
	(pc) =	sbr.rel @!p0 .LBB2_20-.Ltmp1, $1  }
0xe: {  	_ =	sdelay $0x3  }
.LBB2_1:
0xf: {  	s17 =	simm.s32 $0x0  }
.LBB2_2:
0x10: {  	s18 =	sshll.u32 s17, $0x4  }
0x11: {  	s18 =	sadd.s32 s6, s18  }
0x12: {  	s19 =	simm.s32 $0x0;
	s20 =	sadd.s32 s3, s18  }
0x13: {  	[tilespmem:s19], [sflag:$0x1] =	stream.strided.gather [hbm4b:s20+s8], $0x800, s9, s8, $0x38;
	[tilespmem:$0x2800] =	vst v63  }
0x14: {  	_ =	swait.ge [sflag:s10], $0x800  }
0x15: {  	[sflag:s10] =	ssyncset.done $0x0  }
0x16: {  	s21 =	simm.s32 $0x0;
	s20 =	simm.s32 $0x40;
	[sflag:s10] =	ssyncadd.s32 $0xFFFFF800  }
.LBB2_3:
0x17: {  	p0 =	sne.s32 s20, $0xFC0;
	[tilespmem:s21+$0x1000] =	vst v1;
	s21 =	smov.u32 s20;
	s20 =	sadd.s32 $0x40, s20  }
.Ltmp2:
0x18: {  	(pc) =	sbr.rel @p0 .LBB2_3-.Ltmp2, $2  }
0x19: {  	_ =	sdelay $0x2  }
0x1a: {  	s21 =	sshra.s32 s21, $0x2  }
0x1b: {  	v3 =	vor.u32 s19, v2;
	_ =	sdelay $0x3  }
0x1c: {  	[tilespmem:s21+$0x1000] =	vst v1;
	s19 =	simm.s32 $0x0  }
0x1d: {  	v4 =	vld.idx.msk [tilespmem:v3+s19+$0x0], $0xffff;
	_ =	sdelay $0x4  }
0x1e: {  	v4 =	vshll.u32 v4, $0x4  }
0x1f: {  	v4 =	vor.u32 v0, v4;
	_ =	sdelay $0x4  }
0x20: {  	v6 =	vld.idx.msk [tilespmem:v4+s11+$0x0], $0xffff;
	_ =	sdelay $0x2  }
0x21: {  	s20 =	simm.s32 $0x1  }
0x22: {  	v5 =	vor.u32 s20, v2;
	s20 =	simm.s32 $0x2  }
.LBB2_5:
0x23: {  	p0 =	sne.s32 s20, $0x7F;
	v7 =	vadd.s32 $0x1, v6  }
0x24: {  	[tilespmem:v4+s11+$0x0] =	vst.idx.msk $0xffff, v7  }
0x25: {  	[tilespmem:v3+s12+$0x0] =	vst.idx.msk $0xffff, v6;
	v3 =	vmov v5  }
0x26: {  	v4 =	vld.idx.msk [tilespmem:v5+s19+$0x0], $0xffff;
	_ =	sdelay $0x5  }
0x27: {  	v4 =	vshll.u32 v4, $0x4  }
0x28: {  	v4 =	vor.u32 v0, v4;
	_ =	sdelay $0x4  }
0x29: {  	v6 =	vld.idx.msk [tilespmem:v4+s11+$0x0], $0xffff  }
.Ltmp3:
0x2a: {  	(pc) =	sbr.rel @p0 .LBB2_5-.Ltmp3, $3  }
0x2b: {  	_ =	sdelay $0x1  }
0x2c: {  	v5 =	vor.u32 s20, v2  }
0x2d: {  	s20 =	sadd.s32 $0x1, s20  }
0x2e: {  	_ =	sdelay $0x2  }
0x2f: {  	v7 =	vadd.s32 $0x1, v6  }
0x30: {  	[tilespmem:v4+s11+$0x0] =	vst.idx.msk $0xffff, v7  }
0x31: {  	s19 =	simm.s32 $0x0;
	[tilespmem:v3+s12+$0x0] =	vst.idx.msk $0xffff, v6  }
0x32: {  	v3 =	vld.idx.msk [tilespmem:v5+s19+$0x0], $0xffff;
	_ =	sdelay $0x4  }
0x33: {  	v3 =	vshll.u32 v3, $0x4  }
0x34: {  	v3 =	vor.u32 v0, v3;
	_ =	sdelay $0x4  }
0x35: {  	v4 =	vld.idx.msk [tilespmem:v3+s11+$0x0], $0xffff;
	_ =	sdelay $0x2  }
0x36: {  	p3 =	por $0x1, $0x1  }
.Ltmp4:
0x37: {  	_ = 	snop;
	(pc) =	sbr.rel @!p3 .LBB2_7-.Ltmp4, $4  }
0x38: {  	v6 =	vadd.s32 $0x1, v4  }
0x39: {  	[tilespmem:v3+s11+$0x0] =	vst.idx.msk $0xffff, v6  }
0x3a: {  	s20 =	simm.s32 $0x0;
	[tilespmem:v5+s12+$0x0] =	vst.idx.msk $0xffff, v4  }
0x3b: {  	p0 =	por $0x0, $0x0;
	p1 =	por $0x0, $0x0;
	p2 =	por $0x0, $0x0;
	v4 =	vld [tilespmem:s20+$0x1000]  }
0x3c: {  	s21 =	simm.s32 $0x10;
	p3 =	por $0x1, $0x1  }
.Ltmp5:
0x3d: {  	v5 =	vld [tilespmem:s21+$0x1000];
	(pc) =	sbr.rel @!p3 .LBB2_9-.Ltmp5, $2  }
0x3e: {  	_ =	sdelay $0x2  }
0x3f: {  	p0 =	por $0x1, $0x1;
	(xrf0) =	vadd.scan.msk.s32 $0xffff, v4  }
0x40: {  	_ =	sdelay $0x4  }
0x41: {  	v6, _, _ =	vpop (xrf0)  }
0x42: {  	(v2sf) =	vpush v6, $0xF;
	_ =	sdelay $0x4  }
0x43: {  	s24 =	simm.s32 $0x20;
	p3 =	por $0x1, $0x1  }
.Ltmp6:
0x44: {  	v11 =	vld [tilespmem:s24+$0x1000];
	(pc) =	sbr.rel @!p3 .LBB2_11-.Ltmp6, $2  }
0x45: {  	_ =	sdelay $0x2  }
0x46: {  	p1 =	por $0x1, $0x1;
	(xrf0) =	vadd.scan.msk.s32 $0xffff, v5  }
0x47: {  	_ =	sdelay $0x4  }
0x48: {  	v7, _, _ =	vpop (xrf0)  }
0x49: {  	(v2sf) =	vpush v7, $0xF;
	_ =	sdelay $0x3  }
0x4a: {  	s26 =	simm.s32 $0x30;
	p3 =	por $0x1, $0x1;
	(xrf0) =	vadd.scan.msk.s32 $0xffff, v11  }
.Ltmp7:
0x4b: {  	v3 =	vld [tilespmem:s26+$0x1000];
	(pc) =	sbr.rel @!p3 .LBB2_13-.Ltmp7, $3  }
0x4c: {  	_ =	sdelay $0x1  }
0x4d: {  	s25 =	simm.s32 $0x100  }
0x4e: {  	p2 =	por $0x1, $0x1;
	s22 =	simm.s32 $0x0;
	v8 =	vmov v4;
	v9 =	vmov v6;
	s23 =	simm.s32 $0x0  }
.LBB2_14:
0x4f: {  	s28 =	sshra.s32 s25, $0x2;
	p3 =	sne.s32 s25, $0xFC0;
	s25 =	sadd.s32 $0x40, s25;
	(xrf0) =	vadd.scan.msk.s32 $0xffff, v3;
	v10, _, _ =	vpop (xrf0);
	v12 =	vsub.s32 s22, v8;
	v8 =	vmov v5;
	v5 =	vmov v11  }
.Ltmp8:
0x50: {  	v11 =	vmovc v3;
	(v2sf) =	vpush v10, $0xF;
	v12 =	vadd.s32 v9, v12;
	v9 =	vmovc v7;
	v7 =	vmov v10;
	v3 =	vld [tilespmem:s28+$0x1000];
	(pc) =	sbr.rel @p3 .LBB2_14-.Ltmp8, $4  }
0x51: {  	[tilespmem:s23+$0x1400] =	vst v12;
	s23 =	smov.u32 s21;
	s21 =	smov.u32 s24;
	s24 =	smov.u32 s26  }
0x52: {  	s26 =	smov.u32 s28  }
0x53: {  	s28 =	spop (v2sf)  }
0x54: {  	s22 =	sadd.s32 s22, s28  }
0x55: {  	v10 =	vmov v5;
	s25 =	smov.u32 s21;
	v5 =	vmov v11;
	s21 =	smov.u32 s26  }
.LBB2_16:
0x56: {  	(xrf0) =	vadd.scan.msk.s32 $0xffff, v3  }
0x57: {  	v11, _, _ =	vpop @p0 (xrf0)  }
0x58: {  	(v2sf) =	vpush @p0 v11, $0xF;
	_ =	sdelay $0x3  }
0x59: {  	v12, _, _ =	vpop (xrf0)  }
0x5a: {  	(v2sf) =	vpush v12, $0xF;
	_ =	sdelay $0x5  }
0x5b: {  	s26 =	spop @p2 (v2sf)  }
0x5c: {  	s28 =	simm.s32 $0x0;
	s26 =	sadd.s32 @p2 s22, s26  }
0x5d: {  	v8 =	vsub.s32 @p2 s22, v8;
	s22 =	smov.u32 @p0 s24;
	s28 =	smov.u32 @p2 s26;
	s24 =	spop @p1 (v2sf)  }
0x5e: {  	v4 =	vpsel p0, v5, v4;
	v5 =	vmovc @p1 v7;
	v8 =	vadd.s32 @p2 v9, v8;
	v9 =	vmov @p1 v10;
	s20 =	smov.u32 @p0 s22;
	s22 =	sadd.s32 @p1 s28, s24;
	s24 =	simm.s32 $0x0  }
0x5f: {  	v10 =	vmov @p0 v11;
	v5 =	vpsel p1, v5, v0;
	v7 =	vpsel p1, v9, v0;
	s24 =	smov.u32 @p1 s22;
	s22 =	spop @p0 (v2sf)  }
0x60: {  	v4 =	vpsel p0, v4, v0;
	v6 =	vpsel p0, v10, v6;
	s26 =	simm.s32 $0x0;
	v7 =	vsub.s32 @p1 s28, v7;
	s22 =	sadd.s32 @p0 s24, s22  }
0x61: {  	[tilespmem:s23+$0x1400] =	vst @p2 v8;
	s23 =	smov.u32 @p1 s25;
	v6 =	vpsel p0, v6, v0;
	v5 =	vadd.s32 @p1 v5, v7;
	v4 =	vsub.s32 @p0 s24, v4;
	s26 =	smov.u32 @p0 s22  }
0x62: {  	s20 =	smov.u32 @p0 s20;
	[tilespmem:s23+$0x1400] =	vst @p1 v5;
	v4 =	vadd.s32 @p0 v6, v4;
	v3 =	vsub.s32 s26, v3  }
0x63: {  	[tilespmem:s20+$0x1400] =	vst @p0 v4;
	v3 =	vadd.s32 v12, v3  }
0x64: {  	[tilespmem:s21+$0x1400] =	vst v3;
	s31 =	spop (v2sf)  }
.LBB2_17:
0x65: {  	v3 =	vor.u32 s19, v2;
	_ =	sdelay $0x4  }
0x66: {  	v4 =	vld.idx.msk [tilespmem:v3+s1+$0x0], $0xffff;
	_ =	sdelay $0x4  }
0x67: {  	v4 =	vshll.u32 v4, $0x4  }
0x68: {  	v4 =	vor.u32 v0, v4;
	_ =	sdelay $0x3  }
0x69: {  	v5 =	vld.idx.msk [tilespmem:v3+s12+$0x0], $0xffff  }
0x6a: {  	v4 =	vld.idx.msk [tilespmem:v4+s13+$0x0], $0xffff;
	_ =	sdelay $0x4  }
0x6b: {  	p0 =	sne.s32 s19, $0x7F;
	v4 =	vadd.s32 v5, v4  }
.Ltmp9:
0x6c: {  	_ = 	snop;
	(pc) =	sbr.rel @p0 .LBB2_17-.Ltmp9, $3  }
0x6d: {  	_ =	sdelay $0x1  }
0x6e: {  	[tilespmem:v3+s14+$0x0] =	vst.idx.msk $0xffff, v4  }
0x6f: {  	s19 =	sadd.s32 $0x1, s19;
	[tilespmem:v4+s15+$0x0] =	vst.idx.msk $0xffff, v3  }
0x70: {  	s19 =	sadd.s32 s4, s18  }
0x71: {  	[hbm4b:s19+s8] =	stream.strided.scatter [tilespmem:s15], [sflag:$0x1], $0x800, s9, s8, $0x38;
	[tilespmem:$0x2800] =	vst v63  }
0x72: {  	_ =	swait.ge [sflag:s10], $0x800  }
0x73: {  	s17 =	sadd.s32 $0x1, s17;
	[sflag:s10] =	ssyncset.done $0x0  }
0x74: {  	s31 =	sadd.s32 s5, s18;
	p0 =	sne.s32 s17, $0x8;
	[sflag:s10] =	ssyncadd.s32 $0xFFFFF800  }
0x75: {  	[hbm4b:s31+s8] =	stream.strided.scatter [tilespmem:s14], [sflag:$0x1], $0x800, s9, s8, $0x38;
	[tilespmem:$0x2800] =	vst v63  }
.Ltmp10:
0x76: {  	_ = 	snop;
	(pc) =	sbr.rel @p0 .LBB2_2-.Ltmp10, $4  }
.Ltmp11:
0x77: {  	_ = 	snop;
	(pc) =	sbr.rel @!p0 .LBB2_19-.Ltmp11, $4  }
0x78: {  	_ =	swait.ge [sflag:s10], $0x800  }
0x79: {  	[sflag:s10] =	ssyncset.done $0x0  }
0x7a: {  	[sflag:s10] =	ssyncadd.s32 $0xFFFFF800  }
0x7b: {  	_ = 	snop  }
.LBB2_7:
.Ltmp12:
0x7c: {  	_ = 	snop;
	(pc) =	sbr.rel .LBB2_16-.Ltmp12, $2  }
0x7d: {  	_ =	sdelay $0x2  }
0x7e: {  	s22 =	simm.s32 $0x0;
	s21 =	simm.s32 $0x0;
	v3 =	vmov v4  }
.LBB2_9:
.Ltmp13:
0x7f: {  	(pc) =	sbr.rel .LBB2_16-.Ltmp13, $2  }
0x80: {  	_ =	sdelay $0x2  }
0x81: {  	v3 =	vmov v5;
	v5 =	vmov v4;
	s22 =	simm.s32 $0x0;
	s24 =	simm.s32 $0x0  }
.LBB2_11:
.Ltmp14:
0x82: {  	(pc) =	sbr.rel .LBB2_16-.Ltmp14, $3  }
0x83: {  	_ =	sdelay $0x1  }
0x84: {  	s22 =	simm.s32 $0x0  }
0x85: {  	v3 =	vmov v11;
	v10 =	vmov v4;
	v7 =	vmov v6;
	s25 =	simm.s32 $0x0;
	s24 =	simm.s32 $0x10;
	s21 =	simm.s32 $0x20  }
.LBB2_13:
.Ltmp15:
0x86: {  	(pc) =	sbr.rel .LBB2_16-.Ltmp15, $3  }
0x87: {  	_ =	sdelay $0x1  }
0x88: {  	s22 =	simm.s32 $0x0  }
0x89: {  	v10 =	vmovc v5;
	v8 =	vmov v4;
	v5 =	vmov v11;
	v9 =	vmov v6;
	s23 =	simm.s32 $0x0;
	s25 =	simm.s32 $0x10;
	s21 =	simm.s32 $0x30  }
.LBB2_20:
0x8a: {  	_ =	sfence.sel $0x180000  }
0x8b: {  	[bflag:$0x0] =	sbarrier.arrive $0xFFFF  }
0x8c: {  	p0 =	sne.s32 s2, $0x0;
	_ =	strace $0x90000053  }
0x8d: {  	s0 =	sadd.s32 @!p0 $0x100000, s0;
	[bflag:$0x2] =	sbarrier.arrive $0xFFFF  }
0x8e: {  	[sflag:s0] =	ssyncadd.tile.s32 @!p0 $0x1;
	_ =	shalt  }
.Lfunc_end2:
_tile_overlayer_lowered:
.L_overlay_start_2:
0x8f: {  	(tag) =	ssettag $0x2  }
0x90: {  	s0 =	rddreg [dreg:$0x0];
	s2 =	stileid.u32  }
0x91: {  	s1 =	rddreg [dreg:$0x1];
	p0 =	sne.s32 s2, $0x0  }
0x92: {  	s3 =	rddreg [dreg:$0x2];
	[bflag:$0x3] =	sbarrier.arrive $0xFFFF;
	s2 =	simm.s32 @!p0 $0x1C01  }
0x93: {  	[timem:s3], [sflag:s2] =	dma.local @!p0 [hbm:s0], s1  }
0x94: {  	s0 =	simm.s32 @!p0 $0x1  }
0x95: {  	_ =	swait.ge @!p0 [sflag:s0], s1  }
0x96: {  	s1 =	ssub.s32 @!p0 $0x0, s1;
	[sflag:s0] =	ssyncset.done @!p0 $0x0  }
0x97: {  	[sflag:s0] =	ssyncadd.s32 @!p0 s1  }
0x98: {  	[bflag:$0x3] =	sbarrier.arrive $0xFFFF  }
0x99: {  	_ =	shalt  }

// kernel: sparse-core-data-format-call.1.cloned.1.call-start
scs
called_computation.1_lowered:
.L_overlay_start_0:
0x0: {  	s1 =	sld [smem:$0x3FD9]  }
0x1: {  	s2 =	sld [smem:$0x3FFE];
	_ =	sdelay $0x1  }
0x2: {  	s3 =	srdreg.scid  }
0x3: {  	s0 =	sand.u32 $0x1, s3  }
0x4: {  	s17 =	sshll.u32 s0, $0xA;
	s1 =	sadd.s32 s2, s1  }
0x5: {  	s1 =	sadd.s32 s1, s17  }
0x6: {  	[smem:$0x3FB5] =	sst s1  }
0x7: {  	_ = 	snop  }
0x8: {  	(tm) =	ssettm $0x1  }
0x9: {  	s18 =	sld [smem:$0x3FFB];
	_ =	sdelay $0x3  }
0xa: {  	_ =	strace s18  }
0xb: {  	s1 =	sld [smem:$0x3FFC];
	_ =	sdelay $0x3  }
0xc: {  	_ =	strace s1  }
0xd: {  	s1 =	sld [smem:$0x3FFD];
	_ =	sdelay $0x3  }
0xe: {  	_ =	strace s1  }
0xf: {  	_ =	strace $0x8FFFFFFF  }
0x10: {  	s19 =	sld [smem:$0x3FDB];
	_ =	sdelay $0x1  }
0x11: {  	s20 =	simm.s32 $_scs_section_size  }
0x12: {  	s4 =	simm.s32 $_size__tile_overlayer_lowered;
	s5 =	simm.s32 $_tile_overlayer_lowered  }
0x13: {  	s23 =	simm.s32 $0x1BFF;
	s22 =	sshll.u32 s5, $0x1;
	s1 =	sadd.s32 s20, s19  }
0x14: {  	s6 =	simm.s32 $0x0;
	s21 =	sshll.u32 s4, $0x1;
	s4 =	sadd.s32 s22, s1  }
0x15: {  	[timem:s6], [sflag:s23] =	dma.local [hbm:s4], s21  }
0x16: {  	_ =	swait.ge [sflag:s23], s21  }
0x17: {  	s2 =	ssub.s32 $0x0, s21;
	[sflag:s23] =	ssyncset.done $0x0  }
0x18: {  	[sflag:s23] =	ssyncadd.s32 s2;
	_ =	sdelay $0x1  }
0x19: {  	s24 =	simm.s32 $0x1B8B  }
0x1a: {  	_ =	swait.ge [sflag:s24], $0x1  }
0x1b: {  	[sflag:s24] =	ssyncset.done $0x0  }
0x1c: {  	s26 =	simm.s32 $0x1B8E;
	s25 =	sld [smem:$0x3FFE];
	[sflag:s24] =	ssyncadd.s32 $0xFFFFFFFF  }
0x1d: {  	s27 =	simm.s32 $execute0_lowered;
	[smem:$0x3FD2] =	sst s26  }
0x1e: {  	s4 =	sshll.u32 s27, $0x1;
	_ =	strace $0x8000004F;
	[dreg:$0x1] =	wrdreg $0xFFFFFFFF  }
0x1f: {  	s28 =	simm.s32 $_size_execute0_lowered;
	s1 =	sadd.s32 s1, s4;
	[dreg:$0x0] =	wrdreg $0x0  }
0x20: {  	s4 =	sshll.u32 s28, $0x1;
	[dreg:$0x2] =	wrdreg s1  }
0x21: {  	[dreg:$0x3] =	wrdreg s4  }
0x22: {  	[dreg:$0x4] =	wrdreg $0xC0  }
0x23: {  	_ =	task [dreg:s6], $0x5FFFF  }
0x24: {  	[dreg:$0x1] =	wrdreg $0xFFFFFFFF  }
0x25: {  	[dreg:$0x0] =	wrdreg $0x60  }
0x26: {  	[dreg:$0x2] =	wrdreg s25  }
0x27: {  	[dreg:$0x3] =	wrdreg $0x9  }
0x28: {  	_ =	task.clear_ibuf [dreg:s6], $0x4FFFF;
	_ =	strace $0x9000004F  }
0x29: {  	s29 =	simm.s32 $0x9;
	_ =	strace $0x80000051  }
0x2a: {  	_ =	swait.ge [sflag:s29], $0x1  }
0x2b: {  	[sflag:s29] =	ssyncadd.s32 $0xFFFFFFFF  }
0x2c: {  	_ =	strace $0x90000051  }
0x2d: {  	_ =	sfence  }
0x2e: {  	s30 =	sld [smem:$0x0];
	_ =	sdelay $0x2  }
0x2f: {  	s31 =	sshll.u32 s3, $0xD;
	s3 =	sshrl.u32 s3, $0x2  }
0x30: {  	s2 =	sand.u32 $0x4000, s31;
	s1 =	sadd.s32 s3, s30  }
0x31: {  	s0 =	sor.u32 s2, s0;
	s1 =	sshll.u32 s1, $0x11  }
0x32: {  	s0 =	sor.u32 s1, s0  }
0x33: {  	s0 =	sadd.s32 $0x8F2B, s0  }
0x34: {  	[sflag:s0] =	ssyncadd.remote.s32 $0x1  }
0x35: {  	_ =	sfence.sel $0xFFFF  }
0x36: {  	[dreg:$0x0] =	wrdreg $0xFFFFFFFF;
	(pc) =	sbr.abs _section_cstart, $3  }
0x37: {  	[dreg:$0x1] =	wrdreg $0xFFFFFFFF  }
0x38: {  	_ =	task.clear_ibuf [dreg:s6], $0x2FFFF;
	_ =	strace $0x9FFFFFFF  }
0x39: {  	(tm) =	ssettm $0x7FFFFFFF  }
tec
execute0_lowered:
.L_overlay_start_1:
0x0: {  	(tag) =	ssettag $0x1  }
0x1: {  	s0 =	srdreg.scid  }
0x2: {  	s2 =	stileid.u32;
	s0 =	sshll.u32 s0, $0x4  }
0x3: {  	s1 =	rddreg [dreg:$0x0];
	_ =	strace $0x80000050;
	s0 =	sand.u32 $0x10, s0  }
0x4: {  	s31 =	simm.s32 $0x1;
	s5 =	simm.s32 $0x2;
	s0 =	sor.u32 s2, s0  }
0x5: {  	s13 =	simm.s32 $0x0;
	s7 =	sadd.s32 $0x1C3200, s1;
	s6 =	sshll.u32 s0, $0xA  }
0x6: {  	s10 =	simm.s32 $0x0;
	s1 =	sadd.s32 $0x47F600, s1;
	s0 =	ssub.s32 $0x80000, s6  }
0x7: {  	s11 =	simm.s32 $0x0;
	[dreg:$0x4] =	wrdreg s1;
	s4 =	sand.u32 $0x7C00, s0  }
.Ltmp0:
0x8: {  	p0 =	sne.s32 s4, $0x0;
	s4 =	simm.s32 $0x1;
	(pc) =	sbr.rel .LBB1_1-.Ltmp0, $4  }
0x9: {  	[dreg:$0x3] =	wrdreg s7;
	s0 =	sshrl.u32 s0, $0xF;
	s4 =	simm.s32 @!p0 $0x0  }
0xa: {  	[sflag:s31] =	ssyncpa.u1 $0x0;
	[dreg:$0x2] =	wrdreg s6;
	s8 =	sadd.s32 s4, s0  }
0xb: {  	[sflag:s5] =	ssyncpa.u1 $0x0;
	s9 =	sadd.s32 $0x1, s8;
	[dreg:$0x5] =	wrdreg s8  }
0xc: {  	s2 =	simm.s32 $0x0;
	s12 =	smov.u32 s6;
	[dreg:$0x6] =	wrdreg s9  }
.LBB1_7:
0xd: {  	s0 =	sadd.s32 $0x8000, s12  }
0xe: {  	s2 =	sadd.s32 $0x10, s10;
	s3 =	smov.u32 s10;
	p1 =	sgt.s32 s0, $0x7FFFF  }
0xf: {  	s3 =	smov.u32 @p1 s2  }
0x10: {  	s0 =	smov.u32 @p1 s6;
	p1 =	sgt.s32 s3, $0xF  }
0x11: {  	s3 =	simm.s32 @p1 $0x0;
	p1 =	sne.s32 s11, s9  }
.Ltmp1:
0x12: {  	p0 =	slt.u32 s11, $0x2;
	(pc) =	sbr.rel @!p1 .LBB1_8-.Ltmp1, $4  }
0x13: {  	s1 =	simm.s32 @!p0 $0x2  }
0x14: {  	s13 =	smov.u32 s12;
	_ =	swait.ge @!p0 [sflag:s1], $0x4000  }
0x15: {  	s2 =	smov.u32 s10;
	[sflag:s1] =	ssyncset.done @!p0 $0x0;
	s12 =	smov.u32 s0  }
0x16: {  	s11 =	sadd.s32 $0x1, s11;
	[sflag:s1] =	ssyncadd.s32 @!p0 $0xFFFFC000;
	s10 =	smov.u32 s3  }
.LBB1_1:
0x17: {  	p0 =	sge.u32 s11, s8;
	s31 =	sadd.s32 $0xFFFFFFFF, s11  }
0x18: {  	s0 =	sand.u32 @!p0 $0x78, s12;
	s1 =	sshll.u32 @!p0 s10, $0x13;
	s4 =	sshll.u32 @!p0 s10, $0x7  }
0x19: {  	s5 =	sshll.u32 @!p0 s12, $0x3;
	s1 =	sand.u32 @!p0 $0x400000, s1;
	s4 =	sand.u32 @!p0 $0x380, s4  }
0x1a: {  	s1 =	sadd.s32 @!p0 s1, s5;
	s5 =	sand.u32 @!p0 $0x7FC00, s5;
	s0 =	sor.u32 @!p0 s4, s0  }
0x1b: {  	s4 =	sxor.u32 @!p0 $0xFFFFFFFF, s11;
	s1 =	sand.u32 @!p0 $0x780000, s1;
	s0 =	sor.u32 @!p0 s5, s0  }
0x1c: {  	s4 =	sshll.u32 @!p0 s4, $0xE;
	s0 =	sor.u32 @!p0 s1, s0;
	s1 =	sand.u32 @!p0 $0x7, s12  }
0x1d: {  	s5 =	simm.s32 @!p0 $0x400000;
	s0 =	sshrl.u32 @!p0 s0, $0x3;
	s1 =	sshll.u32 @!p0 s1, $0x12  }
0x1e: {  	s4 =	sand.u32 @!p0 $0x4000, s4;
	s0 =	sadd.s32 @!p0 s7, s0;
	s1 =	sor.u32 @!p0 $0x2000, s1  }
0x1f: {  	[tilespmem:s4], [sflag:$0x1] =	stream.strided.gather @!p0 [hbm4b:s0+s1], $0x4000, s5, s1, $0x38;
	[tilespmem:$0x10800] =	vst v63  }
0x20: {  	p0 =	sge.u32 s31, s8  }
.Ltmp2:
0x21: {  	_ = 	snop;
	(pc) =	sbr.rel @p0 .LBB1_7-.Ltmp2, $1  }
0x22: {  	_ =	sdelay $0x3  }
0x23: {  	[dreg:$0x9] =	wrdreg s13  }
0x24: {  	[dreg:$0x8] =	wrdreg s2;
	s0 =	sand.u32 $0x1, s11  }
0x25: {  	[dreg:$0x7] =	wrdreg s12;
	s31 =	simm.s32 $0x1;
	s1 =	smul.u32 $0x11000, s0  }
0x26: {  	_ =	swait.ge [sflag:s31], $0x4000  }
0x27: {  	s16 =	simm.s32 $0x0;
	[sflag:s31] =	ssyncset.done $0x0;
	s1 =	sshrl.u32 s1, $0x2  }
0x28: {  	s15 =	sshll.u32 s0, $0xE;
	[sflag:s31] =	ssyncadd.s32 $0xFFFFC000;
	s14 =	sor.u32 $0x8000, s1  }
.LBB1_3:
0x29: {  	s0 =	sshll.u32 s16, $0xA  }
0x2a: {  	s1 =	sshll.u32 s16, $0x7;
	s0 =	sand.u32 $0x2000, s0  }
0x2b: {  	s1 =	sand.u32 $0x380, s1;
	s0 =	sadd.s32 s0, s15  }
0x2c: {  	s0 =	sadd.s32 s1, s0  }
0x2d: {  	s17 =	sadd.s32 s16, s14;
	p0 =	por $0x1, $0x1;
	s18 =	simm.s32 $0x0;
	v0 =	vmov s0  }
.LBB1_4:
0x2e: {  	s0 =	smul.u32 $0x44, s18;
	s1 =	sshll.u32 s18, $0x3;
	s4 =	sor.u32 $0x80, s18  }
0x2f: {  	s9 =	sor.u32 $0x90, s18;
	s22 =	sor.u32 $0xA0, s18;
	s25 =	sor.u32 $0xB0, s18  }
0x30: {  	s2 =	sor.u32 $0xC0, s18;
	s3 =	sor.u32 $0xD0, s18;
	s7 =	smul.u32 $0x44, s4  }
0x31: {  	p1 =	por p0, p0;
	s29 =	sand.u32 $0x3FFFFFF8, s1;
	s13 =	smul.u32 $0x44, s9  }
0x32: {  	s8 =	sshll.u32 s4, $0x3;
	s21 =	sshll.u32 s9, $0x3;
	s5 =	smul.u32 $0x44, s22  }
0x33: {  	s24 =	sshll.u32 s22, $0x3;
	s27 =	smul.u32 $0x44, s25;
	s28 =	sshll.u32 s25, $0x3  }
0x34: {  	s4 =	sshll.u32 s2, $0x3;
	s25 =	smul.u32 $0x44, s3;
	s0 =	sshra.s32 s0, $0x2  }
0x35: {  	s30 =	sand.u32 $0x3FFFFFF8, s8;
	s31 =	sand.u32 $0x1400, s21;
	s1 =	sand.u32 $0x1400, s24  }
0x36: {  	s24 =	smul.u32 $0x44, s2;
	s8 =	sand.u32 $0x1400, s4;
	s0 =	sadd.s32 s0, s14  }
0x37: {  	s12 =	sshra.s32 s7, $0x2;
	s23 =	sshra.s32 s13, $0x2;
	s26 =	sshra.s32 s5, $0x2  }
0x38: {  	s5 =	sshra.s32 s27, $0x2;
	s7 =	sshll.u32 s3, $0x3;
	s9 =	sshra.s32 s25, $0x2  }
0x39: {  	s3 =	sor.u32 $0x100, s18;
	v55 =	vld.idx.msk [tilespmem:v0+s31+$0x10 ss:$0x1], $0xffff;
	s31 =	sor.u32 $0x140, s18;
	s19 =	sadd.s32 s16, s0  }
0x3a: {  	s20 =	sadd.s32 s12, s17;
	s21 =	sadd.s32 s23, s17;
	s22 =	sadd.s32 s26, s17  }
0x3b: {  	s0 =	sand.u32 $0x1400, s28;
	s23 =	sadd.s32 s5, s17;
	s6 =	sshra.s32 s24, $0x2  }
0x3c: {  	v1 =	vld.idx.msk [tilespmem:v0+s29+$0x0 ss:$0x1], $0xffff;
	s26 =	sor.u32 $0xE0, s18;
	s5 =	sand.u32 $0x1400, s7;
	s25 =	sadd.s32 s9, s17  }
0x3d: {  	v2 =	vld.idx.msk [tilespmem:v0+s29+$0x10 ss:$0x1], $0xffff;
	s28 =	sor.u32 $0xF0, s18;
	s24 =	sadd.s32 s6, s17;
	s27 =	smul.u32 $0x44, s26  }
0x3e: {  	v3 =	vld.idx.msk [tilespmem:v0+s29+$0x20 ss:$0x1], $0xffff;
	s12 =	sshll.u32 s26, $0x3;
	s2 =	smul.u32 $0x44, s28;
	s28 =	sshll.u32 s28, $0x3  }
0x3f: {  	s6 =	smul.u32 $0x44, s3;
	s3 =	sshll.u32 s3, $0x3;
	s4 =	sand.u32 $0x1400, s12  }
0x40: {  	v4 =	vld.idx.msk [tilespmem:v0+s29+$0x30 ss:$0x1], $0xffff;
	s7 =	sand.u32 $0x1400, s28;
	s3 =	sand.u32 $0x3FFFFFF8, s3;
	s13 =	sshra.s32 s27, $0x2  }
0x41: {  	v5 =	vld.idx.msk [tilespmem:v0+s29+$0x40 ss:$0x1], $0xffff;
	s27 =	sshra.s32 s2, $0x2;
	s2 =	sor.u32 $0x110, s18;
	s28 =	sshra.s32 s6, $0x2;
	[tilespmem:s19+$0x0 ss:$0x11] =	vst.msk $0xffff, v1  }
0x42: {  	v1 =	vld.idx.msk [tilespmem:v0+s29+$0x50 ss:$0x1], $0xffff;
	[tilespmem:s19+$0x110 ss:$0x11] =	vst.msk $0xffff, v2;
	s26 =	sadd.s32 s13, s17;
	s27 =	sadd.s32 s27, s17;
	s6 =	smul.u32 $0x44, s2  }
0x43: {  	v2 =	vld.idx.msk [tilespmem:v0+s29+$0x60 ss:$0x1], $0xffff;
	[tilespmem:s19+$0x220 ss:$0x11] =	vst.msk $0xffff, v3;
	s28 =	sadd.s32 s28, s17;
	s2 =	sshll.u32 s2, $0x3;
	s13 =	sor.u32 $0x120, s18  }
0x44: {  	v3 =	vld.idx.msk [tilespmem:v0+s29+$0x70 ss:$0x1], $0xffff;
	[tilespmem:s21+$0x0 ss:$0x11] =	vst.msk $0xffff, v55;
	s21 =	sor.u32 $0x170, s18;
	s2 =	sand.u32 $0x1800, s2;
	s12 =	smul.u32 $0x44, s13  }
0x45: {  	v54 =	vld.idx.msk [tilespmem:v0+s30+$0x0 ss:$0x1], $0xffff;
	[tilespmem:s19+$0x330 ss:$0x11] =	vst.msk $0xffff, v4;
	s9 =	sshll.u32 s13, $0x3;
	s13 =	sor.u32 $0x130, s18;
	s6 =	sshra.s32 s6, $0x2  }
0x46: {  	[tilespmem:s19+$0x440 ss:$0x11] =	vst.msk $0xffff, v5;
	s29 =	sadd.s32 s6, s17;
	s6 =	sand.u32 $0x1800, s9;
	s12 =	sshra.s32 s12, $0x2  }
0x47: {  	s9 =	smul.u32 $0x44, s13;
	s13 =	sshll.u32 s13, $0x3;
	s30 =	sadd.s32 s12, s17;
	[tilespmem:s19+$0x550 ss:$0x11] =	vst.msk $0xffff, v1;
	v1 =	vld.idx.msk [tilespmem:v0+s1+$0x20 ss:$0x1], $0xffff  }
0x48: {  	s1 =	sand.u32 $0x1800, s13;
	s12 =	smul.u32 $0x44, s31;
	[tilespmem:s19+$0x660 ss:$0x11] =	vst.msk $0xffff, v2;
	v2 =	vld.idx.msk [tilespmem:v0+s0+$0x30 ss:$0x1], $0xffff;
	s13 =	sshll.u32 s31, $0x3  }
0x49: {  	s31 =	sor.u32 $0x150, s18;
	[tilespmem:s19+$0x770 ss:$0x11] =	vst.msk $0xffff, v3;
	v3 =	vld.idx.msk [tilespmem:v0+s8+$0x40 ss:$0x1], $0xffff;
	s9 =	sshra.s32 s9, $0x2;
	s8 =	sand.u32 $0x1800, s13  }
0x4a: {  	v56 =	vld.idx.msk [tilespmem:v0+s5+$0x50 ss:$0x1], $0xffff;
	[tilespmem:s20+$0x0 ss:$0x11] =	vst.msk $0xffff, v54;
	s19 =	smul.u32 $0x44, s31;
	s20 =	sshll.u32 s31, $0x3;
	s31 =	sor.u32 $0x160, s18  }
0x4b: {  	v57 =	vld.idx.msk [tilespmem:v0+s4+$0x60 ss:$0x1], $0xffff;
	s0 =	sadd.s32 s9, s17;
	s12 =	sshra.s32 s12, $0x2;
	s4 =	sand.u32 $0x1800, s20  }
0x4c: {  	s5 =	sadd.s32 s12, s17;
	s12 =	sshra.s32 s19, $0x2;
	s19 =	smul.u32 $0x44, s31  }
0x4d: {  	s20 =	sshll.u32 s31, $0x3;
	s31 =	sor.u32 $0x180, s18;
	[tilespmem:s22+$0x0 ss:$0x11] =	vst.msk $0xffff, v1;
	v1 =	vld.idx.msk [tilespmem:v0+s7+$0x70 ss:$0x1], $0xffff;
	s7 =	sadd.s32 s12, s17  }
0x4e: {  	[tilespmem:s23+$0x0 ss:$0x11] =	vst.msk $0xffff, v2;
	v2 =	vld.idx.msk [tilespmem:v0+s3+$0x0 ss:$0x1], $0xffff;
	s3 =	sand.u32 $0x1800, s20;
	s22 =	sshra.s32 s19, $0x2;
	s23 =	smul.u32 $0x44, s21  }
0x4f: {  	[tilespmem:s24+$0x0 ss:$0x11] =	vst.msk $0xffff, v3;
	v3 =	vld.idx.msk [tilespmem:v0+s2+$0x10 ss:$0x1], $0xffff;
	s24 =	sshll.u32 s21, $0x3;
	s20 =	smul.u32 $0x44, s31;
	s21 =	sshll.u32 s31, $0x3  }
0x50: {  	[tilespmem:s25+$0x0 ss:$0x11] =	vst.msk $0xffff, v56;
	v58 =	vld.idx.msk [tilespmem:v0+s6+$0x20 ss:$0x1], $0xffff;
	s2 =	sadd.s32 s22, s17;
	s6 =	sand.u32 $0x1800, s24;
	s22 =	sor.u32 $0x190, s18  }
0x51: {  	[tilespmem:s26+$0x0 ss:$0x11] =	vst.msk $0xffff, v57;
	v59 =	vld.idx.msk [tilespmem:v0+s1+$0x30 ss:$0x1], $0xffff;
	s19 =	sshra.s32 s23, $0x2;
	s23 =	sand.u32 $0x3FFFFFF8, s21;
	s24 =	sshra.s32 s20, $0x2  }
0x52: {  	s25 =	smul.u32 $0x44, s22;
	s1 =	sadd.s32 s19, s17;
	s19 =	sor.u32 $0x1B0, s18;
	[tilespmem:s27+$0x0 ss:$0x11] =	vst.msk $0xffff, v1;
	v1 =	vld.idx.msk [tilespmem:v0+s8+$0x40 ss:$0x1], $0xffff  }
0x53: {  	s26 =	sshll.u32 s22, $0x3;
	s22 =	sshll.u32 s19, $0x3;
	[tilespmem:s28+$0x0 ss:$0x11] =	vst.msk $0xffff, v2;
	v2 =	vld.idx.msk [tilespmem:v0+s4+$0x50 ss:$0x1], $0xffff;
	s4 =	sadd.s32 s24, s17  }
0x54: {  	s27 =	sor.u32 $0x1A0, s18;
	[tilespmem:s29+$0x0 ss:$0x11] =	vst.msk $0xffff, v3;
	v3 =	vld.idx.msk [tilespmem:v0+s3+$0x60 ss:$0x1], $0xffff;
	s28 =	sand.u32 $0x1C00, s26;
	s29 =	sshra.s32 s25, $0x2  }
0x55: {  	[tilespmem:s30+$0x0 ss:$0x11] =	vst.msk $0xffff, v58;
	v60 =	vld.idx.msk [tilespmem:v0+s6+$0x70 ss:$0x1], $0xffff;
	s24 =	sand.u32 $0x1C00, s22;
	s25 =	sor.u32 $0x1C0, s18;
	s26 =	smul.u32 $0x44, s19  }
0x56: {  	[tilespmem:s0+$0x0 ss:$0x11] =	vst.msk $0xffff, v59;
	v61 =	vld.idx.msk [tilespmem:v0+s23+$0x0 ss:$0x1], $0xffff;
	s31 =	smul.u32 $0x44, s27;
	s6 =	sadd.s32 s29, s17;
	s13 =	sshll.u32 s27, $0x3  }
0x57: {  	s27 =	sshll.u32 s25, $0x3;
	s19 =	smul.u32 $0x44, s25;
	s20 =	sand.u32 $0x1C00, s13;
	[tilespmem:s5+$0x0 ss:$0x11] =	vst.msk $0xffff, v1;
	v1 =	vld.idx.msk [tilespmem:v0+s28+$0x10 ss:$0x1], $0xffff  }
0x58: {  	s29 =	sand.u32 $0x1C00, s27;
	s21 =	sshra.s32 s31, $0x2;
	[tilespmem:s7+$0x0 ss:$0x11] =	vst.msk $0xffff, v2;
	v2 =	vld.idx.msk [tilespmem:v0+s20+$0x20 ss:$0x1], $0xffff;
	s28 =	sor.u32 $0x1D0, s18  }
0x59: {  	s31 =	sor.u32 $0x1E0, s18;
	s23 =	sadd.s32 s21, s17;
	[tilespmem:s2+$0x0 ss:$0x11] =	vst.msk $0xffff, v3;
	v3 =	vld.idx.msk [tilespmem:v0+s24+$0x30 ss:$0x1], $0xffff;
	s30 =	sshll.u32 s28, $0x3  }
0x5a: {  	[tilespmem:s1+$0x0 ss:$0x11] =	vst.msk $0xffff, v60;
	v62 =	vld.idx.msk [tilespmem:v0+s29+$0x40 ss:$0x1], $0xffff;
	s13 =	sshll.u32 s31, $0x3;
	s18 =	sor.u32 $0x1F0, s18;
	s12 =	sand.u32 $0x1C00, s30  }
0x5b: {  	[tilespmem:s4+$0x0 ss:$0x11] =	vst.msk $0xffff, v61;
	s20 =	sand.u32 $0x1C00, s13;
	s24 =	smul.u32 $0x44, s31;
	s21 =	sshll.u32 s18, $0x3;
	v63 =	vld.idx.msk [tilespmem:v0+s12+$0x50 ss:$0x1], $0xffff  }
0x5c: {  	s0 =	sshra.s32 s26, $0x2;
	s22 =	smul.u32 $0x44, s28;
	s2 =	sand.u32 $0x1C00, s21;
	[tilespmem:s6+$0x0 ss:$0x11] =	vst.msk $0xffff, v1;
	v1 =	vld.idx.msk [tilespmem:v0+s20+$0x60 ss:$0x1], $0xffff  }
0x5d: {  	s0 =	sadd.s32 s0, s17;
	s26 =	smul.u32 $0x44, s18;
	[tilespmem:s23+$0x0 ss:$0x11] =	vst.msk $0xffff, v2;
	v2 =	vld.idx.msk [tilespmem:v0+s2+$0x70 ss:$0x1], $0xffff;
	s23 =	sshra.s32 s19, $0x2  }
.Ltmp3:
0x5e: {  	s1 =	sshra.s32 s22, $0x2;
	[tilespmem:s0+$0x0 ss:$0x11] =	vst.msk $0xffff, v3;
	s25 =	sadd.s32 s23, s17;
	(pc) =	sbr.rel @p1 .LBB1_4-.Ltmp3, $4  }
0x5f: {  	s28 =	sshra.s32 s24, $0x2;
	s27 =	sadd.s32 s1, s17;
	[tilespmem:s25+$0x0 ss:$0x11] =	vst.msk $0xffff, v62  }
0x60: {  	s29 =	sadd.s32 s28, s17;
	s30 =	sshra.s32 s26, $0x2;
	[tilespmem:s27+$0x0 ss:$0x11] =	vst.msk $0xffff, v63  }
0x61: {  	s31 =	sadd.s32 s30, s17;
	[tilespmem:s29+$0x0 ss:$0x11] =	vst.msk $0xffff, v1  }
0x62: {  	p0 =	por $0x0, $0x0;
	s18 =	simm.s32 $0x200;
	[tilespmem:s31+$0x0 ss:$0x11] =	vst.msk $0xffff, v2  }
0x63: {  	s16 =	sadd.s32 $0x1, s16  }
0x64: {  	p0 =	sne.s32 s16, $0x10  }
.Ltmp4:
0x65: {  	_ = 	snop;
	(pc) =	sbr.rel @p0 .LBB1_3-.Ltmp4, $1  }
0x66: {  	_ =	sdelay $0x3  }
0x67: {  	s0 =	rddreg [dreg:$0x9]  }
0x68: {  	s3 =	rddreg [dreg:$0x8]  }
0x69: {  	s29 =	rddreg [dreg:$0x4]  }
0x6a: {  	s31 =	simm.s32 $0x80;
	s6 =	rddreg [dreg:$0x2]  }
0x6b: {  	s7 =	rddreg [dreg:$0x3];
	s0 =	sshll.u32 s0, $0x7;
	s1 =	sshll.u32 s3, $0x3  }
0x6c: {  	s8 =	rddreg [dreg:$0x5];
	s2 =	sand.u32 $0x3FFFC00, s0;
	s1 =	sand.u32 $0x3FFFC00, s1  }
0x6d: {  	s9 =	rddreg [dreg:$0x6];
	s0 =	sand.u32 $0x380, s0;
	s1 =	sadd.s32 s1, s2  }
.Ltmp5:
0x6e: {  	s27 =	sshrl.u32 s3, $0x3;
	s0 =	sor.u32 s0, s1;
	(pc) =	sbr.rel .LBB1_7-.Ltmp5, $4  }
0x6f: {  	s28 =	sand.u32 $0x7, s3;
	s1 =	sand.u32 $0xF, s27;
	s0 =	sshrl.u32 s0, $0x3  }
0x70: {  	s2 =	sshll.u32 s28, $0x12;
	s1 =	sadd.s32 s29, s1;
	s0 =	sand.u32 $0x7FFFF0, s0  }
0x71: {  	s12 =	rddreg [dreg:$0x7];
	s30 =	sor.u32 $0x10, s2;
	s0 =	sadd.s32 s0, s1  }
0x72: {  	[hbm4b:s0+s30] =	stream.strided.scatter [tilespmem:s14], [sflag:$0x2], $0x4000, s31, s30, $0x8;
	[tilespmem:$0x10800] =	vst v63  }
.LBB1_8:
0x73: {  	_ =	sfence.sel $0x180000  }
0x74: {  	s0 =	simm.s32 $0x1;
	[bflag:$0x0] =	sbarrier.arrive $0xFFFF  }
0x75: {  	s30 =	simm.s32 $0x2;
	[sflag:s0] =	ssyncpa.u1 $0x1  }
0x76: {  	[sflag:s30] =	ssyncpa.u1 $0x1  }
0x77: {  	_ =	strace $0x90000050  }
0x78: {  	s31 =	stileid.u32;
	[bflag:$0x2] =	sbarrier.arrive $0xFFFF  }
0x79: {  	p0 =	sne.s32 s31, $0x0;
	s0 =	rddreg [dreg:$0x1]  }
0x7a: {  	s0 =	sadd.s32 @!p0 $0x100000, s0  }
0x7b: {  	[sflag:s0] =	ssyncadd.tile.s32 @!p0 $0x1;
	_ =	shalt  }
.Lfunc_end1:
_tile_overlayer_lowered:
.L_overlay_start_2:
0x7c: {  	(tag) =	ssettag $0x2  }
0x7d: {  	s0 =	rddreg [dreg:$0x0];
	s2 =	stileid.u32  }
0x7e: {  	s1 =	rddreg [dreg:$0x1];
	p0 =	sne.s32 s2, $0x0  }
0x7f: {  	s3 =	rddreg [dreg:$0x2];
	[bflag:$0x3] =	sbarrier.arrive $0xFFFF;
	s2 =	simm.s32 @!p0 $0x1C01  }
0x80: {  	[timem:s3], [sflag:s2] =	dma.local @!p0 [hbm:s0], s1  }
0x81: {  	s0 =	simm.s32 @!p0 $0x1  }
0x82: {  	_ =	swait.ge @!p0 [sflag:s0], s1  }
0x83: {  	s1 =	ssub.s32 @!p0 $0x0, s1;
	[sflag:s0] =	ssyncset.done @!p0 $0x0  }
0x84: {  	[sflag:s0] =	ssyncadd.s32 @!p0 s1  }
0x85: {  	[bflag:$0x3] =	sbarrier.arrive $0xFFFF  }
0x86: {  	_ =	shalt  }

// kernel: sparse-core-data-format-call.cloned.1.call-start
scs
called_computation_lowered:
.L_overlay_start_0:
0x0: {  	s1 =	sld [smem:$0x3FD9]  }
0x1: {  	s2 =	sld [smem:$0x3FFE];
	_ =	sdelay $0x1  }
0x2: {  	s3 =	srdreg.scid  }
0x3: {  	s0 =	sand.u32 $0x1, s3  }
0x4: {  	s17 =	sshll.u32 s0, $0xA;
	s1 =	sadd.s32 s2, s1  }
0x5: {  	s1 =	sadd.s32 s1, s17  }
0x6: {  	[smem:$0x3FB5] =	sst s1  }
0x7: {  	_ = 	snop  }
0x8: {  	(tm) =	ssettm $0x1  }
0x9: {  	s18 =	sld [smem:$0x3FFB];
	_ =	sdelay $0x3  }
0xa: {  	_ =	strace s18  }
0xb: {  	s1 =	sld [smem:$0x3FFC];
	_ =	sdelay $0x3  }
0xc: {  	_ =	strace s1  }
0xd: {  	s1 =	sld [smem:$0x3FFD];
	_ =	sdelay $0x3  }
0xe: {  	_ =	strace s1  }
0xf: {  	_ =	strace $0x8FFFFFFF  }
0x10: {  	s19 =	sld [smem:$0x3FDB];
	_ =	sdelay $0x1  }
0x11: {  	s20 =	simm.s32 $_scs_section_size  }
0x12: {  	s4 =	simm.s32 $_size__tile_overlayer_lowered;
	s5 =	simm.s32 $_tile_overlayer_lowered  }
0x13: {  	s23 =	simm.s32 $0x1BFF;
	s22 =	sshll.u32 s5, $0x1;
	s1 =	sadd.s32 s20, s19  }
0x14: {  	s6 =	simm.s32 $0x0;
	s21 =	sshll.u32 s4, $0x1;
	s4 =	sadd.s32 s22, s1  }
0x15: {  	[timem:s6], [sflag:s23] =	dma.local [hbm:s4], s21  }
0x16: {  	_ =	swait.ge [sflag:s23], s21  }
0x17: {  	s2 =	ssub.s32 $0x0, s21;
	[sflag:s23] =	ssyncset.done $0x0  }
0x18: {  	[sflag:s23] =	ssyncadd.s32 s2;
	_ =	sdelay $0x1  }
0x19: {  	s24 =	simm.s32 $0x1B8B  }
0x1a: {  	_ =	swait.ge [sflag:s24], $0x1  }
0x1b: {  	[sflag:s24] =	ssyncset.done $0x0  }
0x1c: {  	s26 =	simm.s32 $0x1B8E;
	s25 =	sld [smem:$0x3FFE];
	[sflag:s24] =	ssyncadd.s32 $0xFFFFFFFF  }
0x1d: {  	s27 =	simm.s32 $execute0_lowered;
	[smem:$0x3FD2] =	sst s26  }
0x1e: {  	s4 =	sshll.u32 s27, $0x1;
	_ =	strace $0x8000005B;
	[dreg:$0x1] =	wrdreg $0xFFFFFFFF  }
0x1f: {  	s28 =	simm.s32 $_size_execute0_lowered;
	s1 =	sadd.s32 s1, s4;
	[dreg:$0x0] =	wrdreg $0x0  }
0x20: {  	s4 =	sshll.u32 s28, $0x1;
	[dreg:$0x2] =	wrdreg s1  }
0x21: {  	[dreg:$0x3] =	wrdreg s4  }
0x22: {  	[dreg:$0x4] =	wrdreg $0xC0  }
0x23: {  	_ =	task [dreg:s6], $0x5FFFF  }
0x24: {  	[dreg:$0x1] =	wrdreg $0xFFFFFFFF  }
0x25: {  	[dreg:$0x0] =	wrdreg $0x60  }
0x26: {  	[dreg:$0x2] =	wrdreg s25  }
0x27: {  	[dreg:$0x3] =	wrdreg $0x9  }
0x28: {  	_ =	task.clear_ibuf [dreg:s6], $0x4FFFF;
	_ =	strace $0x9000005B  }
0x29: {  	s29 =	simm.s32 $0x9;
	_ =	strace $0x8000005D  }
0x2a: {  	_ =	swait.ge [sflag:s29], $0x1  }
0x2b: {  	[sflag:s29] =	ssyncadd.s32 $0xFFFFFFFF  }
0x2c: {  	_ =	strace $0x9000005D  }
0x2d: {  	_ =	sfence  }
0x2e: {  	s30 =	sld [smem:$0x0];
	_ =	sdelay $0x2  }
0x2f: {  	s31 =	sshll.u32 s3, $0xD;
	s3 =	sshrl.u32 s3, $0x2  }
0x30: {  	s2 =	sand.u32 $0x4000, s31;
	s1 =	sadd.s32 s3, s30  }
0x31: {  	s0 =	sor.u32 s2, s0;
	s1 =	sshll.u32 s1, $0x11  }
0x32: {  	s0 =	sor.u32 s1, s0  }
0x33: {  	s0 =	sadd.s32 $0x8F2B, s0  }
0x34: {  	[sflag:s0] =	ssyncadd.remote.s32 $0x1  }
0x35: {  	_ =	sfence.sel $0xFFFF  }
0x36: {  	[dreg:$0x0] =	wrdreg $0xFFFFFFFF;
	(pc) =	sbr.abs _section_cstart, $3  }
0x37: {  	[dreg:$0x1] =	wrdreg $0xFFFFFFFF  }
0x38: {  	_ =	task.clear_ibuf [dreg:s6], $0x2FFFF;
	_ =	strace $0x9FFFFFFF  }
0x39: {  	(tm) =	ssettm $0x7FFFFFFF  }
tec
execute0_lowered:
.L_overlay_start_1:
0x0: {  	(tag) =	ssettag $0x1  }
0x1: {  	s0 =	srdreg.scid  }
0x2: {  	s2 =	stileid.u32;
	s0 =	sshll.u32 s0, $0x4  }
0x3: {  	s1 =	rddreg [dreg:$0x0];
	_ =	strace $0x8000005C;
	s0 =	sand.u32 $0x10, s0  }
0x4: {  	s31 =	simm.s32 $0x1;
	s5 =	simm.s32 $0x2;
	s0 =	sor.u32 s2, s0  }
0x5: {  	s13 =	simm.s32 $0x0;
	s10 =	simm.s32 $0x0;
	s6 =	sshll.u32 s0, $0xA  }
0x6: {  	s7 =	sadd.s32 $0x53200, s1;
	s1 =	sadd.s32 $0x47F600, s1;
	s0 =	ssub.s32 $0x80000, s6  }
0x7: {  	s11 =	simm.s32 $0x0;
	[dreg:$0x4] =	wrdreg s1;
	s4 =	sand.u32 $0x7C00, s0  }
.Ltmp0:
0x8: {  	p0 =	sne.s32 s4, $0x0;
	s4 =	simm.s32 $0x1;
	(pc) =	sbr.rel .LBB1_1-.Ltmp0, $4  }
0x9: {  	[dreg:$0x3] =	wrdreg s7;
	s0 =	sshrl.u32 s0, $0xF;
	s4 =	simm.s32 @!p0 $0x0  }
0xa: {  	[sflag:s31] =	ssyncpa.u1 $0x0;
	[dreg:$0x2] =	wrdreg s6;
	s8 =	sadd.s32 s4, s0  }
0xb: {  	[sflag:s5] =	ssyncpa.u1 $0x0;
	s9 =	sadd.s32 $0x1, s8;
	[dreg:$0x5] =	wrdreg s8  }
0xc: {  	s2 =	simm.s32 $0x0;
	s12 =	smov.u32 s6;
	[dreg:$0x6] =	wrdreg s9  }
.LBB1_7:
0xd: {  	s0 =	sadd.s32 $0x8000, s12  }
0xe: {  	s2 =	sadd.s32 $0x10, s10;
	s3 =	smov.u32 s10;
	p1 =	sgt.s32 s0, $0x7FFFF  }
0xf: {  	s3 =	smov.u32 @p1 s2  }
0x10: {  	s0 =	smov.u32 @p1 s6;
	p1 =	sgt.s32 s3, $0xF  }
0x11: {  	s3 =	simm.s32 @p1 $0x0;
	p1 =	sne.s32 s11, s9  }
.Ltmp1:
0x12: {  	p0 =	slt.u32 s11, $0x2;
	(pc) =	sbr.rel @!p1 .LBB1_8-.Ltmp1, $4  }
0x13: {  	s1 =	simm.s32 @!p0 $0x2  }
0x14: {  	s13 =	smov.u32 s12;
	_ =	swait.ge @!p0 [sflag:s1], $0x4000  }
0x15: {  	s2 =	smov.u32 s10;
	[sflag:s1] =	ssyncset.done @!p0 $0x0;
	s12 =	smov.u32 s0  }
0x16: {  	s11 =	sadd.s32 $0x1, s11;
	[sflag:s1] =	ssyncadd.s32 @!p0 $0xFFFFC000;
	s10 =	smov.u32 s3  }
.LBB1_1:
0x17: {  	p0 =	sge.u32 s11, s8;
	s31 =	sadd.s32 $0xFFFFFFFF, s11  }
0x18: {  	s0 =	sand.u32 @!p0 $0x78, s12;
	s1 =	sshll.u32 @!p0 s10, $0x13;
	s4 =	sshll.u32 @!p0 s10, $0x7  }
0x19: {  	s5 =	sshll.u32 @!p0 s12, $0x3;
	s1 =	sand.u32 @!p0 $0x400000, s1;
	s4 =	sand.u32 @!p0 $0x380, s4  }
0x1a: {  	s1 =	sadd.s32 @!p0 s1, s5;
	s5 =	sand.u32 @!p0 $0x7FC00, s5;
	s0 =	sor.u32 @!p0 s4, s0  }
0x1b: {  	s4 =	sxor.u32 @!p0 $0xFFFFFFFF, s11;
	s1 =	sand.u32 @!p0 $0x780000, s1;
	s0 =	sor.u32 @!p0 s5, s0  }
0x1c: {  	s4 =	sshll.u32 @!p0 s4, $0xE;
	s0 =	sor.u32 @!p0 s1, s0;
	s1 =	sand.u32 @!p0 $0x7, s12  }
0x1d: {  	s5 =	simm.s32 @!p0 $0x400000;
	s0 =	sshrl.u32 @!p0 s0, $0x3;
	s1 =	sshll.u32 @!p0 s1, $0x12  }
0x1e: {  	s4 =	sand.u32 @!p0 $0x4000, s4;
	s0 =	sadd.s32 @!p0 s7, s0;
	s1 =	sor.u32 @!p0 $0x2000, s1  }
0x1f: {  	[tilespmem:s4], [sflag:$0x1] =	stream.strided.gather @!p0 [hbm4b:s0+s1], $0x4000, s5, s1, $0x38;
	[tilespmem:$0x10800] =	vst v63  }
0x20: {  	p0 =	sge.u32 s31, s8  }
.Ltmp2:
0x21: {  	_ = 	snop;
	(pc) =	sbr.rel @p0 .LBB1_7-.Ltmp2, $1  }
0x22: {  	_ =	sdelay $0x3  }
0x23: {  	[dreg:$0x9] =	wrdreg s13  }
0x24: {  	[dreg:$0x8] =	wrdreg s2;
	s0 =	sand.u32 $0x1, s11  }
0x25: {  	[dreg:$0x7] =	wrdreg s12;
	s31 =	simm.s32 $0x1;
	s1 =	smul.u32 $0x11000, s0  }
0x26: {  	_ =	swait.ge [sflag:s31], $0x4000  }
0x27: {  	s16 =	simm.s32 $0x0;
	[sflag:s31] =	ssyncset.done $0x0;
	s1 =	sshrl.u32 s1, $0x2  }
0x28: {  	s15 =	sshll.u32 s0, $0xE;
	[sflag:s31] =	ssyncadd.s32 $0xFFFFC000;
	s14 =	sor.u32 $0x8000, s1  }
.LBB1_3:
0x29: {  	s0 =	sshll.u32 s16, $0xA  }
0x2a: {  	s1 =	sshll.u32 s16, $0x7;
	s0 =	sand.u32 $0x2000, s0  }
0x2b: {  	s1 =	sand.u32 $0x380, s1;
	s0 =	sadd.s32 s0, s15  }
0x2c: {  	s0 =	sadd.s32 s1, s0  }
0x2d: {  	s17 =	sadd.s32 s16, s14;
	p0 =	por $0x1, $0x1;
	s18 =	simm.s32 $0x0;
	v0 =	vmov s0  }
.LBB1_4:
0x2e: {  	s0 =	smul.u32 $0x44, s18;
	s1 =	sshll.u32 s18, $0x3;
	s4 =	sor.u32 $0x80, s18  }
0x2f: {  	s9 =	sor.u32 $0x90, s18;
	s22 =	sor.u32 $0xA0, s18;
	s25 =	sor.u32 $0xB0, s18  }
0x30: {  	s2 =	sor.u32 $0xC0, s18;
	s3 =	sor.u32 $0xD0, s18;
	s7 =	smul.u32 $0x44, s4  }
0x31: {  	p1 =	por p0, p0;
	s29 =	sand.u32 $0x3FFFFFF8, s1;
	s13 =	smul.u32 $0x44, s9  }
0x32: {  	s8 =	sshll.u32 s4, $0x3;
	s21 =	sshll.u32 s9, $0x3;
	s5 =	smul.u32 $0x44, s22  }
0x33: {  	s24 =	sshll.u32 s22, $0x3;
	s27 =	smul.u32 $0x44, s25;
	s28 =	sshll.u32 s25, $0x3  }
0x34: {  	s4 =	sshll.u32 s2, $0x3;
	s25 =	smul.u32 $0x44, s3;
	s0 =	sshra.s32 s0, $0x2  }
0x35: {  	s30 =	sand.u32 $0x3FFFFFF8, s8;
	s31 =	sand.u32 $0x1400, s21;
	s1 =	sand.u32 $0x1400, s24  }
0x36: {  	s24 =	smul.u32 $0x44, s2;
	s8 =	sand.u32 $0x1400, s4;
	s0 =	sadd.s32 s0, s14  }
0x37: {  	s12 =	sshra.s32 s7, $0x2;
	s23 =	sshra.s32 s13, $0x2;
	s26 =	sshra.s32 s5, $0x2  }
0x38: {  	s5 =	sshra.s32 s27, $0x2;
	s7 =	sshll.u32 s3, $0x3;
	s9 =	sshra.s32 s25, $0x2  }
0x39: {  	s3 =	sor.u32 $0x100, s18;
	v55 =	vld.idx.msk [tilespmem:v0+s31+$0x10 ss:$0x1], $0xffff;
	s31 =	sor.u32 $0x140, s18;
	s19 =	sadd.s32 s16, s0  }
0x3a: {  	s20 =	sadd.s32 s12, s17;
	s21 =	sadd.s32 s23, s17;
	s22 =	sadd.s32 s26, s17  }
0x3b: {  	s0 =	sand.u32 $0x1400, s28;
	s23 =	sadd.s32 s5, s17;
	s6 =	sshra.s32 s24, $0x2  }
0x3c: {  	v1 =	vld.idx.msk [tilespmem:v0+s29+$0x0 ss:$0x1], $0xffff;
	s26 =	sor.u32 $0xE0, s18;
	s5 =	sand.u32 $0x1400, s7;
	s25 =	sadd.s32 s9, s17  }
0x3d: {  	v2 =	vld.idx.msk [tilespmem:v0+s29+$0x10 ss:$0x1], $0xffff;
	s28 =	sor.u32 $0xF0, s18;
	s24 =	sadd.s32 s6, s17;
	s27 =	smul.u32 $0x44, s26  }
0x3e: {  	v3 =	vld.idx.msk [tilespmem:v0+s29+$0x20 ss:$0x1], $0xffff;
	s12 =	sshll.u32 s26, $0x3;
	s2 =	smul.u32 $0x44, s28;
	s28 =	sshll.u32 s28, $0x3  }
0x3f: {  	s6 =	smul.u32 $0x44, s3;
	s3 =	sshll.u32 s3, $0x3;
	s4 =	sand.u32 $0x1400, s12  }
0x40: {  	v4 =	vld.idx.msk [tilespmem:v0+s29+$0x30 ss:$0x1], $0xffff;
	s7 =	sand.u32 $0x1400, s28;
	s3 =	sand.u32 $0x3FFFFFF8, s3;
	s13 =	sshra.s32 s27, $0x2  }
0x41: {  	v5 =	vld.idx.msk [tilespmem:v0+s29+$0x40 ss:$0x1], $0xffff;
	s27 =	sshra.s32 s2, $0x2;
	s2 =	sor.u32 $0x110, s18;
	s28 =	sshra.s32 s6, $0x2;
	[tilespmem:s19+$0x0 ss:$0x11] =	vst.msk $0xffff, v1  }
0x42: {  	v1 =	vld.idx.msk [tilespmem:v0+s29+$0x50 ss:$0x1], $0xffff;
	[tilespmem:s19+$0x110 ss:$0x11] =	vst.msk $0xffff, v2;
	s26 =	sadd.s32 s13, s17;
	s27 =	sadd.s32 s27, s17;
	s6 =	smul.u32 $0x44, s2  }
0x43: {  	v2 =	vld.idx.msk [tilespmem:v0+s29+$0x60 ss:$0x1], $0xffff;
	[tilespmem:s19+$0x220 ss:$0x11] =	vst.msk $0xffff, v3;
	s28 =	sadd.s32 s28, s17;
	s2 =	sshll.u32 s2, $0x3;
	s13 =	sor.u32 $0x120, s18  }
0x44: {  	v3 =	vld.idx.msk [tilespmem:v0+s29+$0x70 ss:$0x1], $0xffff;
	[tilespmem:s21+$0x0 ss:$0x11] =	vst.msk $0xffff, v55;
	s21 =	sor.u32 $0x170, s18;
	s2 =	sand.u32 $0x1800, s2;
	s12 =	smul.u32 $0x44, s13  }
0x45: {  	v54 =	vld.idx.msk [tilespmem:v0+s30+$0x0 ss:$0x1], $0xffff;
	[tilespmem:s19+$0x330 ss:$0x11] =	vst.msk $0xffff, v4;
	s9 =	sshll.u32 s13, $0x3;
	s13 =	sor.u32 $0x130, s18;
	s6 =	sshra.s32 s6, $0x2  }
0x46: {  	[tilespmem:s19+$0x440 ss:$0x11] =	vst.msk $0xffff, v5;
	s29 =	sadd.s32 s6, s17;
	s6 =	sand.u32 $0x1800, s9;
	s12 =	sshra.s32 s12, $0x2  }
0x47: {  	s9 =	smul.u32 $0x44, s13;
	s13 =	sshll.u32 s13, $0x3;
	s30 =	sadd.s32 s12, s17;
	[tilespmem:s19+$0x550 ss:$0x11] =	vst.msk $0xffff, v1;
	v1 =	vld.idx.msk [tilespmem:v0+s1+$0x20 ss:$0x1], $0xffff  }
0x48: {  	s1 =	sand.u32 $0x1800, s13;
	s12 =	smul.u32 $0x44, s31;
	[tilespmem:s19+$0x660 ss:$0x11] =	vst.msk $0xffff, v2;
	v2 =	vld.idx.msk [tilespmem:v0+s0+$0x30 ss:$0x1], $0xffff;
	s13 =	sshll.u32 s31, $0x3  }
0x49: {  	s31 =	sor.u32 $0x150, s18;
	[tilespmem:s19+$0x770 ss:$0x11] =	vst.msk $0xffff, v3;
	v3 =	vld.idx.msk [tilespmem:v0+s8+$0x40 ss:$0x1], $0xffff;
	s9 =	sshra.s32 s9, $0x2;
	s8 =	sand.u32 $0x1800, s13  }
0x4a: {  	v56 =	vld.idx.msk [tilespmem:v0+s5+$0x50 ss:$0x1], $0xffff;
	[tilespmem:s20+$0x0 ss:$0x11] =	vst.msk $0xffff, v54;
	s19 =	smul.u32 $0x44, s31;
	s20 =	sshll.u32 s31, $0x3;
	s31 =	sor.u32 $0x160, s18  }
0x4b: {  	v57 =	vld.idx.msk [tilespmem:v0+s4+$0x60 ss:$0x1], $0xffff;
	s0 =	sadd.s32 s9, s17;
	s12 =	sshra.s32 s12, $0x2;
	s4 =	sand.u32 $0x1800, s20  }
0x4c: {  	s5 =	sadd.s32 s12, s17;
	s12 =	sshra.s32 s19, $0x2;
	s19 =	smul.u32 $0x44, s31  }
0x4d: {  	s20 =	sshll.u32 s31, $0x3;
	s31 =	sor.u32 $0x180, s18;
	[tilespmem:s22+$0x0 ss:$0x11] =	vst.msk $0xffff, v1;
	v1 =	vld.idx.msk [tilespmem:v0+s7+$0x70 ss:$0x1], $0xffff;
	s7 =	sadd.s32 s12, s17  }
0x4e: {  	[tilespmem:s23+$0x0 ss:$0x11] =	vst.msk $0xffff, v2;
	v2 =	vld.idx.msk [tilespmem:v0+s3+$0x0 ss:$0x1], $0xffff;
	s3 =	sand.u32 $0x1800, s20;
	s22 =	sshra.s32 s19, $0x2;
	s23 =	smul.u32 $0x44, s21  }
0x4f: {  	[tilespmem:s24+$0x0 ss:$0x11] =	vst.msk $0xffff, v3;
	v3 =	vld.idx.msk [tilespmem:v0+s2+$0x10 ss:$0x1], $0xffff;
	s24 =	sshll.u32 s21, $0x3;
	s20 =	smul.u32 $0x44, s31;
	s21 =	sshll.u32 s31, $0x3  }
0x50: {  	[tilespmem:s25+$0x0 ss:$0x11] =	vst.msk $0xffff, v56;
	v58 =	vld.idx.msk [tilespmem:v0+s6+$0x20 ss:$0x1], $0xffff;
	s2 =	sadd.s32 s22, s17;
	s6 =	sand.u32 $0x1800, s24;
	s22 =	sor.u32 $0x190, s18  }
0x51: {  	[tilespmem:s26+$0x0 ss:$0x11] =	vst.msk $0xffff, v57;
	v59 =	vld.idx.msk [tilespmem:v0+s1+$0x30 ss:$0x1], $0xffff;
	s19 =	sshra.s32 s23, $0x2;
	s23 =	sand.u32 $0x3FFFFFF8, s21;
	s24 =	sshra.s32 s20, $0x2  }
0x52: {  	s25 =	smul.u32 $0x44, s22;
	s1 =	sadd.s32 s19, s17;
	s19 =	sor.u32 $0x1B0, s18;
	[tilespmem:s27+$0x0 ss:$0x11] =	vst.msk $0xffff, v1;
	v1 =	vld.idx.msk [tilespmem:v0+s8+$0x40 ss:$0x1], $0xffff  }
0x53: {  	s26 =	sshll.u32 s22, $0x3;
	s22 =	sshll.u32 s19, $0x3;
	[tilespmem:s28+$0x0 ss:$0x11] =	vst.msk $0xffff, v2;
	v2 =	vld.idx.msk [tilespmem:v0+s4+$0x50 ss:$0x1], $0xffff;
	s4 =	sadd.s32 s24, s17  }
0x54: {  	s27 =	sor.u32 $0x1A0, s18;
	[tilespmem:s29+$0x0 ss:$0x11] =	vst.msk $0xffff, v3;
	v3 =	vld.idx.msk [tilespmem:v0+s3+$0x60 ss:$0x1], $0xffff;
	s28 =	sand.u32 $0x1C00, s26;
	s29 =	sshra.s32 s25, $0x2  }
0x55: {  	[tilespmem:s30+$0x0 ss:$0x11] =	vst.msk $0xffff, v58;
	v60 =	vld.idx.msk [tilespmem:v0+s6+$0x70 ss:$0x1], $0xffff;
	s24 =	sand.u32 $0x1C00, s22;
	s25 =	sor.u32 $0x1C0, s18;
	s26 =	smul.u32 $0x44, s19  }
0x56: {  	[tilespmem:s0+$0x0 ss:$0x11] =	vst.msk $0xffff, v59;
	v61 =	vld.idx.msk [tilespmem:v0+s23+$0x0 ss:$0x1], $0xffff;
	s31 =	smul.u32 $0x44, s27;
	s6 =	sadd.s32 s29, s17;
	s13 =	sshll.u32 s27, $0x3  }
0x57: {  	s27 =	sshll.u32 s25, $0x3;
	s19 =	smul.u32 $0x44, s25;
	s20 =	sand.u32 $0x1C00, s13;
	[tilespmem:s5+$0x0 ss:$0x11] =	vst.msk $0xffff, v1;
	v1 =	vld.idx.msk [tilespmem:v0+s28+$0x10 ss:$0x1], $0xffff  }
0x58: {  	s29 =	sand.u32 $0x1C00, s27;
	s21 =	sshra.s32 s31, $0x2;
	[tilespmem:s7+$0x0 ss:$0x11] =	vst.msk $0xffff, v2;
	v2 =	vld.idx.msk [tilespmem:v0+s20+$0x20 ss:$0x1], $0xffff;
	s28 =	sor.u32 $0x1D0, s18  }
0x59: {  	s31 =	sor.u32 $0x1E0, s18;
	s23 =	sadd.s32 s21, s17;
	[tilespmem:s2+$0x0 ss:$0x11] =	vst.msk $0xffff, v3;
	v3 =	vld.idx.msk [tilespmem:v0+s24+$0x30 ss:$0x1], $0xffff;
	s30 =	sshll.u32 s28, $0x3  }
0x5a: {  	[tilespmem:s1+$0x0 ss:$0x11] =	vst.msk $0xffff, v60;
	v62 =	vld.idx.msk [tilespmem:v0+s29+$0x40 ss:$0x1], $0xffff;
	s13 =	sshll.u32 s31, $0x3;
	s18 =	sor.u32 $0x1F0, s18;
	s12 =	sand.u32 $0x1C00, s30  }
0x5b: {  	[tilespmem:s4+$0x0 ss:$0x11] =	vst.msk $0xffff, v61;
	s20 =	sand.u32 $0x1C00, s13;
	s24 =	smul.u32 $0x44, s31;
	s21 =	sshll.u32 s18, $0x3;
	v63 =	vld.idx.msk [tilespmem:v0+s12+$0x50 ss:$0x1], $0xffff  }
0x5c: {  	s0 =	sshra.s32 s26, $0x2;
	s22 =	smul.u32 $0x44, s28;
	s2 =	sand.u32 $0x1C00, s21;
	[tilespmem:s6+$0x0 ss:$0x11] =	vst.msk $0xffff, v1;
	v1 =	vld.idx.msk [tilespmem:v0+s20+$0x60 ss:$0x1], $0xffff  }
0x5d: {  	s0 =	sadd.s32 s0, s17;
	s26 =	smul.u32 $0x44, s18;
	[tilespmem:s23+$0x0 ss:$0x11] =	vst.msk $0xffff, v2;
	v2 =	vld.idx.msk [tilespmem:v0+s2+$0x70 ss:$0x1], $0xffff;
	s23 =	sshra.s32 s19, $0x2  }
.Ltmp3:
0x5e: {  	s1 =	sshra.s32 s22, $0x2;
	[tilespmem:s0+$0x0 ss:$0x11] =	vst.msk $0xffff, v3;
	s25 =	sadd.s32 s23, s17;
	(pc) =	sbr.rel @p1 .LBB1_4-.Ltmp3, $4  }
0x5f: {  	s28 =	sshra.s32 s24, $0x2;
	s27 =	sadd.s32 s1, s17;
	[tilespmem:s25+$0x0 ss:$0x11] =	vst.msk $0xffff, v62  }
0x60: {  	s29 =	sadd.s32 s28, s17;
	s30 =	sshra.s32 s26, $0x2;
	[tilespmem:s27+$0x0 ss:$0x11] =	vst.msk $0xffff, v63  }
0x61: {  	s31 =	sadd.s32 s30, s17;
	[tilespmem:s29+$0x0 ss:$0x11] =	vst.msk $0xffff, v1  }
0x62: {  	p0 =	por $0x0, $0x0;
	s18 =	simm.s32 $0x200;
	[tilespmem:s31+$0x0 ss:$0x11] =	vst.msk $0xffff, v2  }
0x63: {  	s16 =	sadd.s32 $0x1, s16  }
0x64: {  	p0 =	sne.s32 s16, $0x10  }
.Ltmp4:
0x65: {  	_ = 	snop;
	(pc) =	sbr.rel @p0 .LBB1_3-.Ltmp4, $1  }
0x66: {  	_ =	sdelay $0x3  }
0x67: {  	s0 =	rddreg [dreg:$0x9]  }
0x68: {  	s3 =	rddreg [dreg:$0x8]  }
0x69: {  	s29 =	rddreg [dreg:$0x4]  }
0x6a: {  	s31 =	simm.s32 $0x80;
	s6 =	rddreg [dreg:$0x2]  }
0x6b: {  	s7 =	rddreg [dreg:$0x3];
	s0 =	sshll.u32 s0, $0x7;
	s1 =	sshll.u32 s3, $0x3  }
0x6c: {  	s8 =	rddreg [dreg:$0x5];
	s2 =	sand.u32 $0x3FFFC00, s0;
	s1 =	sand.u32 $0x3FFFC00, s1  }
0x6d: {  	s9 =	rddreg [dreg:$0x6];
	s0 =	sand.u32 $0x380, s0;
	s1 =	sadd.s32 s1, s2  }
.Ltmp5:
0x6e: {  	s27 =	sshrl.u32 s3, $0x3;
	s0 =	sor.u32 s0, s1;
	(pc) =	sbr.rel .LBB1_7-.Ltmp5, $4  }
0x6f: {  	s28 =	sand.u32 $0x7, s3;
	s1 =	sand.u32 $0xF, s27;
	s0 =	sshrl.u32 s0, $0x3  }
0x70: {  	s2 =	sshll.u32 s28, $0x12;
	s1 =	sadd.s32 s29, s1;
	s0 =	sand.u32 $0x7FFFF0, s0  }
0x71: {  	s12 =	rddreg [dreg:$0x7];
	s30 =	sor.u32 $0x10, s2;
	s0 =	sadd.s32 s0, s1  }
0x72: {  	[hbm4b:s0+s30] =	stream.strided.scatter [tilespmem:s14], [sflag:$0x2], $0x4000, s31, s30, $0x8;
	[tilespmem:$0x10800] =	vst v63  }
.LBB1_8:
0x73: {  	_ =	sfence.sel $0x180000  }
0x74: {  	s0 =	simm.s32 $0x1;
	[bflag:$0x0] =	sbarrier.arrive $0xFFFF  }
0x75: {  	s30 =	simm.s32 $0x2;
	[sflag:s0] =	ssyncpa.u1 $0x1  }
0x76: {  	[sflag:s30] =	ssyncpa.u1 $0x1  }
0x77: {  	_ =	strace $0x9000005C  }
0x78: {  	s31 =	stileid.u32;
	[bflag:$0x2] =	sbarrier.arrive $0xFFFF  }
0x79: {  	p0 =	sne.s32 s31, $0x0;
	s0 =	rddreg [dreg:$0x1]  }
0x7a: {  	s0 =	sadd.s32 @!p0 $0x100000, s0  }
0x7b: {  	[sflag:s0] =	ssyncadd.tile.s32 @!p0 $0x1;
	_ =	shalt  }
.Lfunc_end1:
_tile_overlayer_lowered:
.L_overlay_start_2:
0x7c: {  	(tag) =	ssettag $0x2  }
0x7d: {  	s0 =	rddreg [dreg:$0x0];
	s2 =	stileid.u32  }
0x7e: {  	s1 =	rddreg [dreg:$0x1];
	p0 =	sne.s32 s2, $0x0  }
0x7f: {  	s3 =	rddreg [dreg:$0x2];
	[bflag:$0x3] =	sbarrier.arrive $0xFFFF;
	s2 =	simm.s32 @!p0 $0x1C01  }
0x80: {  	[timem:s3], [sflag:s2] =	dma.local @!p0 [hbm:s0], s1  }
0x81: {  	s0 =	simm.s32 @!p0 $0x1  }
0x82: {  	_ =	swait.ge @!p0 [sflag:s0], s1  }
0x83: {  	s1 =	ssub.s32 @!p0 $0x0, s1;
	[sflag:s0] =	ssyncset.done @!p0 $0x0  }
0x84: {  	[sflag:s0] =	ssyncadd.s32 @!p0 s1  }
0x85: {  	[bflag:$0x3] =	sbarrier.arrive $0xFFFF  }
0x86: {  	_ =	shalt  }

</sc_bundles>
